<compile_context>
chip_gen: v7x
topology: tpu7x:2x2x1
jax: 0.10.2.dev20260603
libtpu: 0.0.44.dev20260713+nightly
codegen_flags: <defaults>
</compile_context>

<pallas_src>
import jax
import jax.numpy as jnp
from jax import lax
from jax.experimental import pallas as pl
from jax.experimental.pallas import tpu as pltpu
from jax.experimental.pallas import tpu_sc as plsc

NC = 2
NS = 16
NW = NC * NS

B_TOK = 16384 * 200
D = 64
V = 7
L = 16
BPW = B_TOK // NW
C = 800
SEG = 12800
CHUNKS_PER_SEG = SEG // C
NSEG = BPW // SEG
UNROLL = 8


def _sc_body(ids_hbm, table_hbm, out_hbm, table_v, ids_v, out_v, sem0, sem1):
    wid = lax.axis_index("s") * NC + lax.axis_index("c")
    base = wid * BPW
    pltpu.sync_copy(table_hbm, table_v)
    sems = (sem0, sem1)

    dn = lax.GatherDimensionNumbers(
        offset_dims=(), collapsed_slice_dims=(0,), start_index_map=(0,)
    )

    def chunk_compute(ids_off, buf):
        dst = out_v.at[buf]
        tq = [
            [table_v[pl.ds(v * D + j, L)] for j in range(0, D, L)]
            for v in range(V)
        ]

        def step(i, carry):
            toks = ids_v[pl.ds(ids_off + i * L, L)]
            for u in range(L):
                sel = jnp.full((L, 1), u, jnp.int32)
                bid = lax.gather(
                    toks,
                    sel,
                    dn,
                    slice_sizes=(1,),
                    mode=lax.GatherScatterMode.PROMISE_IN_BOUNDS,
                )
                masks = [bid == v for v in range(1, V)]
                o = (i * L + u) * D
                for jq in range(D // L):
                    val = tq[0][jq]
                    for v in range(1, V):
                        val = jnp.where(masks[v - 1], tq[v][jq], val)
                    dst[pl.ds(o + jq * L, L)] = val
            return carry

        lax.fori_loop(0, C // L, step, 0)

    def seg_body(s, carry):
        pltpu.sync_copy(ids_hbm.at[pl.ds(base + s * SEG, SEG)], ids_v)

        def cc_body(cc, inner):
            for b in range(2):
                chunk = s * CHUNKS_PER_SEG + cc * 2 + b
                out0 = (base + chunk * C) * D

                @pl.when(chunk >= 2)
                def _wait():
                    pltpu.make_async_copy(
                        out_v.at[b], out_hbm.at[pl.ds(out0, C * D)], sems[b]
                    ).wait()

                chunk_compute((cc * 2 + b) * C, b)
                pltpu.async_copy(
                    out_v.at[b], out_hbm.at[pl.ds(out0, C * D)], sems[b]
                )
            return inner

        lax.fori_loop(0, CHUNKS_PER_SEG // 2, cc_body, 0)
        return carry

    lax.fori_loop(0, NSEG, seg_body, 0)
    for b in range(2):
        pltpu.make_async_copy(
            out_v.at[b], out_hbm.at[pl.ds(base * D, C * D)], sems[b]
        ).wait()


@jax.jit
def _embed(ids_flat, table_flat):
    mesh = plsc.VectorSubcoreMesh(core_axis_name="c", subcore_axis_name="s")
    out = pl.kernel(
        _sc_body,
        out_type=jax.ShapeDtypeStruct((B_TOK * D,), jnp.float32),
        mesh=mesh,
        scratch_types=[
            pltpu.VMEM((V * D,), jnp.float32),
            pltpu.VMEM((SEG,), jnp.int32),
            pltpu.VMEM((2, C * D), jnp.float32),
            pltpu.SemaphoreType.DMA,
            pltpu.SemaphoreType.DMA,
        ],
        compiler_params=pltpu.CompilerParams(
            use_tc_tiling_on_sc=False, needs_layout_passes=False, disable_bounds_checks=True
        ),
    )(ids_flat, table_flat)
    return out


def kernel(ids, table):
    b, t = ids.shape
    ids_flat = ids.reshape(B_TOK).astype(jnp.int32)
    out = _embed(ids_flat, table.reshape(V * D))
    return out.reshape(b, t, D)

# --- scband reference (transcript-rebuilt; emitter-appended) ---
"""Pipeline reference for scband-text-encoder-9380208574889 (READ-ONLY COPY).

The authoritative reference and input builder live on the scoring server;
editing this copy changes nothing except your own understanding.
"""

import jax, jax.numpy as jnp
import numpy as np

VOCAB_SIZE = 7
D_MODEL = 64
PAD_ID = 0

def setup_inputs(seed: int = 0) -> dict:
    key = jax.random.key(seed)
    k1, k2 = jax.random.split(key)
    ids = jax.random.randint(k1, (16384, 200), 0, VOCAB_SIZE)
    table = jax.random.normal(k2, (VOCAB_SIZE, D_MODEL), dtype=jnp.float32)
    # torch nn.Embedding(padding_idx=PAD_ID) initializes the padding row to zeros
    table = table.at[PAD_ID].set(0.0)
    return {"ids": ids, "table": table}

def reference(ids, table):
    # TextEncoder.forward: return self.emb(ids) -> table gather
    return jnp.take(table, ids, axis=0)

if __name__ == "__main__":
    import jax
    _d = setup_inputs()
    print(jax.jit(kernel)(*tuple(_d.values())))

</pallas_src>

<mosaic_0001>
#map = affine_map<(d0, d1) -> (0)>
module attributes {stable_mosaic.version = 14 : i64} {
  func.func @_sc_body(%arg0: i32, %arg1: i32, %arg2: memref<3276800xi32, #tpu.memory_space<hbm>>, %arg3: memref<448xf32, #tpu.memory_space<hbm>>, %arg4: memref<209715200xf32, #tpu.memory_space<hbm>>, %arg5: memref<448xf32, #tpu.memory_space<vmem>>, %arg6: memref<12800xi32, #tpu.memory_space<vmem>>, %arg7: memref<2x51200xf32, #tpu.memory_space<vmem>>, %arg8: memref<!tpu.dma_semaphore, #tpu.memory_space<semaphore_mem>>, %arg9: memref<!tpu.dma_semaphore, #tpu.memory_space<semaphore_mem>>) attributes {dimension_semantics = [#tpu.dimension_semantics<core_parallel>, #tpu.dimension_semantics<subcore_parallel>], iteration_bounds = array<i64: 2, 16>, scalar_prefetch = 0 : i64, scratch_operands = 5 : i64, tpu.core_type = #tpu.core_type<sc_vector_subcore>, window_params = [{transform_indices = #map}, {transform_indices = #map}, {transform_indices = #map}]} {
    %mul3A = arith.constant 2 : i32
    %mul3A_0 = arith.muli %arg1, %mul3A : i32
    %add3A = arith.addi %mul3A_0, %arg0 : i32
    %mul3A_1 = arith.constant 102400 : i32
    %mul3A_2 = arith.muli %add3A, %mul3A_1 : i32
    "tpu.region"() ({
      %run_scoped3A = tpu.sem_alloc : memref<!tpu.dma_semaphore, #tpu.memory_space<semaphore_mem>>
      tpu.enqueue_dma source(%arg3 : memref<448xf32, #tpu.memory_space<hbm>>) target(%arg5 : memref<448xf32, #tpu.memory_space<vmem>>) target_semaphore(%run_scoped3A : memref<!tpu.dma_semaphore, #tpu.memory_space<semaphore_mem>>)
      tpu.wait_dma2 semaphore(%run_scoped3A : memref<!tpu.dma_semaphore, #tpu.memory_space<semaphore_mem>>) src(%arg3 : memref<448xf32, #tpu.memory_space<hbm>>) dst(%arg5 : memref<448xf32, #tpu.memory_space<vmem>>)
      tpu.yield
    }) : () -> ()
    %scan3A = arith.constant 0 : i32
    %scan3A_3 = arith.constant 0 : i32
    %scan3A_4 = arith.constant 8 : i32
    %scan3A_5 = arith.addi %scan3A_3, %scan3A_4 : i32
    %scan3A_6 = arith.constant 1 : i32
    scf.for %scan3A_29 = %scan3A_3 to %scan3A_5 step %scan3A_6  : i32 {
      %mul3A_30 = arith.constant 12800 : i32
      %mul3A_31 = arith.muli %scan3A_29, %mul3A_30 : i32
      %add3A_32 = arith.addi %mul3A_2, %mul3A_31 : i32
      "tpu.region"() ({
        %run_scoped3A = tpu.sem_alloc : memref<!tpu.dma_semaphore, #tpu.memory_space<semaphore_mem>>
        %dma_start3A = tpu.memref_slice %arg2[%add3A_32] : memref<3276800xi32, #tpu.memory_space<hbm>> -> memref<12800xi32, #tpu.memory_space<hbm>>
        %dma_start3A_39 = tpu.memref_slice %arg2[%add3A_32] : memref<3276800xi32, #tpu.memory_space<hbm>> -> memref<12800xi32, #tpu.memory_space<hbm>>
        tpu.enqueue_dma source(%dma_start3A_39 : memref<12800xi32, #tpu.memory_space<hbm>>) target(%arg6 : memref<12800xi32, #tpu.memory_space<vmem>>) target_semaphore(%run_scoped3A : memref<!tpu.dma_semaphore, #tpu.memory_space<semaphore_mem>>)
        %dma_wait3A_40 = tpu.memref_slice %arg2[%add3A_32] : memref<3276800xi32, #tpu.memory_space<hbm>> -> memref<12800xi32, #tpu.memory_space<hbm>>
        %dma_wait3A_41 = tpu.memref_slice %arg2[%add3A_32] : memref<3276800xi32, #tpu.memory_space<hbm>> -> memref<12800xi32, #tpu.memory_space<hbm>>
        tpu.wait_dma2 semaphore(%run_scoped3A : memref<!tpu.dma_semaphore, #tpu.memory_space<semaphore_mem>>) src(%dma_wait3A_41 : memref<12800xi32, #tpu.memory_space<hbm>>) dst(%arg6 : memref<12800xi32, #tpu.memory_space<vmem>>)
        tpu.yield
      }) : () -> ()
      %scan3A_33 = arith.constant 0 : i32
      %scan3A_34 = arith.constant 0 : i32
      %scan3A_35 = arith.constant 8 : i32
      %scan3A_36 = arith.addi %scan3A_34, %scan3A_35 : i32
      %scan3A_37 = arith.constant 1 : i32
      scf.for %scan3A_39 = %scan3A_34 to %scan3A_36 step %scan3A_37  : i32 {
        %mul3A_40 = arith.constant 16 : i32
        %mul3A_41 = arith.muli %scan3A_29, %mul3A_40 : i32
        %mul3A_42 = arith.constant 2 : i32
        %mul3A_43 = arith.muli %scan3A_39, %mul3A_42 : i32
        %add3A_44 = arith.addi %mul3A_41, %mul3A_43 : i32
        %add3A_45 = arith.constant 0 : i32
        %add3A_46 = arith.addi %add3A_44, %add3A_45 : i32
        %mul3A_47 = arith.constant 800 : i32
        %mul3A_48 = arith.muli %add3A_46, %mul3A_47 : i32
        %add3A_49 = arith.addi %mul3A_2, %mul3A_48 : i32
        %mul3A_50 = arith.constant 64 : i32
        %mul3A_51 = arith.muli %add3A_49, %mul3A_50 : i32
        %ge3A = arith.constant 2 : i32
        %ge3A_52 = arith.cmpi sge, %add3A_46, %ge3A : i32
        %convert_element_type3A = arith.extui %ge3A_52 : i1 to i32
        %cond3A = arith.constant 0 : i32
        %cond3A_53 = arith.cmpi ne, %convert_element_type3A, %cond3A : i32
        scf.if %cond3A_53 {
          %dma_wait3A_225 = arith.constant 0 : i32
          %dma_wait3A_226 = arith.constant 0 : i32
          %dma_wait3A_227 = tpu.memref_slice %arg7[%dma_wait3A_225, %dma_wait3A_226] : memref<2x51200xf32, #tpu.memory_space<vmem>> -> memref<1x51200xf32, #tpu.memory_space<vmem>>
          %dma_wait3A_228 = tpu.memref_squeeze %dma_wait3A_227 : memref<1x51200xf32, #tpu.memory_space<vmem>> -> memref<51200xf32, #tpu.memory_space<vmem>>
          %dma_wait3A_229 = tpu.memref_slice %arg4[%mul3A_51] : memref<209715200xf32, #tpu.memory_space<hbm>> -> memref<51200xf32, #tpu.memory_space<hbm>>
          %dma_wait3A_230 = tpu.memref_slice %arg4[%mul3A_51] : memref<209715200xf32, #tpu.memory_space<hbm>> -> memref<51200xf32, #tpu.memory_space<hbm>>
          %dma_wait3A_231 = arith.constant 0 : i32
          %dma_wait3A_232 = tpu.memref_slice %arg7[%dma_wait3A_225, %dma_wait3A_231] : memref<2x51200xf32, #tpu.memory_space<vmem>> -> memref<1x51200xf32, #tpu.memory_space<vmem>>
          %dma_wait3A_233 = tpu.memref_squeeze %dma_wait3A_232 : memref<1x51200xf32, #tpu.memory_space<vmem>> -> memref<51200xf32, #tpu.memory_space<vmem>>
          tpu.wait_dma2 semaphore(%arg8 : memref<!tpu.dma_semaphore, #tpu.memory_space<semaphore_mem>>) src(%dma_wait3A_233 : memref<51200xf32, #tpu.memory_space<vmem>>) dst(%dma_wait3A_230 : memref<51200xf32, #tpu.memory_space<hbm>>)
        } else {
        }
        %mul3A_54 = arith.constant 2 : i32
        %mul3A_55 = arith.muli %scan3A_39, %mul3A_54 : i32
        %add3A_56 = arith.constant 0 : i32
        %add3A_57 = arith.addi %mul3A_55, %add3A_56 : i32
        %mul3A_58 = arith.constant 800 : i32
        %mul3A_59 = arith.muli %add3A_57, %mul3A_58 : i32
        %get3A = arith.constant 0 : index
        %get3A_60 = tpu.vector_load %arg5[%get3A] {strides = array<i32>} : memref<448xf32, #tpu.memory_space<vmem>>, vector<16xf32>,
        %get3A_61 = arith.constant 16 : index
        %get3A_62 = tpu.vector_load %arg5[%get3A_61] {strides = array<i32>} : memref<448xf32, #tpu.memory_space<vmem>>, vector<16xf32>,
        %get3A_63 = arith.constant 32 : index
        %get3A_64 = tpu.vector_load %arg5[%get3A_63] {strides = array<i32>} : memref<448xf32, #tpu.memory_space<vmem>>, vector<16xf32>,
        %get3A_65 = arith.constant 48 : index
        %get3A_66 = tpu.vector_load %arg5[%get3A_65] {strides = array<i32>} : memref<448xf32, #tpu.memory_space<vmem>>, vector<16xf32>,
        %get3A_67 = arith.constant 64 : index
        %get3A_68 = tpu.vector_load %arg5[%get3A_67] {strides = array<i32>} : memref<448xf32, #tpu.memory_space<vmem>>, vector<16xf32>,
        %get3A_69 = arith.constant 80 : index
        %get3A_70 = tpu.vector_load %arg5[%get3A_69] {strides = array<i32>} : memref<448xf32, #tpu.memory_space<vmem>>, vector<16xf32>,
        %get3A_71 = arith.constant 96 : index
        %get3A_72 = tpu.vector_load %arg5[%get3A_71] {strides = array<i32>} : memref<448xf32, #tpu.memory_space<vmem>>, vector<16xf32>,
        %get3A_73 = arith.constant 112 : index
        %get3A_74 = tpu.vector_load %arg5[%get3A_73] {strides = array<i32>} : memref<448xf32, #tpu.memory_space<vmem>>, vector<16xf32>,
        %get3A_75 = arith.constant 128 : index
        %get3A_76 = tpu.vector_load %arg5[%get3A_75] {strides = array<i32>} : memref<448xf32, #tpu.memory_space<vmem>>, vector<16xf32>,
        %get3A_77 = arith.constant 144 : index
        %get3A_78 = tpu.vector_load %arg5[%get3A_77] {strides = array<i32>} : memref<448xf32, #tpu.memory_space<vmem>>, vector<16xf32>,
        %get3A_79 = arith.constant 160 : index
        %get3A_80 = tpu.vector_load %arg5[%get3A_79] {strides = array<i32>} : memref<448xf32, #tpu.memory_space<vmem>>, vector<16xf32>,
        %get3A_81 = arith.constant 176 : index
        %get3A_82 = tpu.vector_load %arg5[%get3A_81] {strides = array<i32>} : memref<448xf32, #tpu.memory_space<vmem>>, vector<16xf32>,
        %get3A_83 = arith.constant 192 : index
        %get3A_84 = tpu.vector_load %arg5[%get3A_83] {strides = array<i32>} : memref<448xf32, #tpu.memory_space<vmem>>, vector<16xf32>,
        %get3A_85 = arith.constant 208 : index
        %get3A_86 = tpu.vector_load %arg5[%get3A_85] {strides = array<i32>} : memref<448xf32, #tpu.memory_space<vmem>>, vector<16xf32>,
        %get3A_87 = arith.constant 224 : index
        %get3A_88 = tpu.vector_load %arg5[%get3A_87] {strides = array<i32>} : memref<448xf32, #tpu.memory_space<vmem>>, vector<16xf32>,
        %get3A_89 = arith.constant 240 : index
        %get3A_90 = tpu.vector_load %arg5[%get3A_89] {strides = array<i32>} : memref<448xf32, #tpu.memory_space<vmem>>, vector<16xf32>,
        %get3A_91 = arith.constant 256 : index
        %get3A_92 = tpu.vector_load %arg5[%get3A_91] {strides = array<i32>} : memref<448xf32, #tpu.memory_space<vmem>>, vector<16xf32>,
        %get3A_93 = arith.constant 272 : index
        %get3A_94 = tpu.vector_load %arg5[%get3A_93] {strides = array<i32>} : memref<448xf32, #tpu.memory_space<vmem>>, vector<16xf32>,
        %get3A_95 = arith.constant 288 : index
        %get3A_96 = tpu.vector_load %arg5[%get3A_95] {strides = array<i32>} : memref<448xf32, #tpu.memory_space<vmem>>, vector<16xf32>,
        %get3A_97 = arith.constant 304 : index
        %get3A_98 = tpu.vector_load %arg5[%get3A_97] {strides = array<i32>} : memref<448xf32, #tpu.memory_space<vmem>>, vector<16xf32>,
        %get3A_99 = arith.constant 320 : index
        %get3A_100 = tpu.vector_load %arg5[%get3A_99] {strides = array<i32>} : memref<448xf32, #tpu.memory_space<vmem>>, vector<16xf32>,
        %get3A_101 = arith.constant 336 : index
        %get3A_102 = tpu.vector_load %arg5[%get3A_101] {strides = array<i32>} : memref<448xf32, #tpu.memory_space<vmem>>, vector<16xf32>,
        %get3A_103 = arith.constant 352 : index
        %get3A_104 = tpu.vector_load %arg5[%get3A_103] {strides = array<i32>} : memref<448xf32, #tpu.memory_space<vmem>>, vector<16xf32>,
        %get3A_105 = arith.constant 368 : index
        %get3A_106 = tpu.vector_load %arg5[%get3A_105] {strides = array<i32>} : memref<448xf32, #tpu.memory_space<vmem>>, vector<16xf32>,
        %get3A_107 = arith.constant 384 : index
        %get3A_108 = tpu.vector_load %arg5[%get3A_107] {strides = array<i32>} : memref<448xf32, #tpu.memory_space<vmem>>, vector<16xf32>,
        %get3A_109 = arith.constant 400 : index
        %get3A_110 = tpu.vector_load %arg5[%get3A_109] {strides = array<i32>} : memref<448xf32, #tpu.memory_space<vmem>>, vector<16xf32>,
        %get3A_111 = arith.constant 416 : index
        %get3A_112 = tpu.vector_load %arg5[%get3A_111] {strides = array<i32>} : memref<448xf32, #tpu.memory_space<vmem>>, vector<16xf32>,
        %get3A_113 = arith.constant 432 : index
        %get3A_114 = tpu.vector_load %arg5[%get3A_113] {strides = array<i32>} : memref<448xf32, #tpu.memory_space<vmem>>, vector<16xf32>,
        %scan3A_115 = arith.constant 0 : i32
        %scan3A_116 = arith.constant 0 : i32
        %scan3A_117 = arith.constant 0 : i32
        %scan3A_118 = arith.constant 50 : i32
        %scan3A_119 = arith.addi %scan3A_117, %scan3A_118 : i32
        %scan3A_120 = arith.constant 1 : i32
        scf.for %scan3A_225 = %scan3A_117 to %scan3A_119 step %scan3A_120  : i32 {
          %mul3A_226 = arith.constant 16 : i32
          %mul3A_227 = arith.muli %scan3A_225, %mul3A_226 : i32
          %add3A_228 = arith.addi %mul3A_59, %mul3A_227 : i32
          %get3A_229 = arith.index_cast %add3A_228 : i32 to index
          %get3A_230 = tpu.vector_load %arg6[%get3A_229] {strides = array<i32>} : memref<12800xi32, #tpu.memory_space<vmem>>, vector<16xi32>,
          %broadcast_in_dim3A = arith.constant 0 : i32
          %broadcast_in_dim3A_231 = vector.broadcast %broadcast_in_dim3A : i32 to vector<16x1xi32>
          %gather3A = vector.shape_cast %broadcast_in_dim3A_231 : vector<16x1xi32> to vector<16xi32>
          %gather3A_232 = tpu.dynamic_gather %get3A_230[%gather3A] in [0] : vector<16xi32>, vector<16xi32> -> vector<16xi32>
          %eq3A = arith.constant 1 : i32
          %eq3A_233 = vector.broadcast %eq3A : i32 to vector<16xi32>
          %eq3A_234 = arith.cmpi eq, %gather3A_232, %eq3A_233 : vector<16xi32>
          %eq3A_235 = arith.constant 2 : i32
          %eq3A_236 = vector.broadcast %eq3A_235 : i32 to vector<16xi32>
          %eq3A_237 = arith.cmpi eq, %gather3A_232, %eq3A_236 : vector<16xi32>
          %eq3A_238 = arith.constant 3 : i32
          %eq3A_239 = vector.broadcast %eq3A_238 : i32 to vector<16xi32>
          %eq3A_240 = arith.cmpi eq, %gather3A_232, %eq3A_239 : vector<16xi32>
          %eq3A_241 = arith.constant 4 : i32
          %eq3A_242 = vector.broadcast %eq3A_241 : i32 to vector<16xi32>
          %eq3A_243 = arith.cmpi eq, %gather3A_232, %eq3A_242 : vector<16xi32>
          %eq3A_244 = arith.constant 5 : i32
          %eq3A_245 = vector.broadcast %eq3A_244 : i32 to vector<16xi32>
          %eq3A_246 = arith.cmpi eq, %gather3A_232, %eq3A_245 : vector<16xi32>
          %eq3A_247 = arith.constant 6 : i32
          %eq3A_248 = vector.broadcast %eq3A_247 : i32 to vector<16xi32>
          %eq3A_249 = arith.cmpi eq, %gather3A_232, %eq3A_248 : vector<16xi32>
          %mul3A_250 = arith.constant 16 : i32
          %mul3A_251 = arith.muli %scan3A_225, %mul3A_250 : i32
          %add3A_252 = arith.constant 0 : i32
          %add3A_253 = arith.addi %mul3A_251, %add3A_252 : i32
          %mul3A_254 = arith.constant 64 : i32
          %mul3A_255 = arith.muli %add3A_253, %mul3A_254 : i32
          %select_n3A = arith.select %eq3A_234, %get3A_68, %get3A_60 : vector<16xi1>, vector<16xf32>
          %select_n3A_256 = arith.select %eq3A_237, %get3A_76, %select_n3A : vector<16xi1>, vector<16xf32>
          %select_n3A_257 = arith.select %eq3A_240, %get3A_84, %select_n3A_256 : vector<16xi1>, vector<16xf32>
          %select_n3A_258 = arith.select %eq3A_243, %get3A_92, %select_n3A_257 : vector<16xi1>, vector<16xf32>
          %select_n3A_259 = arith.select %eq3A_246, %get3A_100, %select_n3A_258 : vector<16xi1>, vector<16xf32>
          %select_n3A_260 = arith.select %eq3A_249, %get3A_108, %select_n3A_259 : vector<16xi1>, vector<16xf32>
          %add3A_261 = arith.constant 0 : i32
          %add3A_262 = arith.addi %mul3A_255, %add3A_261 : i32
          %swap3A = arith.constant 0 : i32
          %swap3A_263 = tpu.memref_slice %arg7[%scan3A_116, %swap3A] : memref<2x51200xf32, #tpu.memory_space<vmem>> -> memref<1x51200xf32, #tpu.memory_space<vmem>>
          %swap3A_264 = tpu.memref_squeeze %swap3A_263 : memref<1x51200xf32, #tpu.memory_space<vmem>> -> memref<51200xf32, #tpu.memory_space<vmem>>
          %swap3A_265 = arith.index_cast %add3A_262 : i32 to index
          %swap3A_266 = tpu.vector_load %swap3A_264[%swap3A_265] {strides = array<i32>} : memref<51200xf32, #tpu.memory_space<vmem>>, vector<16xf32>,
          tpu.vector_store %swap3A_264[%swap3A_265], %select_n3A_260 {strides = array<i32>} : memref<51200xf32, #tpu.memory_space<vmem>>, vector<16xf32>,
          %select_n3A_267 = arith.select %eq3A_234, %get3A_70, %get3A_62 : vector<16xi1>, vector<16xf32>
          %select_n3A_268 = arith.select %eq3A_237, %get3A_78, %select_n3A_267 : vector<16xi1>, vector<16xf32>
          %select_n3A_269 = arith.select %eq3A_240, %get3A_86, %select_n3A_268 : vector<16xi1>, vector<16xf32>
          %select_n3A_270 = arith.select %eq3A_243, %get3A_94, %select_n3A_269 : vector<16xi1>, vector<16xf32>
          %select_n3A_271 = arith.select %eq3A_246, %get3A_102, %select_n3A_270 : vector<16xi1>, vector<16xf32>
          %select_n3A_272 = arith.select %eq3A_249, %get3A_110, %select_n3A_271 : vector<16xi1>, vector<16xf32>
          %add3A_273 = arith.constant 16 : i32
          %add3A_274 = arith.addi %mul3A_255, %add3A_273 : i32
          %swap3A_275 = arith.constant 0 : i32
          %swap3A_276 = tpu.memref_slice %arg7[%scan3A_116, %swap3A_275] : memref<2x51200xf32, #tpu.memory_space<vmem>> -> memref<1x51200xf32, #tpu.memory_space<vmem>>
          %swap3A_277 = tpu.memref_squeeze %swap3A_276 : memref<1x51200xf32, #tpu.memory_space<vmem>> -> memref<51200xf32, #tpu.memory_space<vmem>>
          %swap3A_278 = arith.index_cast %add3A_274 : i32 to index
          %swap3A_279 = tpu.vector_load %swap3A_277[%swap3A_278] {strides = array<i32>} : memref<51200xf32, #tpu.memory_space<vmem>>, vector<16xf32>,
          tpu.vector_store %swap3A_277[%swap3A_278], %select_n3A_272 {strides = array<i32>} : memref<51200xf32, #tpu.memory_space<vmem>>, vector<16xf32>,
          %select_n3A_280 = arith.select %eq3A_234, %get3A_72, %get3A_64 : vector<16xi1>, vector<16xf32>
          %select_n3A_281 = arith.select %eq3A_237, %get3A_80, %select_n3A_280 : vector<16xi1>, vector<16xf32>
          %select_n3A_282 = arith.select %eq3A_240, %get3A_88, %select_n3A_281 : vector<16xi1>, vector<16xf32>
          %select_n3A_283 = arith.select %eq3A_243, %get3A_96, %select_n3A_282 : vector<16xi1>, vector<16xf32>
          %select_n3A_284 = arith.select %eq3A_246, %get3A_104, %select_n3A_283 : vector<16xi1>, vector<16xf32>
          %select_n3A_285 = arith.select %eq3A_249, %get3A_112, %select_n3A_284 : vector<16xi1>, vector<16xf32>
          %add3A_286 = arith.constant 32 : i32
          %add3A_287 = arith.addi %mul3A_255, %add3A_286 : i32
          %swap3A_288 = arith.constant 0 : i32
          %swap3A_289 = tpu.memref_slice %arg7[%scan3A_116, %swap3A_288] : memref<2x51200xf32, #tpu.memory_space<vmem>> -> memref<1x51200xf32, #tpu.memory_space<vmem>>
          %swap3A_290 = tpu.memref_squeeze %swap3A_289 : memref<1x51200xf32, #tpu.memory_space<vmem>> -> memref<51200xf32, #tpu.memory_space<vmem>>
          %swap3A_291 = arith.index_cast %add3A_287 : i32 to index
          %swap3A_292 = tpu.vector_load %swap3A_290[%swap3A_291] {strides = array<i32>} : memref<51200xf32, #tpu.memory_space<vmem>>, vector<16xf32>,
          tpu.vector_store %swap3A_290[%swap3A_291], %select_n3A_285 {strides = array<i32>} : memref<51200xf32, #tpu.memory_space<vmem>>, vector<16xf32>,
          %select_n3A_293 = arith.select %eq3A_234, %get3A_74, %get3A_66 : vector<16xi1>, vector<16xf32>
          %select_n3A_294 = arith.select %eq3A_237, %get3A_82, %select_n3A_293 : vector<16xi1>, vector<16xf32>
          %select_n3A_295 = arith.select %eq3A_240, %get3A_90, %select_n3A_294 : vector<16xi1>, vector<16xf32>
          %select_n3A_296 = arith.select %eq3A_243, %get3A_98, %select_n3A_295 : vector<16xi1>, vector<16xf32>
          %select_n3A_297 = arith.select %eq3A_246, %get3A_106, %select_n3A_296 : vector<16xi1>, vector<16xf32>
          %select_n3A_298 = arith.select %eq3A_249, %get3A_114, %select_n3A_297 : vector<16xi1>, vector<16xf32>
          %add3A_299 = arith.constant 48 : i32
          %add3A_300 = arith.addi %mul3A_255, %add3A_299 : i32
          %swap3A_301 = arith.constant 0 : i32
          %swap3A_302 = tpu.memref_slice %arg7[%scan3A_116, %swap3A_301] : memref<2x51200xf32, #tpu.memory_space<vmem>> -> memref<1x51200xf32, #tpu.memory_space<vmem>>
          %swap3A_303 = tpu.memref_squeeze %swap3A_302 : memref<1x51200xf32, #tpu.memory_space<vmem>> -> memref<51200xf32, #tpu.memory_space<vmem>>
          %swap3A_304 = arith.index_cast %add3A_300 : i32 to index
          %swap3A_305 = tpu.vector_load %swap3A_303[%swap3A_304] {strides = array<i32>} : memref<51200xf32, #tpu.memory_space<vmem>>, vector<16xf32>,
          tpu.vector_store %swap3A_303[%swap3A_304], %select_n3A_298 {strides = array<i32>} : memref<51200xf32, #tpu.memory_space<vmem>>, vector<16xf32>,
          %broadcast_in_dim3A_306 = arith.constant 1 : i32
          %broadcast_in_dim3A_307 = vector.broadcast %broadcast_in_dim3A_306 : i32 to vector<16x1xi32>
          %gather3A_308 = vector.shape_cast %broadcast_in_dim3A_307 : vector<16x1xi32> to vector<16xi32>
          %gather3A_309 = tpu.dynamic_gather %get3A_230[%gather3A_308] in [0] : vector<16xi32>, vector<16xi32> -> vector<16xi32>
          %eq3A_310 = arith.constant 1 : i32
          %eq3A_311 = vector.broadcast %eq3A_310 : i32 to vector<16xi32>
          %eq3A_312 = arith.cmpi eq, %gather3A_309, %eq3A_311 : vector<16xi32>
          %eq3A_313 = arith.constant 2 : i32
          %eq3A_314 = vector.broadcast %eq3A_313 : i32 to vector<16xi32>
          %eq3A_315 = arith.cmpi eq, %gather3A_309, %eq3A_314 : vector<16xi32>
          %eq3A_316 = arith.constant 3 : i32
          %eq3A_317 = vector.broadcast %eq3A_316 : i32 to vector<16xi32>
          %eq3A_318 = arith.cmpi eq, %gather3A_309, %eq3A_317 : vector<16xi32>
          %eq3A_319 = arith.constant 4 : i32
          %eq3A_320 = vector.broadcast %eq3A_319 : i32 to vector<16xi32>
          %eq3A_321 = arith.cmpi eq, %gather3A_309, %eq3A_320 : vector<16xi32>
          %eq3A_322 = arith.constant 5 : i32
          %eq3A_323 = vector.broadcast %eq3A_322 : i32 to vector<16xi32>
          %eq3A_324 = arith.cmpi eq, %gather3A_309, %eq3A_323 : vector<16xi32>
          %eq3A_325 = arith.constant 6 : i32
          %eq3A_326 = vector.broadcast %eq3A_325 : i32 to vector<16xi32>
          %eq3A_327 = arith.cmpi eq, %gather3A_309, %eq3A_326 : vector<16xi32>
          %mul3A_328 = arith.constant 16 : i32
          %mul3A_329 = arith.muli %scan3A_225, %mul3A_328 : i32
          %add3A_330 = arith.constant 1 : i32
          %add3A_331 = arith.addi %mul3A_329, %add3A_330 : i32
          %mul3A_332 = arith.constant 64 : i32
          %mul3A_333 = arith.muli %add3A_331, %mul3A_332 : i32
          %select_n3A_334 = arith.select %eq3A_312, %get3A_68, %get3A_60 : vector<16xi1>, vector<16xf32>
          %select_n3A_335 = arith.select %eq3A_315, %get3A_76, %select_n3A_334 : vector<16xi1>, vector<16xf32>
          %select_n3A_336 = arith.select %eq3A_318, %get3A_84, %select_n3A_335 : vector<16xi1>, vector<16xf32>
          %select_n3A_337 = arith.select %eq3A_321, %get3A_92, %select_n3A_336 : vector<16xi1>, vector<16xf32>
          %select_n3A_338 = arith.select %eq3A_324, %get3A_100, %select_n3A_337 : vector<16xi1>, vector<16xf32>
          %select_n3A_339 = arith.select %eq3A_327, %get3A_108, %select_n3A_338 : vector<16xi1>, vector<16xf32>
          %add3A_340 = arith.constant 0 : i32
          %add3A_341 = arith.addi %mul3A_333, %add3A_340 : i32
          %swap3A_342 = arith.constant 0 : i32
          %swap3A_343 = tpu.memref_slice %arg7[%scan3A_116, %swap3A_342] : memref<2x51200xf32, #tpu.memory_space<vmem>> -> memref<1x51200xf32, #tpu.memory_space<vmem>>
          %swap3A_344 = tpu.memref_squeeze %swap3A_343 : memref<1x51200xf32, #tpu.memory_space<vmem>> -> memref<51200xf32, #tpu.memory_space<vmem>>
          %swap3A_345 = arith.index_cast %add3A_341 : i32 to index
          %swap3A_346 = tpu.vector_load %swap3A_344[%swap3A_345] {strides = array<i32>} : memref<51200xf32, #tpu.memory_space<vmem>>, vector<16xf32>,
          tpu.vector_store %swap3A_344[%swap3A_345], %select_n3A_339 {strides = array<i32>} : memref<51200xf32, #tpu.memory_space<vmem>>, vector<16xf32>,
          %select_n3A_347 = arith.select %eq3A_312, %get3A_70, %get3A_62 : vector<16xi1>, vector<16xf32>
          %select_n3A_348 = arith.select %eq3A_315, %get3A_78, %select_n3A_347 : vector<16xi1>, vector<16xf32>
          %select_n3A_349 = arith.select %eq3A_318, %get3A_86, %select_n3A_348 : vector<16xi1>, vector<16xf32>
          %select_n3A_350 = arith.select %eq3A_321, %get3A_94, %select_n3A_349 : vector<16xi1>, vector<16xf32>
          %select_n3A_351 = arith.select %eq3A_324, %get3A_102, %select_n3A_350 : vector<16xi1>, vector<16xf32>
          %select_n3A_352 = arith.select %eq3A_327, %get3A_110, %select_n3A_351 : vector<16xi1>, vector<16xf32>
          %add3A_353 = arith.constant 16 : i32
          %add3A_354 = arith.addi %mul3A_333, %add3A_353 : i32
          %swap3A_355 = arith.constant 0 : i32
          %swap3A_356 = tpu.memref_slice %arg7[%scan3A_116, %swap3A_355] : memref<2x51200xf32, #tpu.memory_space<vmem>> -> memref<1x51200xf32, #tpu.memory_space<vmem>>
          %swap3A_357 = tpu.memref_squeeze %swap3A_356 : memref<1x51200xf32, #tpu.memory_space<vmem>> -> memref<51200xf32, #tpu.memory_space<vmem>>
          %swap3A_358 = arith.index_cast %add3A_354 : i32 to index
          %swap3A_359 = tpu.vector_load %swap3A_357[%swap3A_358] {strides = array<i32>} : memref<51200xf32, #tpu.memory_space<vmem>>, vector<16xf32>,
          tpu.vector_store %swap3A_357[%swap3A_358], %select_n3A_352 {strides = array<i32>} : memref<51200xf32, #tpu.memory_space<vmem>>, vector<16xf32>,
          %select_n3A_360 = arith.select %eq3A_312, %get3A_72, %get3A_64 : vector<16xi1>, vector<16xf32>
          %select_n3A_361 = arith.select %eq3A_315, %get3A_80, %select_n3A_360 : vector<16xi1>, vector<16xf32>
          %select_n3A_362 = arith.select %eq3A_318, %get3A_88, %select_n3A_361 : vector<16xi1>, vector<16xf32>
          %select_n3A_363 = arith.select %eq3A_321, %get3A_96, %select_n3A_362 : vector<16xi1>, vector<16xf32>
          %select_n3A_364 = arith.select %eq3A_324, %get3A_104, %select_n3A_363 : vector<16xi1>, vector<16xf32>
          %select_n3A_365 = arith.select %eq3A_327, %get3A_112, %select_n3A_364 : vector<16xi1>, vector<16xf32>
          %add3A_366 = arith.constant 32 : i32
          %add3A_367 = arith.addi %mul3A_333, %add3A_366 : i32
          %swap3A_368 = arith.constant 0 : i32
          %swap3A_369 = tpu.memref_slice %arg7[%scan3A_116, %swap3A_368] : memref<2x51200xf32, #tpu.memory_space<vmem>> -> memref<1x51200xf32, #tpu.memory_space<vmem>>
          %swap3A_370 = tpu.memref_squeeze %swap3A_369 : memref<1x51200xf32, #tpu.memory_space<vmem>> -> memref<51200xf32, #tpu.memory_space<vmem>>
          %swap3A_371 = arith.index_cast %add3A_367 : i32 to index
          %swap3A_372 = tpu.vector_load %swap3A_370[%swap3A_371] {strides = array<i32>} : memref<51200xf32, #tpu.memory_space<vmem>>, vector<16xf32>,
          tpu.vector_store %swap3A_370[%swap3A_371], %select_n3A_365 {strides = array<i32>} : memref<51200xf32, #tpu.memory_space<vmem>>, vector<16xf32>,
          %select_n3A_373 = arith.select %eq3A_312, %get3A_74, %get3A_66 : vector<16xi1>, vector<16xf32>
          %select_n3A_374 = arith.select %eq3A_315, %get3A_82, %select_n3A_373 : vector<16xi1>, vector<16xf32>
          %select_n3A_375 = arith.select %eq3A_318, %get3A_90, %select_n3A_374 : vector<16xi1>, vector<16xf32>
          %select_n3A_376 = arith.select %eq3A_321, %get3A_98, %select_n3A_375 : vector<16xi1>, vector<16xf32>
          %select_n3A_377 = arith.select %eq3A_324, %get3A_106, %select_n3A_376 : vector<16xi1>, vector<16xf32>
          %select_n3A_378 = arith.select %eq3A_327, %get3A_114, %select_n3A_377 : vector<16xi1>, vector<16xf32>
          %add3A_379 = arith.constant 48 : i32
          %add3A_380 = arith.addi %mul3A_333, %add3A_379 : i32
          %swap3A_381 = arith.constant 0 : i32
          %swap3A_382 = tpu.memref_slice %arg7[%scan3A_116, %swap3A_381] : memref<2x51200xf32, #tpu.memory_space<vmem>> -> memref<1x51200xf32, #tpu.memory_space<vmem>>
          %swap3A_383 = tpu.memref_squeeze %swap3A_382 : memref<1x51200xf32, #tpu.memory_space<vmem>> -> memref<51200xf32, #tpu.memory_space<vmem>>
          %swap3A_384 = arith.index_cast %add3A_380 : i32 to index
          %swap3A_385 = tpu.vector_load %swap3A_383[%swap3A_384] {strides = array<i32>} : memref<51200xf32, #tpu.memory_space<vmem>>, vector<16xf32>,
          tpu.vector_store %swap3A_383[%swap3A_384], %select_n3A_378 {strides = array<i32>} : memref<51200xf32, #tpu.memory_space<vmem>>, vector<16xf32>,
          %broadcast_in_dim3A_386 = arith.constant 2 : i32
          %broadcast_in_dim3A_387 = vector.broadcast %broadcast_in_dim3A_386 : i32 to vector<16x1xi32>
          %gather3A_388 = vector.shape_cast %broadcast_in_dim3A_387 : vector<16x1xi32> to vector<16xi32>
          %gather3A_389 = tpu.dynamic_gather %get3A_230[%gather3A_388] in [0] : vector<16xi32>, vector<16xi32> -> vector<16xi32>
          %eq3A_390 = arith.constant 1 : i32
          %eq3A_391 = vector.broadcast %eq3A_390 : i32 to vector<16xi32>
          %eq3A_392 = arith.cmpi eq, %gather3A_389, %eq3A_391 : vector<16xi32>
          %eq3A_393 = arith.constant 2 : i32
          %eq3A_394 = vector.broadcast %eq3A_393 : i32 to vector<16xi32>
          %eq3A_395 = arith.cmpi eq, %gather3A_389, %eq3A_394 : vector<16xi32>
          %eq3A_396 = arith.constant 3 : i32
          %eq3A_397 = vector.broadcast %eq3A_396 : i32 to vector<16xi32>
          %eq3A_398 = arith.cmpi eq, %gather3A_389, %eq3A_397 : vector<16xi32>
          %eq3A_399 = arith.constant 4 : i32
          %eq3A_400 = vector.broadcast %eq3A_399 : i32 to vector<16xi32>
          %eq3A_401 = arith.cmpi eq, %gather3A_389, %eq3A_400 : vector<16xi32>
          %eq3A_402 = arith.constant 5 : i32
          %eq3A_403 = vector.broadcast %eq3A_402 : i32 to vector<16xi32>
          %eq3A_404 = arith.cmpi eq, %gather3A_389, %eq3A_403 : vector<16xi32>
          %eq3A_405 = arith.constant 6 : i32
          %eq3A_406 = vector.broadcast %eq3A_405 : i32 to vector<16xi32>
          %eq3A_407 = arith.cmpi eq, %gather3A_389, %eq3A_406 : vector<16xi32>
          %mul3A_408 = arith.constant 16 : i32
          %mul3A_409 = arith.muli %scan3A_225, %mul3A_408 : i32
          %add3A_410 = arith.constant 2 : i32
          %add3A_411 = arith.addi %mul3A_409, %add3A_410 : i32
          %mul3A_412 = arith.constant 64 : i32
          %mul3A_413 = arith.muli %add3A_411, %mul3A_412 : i32
          %select_n3A_414 = arith.select %eq3A_392, %get3A_68, %get3A_60 : vector<16xi1>, vector<16xf32>
          %select_n3A_415 = arith.select %eq3A_395, %get3A_76, %select_n3A_414 : vector<16xi1>, vector<16xf32>
          %select_n3A_416 = arith.select %eq3A_398, %get3A_84, %select_n3A_415 : vector<16xi1>, vector<16xf32>
          %select_n3A_417 = arith.select %eq3A_401, %get3A_92, %select_n3A_416 : vector<16xi1>, vector<16xf32>
          %select_n3A_418 = arith.select %eq3A_404, %get3A_100, %select_n3A_417 : vector<16xi1>, vector<16xf32>
          %select_n3A_419 = arith.select %eq3A_407, %get3A_108, %select_n3A_418 : vector<16xi1>, vector<16xf32>
          %add3A_420 = arith.constant 0 : i32
          %add3A_421 = arith.addi %mul3A_413, %add3A_420 : i32
          %swap3A_422 = arith.constant 0 : i32
          %swap3A_423 = tpu.memref_slice %arg7[%scan3A_116, %swap3A_422] : memref<2x51200xf32, #tpu.memory_space<vmem>> -> memref<1x51200xf32, #tpu.memory_space<vmem>>
          %swap3A_424 = tpu.memref_squeeze %swap3A_423 : memref<1x51200xf32, #tpu.memory_space<vmem>> -> memref<51200xf32, #tpu.memory_space<vmem>>
          %swap3A_425 = arith.index_cast %add3A_421 : i32 to index
          %swap3A_426 = tpu.vector_load %swap3A_424[%swap3A_425] {strides = array<i32>} : memref<51200xf32, #tpu.memory_space<vmem>>, vector<16xf32>,
          tpu.vector_store %swap3A_424[%swap3A_425], %select_n3A_419 {strides = array<i32>} : memref<51200xf32, #tpu.memory_space<vmem>>, vector<16xf32>,
          %select_n3A_427 = arith.select %eq3A_392, %get3A_70, %get3A_62 : vector<16xi1>, vector<16xf32>
          %select_n3A_428 = arith.select %eq3A_395, %get3A_78, %select_n3A_427 : vector<16xi1>, vector<16xf32>
          %select_n3A_429 = arith.select %eq3A_398, %get3A_86, %select_n3A_428 : vector<16xi1>, vector<16xf32>
          %select_n3A_430 = arith.select %eq3A_401, %get3A_94, %select_n3A_429 : vector<16xi1>, vector<16xf32>
          %select_n3A_431 = arith.select %eq3A_404, %get3A_102, %select_n3A_430 : vector<16xi1>, vector<16xf32>
          %select_n3A_432 = arith.select %eq3A_407, %get3A_110, %select_n3A_431 : vector<16xi1>, vector<16xf32>
          %add3A_433 = arith.constant 16 : i32
          %add3A_434 = arith.addi %mul3A_413, %add3A_433 : i32
          %swap3A_435 = arith.constant 0 : i32
          %swap3A_436 = tpu.memref_slice %arg7[%scan3A_116, %swap3A_435] : memref<2x51200xf32, #tpu.memory_space<vmem>> -> memref<1x51200xf32, #tpu.memory_space<vmem>>
          %swap3A_437 = tpu.memref_squeeze %swap3A_436 : memref<1x51200xf32, #tpu.memory_space<vmem>> -> memref<51200xf32, #tpu.memory_space<vmem>>
          %swap3A_438 = arith.index_cast %add3A_434 : i32 to index
          %swap3A_439 = tpu.vector_load %swap3A_437[%swap3A_438] {strides = array<i32>} : memref<51200xf32, #tpu.memory_space<vmem>>, vector<16xf32>,
          tpu.vector_store %swap3A_437[%swap3A_438], %select_n3A_432 {strides = array<i32>} : memref<51200xf32, #tpu.memory_space<vmem>>, vector<16xf32>,
          %select_n3A_440 = arith.select %eq3A_392, %get3A_72, %get3A_64 : vector<16xi1>, vector<16xf32>
          %select_n3A_441 = arith.select %eq3A_395, %get3A_80, %select_n3A_440 : vector<16xi1>, vector<16xf32>
          %select_n3A_442 = arith.select %eq3A_398, %get3A_88, %select_n3A_441 : vector<16xi1>, vector<16xf32>
          %select_n3A_443 = arith.select %eq3A_401, %get3A_96, %select_n3A_442 : vector<16xi1>, vector<16xf32>
          %select_n3A_444 = arith.select %eq3A_404, %get3A_104, %select_n3A_443 : vector<16xi1>, vector<16xf32>
          %select_n3A_445 = arith.select %eq3A_407, %get3A_112, %select_n3A_444 : vector<16xi1>, vector<16xf32>
          %add3A_446 = arith.constant 32 : i32
          %add3A_447 = arith.addi %mul3A_413, %add3A_446 : i32
          %swap3A_448 = arith.constant 0 : i32
          %swap3A_449 = tpu.memref_slice %arg7[%scan3A_116, %swap3A_448] : memref<2x51200xf32, #tpu.memory_space<vmem>> -> memref<1x51200xf32, #tpu.memory_space<vmem>>
          %swap3A_450 = tpu.memref_squeeze %swap3A_449 : memref<1x51200xf32, #tpu.memory_space<vmem>> -> memref<51200xf32, #tpu.memory_space<vmem>>
          %swap3A_451 = arith.index_cast %add3A_447 : i32 to index
          %swap3A_452 = tpu.vector_load %swap3A_450[%swap3A_451] {strides = array<i32>} : memref<51200xf32, #tpu.memory_space<vmem>>, vector<16xf32>,
          tpu.vector_store %swap3A_450[%swap3A_451], %select_n3A_445 {strides = array<i32>} : memref<51200xf32, #tpu.memory_space<vmem>>, vector<16xf32>,
          %select_n3A_453 = arith.select %eq3A_392, %get3A_74, %get3A_66 : vector<16xi1>, vector<16xf32>
          %select_n3A_454 = arith.select %eq3A_395, %get3A_82, %select_n3A_453 : vector<16xi1>, vector<16xf32>
          %select_n3A_455 = arith.select %eq3A_398, %get3A_90, %select_n3A_454 : vector<16xi1>, vector<16xf32>
          %select_n3A_456 = arith.select %eq3A_401, %get3A_98, %select_n3A_455 : vector<16xi1>, vector<16xf32>
          %select_n3A_457 = arith.select %eq3A_404, %get3A_106, %select_n3A_456 : vector<16xi1>, vector<16xf32>
          %select_n3A_458 = arith.select %eq3A_407, %get3A_114, %select_n3A_457 : vector<16xi1>, vector<16xf32>
          %add3A_459 = arith.constant 48 : i32
          %add3A_460 = arith.addi %mul3A_413, %add3A_459 : i32
          %swap3A_461 = arith.constant 0 : i32
          %swap3A_462 = tpu.memref_slice %arg7[%scan3A_116, %swap3A_461] : memref<2x51200xf32, #tpu.memory_space<vmem>> -> memref<1x51200xf32, #tpu.memory_space<vmem>>
          %swap3A_463 = tpu.memref_squeeze %swap3A_462 : memref<1x51200xf32, #tpu.memory_space<vmem>> -> memref<51200xf32, #tpu.memory_space<vmem>>
          %swap3A_464 = arith.index_cast %add3A_460 : i32 to index
          %swap3A_465 = tpu.vector_load %swap3A_463[%swap3A_464] {strides = array<i32>} : memref<51200xf32, #tpu.memory_space<vmem>>, vector<16xf32>,
          tpu.vector_store %swap3A_463[%swap3A_464], %select_n3A_458 {strides = array<i32>} : memref<51200xf32, #tpu.memory_space<vmem>>, vector<16xf32>,
          %broadcast_in_dim3A_466 = arith.constant 3 : i32
          %broadcast_in_dim3A_467 = vector.broadcast %broadcast_in_dim3A_466 : i32 to vector<16x1xi32>
          %gather3A_468 = vector.shape_cast %broadcast_in_dim3A_467 : vector<16x1xi32> to vector<16xi32>
          %gather3A_469 = tpu.dynamic_gather %get3A_230[%gather3A_468] in [0] : vector<16xi32>, vector<16xi32> -> vector<16xi32>
          %eq3A_470 = arith.constant 1 : i32
          %eq3A_471 = vector.broadcast %eq3A_470 : i32 to vector<16xi32>
          %eq3A_472 = arith.cmpi eq, %gather3A_469, %eq3A_471 : vector<16xi32>
          %eq3A_473 = arith.constant 2 : i32
          %eq3A_474 = vector.broadcast %eq3A_473 : i32 to vector<16xi32>
          %eq3A_475 = arith.cmpi eq, %gather3A_469, %eq3A_474 : vector<16xi32>
          %eq3A_476 = arith.constant 3 : i32
          %eq3A_477 = vector.broadcast %eq3A_476 : i32 to vector<16xi32>
          %eq3A_478 = arith.cmpi eq, %gather3A_469, %eq3A_477 : vector<16xi32>
          %eq3A_479 = arith.constant 4 : i32
          %eq3A_480 = vector.broadcast %eq3A_479 : i32 to vector<16xi32>
          %eq3A_481 = arith.cmpi eq, %gather3A_469, %eq3A_480 : vector<16xi32>
          %eq3A_482 = arith.constant 5 : i32
          %eq3A_483 = vector.broadcast %eq3A_482 : i32 to vector<16xi32>
          %eq3A_484 = arith.cmpi eq, %gather3A_469, %eq3A_483 : vector<16xi32>
          %eq3A_485 = arith.constant 6 : i32
          %eq3A_486 = vector.broadcast %eq3A_485 : i32 to vector<16xi32>
          %eq3A_487 = arith.cmpi eq, %gather3A_469, %eq3A_486 : vector<16xi32>
          %mul3A_488 = arith.constant 16 : i32
          %mul3A_489 = arith.muli %scan3A_225, %mul3A_488 : i32
          %add3A_490 = arith.constant 3 : i32
          %add3A_491 = arith.addi %mul3A_489, %add3A_490 : i32
          %mul3A_492 = arith.constant 64 : i32
          %mul3A_493 = arith.muli %add3A_491, %mul3A_492 : i32
          %select_n3A_494 = arith.select %eq3A_472, %get3A_68, %get3A_60 : vector<16xi1>, vector<16xf32>
          %select_n3A_495 = arith.select %eq3A_475, %get3A_76, %select_n3A_494 : vector<16xi1>, vector<16xf32>
          %select_n3A_496 = arith.select %eq3A_478, %get3A_84, %select_n3A_495 : vector<16xi1>, vector<16xf32>
          %select_n3A_497 = arith.select %eq3A_481, %get3A_92, %select_n3A_496 : vector<16xi1>, vector<16xf32>
          %select_n3A_498 = arith.select %eq3A_484, %get3A_100, %select_n3A_497 : vector<16xi1>, vector<16xf32>
          %select_n3A_499 = arith.select %eq3A_487, %get3A_108, %select_n3A_498 : vector<16xi1>, vector<16xf32>
          %add3A_500 = arith.constant 0 : i32
          %add3A_501 = arith.addi %mul3A_493, %add3A_500 : i32
          %swap3A_502 = arith.constant 0 : i32
          %swap3A_503 = tpu.memref_slice %arg7[%scan3A_116, %swap3A_502] : memref<2x51200xf32, #tpu.memory_space<vmem>> -> memref<1x51200xf32, #tpu.memory_space<vmem>>
          %swap3A_504 = tpu.memref_squeeze %swap3A_503 : memref<1x51200xf32, #tpu.memory_space<vmem>> -> memref<51200xf32, #tpu.memory_space<vmem>>
          %swap3A_505 = arith.index_cast %add3A_501 : i32 to index
          %swap3A_506 = tpu.vector_load %swap3A_504[%swap3A_505] {strides = array<i32>} : memref<51200xf32, #tpu.memory_space<vmem>>, vector<16xf32>,
          tpu.vector_store %swap3A_504[%swap3A_505], %select_n3A_499 {strides = array<i32>} : memref<51200xf32, #tpu.memory_space<vmem>>, vector<16xf32>,
          %select_n3A_507 = arith.select %eq3A_472, %get3A_70, %get3A_62 : vector<16xi1>, vector<16xf32>
          %select_n3A_508 = arith.select %eq3A_475, %get3A_78, %select_n3A_507 : vector<16xi1>, vector<16xf32>
          %select_n3A_509 = arith.select %eq3A_478, %get3A_86, %select_n3A_508 : vector<16xi1>, vector<16xf32>
          %select_n3A_510 = arith.select %eq3A_481, %get3A_94, %select_n3A_509 : vector<16xi1>, vector<16xf32>
          %select_n3A_511 = arith.select %eq3A_484, %get3A_102, %select_n3A_510 : vector<16xi1>, vector<16xf32>
          %select_n3A_512 = arith.select %eq3A_487, %get3A_110, %select_n3A_511 : vector<16xi1>, vector<16xf32>
          %add3A_513 = arith.constant 16 : i32
          %add3A_514 = arith.addi %mul3A_493, %add3A_513 : i32
          %swap3A_515 = arith.constant 0 : i32
          %swap3A_516 = tpu.memref_slice %arg7[%scan3A_116, %swap3A_515] : memref<2x51200xf32, #tpu.memory_space<vmem>> -> memref<1x51200xf32, #tpu.memory_space<vmem>>
          %swap3A_517 = tpu.memref_squeeze %swap3A_516 : memref<1x51200xf32, #tpu.memory_space<vmem>> -> memref<51200xf32, #tpu.memory_space<vmem>>
          %swap3A_518 = arith.index_cast %add3A_514 : i32 to index
          %swap3A_519 = tpu.vector_load %swap3A_517[%swap3A_518] {strides = array<i32>} : memref<51200xf32, #tpu.memory_space<vmem>>, vector<16xf32>,
          tpu.vector_store %swap3A_517[%swap3A_518], %select_n3A_512 {strides = array<i32>} : memref<51200xf32, #tpu.memory_space<vmem>>, vector<16xf32>,
          %select_n3A_520 = arith.select %eq3A_472, %get3A_72, %get3A_64 : vector<16xi1>, vector<16xf32>
          %select_n3A_521 = arith.select %eq3A_475, %get3A_80, %select_n3A_520 : vector<16xi1>, vector<16xf32>
          %select_n3A_522 = arith.select %eq3A_478, %get3A_88, %select_n3A_521 : vector<16xi1>, vector<16xf32>
          %select_n3A_523 = arith.select %eq3A_481, %get3A_96, %select_n3A_522 : vector<16xi1>, vector<16xf32>
          %select_n3A_524 = arith.select %eq3A_484, %get3A_104, %select_n3A_523 : vector<16xi1>, vector<16xf32>
          %select_n3A_525 = arith.select %eq3A_487, %get3A_112, %select_n3A_524 : vector<16xi1>, vector<16xf32>
          %add3A_526 = arith.constant 32 : i32
          %add3A_527 = arith.addi %mul3A_493, %add3A_526 : i32
          %swap3A_528 = arith.constant 0 : i32
          %swap3A_529 = tpu.memref_slice %arg7[%scan3A_116, %swap3A_528] : memref<2x51200xf32, #tpu.memory_space<vmem>> -> memref<1x51200xf32, #tpu.memory_space<vmem>>
          %swap3A_530 = tpu.memref_squeeze %swap3A_529 : memref<1x51200xf32, #tpu.memory_space<vmem>> -> memref<51200xf32, #tpu.memory_space<vmem>>
          %swap3A_531 = arith.index_cast %add3A_527 : i32 to index
          %swap3A_532 = tpu.vector_load %swap3A_530[%swap3A_531] {strides = array<i32>} : memref<51200xf32, #tpu.memory_space<vmem>>, vector<16xf32>,
          tpu.vector_store %swap3A_530[%swap3A_531], %select_n3A_525 {strides = array<i32>} : memref<51200xf32, #tpu.memory_space<vmem>>, vector<16xf32>,
          %select_n3A_533 = arith.select %eq3A_472, %get3A_74, %get3A_66 : vector<16xi1>, vector<16xf32>
          %select_n3A_534 = arith.select %eq3A_475, %get3A_82, %select_n3A_533 : vector<16xi1>, vector<16xf32>
          %select_n3A_535 = arith.select %eq3A_478, %get3A_90, %select_n3A_534 : vector<16xi1>, vector<16xf32>
          %select_n3A_536 = arith.select %eq3A_481, %get3A_98, %select_n3A_535 : vector<16xi1>, vector<16xf32>
          %select_n3A_537 = arith.select %eq3A_484, %get3A_106, %select_n3A_536 : vector<16xi1>, vector<16xf32>
          %select_n3A_538 = arith.select %eq3A_487, %get3A_114, %select_n3A_537 : vector<16xi1>, vector<16xf32>
          %add3A_539 = arith.constant 48 : i32
          %add3A_540 = arith.addi %mul3A_493, %add3A_539 : i32
          %swap3A_541 = arith.constant 0 : i32
          %swap3A_542 = tpu.memref_slice %arg7[%scan3A_116, %swap3A_541] : memref<2x51200xf32, #tpu.memory_space<vmem>> -> memref<1x51200xf32, #tpu.memory_space<vmem>>
          %swap3A_543 = tpu.memref_squeeze %swap3A_542 : memref<1x51200xf32, #tpu.memory_space<vmem>> -> memref<51200xf32, #tpu.memory_space<vmem>>
          %swap3A_544 = arith.index_cast %add3A_540 : i32 to index
          %swap3A_545 = tpu.vector_load %swap3A_543[%swap3A_544] {strides = array<i32>} : memref<51200xf32, #tpu.memory_space<vmem>>, vector<16xf32>,
          tpu.vector_store %swap3A_543[%swap3A_544], %select_n3A_538 {strides = array<i32>} : memref<51200xf32, #tpu.memory_space<vmem>>, vector<16xf32>,
          %broadcast_in_dim3A_546 = arith.constant 4 : i32
          %broadcast_in_dim3A_547 = vector.broadcast %broadcast_in_dim3A_546 : i32 to vector<16x1xi32>
          %gather3A_548 = vector.shape_cast %broadcast_in_dim3A_547 : vector<16x1xi32> to vector<16xi32>
          %gather3A_549 = tpu.dynamic_gather %get3A_230[%gather3A_548] in [0] : vector<16xi32>, vector<16xi32> -> vector<16xi32>
          %eq3A_550 = arith.constant 1 : i32
          %eq3A_551 = vector.broadcast %eq3A_550 : i32 to vector<16xi32>
          %eq3A_552 = arith.cmpi eq, %gather3A_549, %eq3A_551 : vector<16xi32>
          %eq3A_553 = arith.constant 2 : i32
          %eq3A_554 = vector.broadcast %eq3A_553 : i32 to vector<16xi32>
          %eq3A_555 = arith.cmpi eq, %gather3A_549, %eq3A_554 : vector<16xi32>
          %eq3A_556 = arith.constant 3 : i32
          %eq3A_557 = vector.broadcast %eq3A_556 : i32 to vector<16xi32>
          %eq3A_558 = arith.cmpi eq, %gather3A_549, %eq3A_557 : vector<16xi32>
          %eq3A_559 = arith.constant 4 : i32
          %eq3A_560 = vector.broadcast %eq3A_559 : i32 to vector<16xi32>
          %eq3A_561 = arith.cmpi eq, %gather3A_549, %eq3A_560 : vector<16xi32>
          %eq3A_562 = arith.constant 5 : i32
          %eq3A_563 = vector.broadcast %eq3A_562 : i32 to vector<16xi32>
          %eq3A_564 = arith.cmpi eq, %gather3A_549, %eq3A_563 : vector<16xi32>
          %eq3A_565 = arith.constant 6 : i32
          %eq3A_566 = vector.broadcast %eq3A_565 : i32 to vector<16xi32>
          %eq3A_567 = arith.cmpi eq, %gather3A_549, %eq3A_566 : vector<16xi32>
          %mul3A_568 = arith.constant 16 : i32
          %mul3A_569 = arith.muli %scan3A_225, %mul3A_568 : i32
          %add3A_570 = arith.constant 4 : i32
          %add3A_571 = arith.addi %mul3A_569, %add3A_570 : i32
          %mul3A_572 = arith.constant 64 : i32
          %mul3A_573 = arith.muli %add3A_571, %mul3A_572 : i32
          %select_n3A_574 = arith.select %eq3A_552, %get3A_68, %get3A_60 : vector<16xi1>, vector<16xf32>
          %select_n3A_575 = arith.select %eq3A_555, %get3A_76, %select_n3A_574 : vector<16xi1>, vector<16xf32>
          %select_n3A_576 = arith.select %eq3A_558, %get3A_84, %select_n3A_575 : vector<16xi1>, vector<16xf32>
          %select_n3A_577 = arith.select %eq3A_561, %get3A_92, %select_n3A_576 : vector<16xi1>, vector<16xf32>
          %select_n3A_578 = arith.select %eq3A_564, %get3A_100, %select_n3A_577 : vector<16xi1>, vector<16xf32>
          %select_n3A_579 = arith.select %eq3A_567, %get3A_108, %select_n3A_578 : vector<16xi1>, vector<16xf32>
          %add3A_580 = arith.constant 0 : i32
          %add3A_581 = arith.addi %mul3A_573, %add3A_580 : i32
          %swap3A_582 = arith.constant 0 : i32
          %swap3A_583 = tpu.memref_slice %arg7[%scan3A_116, %swap3A_582] : memref<2x51200xf32, #tpu.memory_space<vmem>> -> memref<1x51200xf32, #tpu.memory_space<vmem>>
          %swap3A_584 = tpu.memref_squeeze %swap3A_583 : memref<1x51200xf32, #tpu.memory_space<vmem>> -> memref<51200xf32, #tpu.memory_space<vmem>>
          %swap3A_585 = arith.index_cast %add3A_581 : i32 to index
          %swap3A_586 = tpu.vector_load %swap3A_584[%swap3A_585] {strides = array<i32>} : memref<51200xf32, #tpu.memory_space<vmem>>, vector<16xf32>,
          tpu.vector_store %swap3A_584[%swap3A_585], %select_n3A_579 {strides = array<i32>} : memref<51200xf32, #tpu.memory_space<vmem>>, vector<16xf32>,
          %select_n3A_587 = arith.select %eq3A_552, %get3A_70, %get3A_62 : vector<16xi1>, vector<16xf32>
          %select_n3A_588 = arith.select %eq3A_555, %get3A_78, %select_n3A_587 : vector<16xi1>, vector<16xf32>
          %select_n3A_589 = arith.select %eq3A_558, %get3A_86, %select_n3A_588 : vector<16xi1>, vector<16xf32>
          %select_n3A_590 = arith.select %eq3A_561, %get3A_94, %select_n3A_589 : vector<16xi1>, vector<16xf32>
          %select_n3A_591 = arith.select %eq3A_564, %get3A_102, %select_n3A_590 : vector<16xi1>, vector<16xf32>
          %select_n3A_592 = arith.select %eq3A_567, %get3A_110, %select_n3A_591 : vector<16xi1>, vector<16xf32>
          %add3A_593 = arith.constant 16 : i32
          %add3A_594 = arith.addi %mul3A_573, %add3A_593 : i32
          %swap3A_595 = arith.constant 0 : i32
          %swap3A_596 = tpu.memref_slice %arg7[%scan3A_116, %swap3A_595] : memref<2x51200xf32, #tpu.memory_space<vmem>> -> memref<1x51200xf32, #tpu.memory_space<vmem>>
          %swap3A_597 = tpu.memref_squeeze %swap3A_596 : memref<1x51200xf32, #tpu.memory_space<vmem>> -> memref<51200xf32, #tpu.memory_space<vmem>>
          %swap3A_598 = arith.index_cast %add3A_594 : i32 to index
          %swap3A_599 = tpu.vector_load %swap3A_597[%swap3A_598] {strides = array<i32>} : memref<51200xf32, #tpu.memory_space<vmem>>, vector<16xf32>,
          tpu.vector_store %swap3A_597[%swap3A_598], %select_n3A_592 {strides = array<i32>} : memref<51200xf32, #tpu.memory_space<vmem>>, vector<16xf32>,
          %select_n3A_600 = arith.select %eq3A_552, %get3A_72, %get3A_64 : vector<16xi1>, vector<16xf32>
          %select_n3A_601 = arith.select %eq3A_555, %get3A_80, %select_n3A_600 : vector<16xi1>, vector<16xf32>
          %select_n3A_602 = arith.select %eq3A_558, %get3A_88, %select_n3A_601 : vector<16xi1>, vector<16xf32>
          %select_n3A_603 = arith.select %eq3A_561, %get3A_96, %select_n3A_602 : vector<16xi1>, vector<16xf32>
          %select_n3A_604 = arith.select %eq3A_564, %get3A_104, %select_n3A_603 : vector<16xi1>, vector<16xf32>
          %select_n3A_605 = arith.select %eq3A_567, %get3A_112, %select_n3A_604 : vector<16xi1>, vector<16xf32>
          %add3A_606 = arith.constant 32 : i32
          %add3A_607 = arith.addi %mul3A_573, %add3A_606 : i32
          %swap3A_608 = arith.constant 0 : i32
          %swap3A_609 = tpu.memref_slice %arg7[%scan3A_116, %swap3A_608] : memref<2x51200xf32, #tpu.memory_space<vmem>> -> memref<1x51200xf32, #tpu.memory_space<vmem>>
          %swap3A_610 = tpu.memref_squeeze %swap3A_609 : memref<1x51200xf32, #tpu.memory_space<vmem>> -> memref<51200xf32, #tpu.memory_space<vmem>>
          %swap3A_611 = arith.index_cast %add3A_607 : i32 to index
          %swap3A_612 = tpu.vector_load %swap3A_610[%swap3A_611] {strides = array<i32>} : memref<51200xf32, #tpu.memory_space<vmem>>, vector<16xf32>,
          tpu.vector_store %swap3A_610[%swap3A_611], %select_n3A_605 {strides = array<i32>} : memref<51200xf32, #tpu.memory_space<vmem>>, vector<16xf32>,
          %select_n3A_613 = arith.select %eq3A_552, %get3A_74, %get3A_66 : vector<16xi1>, vector<16xf32>
          %select_n3A_614 = arith.select %eq3A_555, %get3A_82, %select_n3A_613 : vector<16xi1>, vector<16xf32>
          %select_n3A_615 = arith.select %eq3A_558, %get3A_90, %select_n3A_614 : vector<16xi1>, vector<16xf32>
          %select_n3A_616 = arith.select %eq3A_561, %get3A_98, %select_n3A_615 : vector<16xi1>, vector<16xf32>
          %select_n3A_617 = arith.select %eq3A_564, %get3A_106, %select_n3A_616 : vector<16xi1>, vector<16xf32>
          %select_n3A_618 = arith.select %eq3A_567, %get3A_114, %select_n3A_617 : vector<16xi1>, vector<16xf32>
          %add3A_619 = arith.constant 48 : i32
          %add3A_620 = arith.addi %mul3A_573, %add3A_619 : i32
          %swap3A_621 = arith.constant 0 : i32
          %swap3A_622 = tpu.memref_slice %arg7[%scan3A_116, %swap3A_621] : memref<2x51200xf32, #tpu.memory_space<vmem>> -> memref<1x51200xf32, #tpu.memory_space<vmem>>
          %swap3A_623 = tpu.memref_squeeze %swap3A_622 : memref<1x51200xf32, #tpu.memory_space<vmem>> -> memref<51200xf32, #tpu.memory_space<vmem>>
          %swap3A_624 = arith.index_cast %add3A_620 : i32 to index
          %swap3A_625 = tpu.vector_load %swap3A_623[%swap3A_624] {strides = array<i32>} : memref<51200xf32, #tpu.memory_space<vmem>>, vector<16xf32>,
          tpu.vector_store %swap3A_623[%swap3A_624], %select_n3A_618 {strides = array<i32>} : memref<51200xf32, #tpu.memory_space<vmem>>, vector<16xf32>,
          %broadcast_in_dim3A_626 = arith.constant 5 : i32
          %broadcast_in_dim3A_627 = vector.broadcast %broadcast_in_dim3A_626 : i32 to vector<16x1xi32>
          %gather3A_628 = vector.shape_cast %broadcast_in_dim3A_627 : vector<16x1xi32> to vector<16xi32>
          %gather3A_629 = tpu.dynamic_gather %get3A_230[%gather3A_628] in [0] : vector<16xi32>, vector<16xi32> -> vector<16xi32>
          %eq3A_630 = arith.constant 1 : i32
          %eq3A_631 = vector.broadcast %eq3A_630 : i32 to vector<16xi32>
          %eq3A_632 = arith.cmpi eq, %gather3A_629, %eq3A_631 : vector<16xi32>
          %eq3A_633 = arith.constant 2 : i32
          %eq3A_634 = vector.broadcast %eq3A_633 : i32 to vector<16xi32>
          %eq3A_635 = arith.cmpi eq, %gather3A_629, %eq3A_634 : vector<16xi32>
          %eq3A_636 = arith.constant 3 : i32
          %eq3A_637 = vector.broadcast %eq3A_636 : i32 to vector<16xi32>
          %eq3A_638 = arith.cmpi eq, %gather3A_629, %eq3A_637 : vector<16xi32>
          %eq3A_639 = arith.constant 4 : i32
          %eq3A_640 = vector.broadcast %eq3A_639 : i32 to vector<16xi32>
          %eq3A_641 = arith.cmpi eq, %gather3A_629, %eq3A_640 : vector<16xi32>
          %eq3A_642 = arith.constant 5 : i32
          %eq3A_643 = vector.broadcast %eq3A_642 : i32 to vector<16xi32>
          %eq3A_644 = arith.cmpi eq, %gather3A_629, %eq3A_643 : vector<16xi32>
          %eq3A_645 = arith.constant 6 : i32
          %eq3A_646 = vector.broadcast %eq3A_645 : i32 to vector<16xi32>
          %eq3A_647 = arith.cmpi eq, %gather3A_629, %eq3A_646 : vector<16xi32>
          %mul3A_648 = arith.constant 16 : i32
          %mul3A_649 = arith.muli %scan3A_225, %mul3A_648 : i32
          %add3A_650 = arith.constant 5 : i32
          %add3A_651 = arith.addi %mul3A_649, %add3A_650 : i32
          %mul3A_652 = arith.constant 64 : i32
          %mul3A_653 = arith.muli %add3A_651, %mul3A_652 : i32
          %select_n3A_654 = arith.select %eq3A_632, %get3A_68, %get3A_60 : vector<16xi1>, vector<16xf32>
          %select_n3A_655 = arith.select %eq3A_635, %get3A_76, %select_n3A_654 : vector<16xi1>, vector<16xf32>
          %select_n3A_656 = arith.select %eq3A_638, %get3A_84, %select_n3A_655 : vector<16xi1>, vector<16xf32>
          %select_n3A_657 = arith.select %eq3A_641, %get3A_92, %select_n3A_656 : vector<16xi1>, vector<16xf32>
          %select_n3A_658 = arith.select %eq3A_644, %get3A_100, %select_n3A_657 : vector<16xi1>, vector<16xf32>
          %select_n3A_659 = arith.select %eq3A_647, %get3A_108, %select_n3A_658 : vector<16xi1>, vector<16xf32>
          %add3A_660 = arith.constant 0 : i32
          %add3A_661 = arith.addi %mul3A_653, %add3A_660 : i32
          %swap3A_662 = arith.constant 0 : i32
          %swap3A_663 = tpu.memref_slice %arg7[%scan3A_116, %swap3A_662] : memref<2x51200xf32, #tpu.memory_space<vmem>> -> memref<1x51200xf32, #tpu.memory_space<vmem>>
          %swap3A_664 = tpu.memref_squeeze %swap3A_663 : memref<1x51200xf32, #tpu.memory_space<vmem>> -> memref<51200xf32, #tpu.memory_space<vmem>>
          %swap3A_665 = arith.index_cast %add3A_661 : i32 to index
          %swap3A_666 = tpu.vector_load %swap3A_664[%swap3A_665] {strides = array<i32>} : memref<51200xf32, #tpu.memory_space<vmem>>, vector<16xf32>,
          tpu.vector_store %swap3A_664[%swap3A_665], %select_n3A_659 {strides = array<i32>} : memref<51200xf32, #tpu.memory_space<vmem>>, vector<16xf32>,
          %select_n3A_667 = arith.select %eq3A_632, %get3A_70, %get3A_62 : vector<16xi1>, vector<16xf32>
          %select_n3A_668 = arith.select %eq3A_635, %get3A_78, %select_n3A_667 : vector<16xi1>, vector<16xf32>
          %select_n3A_669 = arith.select %eq3A_638, %get3A_86, %select_n3A_668 : vector<16xi1>, vector<16xf32>
          %select_n3A_670 = arith.select %eq3A_641, %get3A_94, %select_n3A_669 : vector<16xi1>, vector<16xf32>
          %select_n3A_671 = arith.select %eq3A_644, %get3A_102, %select_n3A_670 : vector<16xi1>, vector<16xf32>
          %select_n3A_672 = arith.select %eq3A_647, %get3A_110, %select_n3A_671 : vector<16xi1>, vector<16xf32>
          %add3A_673 = arith.constant 16 : i32
          %add3A_674 = arith.addi %mul3A_653, %add3A_673 : i32
          %swap3A_675 = arith.constant 0 : i32
          %swap3A_676 = tpu.memref_slice %arg7[%scan3A_116, %swap3A_675] : memref<2x51200xf32, #tpu.memory_space<vmem>> -> memref<1x51200xf32, #tpu.memory_space<vmem>>
          %swap3A_677 = tpu.memref_squeeze %swap3A_676 : memref<1x51200xf32, #tpu.memory_space<vmem>> -> memref<51200xf32, #tpu.memory_space<vmem>>
          %swap3A_678 = arith.index_cast %add3A_674 : i32 to index
          %swap3A_679 = tpu.vector_load %swap3A_677[%swap3A_678] {strides = array<i32>} : memref<51200xf32, #tpu.memory_space<vmem>>, vector<16xf32>,
          tpu.vector_store %swap3A_677[%swap3A_678], %select_n3A_672 {strides = array<i32>} : memref<51200xf32, #tpu.memory_space<vmem>>, vector<16xf32>,
          %select_n3A_680 = arith.select %eq3A_632, %get3A_72, %get3A_64 : vector<16xi1>, vector<16xf32>
          %select_n3A_681 = arith.select %eq3A_635, %get3A_80, %select_n3A_680 : vector<16xi1>, vector<16xf32>
          %select_n3A_682 = arith.select %eq3A_638, %get3A_88, %select_n3A_681 : vector<16xi1>, vector<16xf32>
          %select_n3A_683 = arith.select %eq3A_641, %get3A_96, %select_n3A_682 : vector<16xi1>, vector<16xf32>
          %select_n3A_684 = arith.select %eq3A_644, %get3A_104, %select_n3A_683 : vector<16xi1>, vector<16xf32>
          %select_n3A_685 = arith.select %eq3A_647, %get3A_112, %select_n3A_684 : vector<16xi1>, vector<16xf32>
          %add3A_686 = arith.constant 32 : i32
          %add3A_687 = arith.addi %mul3A_653, %add3A_686 : i32
          %swap3A_688 = arith.constant 0 : i32
          %swap3A_689 = tpu.memref_slice %arg7[%scan3A_116, %swap3A_688] : memref<2x51200xf32, #tpu.memory_space<vmem>> -> memref<1x51200xf32, #tpu.memory_space<vmem>>
          %swap3A_690 = tpu.memref_squeeze %swap3A_689 : memref<1x51200xf32, #tpu.memory_space<vmem>> -> memref<51200xf32, #tpu.memory_space<vmem>>
          %swap3A_691 = arith.index_cast %add3A_687 : i32 to index
          %swap3A_692 = tpu.vector_load %swap3A_690[%swap3A_691] {strides = array<i32>} : memref<51200xf32, #tpu.memory_space<vmem>>, vector<16xf32>,
          tpu.vector_store %swap3A_690[%swap3A_691], %select_n3A_685 {strides = array<i32>} : memref<51200xf32, #tpu.memory_space<vmem>>, vector<16xf32>,
          %select_n3A_693 = arith.select %eq3A_632, %get3A_74, %get3A_66 : vector<16xi1>, vector<16xf32>
          %select_n3A_694 = arith.select %eq3A_635, %get3A_82, %select_n3A_693 : vector<16xi1>, vector<16xf32>
          %select_n3A_695 = arith.select %eq3A_638, %get3A_90, %select_n3A_694 : vector<16xi1>, vector<16xf32>
          %select_n3A_696 = arith.select %eq3A_641, %get3A_98, %select_n3A_695 : vector<16xi1>, vector<16xf32>
          %select_n3A_697 = arith.select %eq3A_644, %get3A_106, %select_n3A_696 : vector<16xi1>, vector<16xf32>
          %select_n3A_698 = arith.select %eq3A_647, %get3A_114, %select_n3A_697 : vector<16xi1>, vector<16xf32>
          %add3A_699 = arith.constant 48 : i32
          %add3A_700 = arith.addi %mul3A_653, %add3A_699 : i32
          %swap3A_701 = arith.constant 0 : i32
          %swap3A_702 = tpu.memref_slice %arg7[%scan3A_116, %swap3A_701] : memref<2x51200xf32, #tpu.memory_space<vmem>> -> memref<1x51200xf32, #tpu.memory_space<vmem>>
          %swap3A_703 = tpu.memref_squeeze %swap3A_702 : memref<1x51200xf32, #tpu.memory_space<vmem>> -> memref<51200xf32, #tpu.memory_space<vmem>>
          %swap3A_704 = arith.index_cast %add3A_700 : i32 to index
          %swap3A_705 = tpu.vector_load %swap3A_703[%swap3A_704] {strides = array<i32>} : memref<51200xf32, #tpu.memory_space<vmem>>, vector<16xf32>,
          tpu.vector_store %swap3A_703[%swap3A_704], %select_n3A_698 {strides = array<i32>} : memref<51200xf32, #tpu.memory_space<vmem>>, vector<16xf32>,
          %broadcast_in_dim3A_706 = arith.constant 6 : i32
          %broadcast_in_dim3A_707 = vector.broadcast %broadcast_in_dim3A_706 : i32 to vector<16x1xi32>
          %gather3A_708 = vector.shape_cast %broadcast_in_dim3A_707 : vector<16x1xi32> to vector<16xi32>
          %gather3A_709 = tpu.dynamic_gather %get3A_230[%gather3A_708] in [0] : vector<16xi32>, vector<16xi32> -> vector<16xi32>
          %eq3A_710 = arith.constant 1 : i32
          %eq3A_711 = vector.broadcast %eq3A_710 : i32 to vector<16xi32>
          %eq3A_712 = arith.cmpi eq, %gather3A_709, %eq3A_711 : vector<16xi32>
          %eq3A_713 = arith.constant 2 : i32
          %eq3A_714 = vector.broadcast %eq3A_713 : i32 to vector<16xi32>
          %eq3A_715 = arith.cmpi eq, %gather3A_709, %eq3A_714 : vector<16xi32>
          %eq3A_716 = arith.constant 3 : i32
          %eq3A_717 = vector.broadcast %eq3A_716 : i32 to vector<16xi32>
          %eq3A_718 = arith.cmpi eq, %gather3A_709, %eq3A_717 : vector<16xi32>
          %eq3A_719 = arith.constant 4 : i32
          %eq3A_720 = vector.broadcast %eq3A_719 : i32 to vector<16xi32>
          %eq3A_721 = arith.cmpi eq, %gather3A_709, %eq3A_720 : vector<16xi32>
          %eq3A_722 = arith.constant 5 : i32
          %eq3A_723 = vector.broadcast %eq3A_722 : i32 to vector<16xi32>
          %eq3A_724 = arith.cmpi eq, %gather3A_709, %eq3A_723 : vector<16xi32>
          %eq3A_725 = arith.constant 6 : i32
          %eq3A_726 = vector.broadcast %eq3A_725 : i32 to vector<16xi32>
          %eq3A_727 = arith.cmpi eq, %gather3A_709, %eq3A_726 : vector<16xi32>
          %mul3A_728 = arith.constant 16 : i32
          %mul3A_729 = arith.muli %scan3A_225, %mul3A_728 : i32
          %add3A_730 = arith.constant 6 : i32
          %add3A_731 = arith.addi %mul3A_729, %add3A_730 : i32
          %mul3A_732 = arith.constant 64 : i32
          %mul3A_733 = arith.muli %add3A_731, %mul3A_732 : i32
          %select_n3A_734 = arith.select %eq3A_712, %get3A_68, %get3A_60 : vector<16xi1>, vector<16xf32>
          %select_n3A_735 = arith.select %eq3A_715, %get3A_76, %select_n3A_734 : vector<16xi1>, vector<16xf32>
          %select_n3A_736 = arith.select %eq3A_718, %get3A_84, %select_n3A_735 : vector<16xi1>, vector<16xf32>
          %select_n3A_737 = arith.select %eq3A_721, %get3A_92, %select_n3A_736 : vector<16xi1>, vector<16xf32>
          %select_n3A_738 = arith.select %eq3A_724, %get3A_100, %select_n3A_737 : vector<16xi1>, vector<16xf32>
          %select_n3A_739 = arith.select %eq3A_727, %get3A_108, %select_n3A_738 : vector<16xi1>, vector<16xf32>
          %add3A_740 = arith.constant 0 : i32
          %add3A_741 = arith.addi %mul3A_733, %add3A_740 : i32
          %swap3A_742 = arith.constant 0 : i32
          %swap3A_743 = tpu.memref_slice %arg7[%scan3A_116, %swap3A_742] : memref<2x51200xf32, #tpu.memory_space<vmem>> -> memref<1x51200xf32, #tpu.memory_space<vmem>>
          %swap3A_744 = tpu.memref_squeeze %swap3A_743 : memref<1x51200xf32, #tpu.memory_space<vmem>> -> memref<51200xf32, #tpu.memory_space<vmem>>
          %swap3A_745 = arith.index_cast %add3A_741 : i32 to index
          %swap3A_746 = tpu.vector_load %swap3A_744[%swap3A_745] {strides = array<i32>} : memref<51200xf32, #tpu.memory_space<vmem>>, vector<16xf32>,
          tpu.vector_store %swap3A_744[%swap3A_745], %select_n3A_739 {strides = array<i32>} : memref<51200xf32, #tpu.memory_space<vmem>>, vector<16xf32>,
          %select_n3A_747 = arith.select %eq3A_712, %get3A_70, %get3A_62 : vector<16xi1>, vector<16xf32>
          %select_n3A_748 = arith.select %eq3A_715, %get3A_78, %select_n3A_747 : vector<16xi1>, vector<16xf32>
          %select_n3A_749 = arith.select %eq3A_718, %get3A_86, %select_n3A_748 : vector<16xi1>, vector<16xf32>
          %select_n3A_750 = arith.select %eq3A_721, %get3A_94, %select_n3A_749 : vector<16xi1>, vector<16xf32>
          %select_n3A_751 = arith.select %eq3A_724, %get3A_102, %select_n3A_750 : vector<16xi1>, vector<16xf32>
          %select_n3A_752 = arith.select %eq3A_727, %get3A_110, %select_n3A_751 : vector<16xi1>, vector<16xf32>
          %add3A_753 = arith.constant 16 : i32
          %add3A_754 = arith.addi %mul3A_733, %add3A_753 : i32
          %swap3A_755 = arith.constant 0 : i32
          %swap3A_756 = tpu.memref_slice %arg7[%scan3A_116, %swap3A_755] : memref<2x51200xf32, #tpu.memory_space<vmem>> -> memref<1x51200xf32, #tpu.memory_space<vmem>>
          %swap3A_757 = tpu.memref_squeeze %swap3A_756 : memref<1x51200xf32, #tpu.memory_space<vmem>> -> memref<51200xf32, #tpu.memory_space<vmem>>
          %swap3A_758 = arith.index_cast %add3A_754 : i32 to index
          %swap3A_759 = tpu.vector_load %swap3A_757[%swap3A_758] {strides = array<i32>} : memref<51200xf32, #tpu.memory_space<vmem>>, vector<16xf32>,
          tpu.vector_store %swap3A_757[%swap3A_758], %select_n3A_752 {strides = array<i32>} : memref<51200xf32, #tpu.memory_space<vmem>>, vector<16xf32>,
          %select_n3A_760 = arith.select %eq3A_712, %get3A_72, %get3A_64 : vector<16xi1>, vector<16xf32>
          %select_n3A_761 = arith.select %eq3A_715, %get3A_80, %select_n3A_760 : vector<16xi1>, vector<16xf32>
          %select_n3A_762 = arith.select %eq3A_718, %get3A_88, %select_n3A_761 : vector<16xi1>, vector<16xf32>
          %select_n3A_763 = arith.select %eq3A_721, %get3A_96, %select_n3A_762 : vector<16xi1>, vector<16xf32>
          %select_n3A_764 = arith.select %eq3A_724, %get3A_104, %select_n3A_763 : vector<16xi1>, vector<16xf32>
          %select_n3A_765 = arith.select %eq3A_727, %get3A_112, %select_n3A_764 : vector<16xi1>, vector<16xf32>
          %add3A_766 = arith.constant 32 : i32
          %add3A_767 = arith.addi %mul3A_733, %add3A_766 : i32
          %swap3A_768 = arith.constant 0 : i32
          %swap3A_769 = tpu.memref_slice %arg7[%scan3A_116, %swap3A_768] : memref<2x51200xf32, #tpu.memory_space<vmem>> -> memref<1x51200xf32, #tpu.memory_space<vmem>>
          %swap3A_770 = tpu.memref_squeeze %swap3A_769 : memref<1x51200xf32, #tpu.memory_space<vmem>> -> memref<51200xf32, #tpu.memory_space<vmem>>
          %swap3A_771 = arith.index_cast %add3A_767 : i32 to index
          %swap3A_772 = tpu.vector_load %swap3A_770[%swap3A_771] {strides = array<i32>} : memref<51200xf32, #tpu.memory_space<vmem>>, vector<16xf32>,
          tpu.vector_store %swap3A_770[%swap3A_771], %select_n3A_765 {strides = array<i32>} : memref<51200xf32, #tpu.memory_space<vmem>>, vector<16xf32>,
          %select_n3A_773 = arith.select %eq3A_712, %get3A_74, %get3A_66 : vector<16xi1>, vector<16xf32>
          %select_n3A_774 = arith.select %eq3A_715, %get3A_82, %select_n3A_773 : vector<16xi1>, vector<16xf32>
          %select_n3A_775 = arith.select %eq3A_718, %get3A_90, %select_n3A_774 : vector<16xi1>, vector<16xf32>
          %select_n3A_776 = arith.select %eq3A_721, %get3A_98, %select_n3A_775 : vector<16xi1>, vector<16xf32>
          %select_n3A_777 = arith.select %eq3A_724, %get3A_106, %select_n3A_776 : vector<16xi1>, vector<16xf32>
          %select_n3A_778 = arith.select %eq3A_727, %get3A_114, %select_n3A_777 : vector<16xi1>, vector<16xf32>
          %add3A_779 = arith.constant 48 : i32
          %add3A_780 = arith.addi %mul3A_733, %add3A_779 : i32
          %swap3A_781 = arith.constant 0 : i32
          %swap3A_782 = tpu.memref_slice %arg7[%scan3A_116, %swap3A_781] : memref<2x51200xf32, #tpu.memory_space<vmem>> -> memref<1x51200xf32, #tpu.memory_space<vmem>>
          %swap3A_783 = tpu.memref_squeeze %swap3A_782 : memref<1x51200xf32, #tpu.memory_space<vmem>> -> memref<51200xf32, #tpu.memory_space<vmem>>
          %swap3A_784 = arith.index_cast %add3A_780 : i32 to index
          %swap3A_785 = tpu.vector_load %swap3A_783[%swap3A_784] {strides = array<i32>} : memref<51200xf32, #tpu.memory_space<vmem>>, vector<16xf32>,
          tpu.vector_store %swap3A_783[%swap3A_784], %select_n3A_778 {strides = array<i32>} : memref<51200xf32, #tpu.memory_space<vmem>>, vector<16xf32>,
          %broadcast_in_dim3A_786 = arith.constant 7 : i32
          %broadcast_in_dim3A_787 = vector.broadcast %broadcast_in_dim3A_786 : i32 to vector<16x1xi32>
          %gather3A_788 = vector.shape_cast %broadcast_in_dim3A_787 : vector<16x1xi32> to vector<16xi32>
          %gather3A_789 = tpu.dynamic_gather %get3A_230[%gather3A_788] in [0] : vector<16xi32>, vector<16xi32> -> vector<16xi32>
          %eq3A_790 = arith.constant 1 : i32
          %eq3A_791 = vector.broadcast %eq3A_790 : i32 to vector<16xi32>
          %eq3A_792 = arith.cmpi eq, %gather3A_789, %eq3A_791 : vector<16xi32>
          %eq3A_793 = arith.constant 2 : i32
          %eq3A_794 = vector.broadcast %eq3A_793 : i32 to vector<16xi32>
          %eq3A_795 = arith.cmpi eq, %gather3A_789, %eq3A_794 : vector<16xi32>
          %eq3A_796 = arith.constant 3 : i32
          %eq3A_797 = vector.broadcast %eq3A_796 : i32 to vector<16xi32>
          %eq3A_798 = arith.cmpi eq, %gather3A_789, %eq3A_797 : vector<16xi32>
          %eq3A_799 = arith.constant 4 : i32
          %eq3A_800 = vector.broadcast %eq3A_799 : i32 to vector<16xi32>
          %eq3A_801 = arith.cmpi eq, %gather3A_789, %eq3A_800 : vector<16xi32>
          %eq3A_802 = arith.constant 5 : i32
          %eq3A_803 = vector.broadcast %eq3A_802 : i32 to vector<16xi32>
          %eq3A_804 = arith.cmpi eq, %gather3A_789, %eq3A_803 : vector<16xi32>
          %eq3A_805 = arith.constant 6 : i32
          %eq3A_806 = vector.broadcast %eq3A_805 : i32 to vector<16xi32>
          %eq3A_807 = arith.cmpi eq, %gather3A_789, %eq3A_806 : vector<16xi32>
          %mul3A_808 = arith.constant 16 : i32
          %mul3A_809 = arith.muli %scan3A_225, %mul3A_808 : i32
          %add3A_810 = arith.constant 7 : i32
          %add3A_811 = arith.addi %mul3A_809, %add3A_810 : i32
          %mul3A_812 = arith.constant 64 : i32
          %mul3A_813 = arith.muli %add3A_811, %mul3A_812 : i32
          %select_n3A_814 = arith.select %eq3A_792, %get3A_68, %get3A_60 : vector<16xi1>, vector<16xf32>
          %select_n3A_815 = arith.select %eq3A_795, %get3A_76, %select_n3A_814 : vector<16xi1>, vector<16xf32>
          %select_n3A_816 = arith.select %eq3A_798, %get3A_84, %select_n3A_815 : vector<16xi1>, vector<16xf32>
          %select_n3A_817 = arith.select %eq3A_801, %get3A_92, %select_n3A_816 : vector<16xi1>, vector<16xf32>
          %select_n3A_818 = arith.select %eq3A_804, %get3A_100, %select_n3A_817 : vector<16xi1>, vector<16xf32>
          %select_n3A_819 = arith.select %eq3A_807, %get3A_108, %select_n3A_818 : vector<16xi1>, vector<16xf32>
          %add3A_820 = arith.constant 0 : i32
          %add3A_821 = arith.addi %mul3A_813, %add3A_820 : i32
          %swap3A_822 = arith.constant 0 : i32
          %swap3A_823 = tpu.memref_slice %arg7[%scan3A_116, %swap3A_822] : memref<2x51200xf32, #tpu.memory_space<vmem>> -> memref<1x51200xf32, #tpu.memory_space<vmem>>
          %swap3A_824 = tpu.memref_squeeze %swap3A_823 : memref<1x51200xf32, #tpu.memory_space<vmem>> -> memref<51200xf32, #tpu.memory_space<vmem>>
          %swap3A_825 = arith.index_cast %add3A_821 : i32 to index
          %swap3A_826 = tpu.vector_load %swap3A_824[%swap3A_825] {strides = array<i32>} : memref<51200xf32, #tpu.memory_space<vmem>>, vector<16xf32>,
          tpu.vector_store %swap3A_824[%swap3A_825], %select_n3A_819 {strides = array<i32>} : memref<51200xf32, #tpu.memory_space<vmem>>, vector<16xf32>,
          %select_n3A_827 = arith.select %eq3A_792, %get3A_70, %get3A_62 : vector<16xi1>, vector<16xf32>
          %select_n3A_828 = arith.select %eq3A_795, %get3A_78, %select_n3A_827 : vector<16xi1>, vector<16xf32>
          %select_n3A_829 = arith.select %eq3A_798, %get3A_86, %select_n3A_828 : vector<16xi1>, vector<16xf32>
          %select_n3A_830 = arith.select %eq3A_801, %get3A_94, %select_n3A_829 : vector<16xi1>, vector<16xf32>
          %select_n3A_831 = arith.select %eq3A_804, %get3A_102, %select_n3A_830 : vector<16xi1>, vector<16xf32>
          %select_n3A_832 = arith.select %eq3A_807, %get3A_110, %select_n3A_831 : vector<16xi1>, vector<16xf32>
          %add3A_833 = arith.constant 16 : i32
          %add3A_834 = arith.addi %mul3A_813, %add3A_833 : i32
          %swap3A_835 = arith.constant 0 : i32
          %swap3A_836 = tpu.memref_slice %arg7[%scan3A_116, %swap3A_835] : memref<2x51200xf32, #tpu.memory_space<vmem>> -> memref<1x51200xf32, #tpu.memory_space<vmem>>
          %swap3A_837 = tpu.memref_squeeze %swap3A_836 : memref<1x51200xf32, #tpu.memory_space<vmem>> -> memref<51200xf32, #tpu.memory_space<vmem>>
          %swap3A_838 = arith.index_cast %add3A_834 : i32 to index
          %swap3A_839 = tpu.vector_load %swap3A_837[%swap3A_838] {strides = array<i32>} : memref<51200xf32, #tpu.memory_space<vmem>>, vector<16xf32>,
          tpu.vector_store %swap3A_837[%swap3A_838], %select_n3A_832 {strides = array<i32>} : memref<51200xf32, #tpu.memory_space<vmem>>, vector<16xf32>,
          %select_n3A_840 = arith.select %eq3A_792, %get3A_72, %get3A_64 : vector<16xi1>, vector<16xf32>
          %select_n3A_841 = arith.select %eq3A_795, %get3A_80, %select_n3A_840 : vector<16xi1>, vector<16xf32>
          %select_n3A_842 = arith.select %eq3A_798, %get3A_88, %select_n3A_841 : vector<16xi1>, vector<16xf32>
          %select_n3A_843 = arith.select %eq3A_801, %get3A_96, %select_n3A_842 : vector<16xi1>, vector<16xf32>
          %select_n3A_844 = arith.select %eq3A_804, %get3A_104, %select_n3A_843 : vector<16xi1>, vector<16xf32>
          %select_n3A_845 = arith.select %eq3A_807, %get3A_112, %select_n3A_844 : vector<16xi1>, vector<16xf32>
          %add3A_846 = arith.constant 32 : i32
          %add3A_847 = arith.addi %mul3A_813, %add3A_846 : i32
          %swap3A_848 = arith.constant 0 : i32
          %swap3A_849 = tpu.memref_slice %arg7[%scan3A_116, %swap3A_848] : memref<2x51200xf32, #tpu.memory_space<vmem>> -> memref<1x51200xf32, #tpu.memory_space<vmem>>
          %swap3A_850 = tpu.memref_squeeze %swap3A_849 : memref<1x51200xf32, #tpu.memory_space<vmem>> -> memref<51200xf32, #tpu.memory_space<vmem>>
          %swap3A_851 = arith.index_cast %add3A_847 : i32 to index
          %swap3A_852 = tpu.vector_load %swap3A_850[%swap3A_851] {strides = array<i32>} : memref<51200xf32, #tpu.memory_space<vmem>>, vector<16xf32>,
          tpu.vector_store %swap3A_850[%swap3A_851], %select_n3A_845 {strides = array<i32>} : memref<51200xf32, #tpu.memory_space<vmem>>, vector<16xf32>,
          %select_n3A_853 = arith.select %eq3A_792, %get3A_74, %get3A_66 : vector<16xi1>, vector<16xf32>
          %select_n3A_854 = arith.select %eq3A_795, %get3A_82, %select_n3A_853 : vector<16xi1>, vector<16xf32>
          %select_n3A_855 = arith.select %eq3A_798, %get3A_90, %select_n3A_854 : vector<16xi1>, vector<16xf32>
          %select_n3A_856 = arith.select %eq3A_801, %get3A_98, %select_n3A_855 : vector<16xi1>, vector<16xf32>
          %select_n3A_857 = arith.select %eq3A_804, %get3A_106, %select_n3A_856 : vector<16xi1>, vector<16xf32>
          %select_n3A_858 = arith.select %eq3A_807, %get3A_114, %select_n3A_857 : vector<16xi1>, vector<16xf32>
          %add3A_859 = arith.constant 48 : i32
          %add3A_860 = arith.addi %mul3A_813, %add3A_859 : i32
          %swap3A_861 = arith.constant 0 : i32
          %swap3A_862 = tpu.memref_slice %arg7[%scan3A_116, %swap3A_861] : memref<2x51200xf32, #tpu.memory_space<vmem>> -> memref<1x51200xf32, #tpu.memory_space<vmem>>
          %swap3A_863 = tpu.memref_squeeze %swap3A_862 : memref<1x51200xf32, #tpu.memory_space<vmem>> -> memref<51200xf32, #tpu.memory_space<vmem>>
          %swap3A_864 = arith.index_cast %add3A_860 : i32 to index
          %swap3A_865 = tpu.vector_load %swap3A_863[%swap3A_864] {strides = array<i32>} : memref<51200xf32, #tpu.memory_space<vmem>>, vector<16xf32>,
          tpu.vector_store %swap3A_863[%swap3A_864], %select_n3A_858 {strides = array<i32>} : memref<51200xf32, #tpu.memory_space<vmem>>, vector<16xf32>,
          %broadcast_in_dim3A_866 = arith.constant 8 : i32
          %broadcast_in_dim3A_867 = vector.broadcast %broadcast_in_dim3A_866 : i32 to vector<16x1xi32>
          %gather3A_868 = vector.shape_cast %broadcast_in_dim3A_867 : vector<16x1xi32> to vector<16xi32>
          %gather3A_869 = tpu.dynamic_gather %get3A_230[%gather3A_868] in [0] : vector<16xi32>, vector<16xi32> -> vector<16xi32>
          %eq3A_870 = arith.constant 1 : i32
          %eq3A_871 = vector.broadcast %eq3A_870 : i32 to vector<16xi32>
          %eq3A_872 = arith.cmpi eq, %gather3A_869, %eq3A_871 : vector<16xi32>
          %eq3A_873 = arith.constant 2 : i32
          %eq3A_874 = vector.broadcast %eq3A_873 : i32 to vector<16xi32>
          %eq3A_875 = arith.cmpi eq, %gather3A_869, %eq3A_874 : vector<16xi32>
          %eq3A_876 = arith.constant 3 : i32
          %eq3A_877 = vector.broadcast %eq3A_876 : i32 to vector<16xi32>
          %eq3A_878 = arith.cmpi eq, %gather3A_869, %eq3A_877 : vector<16xi32>
          %eq3A_879 = arith.constant 4 : i32
          %eq3A_880 = vector.broadcast %eq3A_879 : i32 to vector<16xi32>
          %eq3A_881 = arith.cmpi eq, %gather3A_869, %eq3A_880 : vector<16xi32>
          %eq3A_882 = arith.constant 5 : i32
          %eq3A_883 = vector.broadcast %eq3A_882 : i32 to vector<16xi32>
          %eq3A_884 = arith.cmpi eq, %gather3A_869, %eq3A_883 : vector<16xi32>
          %eq3A_885 = arith.constant 6 : i32
          %eq3A_886 = vector.broadcast %eq3A_885 : i32 to vector<16xi32>
          %eq3A_887 = arith.cmpi eq, %gather3A_869, %eq3A_886 : vector<16xi32>
          %mul3A_888 = arith.constant 16 : i32
          %mul3A_889 = arith.muli %scan3A_225, %mul3A_888 : i32
          %add3A_890 = arith.constant 8 : i32
          %add3A_891 = arith.addi %mul3A_889, %add3A_890 : i32
          %mul3A_892 = arith.constant 64 : i32
          %mul3A_893 = arith.muli %add3A_891, %mul3A_892 : i32
          %select_n3A_894 = arith.select %eq3A_872, %get3A_68, %get3A_60 : vector<16xi1>, vector<16xf32>
          %select_n3A_895 = arith.select %eq3A_875, %get3A_76, %select_n3A_894 : vector<16xi1>, vector<16xf32>
          %select_n3A_896 = arith.select %eq3A_878, %get3A_84, %select_n3A_895 : vector<16xi1>, vector<16xf32>
          %select_n3A_897 = arith.select %eq3A_881, %get3A_92, %select_n3A_896 : vector<16xi1>, vector<16xf32>
          %select_n3A_898 = arith.select %eq3A_884, %get3A_100, %select_n3A_897 : vector<16xi1>, vector<16xf32>
          %select_n3A_899 = arith.select %eq3A_887, %get3A_108, %select_n3A_898 : vector<16xi1>, vector<16xf32>
          %add3A_900 = arith.constant 0 : i32
          %add3A_901 = arith.addi %mul3A_893, %add3A_900 : i32
          %swap3A_902 = arith.constant 0 : i32
          %swap3A_903 = tpu.memref_slice %arg7[%scan3A_116, %swap3A_902] : memref<2x51200xf32, #tpu.memory_space<vmem>> -> memref<1x51200xf32, #tpu.memory_space<vmem>>
          %swap3A_904 = tpu.memref_squeeze %swap3A_903 : memref<1x51200xf32, #tpu.memory_space<vmem>> -> memref<51200xf32, #tpu.memory_space<vmem>>
          %swap3A_905 = arith.index_cast %add3A_901 : i32 to index
          %swap3A_906 = tpu.vector_load %swap3A_904[%swap3A_905] {strides = array<i32>} : memref<51200xf32, #tpu.memory_space<vmem>>, vector<16xf32>,
          tpu.vector_store %swap3A_904[%swap3A_905], %select_n3A_899 {strides = array<i32>} : memref<51200xf32, #tpu.memory_space<vmem>>, vector<16xf32>,
          %select_n3A_907 = arith.select %eq3A_872, %get3A_70, %get3A_62 : vector<16xi1>, vector<16xf32>
          %select_n3A_908 = arith.select %eq3A_875, %get3A_78, %select_n3A_907 : vector<16xi1>, vector<16xf32>
          %select_n3A_909 = arith.select %eq3A_878, %get3A_86, %select_n3A_908 : vector<16xi1>, vector<16xf32>
          %select_n3A_910 = arith.select %eq3A_881, %get3A_94, %select_n3A_909 : vector<16xi1>, vector<16xf32>
          %select_n3A_911 = arith.select %eq3A_884, %get3A_102, %select_n3A_910 : vector<16xi1>, vector<16xf32>
          %select_n3A_912 = arith.select %eq3A_887, %get3A_110, %select_n3A_911 : vector<16xi1>, vector<16xf32>
          %add3A_913 = arith.constant 16 : i32
          %add3A_914 = arith.addi %mul3A_893, %add3A_913 : i32
          %swap3A_915 = arith.constant 0 : i32
          %swap3A_916 = tpu.memref_slice %arg7[%scan3A_116, %swap3A_915] : memref<2x51200xf32, #tpu.memory_space<vmem>> -> memref<1x51200xf32, #tpu.memory_space<vmem>>
          %swap3A_917 = tpu.memref_squeeze %swap3A_916 : memref<1x51200xf32, #tpu.memory_space<vmem>> -> memref<51200xf32, #tpu.memory_space<vmem>>
          %swap3A_918 = arith.index_cast %add3A_914 : i32 to index
          %swap3A_919 = tpu.vector_load %swap3A_917[%swap3A_918] {strides = array<i32>} : memref<51200xf32, #tpu.memory_space<vmem>>, vector<16xf32>,
          tpu.vector_store %swap3A_917[%swap3A_918], %select_n3A_912 {strides = array<i32>} : memref<51200xf32, #tpu.memory_space<vmem>>, vector<16xf32>,
          %select_n3A_920 = arith.select %eq3A_872, %get3A_72, %get3A_64 : vector<16xi1>, vector<16xf32>
          %select_n3A_921 = arith.select %eq3A_875, %get3A_80, %select_n3A_920 : vector<16xi1>, vector<16xf32>
          %select_n3A_922 = arith.select %eq3A_878, %get3A_88, %select_n3A_921 : vector<16xi1>, vector<16xf32>
          %select_n3A_923 = arith.select %eq3A_881, %get3A_96, %select_n3A_922 : vector<16xi1>, vector<16xf32>
          %select_n3A_924 = arith.select %eq3A_884, %get3A_104, %select_n3A_923 : vector<16xi1>, vector<16xf32>
          %select_n3A_925 = arith.select %eq3A_887, %get3A_112, %select_n3A_924 : vector<16xi1>, vector<16xf32>
          %add3A_926 = arith.constant 32 : i32
          %add3A_927 = arith.addi %mul3A_893, %add3A_926 : i32
          %swap3A_928 = arith.constant 0 : i32
          %swap3A_929 = tpu.memref_slice %arg7[%scan3A_116, %swap3A_928] : memref<2x51200xf32, #tpu.memory_space<vmem>> -> memref<1x51200xf32, #tpu.memory_space<vmem>>
          %swap3A_930 = tpu.memref_squeeze %swap3A_929 : memref<1x51200xf32, #tpu.memory_space<vmem>> -> memref<51200xf32, #tpu.memory_space<vmem>>
          %swap3A_931 = arith.index_cast %add3A_927 : i32 to index
          %swap3A_932 = tpu.vector_load %swap3A_930[%swap3A_931] {strides = array<i32>} : memref<51200xf32, #tpu.memory_space<vmem>>, vector<16xf32>,
          tpu.vector_store %swap3A_930[%swap3A_931], %select_n3A_925 {strides = array<i32>} : memref<51200xf32, #tpu.memory_space<vmem>>, vector<16xf32>,
          %select_n3A_933 = arith.select %eq3A_872, %get3A_74, %get3A_66 : vector<16xi1>, vector<16xf32>
          %select_n3A_934 = arith.select %eq3A_875, %get3A_82, %select_n3A_933 : vector<16xi1>, vector<16xf32>
          %select_n3A_935 = arith.select %eq3A_878, %get3A_90, %select_n3A_934 : vector<16xi1>, vector<16xf32>
          %select_n3A_936 = arith.select %eq3A_881, %get3A_98, %select_n3A_935 : vector<16xi1>, vector<16xf32>
          %select_n3A_937 = arith.select %eq3A_884, %get3A_106, %select_n3A_936 : vector<16xi1>, vector<16xf32>
          %select_n3A_938 = arith.select %eq3A_887, %get3A_114, %select_n3A_937 : vector<16xi1>, vector<16xf32>
          %add3A_939 = arith.constant 48 : i32
          %add3A_940 = arith.addi %mul3A_893, %add3A_939 : i32
          %swap3A_941 = arith.constant 0 : i32
          %swap3A_942 = tpu.memref_slice %arg7[%scan3A_116, %swap3A_941] : memref<2x51200xf32, #tpu.memory_space<vmem>> -> memref<1x51200xf32, #tpu.memory_space<vmem>>
          %swap3A_943 = tpu.memref_squeeze %swap3A_942 : memref<1x51200xf32, #tpu.memory_space<vmem>> -> memref<51200xf32, #tpu.memory_space<vmem>>
          %swap3A_944 = arith.index_cast %add3A_940 : i32 to index
          %swap3A_945 = tpu.vector_load %swap3A_943[%swap3A_944] {strides = array<i32>} : memref<51200xf32, #tpu.memory_space<vmem>>, vector<16xf32>,
          tpu.vector_store %swap3A_943[%swap3A_944], %select_n3A_938 {strides = array<i32>} : memref<51200xf32, #tpu.memory_space<vmem>>, vector<16xf32>,
          %broadcast_in_dim3A_946 = arith.constant 9 : i32
          %broadcast_in_dim3A_947 = vector.broadcast %broadcast_in_dim3A_946 : i32 to vector<16x1xi32>
          %gather3A_948 = vector.shape_cast %broadcast_in_dim3A_947 : vector<16x1xi32> to vector<16xi32>
          %gather3A_949 = tpu.dynamic_gather %get3A_230[%gather3A_948] in [0] : vector<16xi32>, vector<16xi32> -> vector<16xi32>
          %eq3A_950 = arith.constant 1 : i32
          %eq3A_951 = vector.broadcast %eq3A_950 : i32 to vector<16xi32>
          %eq3A_952 = arith.cmpi eq, %gather3A_949, %eq3A_951 : vector<16xi32>
          %eq3A_953 = arith.constant 2 : i32
          %eq3A_954 = vector.broadcast %eq3A_953 : i32 to vector<16xi32>
          %eq3A_955 = arith.cmpi eq, %gather3A_949, %eq3A_954 : vector<16xi32>
          %eq3A_956 = arith.constant 3 : i32
          %eq3A_957 = vector.broadcast %eq3A_956 : i32 to vector<16xi32>
          %eq3A_958 = arith.cmpi eq, %gather3A_949, %eq3A_957 : vector<16xi32>
          %eq3A_959 = arith.constant 4 : i32
          %eq3A_960 = vector.broadcast %eq3A_959 : i32 to vector<16xi32>
          %eq3A_961 = arith.cmpi eq, %gather3A_949, %eq3A_960 : vector<16xi32>
          %eq3A_962 = arith.constant 5 : i32
          %eq3A_963 = vector.broadcast %eq3A_962 : i32 to vector<16xi32>
          %eq3A_964 = arith.cmpi eq, %gather3A_949, %eq3A_963 : vector<16xi32>
          %eq3A_965 = arith.constant 6 : i32
          %eq3A_966 = vector.broadcast %eq3A_965 : i32 to vector<16xi32>
          %eq3A_967 = arith.cmpi eq, %gather3A_949, %eq3A_966 : vector<16xi32>
          %mul3A_968 = arith.constant 16 : i32
          %mul3A_969 = arith.muli %scan3A_225, %mul3A_968 : i32
          %add3A_970 = arith.constant 9 : i32
          %add3A_971 = arith.addi %mul3A_969, %add3A_970 : i32
          %mul3A_972 = arith.constant 64 : i32
          %mul3A_973 = arith.muli %add3A_971, %mul3A_972 : i32
          %select_n3A_974 = arith.select %eq3A_952, %get3A_68, %get3A_60 : vector<16xi1>, vector<16xf32>
          %select_n3A_975 = arith.select %eq3A_955, %get3A_76, %select_n3A_974 : vector<16xi1>, vector<16xf32>
          %select_n3A_976 = arith.select %eq3A_958, %get3A_84, %select_n3A_975 : vector<16xi1>, vector<16xf32>
          %select_n3A_977 = arith.select %eq3A_961, %get3A_92, %select_n3A_976 : vector<16xi1>, vector<16xf32>
          %select_n3A_978 = arith.select %eq3A_964, %get3A_100, %select_n3A_977 : vector<16xi1>, vector<16xf32>
          %select_n3A_979 = arith.select %eq3A_967, %get3A_108, %select_n3A_978 : vector<16xi1>, vector<16xf32>
          %add3A_980 = arith.constant 0 : i32
          %add3A_981 = arith.addi %mul3A_973, %add3A_980 : i32
          %swap3A_982 = arith.constant 0 : i32
          %swap3A_983 = tpu.memref_slice %arg7[%scan3A_116, %swap3A_982] : memref<2x51200xf32, #tpu.memory_space<vmem>> -> memref<1x51200xf32, #tpu.memory_space<vmem>>
          %swap3A_984 = tpu.memref_squeeze %swap3A_983 : memref<1x51200xf32, #tpu.memory_space<vmem>> -> memref<51200xf32, #tpu.memory_space<vmem>>
          %swap3A_985 = arith.index_cast %add3A_981 : i32 to index
          %swap3A_986 = tpu.vector_load %swap3A_984[%swap3A_985] {strides = array<i32>} : memref<51200xf32, #tpu.memory_space<vmem>>, vector<16xf32>,
          tpu.vector_store %swap3A_984[%swap3A_985], %select_n3A_979 {strides = array<i32>} : memref<51200xf32, #tpu.memory_space<vmem>>, vector<16xf32>,
          %select_n3A_987 = arith.select %eq3A_952, %get3A_70, %get3A_62 : vector<16xi1>, vector<16xf32>
          %select_n3A_988 = arith.select %eq3A_955, %get3A_78, %select_n3A_987 : vector<16xi1>, vector<16xf32>
          %select_n3A_989 = arith.select %eq3A_958, %get3A_86, %select_n3A_988 : vector<16xi1>, vector<16xf32>
          %select_n3A_990 = arith.select %eq3A_961, %get3A_94, %select_n3A_989 : vector<16xi1>, vector<16xf32>
          %select_n3A_991 = arith.select %eq3A_964, %get3A_102, %select_n3A_990 : vector<16xi1>, vector<16xf32>
          %select_n3A_992 = arith.select %eq3A_967, %get3A_110, %select_n3A_991 : vector<16xi1>, vector<16xf32>
          %add3A_993 = arith.constant 16 : i32
          %add3A_994 = arith.addi %mul3A_973, %add3A_993 : i32
          %swap3A_995 = arith.constant 0 : i32
          %swap3A_996 = tpu.memref_slice %arg7[%scan3A_116, %swap3A_995] : memref<2x51200xf32, #tpu.memory_space<vmem>> -> memref<1x51200xf32, #tpu.memory_space<vmem>>
          %swap3A_997 = tpu.memref_squeeze %swap3A_996 : memref<1x51200xf32, #tpu.memory_space<vmem>> -> memref<51200xf32, #tpu.memory_space<vmem>>
          %swap3A_998 = arith.index_cast %add3A_994 : i32 to index
          %swap3A_999 = tpu.vector_load %swap3A_997[%swap3A_998] {strides = array<i32>} : memref<51200xf32, #tpu.memory_space<vmem>>, vector<16xf32>,
          tpu.vector_store %swap3A_997[%swap3A_998], %select_n3A_992 {strides = array<i32>} : memref<51200xf32, #tpu.memory_space<vmem>>, vector<16xf32>,
          %select_n3A_1000 = arith.select %eq3A_952, %get3A_72, %get3A_64 : vector<16xi1>, vector<16xf32>
          %select_n3A_1001 = arith.select %eq3A_955, %get3A_80, %select_n3A_1000 : vector<16xi1>, vector<16xf32>
          %select_n3A_1002 = arith.select %eq3A_958, %get3A_88, %select_n3A_1001 : vector<16xi1>, vector<16xf32>
          %select_n3A_1003 = arith.select %eq3A_961, %get3A_96, %select_n3A_1002 : vector<16xi1>, vector<16xf32>
          %select_n3A_1004 = arith.select %eq3A_964, %get3A_104, %select_n3A_1003 : vector<16xi1>, vector<16xf32>
          %select_n3A_1005 = arith.select %eq3A_967, %get3A_112, %select_n3A_1004 : vector<16xi1>, vector<16xf32>
          %add3A_1006 = arith.constant 32 : i32
          %add3A_1007 = arith.addi %mul3A_973, %add3A_1006 : i32
          %swap3A_1008 = arith.constant 0 : i32
          %swap3A_1009 = tpu.memref_slice %arg7[%scan3A_116, %swap3A_1008] : memref<2x51200xf32, #tpu.memory_space<vmem>> -> memref<1x51200xf32, #tpu.memory_space<vmem>>
          %swap3A_1010 = tpu.memref_squeeze %swap3A_1009 : memref<1x51200xf32, #tpu.memory_space<vmem>> -> memref<51200xf32, #tpu.memory_space<vmem>>
          %swap3A_1011 = arith.index_cast %add3A_1007 : i32 to index
          %swap3A_1012 = tpu.vector_load %swap3A_1010[%swap3A_1011] {strides = array<i32>} : memref<51200xf32, #tpu.memory_space<vmem>>, vector<16xf32>,
          tpu.vector_store %swap3A_1010[%swap3A_1011], %select_n3A_1005 {strides = array<i32>} : memref<51200xf32, #tpu.memory_space<vmem>>, vector<16xf32>,
          %select_n3A_1013 = arith.select %eq3A_952, %get3A_74, %get3A_66 : vector<16xi1>, vector<16xf32>
          %select_n3A_1014 = arith.select %eq3A_955, %get3A_82, %select_n3A_1013 : vector<16xi1>, vector<16xf32>
          %select_n3A_1015 = arith.select %eq3A_958, %get3A_90, %select_n3A_1014 : vector<16xi1>, vector<16xf32>
          %select_n3A_1016 = arith.select %eq3A_961, %get3A_98, %select_n3A_1015 : vector<16xi1>, vector<16xf32>
          %select_n3A_1017 = arith.select %eq3A_964, %get3A_106, %select_n3A_1016 : vector<16xi1>, vector<16xf32>
          %select_n3A_1018 = arith.select %eq3A_967, %get3A_114, %select_n3A_1017 : vector<16xi1>, vector<16xf32>
          %add3A_1019 = arith.constant 48 : i32
          %add3A_1020 = arith.addi %mul3A_973, %add3A_1019 : i32
          %swap3A_1021 = arith.constant 0 : i32
          %swap3A_1022 = tpu.memref_slice %arg7[%scan3A_116, %swap3A_1021] : memref<2x51200xf32, #tpu.memory_space<vmem>> -> memref<1x51200xf32, #tpu.memory_space<vmem>>
          %swap3A_1023 = tpu.memref_squeeze %swap3A_1022 : memref<1x51200xf32, #tpu.memory_space<vmem>> -> memref<51200xf32, #tpu.memory_space<vmem>>
          %swap3A_1024 = arith.index_cast %add3A_1020 : i32 to index
          %swap3A_1025 = tpu.vector_load %swap3A_1023[%swap3A_1024] {strides = array<i32>} : memref<51200xf32, #tpu.memory_space<vmem>>, vector<16xf32>,
          tpu.vector_store %swap3A_1023[%swap3A_1024], %select_n3A_1018 {strides = array<i32>} : memref<51200xf32, #tpu.memory_space<vmem>>, vector<16xf32>,
          %broadcast_in_dim3A_1026 = arith.constant 10 : i32
          %broadcast_in_dim3A_1027 = vector.broadcast %broadcast_in_dim3A_1026 : i32 to vector<16x1xi32>
          %gather3A_1028 = vector.shape_cast %broadcast_in_dim3A_1027 : vector<16x1xi32> to vector<16xi32>
          %gather3A_1029 = tpu.dynamic_gather %get3A_230[%gather3A_1028] in [0] : vector<16xi32>, vector<16xi32> -> vector<16xi32>
          %eq3A_1030 = arith.constant 1 : i32
          %eq3A_1031 = vector.broadcast %eq3A_1030 : i32 to vector<16xi32>
          %eq3A_1032 = arith.cmpi eq, %gather3A_1029, %eq3A_1031 : vector<16xi32>
          %eq3A_1033 = arith.constant 2 : i32
          %eq3A_1034 = vector.broadcast %eq3A_1033 : i32 to vector<16xi32>
          %eq3A_1035 = arith.cmpi eq, %gather3A_1029, %eq3A_1034 : vector<16xi32>
          %eq3A_1036 = arith.constant 3 : i32
          %eq3A_1037 = vector.broadcast %eq3A_1036 : i32 to vector<16xi32>
          %eq3A_1038 = arith.cmpi eq, %gather3A_1029, %eq3A_1037 : vector<16xi32>
          %eq3A_1039 = arith.constant 4 : i32
          %eq3A_1040 = vector.broadcast %eq3A_1039 : i32 to vector<16xi32>
          %eq3A_1041 = arith.cmpi eq, %gather3A_1029, %eq3A_1040 : vector<16xi32>
          %eq3A_1042 = arith.constant 5 : i32
          %eq3A_1043 = vector.broadcast %eq3A_1042 : i32 to vector<16xi32>
          %eq3A_1044 = arith.cmpi eq, %gather3A_1029, %eq3A_1043 : vector<16xi32>
          %eq3A_1045 = arith.constant 6 : i32
          %eq3A_1046 = vector.broadcast %eq3A_1045 : i32 to vector<16xi32>
          %eq3A_1047 = arith.cmpi eq, %gather3A_1029, %eq3A_1046 : vector<16xi32>
          %mul3A_1048 = arith.constant 16 : i32
          %mul3A_1049 = arith.muli %scan3A_225, %mul3A_1048 : i32
          %add3A_1050 = arith.constant 10 : i32
          %add3A_1051 = arith.addi %mul3A_1049, %add3A_1050 : i32
          %mul3A_1052 = arith.constant 64 : i32
          %mul3A_1053 = arith.muli %add3A_1051, %mul3A_1052 : i32
          %select_n3A_1054 = arith.select %eq3A_1032, %get3A_68, %get3A_60 : vector<16xi1>, vector<16xf32>
          %select_n3A_1055 = arith.select %eq3A_1035, %get3A_76, %select_n3A_1054 : vector<16xi1>, vector<16xf32>
          %select_n3A_1056 = arith.select %eq3A_1038, %get3A_84, %select_n3A_1055 : vector<16xi1>, vector<16xf32>
          %select_n3A_1057 = arith.select %eq3A_1041, %get3A_92, %select_n3A_1056 : vector<16xi1>, vector<16xf32>
          %select_n3A_1058 = arith.select %eq3A_1044, %get3A_100, %select_n3A_1057 : vector<16xi1>, vector<16xf32>
          %select_n3A_1059 = arith.select %eq3A_1047, %get3A_108, %select_n3A_1058 : vector<16xi1>, vector<16xf32>
          %add3A_1060 = arith.constant 0 : i32
          %add3A_1061 = arith.addi %mul3A_1053, %add3A_1060 : i32
          %swap3A_1062 = arith.constant 0 : i32
          %swap3A_1063 = tpu.memref_slice %arg7[%scan3A_116, %swap3A_1062] : memref<2x51200xf32, #tpu.memory_space<vmem>> -> memref<1x51200xf32, #tpu.memory_space<vmem>>
          %swap3A_1064 = tpu.memref_squeeze %swap3A_1063 : memref<1x51200xf32, #tpu.memory_space<vmem>> -> memref<51200xf32, #tpu.memory_space<vmem>>
          %swap3A_1065 = arith.index_cast %add3A_1061 : i32 to index
          %swap3A_1066 = tpu.vector_load %swap3A_1064[%swap3A_1065] {strides = array<i32>} : memref<51200xf32, #tpu.memory_space<vmem>>, vector<16xf32>,
          tpu.vector_store %swap3A_1064[%swap3A_1065], %select_n3A_1059 {strides = array<i32>} : memref<51200xf32, #tpu.memory_space<vmem>>, vector<16xf32>,
          %select_n3A_1067 = arith.select %eq3A_1032, %get3A_70, %get3A_62 : vector<16xi1>, vector<16xf32>
          %select_n3A_1068 = arith.select %eq3A_1035, %get3A_78, %select_n3A_1067 : vector<16xi1>, vector<16xf32>
          %select_n3A_1069 = arith.select %eq3A_1038, %get3A_86, %select_n3A_1068 : vector<16xi1>, vector<16xf32>
          %select_n3A_1070 = arith.select %eq3A_1041, %get3A_94, %select_n3A_1069 : vector<16xi1>, vector<16xf32>
          %select_n3A_1071 = arith.select %eq3A_1044, %get3A_102, %select_n3A_1070 : vector<16xi1>, vector<16xf32>
          %select_n3A_1072 = arith.select %eq3A_1047, %get3A_110, %select_n3A_1071 : vector<16xi1>, vector<16xf32>
          %add3A_1073 = arith.constant 16 : i32
          %add3A_1074 = arith.addi %mul3A_1053, %add3A_1073 : i32
          %swap3A_1075 = arith.constant 0 : i32
          %swap3A_1076 = tpu.memref_slice %arg7[%scan3A_116, %swap3A_1075] : memref<2x51200xf32, #tpu.memory_space<vmem>> -> memref<1x51200xf32, #tpu.memory_space<vmem>>
          %swap3A_1077 = tpu.memref_squeeze %swap3A_1076 : memref<1x51200xf32, #tpu.memory_space<vmem>> -> memref<51200xf32, #tpu.memory_space<vmem>>
          %swap3A_1078 = arith.index_cast %add3A_1074 : i32 to index
          %swap3A_1079 = tpu.vector_load %swap3A_1077[%swap3A_1078] {strides = array<i32>} : memref<51200xf32, #tpu.memory_space<vmem>>, vector<16xf32>,
          tpu.vector_store %swap3A_1077[%swap3A_1078], %select_n3A_1072 {strides = array<i32>} : memref<51200xf32, #tpu.memory_space<vmem>>, vector<16xf32>,
          %select_n3A_1080 = arith.select %eq3A_1032, %get3A_72, %get3A_64 : vector<16xi1>, vector<16xf32>
          %select_n3A_1081 = arith.select %eq3A_1035, %get3A_80, %select_n3A_1080 : vector<16xi1>, vector<16xf32>
          %select_n3A_1082 = arith.select %eq3A_1038, %get3A_88, %select_n3A_1081 : vector<16xi1>, vector<16xf32>
          %select_n3A_1083 = arith.select %eq3A_1041, %get3A_96, %select_n3A_1082 : vector<16xi1>, vector<16xf32>
          %select_n3A_1084 = arith.select %eq3A_1044, %get3A_104, %select_n3A_1083 : vector<16xi1>, vector<16xf32>
          %select_n3A_1085 = arith.select %eq3A_1047, %get3A_112, %select_n3A_1084 : vector<16xi1>, vector<16xf32>
          %add3A_1086 = arith.constant 32 : i32
          %add3A_1087 = arith.addi %mul3A_1053, %add3A_1086 : i32
          %swap3A_1088 = arith.constant 0 : i32
          %swap3A_1089 = tpu.memref_slice %arg7[%scan3A_116, %swap3A_1088] : memref<2x51200xf32, #tpu.memory_space<vmem>> -> memref<1x51200xf32, #tpu.memory_space<vmem>>
          %swap3A_1090 = tpu.memref_squeeze %swap3A_1089 : memref<1x51200xf32, #tpu.memory_space<vmem>> -> memref<51200xf32, #tpu.memory_space<vmem>>
          %swap3A_1091 = arith.index_cast %add3A_1087 : i32 to index
          %swap3A_1092 = tpu.vector_load %swap3A_1090[%swap3A_1091] {strides = array<i32>} : memref<51200xf32, #tpu.memory_space<vmem>>, vector<16xf32>,
          tpu.vector_store %swap3A_1090[%swap3A_1091], %select_n3A_1085 {strides = array<i32>} : memref<51200xf32, #tpu.memory_space<vmem>>, vector<16xf32>,
          %select_n3A_1093 = arith.select %eq3A_1032, %get3A_74, %get3A_66 : vector<16xi1>, vector<16xf32>
          %select_n3A_1094 = arith.select %eq3A_1035, %get3A_82, %select_n3A_1093 : vector<16xi1>, vector<16xf32>
          %select_n3A_1095 = arith.select %eq3A_1038, %get3A_90, %select_n3A_1094 : vector<16xi1>, vector<16xf32>
          %select_n3A_1096 = arith.select %eq3A_1041, %get3A_98, %select_n3A_1095 : vector<16xi1>, vector<16xf32>
          %select_n3A_1097 = arith.select %eq3A_1044, %get3A_106, %select_n3A_1096 : vector<16xi1>, vector<16xf32>
          %select_n3A_1098 = arith.select %eq3A_1047, %get3A_114, %select_n3A_1097 : vector<16xi1>, vector<16xf32>
          %add3A_1099 = arith.constant 48 : i32
          %add3A_1100 = arith.addi %mul3A_1053, %add3A_1099 : i32
          %swap3A_1101 = arith.constant 0 : i32
          %swap3A_1102 = tpu.memref_slice %arg7[%scan3A_116, %swap3A_1101] : memref<2x51200xf32, #tpu.memory_space<vmem>> -> memref<1x51200xf32, #tpu.memory_space<vmem>>
          %swap3A_1103 = tpu.memref_squeeze %swap3A_1102 : memref<1x51200xf32, #tpu.memory_space<vmem>> -> memref<51200xf32, #tpu.memory_space<vmem>>
          %swap3A_1104 = arith.index_cast %add3A_1100 : i32 to index
          %swap3A_1105 = tpu.vector_load %swap3A_1103[%swap3A_1104] {strides = array<i32>} : memref<51200xf32, #tpu.memory_space<vmem>>, vector<16xf32>,
          tpu.vector_store %swap3A_1103[%swap3A_1104], %select_n3A_1098 {strides = array<i32>} : memref<51200xf32, #tpu.memory_space<vmem>>, vector<16xf32>,
          %broadcast_in_dim3A_1106 = arith.constant 11 : i32
          %broadcast_in_dim3A_1107 = vector.broadcast %broadcast_in_dim3A_1106 : i32 to vector<16x1xi32>
          %gather3A_1108 = vector.shape_cast %broadcast_in_dim3A_1107 : vector<16x1xi32> to vector<16xi32>
          %gather3A_1109 = tpu.dynamic_gather %get3A_230[%gather3A_1108] in [0] : vector<16xi32>, vector<16xi32> -> vector<16xi32>
          %eq3A_1110 = arith.constant 1 : i32
          %eq3A_1111 = vector.broadcast %eq3A_1110 : i32 to vector<16xi32>
          %eq3A_1112 = arith.cmpi eq, %gather3A_1109, %eq3A_1111 : vector<16xi32>
          %eq3A_1113 = arith.constant 2 : i32
          %eq3A_1114 = vector.broadcast %eq3A_1113 : i32 to vector<16xi32>
          %eq3A_1115 = arith.cmpi eq, %gather3A_1109, %eq3A_1114 : vector<16xi32>
          %eq3A_1116 = arith.constant 3 : i32
          %eq3A_1117 = vector.broadcast %eq3A_1116 : i32 to vector<16xi32>
          %eq3A_1118 = arith.cmpi eq, %gather3A_1109, %eq3A_1117 : vector<16xi32>
          %eq3A_1119 = arith.constant 4 : i32
          %eq3A_1120 = vector.broadcast %eq3A_1119 : i32 to vector<16xi32>
          %eq3A_1121 = arith.cmpi eq, %gather3A_1109, %eq3A_1120 : vector<16xi32>
          %eq3A_1122 = arith.constant 5 : i32
          %eq3A_1123 = vector.broadcast %eq3A_1122 : i32 to vector<16xi32>
          %eq3A_1124 = arith.cmpi eq, %gather3A_1109, %eq3A_1123 : vector<16xi32>
          %eq3A_1125 = arith.constant 6 : i32
          %eq3A_1126 = vector.broadcast %eq3A_1125 : i32 to vector<16xi32>
          %eq3A_1127 = arith.cmpi eq, %gather3A_1109, %eq3A_1126 : vector<16xi32>
          %mul3A_1128 = arith.constant 16 : i32
          %mul3A_1129 = arith.muli %scan3A_225, %mul3A_1128 : i32
          %add3A_1130 = arith.constant 11 : i32
          %add3A_1131 = arith.addi %mul3A_1129, %add3A_1130 : i32
          %mul3A_1132 = arith.constant 64 : i32
          %mul3A_1133 = arith.muli %add3A_1131, %mul3A_1132 : i32
          %select_n3A_1134 = arith.select %eq3A_1112, %get3A_68, %get3A_60 : vector<16xi1>, vector<16xf32>
          %select_n3A_1135 = arith.select %eq3A_1115, %get3A_76, %select_n3A_1134 : vector<16xi1>, vector<16xf32>
          %select_n3A_1136 = arith.select %eq3A_1118, %get3A_84, %select_n3A_1135 : vector<16xi1>, vector<16xf32>
          %select_n3A_1137 = arith.select %eq3A_1121, %get3A_92, %select_n3A_1136 : vector<16xi1>, vector<16xf32>
          %select_n3A_1138 = arith.select %eq3A_1124, %get3A_100, %select_n3A_1137 : vector<16xi1>, vector<16xf32>
          %select_n3A_1139 = arith.select %eq3A_1127, %get3A_108, %select_n3A_1138 : vector<16xi1>, vector<16xf32>
          %add3A_1140 = arith.constant 0 : i32
          %add3A_1141 = arith.addi %mul3A_1133, %add3A_1140 : i32
          %swap3A_1142 = arith.constant 0 : i32
          %swap3A_1143 = tpu.memref_slice %arg7[%scan3A_116, %swap3A_1142] : memref<2x51200xf32, #tpu.memory_space<vmem>> -> memref<1x51200xf32, #tpu.memory_space<vmem>>
          %swap3A_1144 = tpu.memref_squeeze %swap3A_1143 : memref<1x51200xf32, #tpu.memory_space<vmem>> -> memref<51200xf32, #tpu.memory_space<vmem>>
          %swap3A_1145 = arith.index_cast %add3A_1141 : i32 to index
          %swap3A_1146 = tpu.vector_load %swap3A_1144[%swap3A_1145] {strides = array<i32>} : memref<51200xf32, #tpu.memory_space<vmem>>, vector<16xf32>,
          tpu.vector_store %swap3A_1144[%swap3A_1145], %select_n3A_1139 {strides = array<i32>} : memref<51200xf32, #tpu.memory_space<vmem>>, vector<16xf32>,
          %select_n3A_1147 = arith.select %eq3A_1112, %get3A_70, %get3A_62 : vector<16xi1>, vector<16xf32>
          %select_n3A_1148 = arith.select %eq3A_1115, %get3A_78, %select_n3A_1147 : vector<16xi1>, vector<16xf32>
          %select_n3A_1149 = arith.select %eq3A_1118, %get3A_86, %select_n3A_1148 : vector<16xi1>, vector<16xf32>
          %select_n3A_1150 = arith.select %eq3A_1121, %get3A_94, %select_n3A_1149 : vector<16xi1>, vector<16xf32>
          %select_n3A_1151 = arith.select %eq3A_1124, %get3A_102, %select_n3A_1150 : vector<16xi1>, vector<16xf32>
          %select_n3A_1152 = arith.select %eq3A_1127, %get3A_110, %select_n3A_1151 : vector<16xi1>, vector<16xf32>
          %add3A_1153 = arith.constant 16 : i32
          %add3A_1154 = arith.addi %mul3A_1133, %add3A_1153 : i32
          %swap3A_1155 = arith.constant 0 : i32
          %swap3A_1156 = tpu.memref_slice %arg7[%scan3A_116, %swap3A_1155] : memref<2x51200xf32, #tpu.memory_space<vmem>> -> memref<1x51200xf32, #tpu.memory_space<vmem>>
          %swap3A_1157 = tpu.memref_squeeze %swap3A_1156 : memref<1x51200xf32, #tpu.memory_space<vmem>> -> memref<51200xf32, #tpu.memory_space<vmem>>
          %swap3A_1158 = arith.index_cast %add3A_1154 : i32 to index
          %swap3A_1159 = tpu.vector_load %swap3A_1157[%swap3A_1158] {strides = array<i32>} : memref<51200xf32, #tpu.memory_space<vmem>>, vector<16xf32>,
          tpu.vector_store %swap3A_1157[%swap3A_1158], %select_n3A_1152 {strides = array<i32>} : memref<51200xf32, #tpu.memory_space<vmem>>, vector<16xf32>,
          %select_n3A_1160 = arith.select %eq3A_1112, %get3A_72, %get3A_64 : vector<16xi1>, vector<16xf32>
          %select_n3A_1161 = arith.select %eq3A_1115, %get3A_80, %select_n3A_1160 : vector<16xi1>, vector<16xf32>
          %select_n3A_1162 = arith.select %eq3A_1118, %get3A_88, %select_n3A_1161 : vector<16xi1>, vector<16xf32>
          %select_n3A_1163 = arith.select %eq3A_1121, %get3A_96, %select_n3A_1162 : vector<16xi1>, vector<16xf32>
          %select_n3A_1164 = arith.select %eq3A_1124, %get3A_104, %select_n3A_1163 : vector<16xi1>, vector<16xf32>
          %select_n3A_1165 = arith.select %eq3A_1127, %get3A_112, %select_n3A_1164 : vector<16xi1>, vector<16xf32>
          %add3A_1166 = arith.constant 32 : i32
          %add3A_1167 = arith.addi %mul3A_1133, %add3A_1166 : i32
          %swap3A_1168 = arith.constant 0 : i32
          %swap3A_1169 = tpu.memref_slice %arg7[%scan3A_116, %swap3A_1168] : memref<2x51200xf32, #tpu.memory_space<vmem>> -> memref<1x51200xf32, #tpu.memory_space<vmem>>
          %swap3A_1170 = tpu.memref_squeeze %swap3A_1169 : memref<1x51200xf32, #tpu.memory_space<vmem>> -> memref<51200xf32, #tpu.memory_space<vmem>>
          %swap3A_1171 = arith.index_cast %add3A_1167 : i32 to index
          %swap3A_1172 = tpu.vector_load %swap3A_1170[%swap3A_1171] {strides = array<i32>} : memref<51200xf32, #tpu.memory_space<vmem>>, vector<16xf32>,
          tpu.vector_store %swap3A_1170[%swap3A_1171], %select_n3A_1165 {strides = array<i32>} : memref<51200xf32, #tpu.memory_space<vmem>>, vector<16xf32>,
          %select_n3A_1173 = arith.select %eq3A_1112, %get3A_74, %get3A_66 : vector<16xi1>, vector<16xf32>
          %select_n3A_1174 = arith.select %eq3A_1115, %get3A_82, %select_n3A_1173 : vector<16xi1>, vector<16xf32>
          %select_n3A_1175 = arith.select %eq3A_1118, %get3A_90, %select_n3A_1174 : vector<16xi1>, vector<16xf32>
          %select_n3A_1176 = arith.select %eq3A_1121, %get3A_98, %select_n3A_1175 : vector<16xi1>, vector<16xf32>
          %select_n3A_1177 = arith.select %eq3A_1124, %get3A_106, %select_n3A_1176 : vector<16xi1>, vector<16xf32>
          %select_n3A_1178 = arith.select %eq3A_1127, %get3A_114, %select_n3A_1177 : vector<16xi1>, vector<16xf32>
          %add3A_1179 = arith.constant 48 : i32
          %add3A_1180 = arith.addi %mul3A_1133, %add3A_1179 : i32
          %swap3A_1181 = arith.constant 0 : i32
          %swap3A_1182 = tpu.memref_slice %arg7[%scan3A_116, %swap3A_1181] : memref<2x51200xf32, #tpu.memory_space<vmem>> -> memref<1x51200xf32, #tpu.memory_space<vmem>>
          %swap3A_1183 = tpu.memref_squeeze %swap3A_1182 : memref<1x51200xf32, #tpu.memory_space<vmem>> -> memref<51200xf32, #tpu.memory_space<vmem>>
          %swap3A_1184 = arith.index_cast %add3A_1180 : i32 to index
          %swap3A_1185 = tpu.vector_load %swap3A_1183[%swap3A_1184] {strides = array<i32>} : memref<51200xf32, #tpu.memory_space<vmem>>, vector<16xf32>,
          tpu.vector_store %swap3A_1183[%swap3A_1184], %select_n3A_1178 {strides = array<i32>} : memref<51200xf32, #tpu.memory_space<vmem>>, vector<16xf32>,
          %broadcast_in_dim3A_1186 = arith.constant 12 : i32
          %broadcast_in_dim3A_1187 = vector.broadcast %broadcast_in_dim3A_1186 : i32 to vector<16x1xi32>
          %gather3A_1188 = vector.shape_cast %broadcast_in_dim3A_1187 : vector<16x1xi32> to vector<16xi32>
          %gather3A_1189 = tpu.dynamic_gather %get3A_230[%gather3A_1188] in [0] : vector<16xi32>, vector<16xi32> -> vector<16xi32>
          %eq3A_1190 = arith.constant 1 : i32
          %eq3A_1191 = vector.broadcast %eq3A_1190 : i32 to vector<16xi32>
          %eq3A_1192 = arith.cmpi eq, %gather3A_1189, %eq3A_1191 : vector<16xi32>
          %eq3A_1193 = arith.constant 2 : i32
          %eq3A_1194 = vector.broadcast %eq3A_1193 : i32 to vector<16xi32>
          %eq3A_1195 = arith.cmpi eq, %gather3A_1189, %eq3A_1194 : vector<16xi32>
          %eq3A_1196 = arith.constant 3 : i32
          %eq3A_1197 = vector.broadcast %eq3A_1196 : i32 to vector<16xi32>
          %eq3A_1198 = arith.cmpi eq, %gather3A_1189, %eq3A_1197 : vector<16xi32>
          %eq3A_1199 = arith.constant 4 : i32
          %eq3A_1200 = vector.broadcast %eq3A_1199 : i32 to vector<16xi32>
          %eq3A_1201 = arith.cmpi eq, %gather3A_1189, %eq3A_1200 : vector<16xi32>
          %eq3A_1202 = arith.constant 5 : i32
          %eq3A_1203 = vector.broadcast %eq3A_1202 : i32 to vector<16xi32>
          %eq3A_1204 = arith.cmpi eq, %gather3A_1189, %eq3A_1203 : vector<16xi32>
          %eq3A_1205 = arith.constant 6 : i32
          %eq3A_1206 = vector.broadcast %eq3A_1205 : i32 to vector<16xi32>
          %eq3A_1207 = arith.cmpi eq, %gather3A_1189, %eq3A_1206 : vector<16xi32>
          %mul3A_1208 = arith.constant 16 : i32
          %mul3A_1209 = arith.muli %scan3A_225, %mul3A_1208 : i32
          %add3A_1210 = arith.constant 12 : i32
          %add3A_1211 = arith.addi %mul3A_1209, %add3A_1210 : i32
          %mul3A_1212 = arith.constant 64 : i32
          %mul3A_1213 = arith.muli %add3A_1211, %mul3A_1212 : i32
          %select_n3A_1214 = arith.select %eq3A_1192, %get3A_68, %get3A_60 : vector<16xi1>, vector<16xf32>
          %select_n3A_1215 = arith.select %eq3A_1195, %get3A_76, %select_n3A_1214 : vector<16xi1>, vector<16xf32>
          %select_n3A_1216 = arith.select %eq3A_1198, %get3A_84, %select_n3A_1215 : vector<16xi1>, vector<16xf32>
          %select_n3A_1217 = arith.select %eq3A_1201, %get3A_92, %select_n3A_1216 : vector<16xi1>, vector<16xf32>
          %select_n3A_1218 = arith.select %eq3A_1204, %get3A_100, %select_n3A_1217 : vector<16xi1>, vector<16xf32>
          %select_n3A_1219 = arith.select %eq3A_1207, %get3A_108, %select_n3A_1218 : vector<16xi1>, vector<16xf32>
          %add3A_1220 = arith.constant 0 : i32
          %add3A_1221 = arith.addi %mul3A_1213, %add3A_1220 : i32
          %swap3A_1222 = arith.constant 0 : i32
          %swap3A_1223 = tpu.memref_slice %arg7[%scan3A_116, %swap3A_1222] : memref<2x51200xf32, #tpu.memory_space<vmem>> -> memref<1x51200xf32, #tpu.memory_space<vmem>>
          %swap3A_1224 = tpu.memref_squeeze %swap3A_1223 : memref<1x51200xf32, #tpu.memory_space<vmem>> -> memref<51200xf32, #tpu.memory_space<vmem>>
          %swap3A_1225 = arith.index_cast %add3A_1221 : i32 to index
          %swap3A_1226 = tpu.vector_load %swap3A_1224[%swap3A_1225] {strides = array<i32>} : memref<51200xf32, #tpu.memory_space<vmem>>, vector<16xf32>,
          tpu.vector_store %swap3A_1224[%swap3A_1225], %select_n3A_1219 {strides = array<i32>} : memref<51200xf32, #tpu.memory_space<vmem>>, vector<16xf32>,
          %select_n3A_1227 = arith.select %eq3A_1192, %get3A_70, %get3A_62 : vector<16xi1>, vector<16xf32>
          %select_n3A_1228 = arith.select %eq3A_1195, %get3A_78, %select_n3A_1227 : vector<16xi1>, vector<16xf32>
          %select_n3A_1229 = arith.select %eq3A_1198, %get3A_86, %select_n3A_1228 : vector<16xi1>, vector<16xf32>
          %select_n3A_1230 = arith.select %eq3A_1201, %get3A_94, %select_n3A_1229 : vector<16xi1>, vector<16xf32>
          %select_n3A_1231 = arith.select %eq3A_1204, %get3A_102, %select_n3A_1230 : vector<16xi1>, vector<16xf32>
          %select_n3A_1232 = arith.select %eq3A_1207, %get3A_110, %select_n3A_1231 : vector<16xi1>, vector<16xf32>
          %add3A_1233 = arith.constant 16 : i32
          %add3A_1234 = arith.addi %mul3A_1213, %add3A_1233 : i32
          %swap3A_1235 = arith.constant 0 : i32
          %swap3A_1236 = tpu.memref_slice %arg7[%scan3A_116, %swap3A_1235] : memref<2x51200xf32, #tpu.memory_space<vmem>> -> memref<1x51200xf32, #tpu.memory_space<vmem>>
          %swap3A_1237 = tpu.memref_squeeze %swap3A_1236 : memref<1x51200xf32, #tpu.memory_space<vmem>> -> memref<51200xf32, #tpu.memory_space<vmem>>
          %swap3A_1238 = arith.index_cast %add3A_1234 : i32 to index
          %swap3A_1239 = tpu.vector_load %swap3A_1237[%swap3A_1238] {strides = array<i32>} : memref<51200xf32, #tpu.memory_space<vmem>>, vector<16xf32>,
          tpu.vector_store %swap3A_1237[%swap3A_1238], %select_n3A_1232 {strides = array<i32>} : memref<51200xf32, #tpu.memory_space<vmem>>, vector<16xf32>,
          %select_n3A_1240 = arith.select %eq3A_1192, %get3A_72, %get3A_64 : vector<16xi1>, vector<16xf32>
          %select_n3A_1241 = arith.select %eq3A_1195, %get3A_80, %select_n3A_1240 : vector<16xi1>, vector<16xf32>
          %select_n3A_1242 = arith.select %eq3A_1198, %get3A_88, %select_n3A_1241 : vector<16xi1>, vector<16xf32>
          %select_n3A_1243 = arith.select %eq3A_1201, %get3A_96, %select_n3A_1242 : vector<16xi1>, vector<16xf32>
          %select_n3A_1244 = arith.select %eq3A_1204, %get3A_104, %select_n3A_1243 : vector<16xi1>, vector<16xf32>
          %select_n3A_1245 = arith.select %eq3A_1207, %get3A_112, %select_n3A_1244 : vector<16xi1>, vector<16xf32>
          %add3A_1246 = arith.constant 32 : i32
          %add3A_1247 = arith.addi %mul3A_1213, %add3A_1246 : i32
          %swap3A_1248 = arith.constant 0 : i32
          %swap3A_1249 = tpu.memref_slice %arg7[%scan3A_116, %swap3A_1248] : memref<2x51200xf32, #tpu.memory_space<vmem>> -> memref<1x51200xf32, #tpu.memory_space<vmem>>
          %swap3A_1250 = tpu.memref_squeeze %swap3A_1249 : memref<1x51200xf32, #tpu.memory_space<vmem>> -> memref<51200xf32, #tpu.memory_space<vmem>>
          %swap3A_1251 = arith.index_cast %add3A_1247 : i32 to index
          %swap3A_1252 = tpu.vector_load %swap3A_1250[%swap3A_1251] {strides = array<i32>} : memref<51200xf32, #tpu.memory_space<vmem>>, vector<16xf32>,
          tpu.vector_store %swap3A_1250[%swap3A_1251], %select_n3A_1245 {strides = array<i32>} : memref<51200xf32, #tpu.memory_space<vmem>>, vector<16xf32>,
          %select_n3A_1253 = arith.select %eq3A_1192, %get3A_74, %get3A_66 : vector<16xi1>, vector<16xf32>
          %select_n3A_1254 = arith.select %eq3A_1195, %get3A_82, %select_n3A_1253 : vector<16xi1>, vector<16xf32>
          %select_n3A_1255 = arith.select %eq3A_1198, %get3A_90, %select_n3A_1254 : vector<16xi1>, vector<16xf32>
          %select_n3A_1256 = arith.select %eq3A_1201, %get3A_98, %select_n3A_1255 : vector<16xi1>, vector<16xf32>
          %select_n3A_1257 = arith.select %eq3A_1204, %get3A_106, %select_n3A_1256 : vector<16xi1>, vector<16xf32>
          %select_n3A_1258 = arith.select %eq3A_1207, %get3A_114, %select_n3A_1257 : vector<16xi1>, vector<16xf32>
          %add3A_1259 = arith.constant 48 : i32
          %add3A_1260 = arith.addi %mul3A_1213, %add3A_1259 : i32
          %swap3A_1261 = arith.constant 0 : i32
          %swap3A_1262 = tpu.memref_slice %arg7[%scan3A_116, %swap3A_1261] : memref<2x51200xf32, #tpu.memory_space<vmem>> -> memref<1x51200xf32, #tpu.memory_space<vmem>>
          %swap3A_1263 = tpu.memref_squeeze %swap3A_1262 : memref<1x51200xf32, #tpu.memory_space<vmem>> -> memref<51200xf32, #tpu.memory_space<vmem>>
          %swap3A_1264 = arith.index_cast %add3A_1260 : i32 to index
          %swap3A_1265 = tpu.vector_load %swap3A_1263[%swap3A_1264] {strides = array<i32>} : memref<51200xf32, #tpu.memory_space<vmem>>, vector<16xf32>,
          tpu.vector_store %swap3A_1263[%swap3A_1264], %select_n3A_1258 {strides = array<i32>} : memref<51200xf32, #tpu.memory_space<vmem>>, vector<16xf32>,
          %broadcast_in_dim3A_1266 = arith.constant 13 : i32
          %broadcast_in_dim3A_1267 = vector.broadcast %broadcast_in_dim3A_1266 : i32 to vector<16x1xi32>
          %gather3A_1268 = vector.shape_cast %broadcast_in_dim3A_1267 : vector<16x1xi32> to vector<16xi32>
          %gather3A_1269 = tpu.dynamic_gather %get3A_230[%gather3A_1268] in [0] : vector<16xi32>, vector<16xi32> -> vector<16xi32>
          %eq3A_1270 = arith.constant 1 : i32
          %eq3A_1271 = vector.broadcast %eq3A_1270 : i32 to vector<16xi32>
          %eq3A_1272 = arith.cmpi eq, %gather3A_1269, %eq3A_1271 : vector<16xi32>
          %eq3A_1273 = arith.constant 2 : i32
          %eq3A_1274 = vector.broadcast %eq3A_1273 : i32 to vector<16xi32>
          %eq3A_1275 = arith.cmpi eq, %gather3A_1269, %eq3A_1274 : vector<16xi32>
          %eq3A_1276 = arith.constant 3 : i32
          %eq3A_1277 = vector.broadcast %eq3A_1276 : i32 to vector<16xi32>
          %eq3A_1278 = arith.cmpi eq, %gather3A_1269, %eq3A_1277 : vector<16xi32>
          %eq3A_1279 = arith.constant 4 : i32
          %eq3A_1280 = vector.broadcast %eq3A_1279 : i32 to vector<16xi32>
          %eq3A_1281 = arith.cmpi eq, %gather3A_1269, %eq3A_1280 : vector<16xi32>
          %eq3A_1282 = arith.constant 5 : i32
          %eq3A_1283 = vector.broadcast %eq3A_1282 : i32 to vector<16xi32>
          %eq3A_1284 = arith.cmpi eq, %gather3A_1269, %eq3A_1283 : vector<16xi32>
          %eq3A_1285 = arith.constant 6 : i32
          %eq3A_1286 = vector.broadcast %eq3A_1285 : i32 to vector<16xi32>
          %eq3A_1287 = arith.cmpi eq, %gather3A_1269, %eq3A_1286 : vector<16xi32>
          %mul3A_1288 = arith.constant 16 : i32
          %mul3A_1289 = arith.muli %scan3A_225, %mul3A_1288 : i32
          %add3A_1290 = arith.constant 13 : i32
          %add3A_1291 = arith.addi %mul3A_1289, %add3A_1290 : i32
          %mul3A_1292 = arith.constant 64 : i32
          %mul3A_1293 = arith.muli %add3A_1291, %mul3A_1292 : i32
          %select_n3A_1294 = arith.select %eq3A_1272, %get3A_68, %get3A_60 : vector<16xi1>, vector<16xf32>
          %select_n3A_1295 = arith.select %eq3A_1275, %get3A_76, %select_n3A_1294 : vector<16xi1>, vector<16xf32>
          %select_n3A_1296 = arith.select %eq3A_1278, %get3A_84, %select_n3A_1295 : vector<16xi1>, vector<16xf32>
          %select_n3A_1297 = arith.select %eq3A_1281, %get3A_92, %select_n3A_1296 : vector<16xi1>, vector<16xf32>
          %select_n3A_1298 = arith.select %eq3A_1284, %get3A_100, %select_n3A_1297 : vector<16xi1>, vector<16xf32>
          %select_n3A_1299 = arith.select %eq3A_1287, %get3A_108, %select_n3A_1298 : vector<16xi1>, vector<16xf32>
          %add3A_1300 = arith.constant 0 : i32
          %add3A_1301 = arith.addi %mul3A_1293, %add3A_1300 : i32
          %swap3A_1302 = arith.constant 0 : i32
          %swap3A_1303 = tpu.memref_slice %arg7[%scan3A_116, %swap3A_1302] : memref<2x51200xf32, #tpu.memory_space<vmem>> -> memref<1x51200xf32, #tpu.memory_space<vmem>>
          %swap3A_1304 = tpu.memref_squeeze %swap3A_1303 : memref<1x51200xf32, #tpu.memory_space<vmem>> -> memref<51200xf32, #tpu.memory_space<vmem>>
          %swap3A_1305 = arith.index_cast %add3A_1301 : i32 to index
          %swap3A_1306 = tpu.vector_load %swap3A_1304[%swap3A_1305] {strides = array<i32>} : memref<51200xf32, #tpu.memory_space<vmem>>, vector<16xf32>,
          tpu.vector_store %swap3A_1304[%swap3A_1305], %select_n3A_1299 {strides = array<i32>} : memref<51200xf32, #tpu.memory_space<vmem>>, vector<16xf32>,
          %select_n3A_1307 = arith.select %eq3A_1272, %get3A_70, %get3A_62 : vector<16xi1>, vector<16xf32>
          %select_n3A_1308 = arith.select %eq3A_1275, %get3A_78, %select_n3A_1307 : vector<16xi1>, vector<16xf32>
          %select_n3A_1309 = arith.select %eq3A_1278, %get3A_86, %select_n3A_1308 : vector<16xi1>, vector<16xf32>
          %select_n3A_1310 = arith.select %eq3A_1281, %get3A_94, %select_n3A_1309 : vector<16xi1>, vector<16xf32>
          %select_n3A_1311 = arith.select %eq3A_1284, %get3A_102, %select_n3A_1310 : vector<16xi1>, vector<16xf32>
          %select_n3A_1312 = arith.select %eq3A_1287, %get3A_110, %select_n3A_1311 : vector<16xi1>, vector<16xf32>
          %add3A_1313 = arith.constant 16 : i32
          %add3A_1314 = arith.addi %mul3A_1293, %add3A_1313 : i32
          %swap3A_1315 = arith.constant 0 : i32
          %swap3A_1316 = tpu.memref_slice %arg7[%scan3A_116, %swap3A_1315] : memref<2x51200xf32, #tpu.memory_space<vmem>> -> memref<1x51200xf32, #tpu.memory_space<vmem>>
          %swap3A_1317 = tpu.memref_squeeze %swap3A_1316 : memref<1x51200xf32, #tpu.memory_space<vmem>> -> memref<51200xf32, #tpu.memory_space<vmem>>
          %swap3A_1318 = arith.index_cast %add3A_1314 : i32 to index
          %swap3A_1319 = tpu.vector_load %swap3A_1317[%swap3A_1318] {strides = array<i32>} : memref<51200xf32, #tpu.memory_space<vmem>>, vector<16xf32>,
          tpu.vector_store %swap3A_1317[%swap3A_1318], %select_n3A_1312 {strides = array<i32>} : memref<51200xf32, #tpu.memory_space<vmem>>, vector<16xf32>,
          %select_n3A_1320 = arith.select %eq3A_1272, %get3A_72, %get3A_64 : vector<16xi1>, vector<16xf32>
          %select_n3A_1321 = arith.select %eq3A_1275, %get3A_80, %select_n3A_1320 : vector<16xi1>, vector<16xf32>
          %select_n3A_1322 = arith.select %eq3A_1278, %get3A_88, %select_n3A_1321 : vector<16xi1>, vector<16xf32>
          %select_n3A_1323 = arith.select %eq3A_1281, %get3A_96, %select_n3A_1322 : vector<16xi1>, vector<16xf32>
          %select_n3A_1324 = arith.select %eq3A_1284, %get3A_104, %select_n3A_1323 : vector<16xi1>, vector<16xf32>
          %select_n3A_1325 = arith.select %eq3A_1287, %get3A_112, %select_n3A_1324 : vector<16xi1>, vector<16xf32>
          %add3A_1326 = arith.constant 32 : i32
          %add3A_1327 = arith.addi %mul3A_1293, %add3A_1326 : i32
          %swap3A_1328 = arith.constant 0 : i32
          %swap3A_1329 = tpu.memref_slice %arg7[%scan3A_116, %swap3A_1328] : memref<2x51200xf32, #tpu.memory_space<vmem>> -> memref<1x51200xf32, #tpu.memory_space<vmem>>
          %swap3A_1330 = tpu.memref_squeeze %swap3A_1329 : memref<1x51200xf32, #tpu.memory_space<vmem>> -> memref<51200xf32, #tpu.memory_space<vmem>>
          %swap3A_1331 = arith.index_cast %add3A_1327 : i32 to index
          %swap3A_1332 = tpu.vector_load %swap3A_1330[%swap3A_1331] {strides = array<i32>} : memref<51200xf32, #tpu.memory_space<vmem>>, vector<16xf32>,
          tpu.vector_store %swap3A_1330[%swap3A_1331], %select_n3A_1325 {strides = array<i32>} : memref<51200xf32, #tpu.memory_space<vmem>>, vector<16xf32>,
          %select_n3A_1333 = arith.select %eq3A_1272, %get3A_74, %get3A_66 : vector<16xi1>, vector<16xf32>
          %select_n3A_1334 = arith.select %eq3A_1275, %get3A_82, %select_n3A_1333 : vector<16xi1>, vector<16xf32>
          %select_n3A_1335 = arith.select %eq3A_1278, %get3A_90, %select_n3A_1334 : vector<16xi1>, vector<16xf32>
          %select_n3A_1336 = arith.select %eq3A_1281, %get3A_98, %select_n3A_1335 : vector<16xi1>, vector<16xf32>
          %select_n3A_1337 = arith.select %eq3A_1284, %get3A_106, %select_n3A_1336 : vector<16xi1>, vector<16xf32>
          %select_n3A_1338 = arith.select %eq3A_1287, %get3A_114, %select_n3A_1337 : vector<16xi1>, vector<16xf32>
          %add3A_1339 = arith.constant 48 : i32
          %add3A_1340 = arith.addi %mul3A_1293, %add3A_1339 : i32
          %swap3A_1341 = arith.constant 0 : i32
          %swap3A_1342 = tpu.memref_slice %arg7[%scan3A_116, %swap3A_1341] : memref<2x51200xf32, #tpu.memory_space<vmem>> -> memref<1x51200xf32, #tpu.memory_space<vmem>>
          %swap3A_1343 = tpu.memref_squeeze %swap3A_1342 : memref<1x51200xf32, #tpu.memory_space<vmem>> -> memref<51200xf32, #tpu.memory_space<vmem>>
          %swap3A_1344 = arith.index_cast %add3A_1340 : i32 to index
          %swap3A_1345 = tpu.vector_load %swap3A_1343[%swap3A_1344] {strides = array<i32>} : memref<51200xf32, #tpu.memory_space<vmem>>, vector<16xf32>,
          tpu.vector_store %swap3A_1343[%swap3A_1344], %select_n3A_1338 {strides = array<i32>} : memref<51200xf32, #tpu.memory_space<vmem>>, vector<16xf32>,
          %broadcast_in_dim3A_1346 = arith.constant 14 : i32
          %broadcast_in_dim3A_1347 = vector.broadcast %broadcast_in_dim3A_1346 : i32 to vector<16x1xi32>
          %gather3A_1348 = vector.shape_cast %broadcast_in_dim3A_1347 : vector<16x1xi32> to vector<16xi32>
          %gather3A_1349 = tpu.dynamic_gather %get3A_230[%gather3A_1348] in [0] : vector<16xi32>, vector<16xi32> -> vector<16xi32>
          %eq3A_1350 = arith.constant 1 : i32
          %eq3A_1351 = vector.broadcast %eq3A_1350 : i32 to vector<16xi32>
          %eq3A_1352 = arith.cmpi eq, %gather3A_1349, %eq3A_1351 : vector<16xi32>
          %eq3A_1353 = arith.constant 2 : i32
          %eq3A_1354 = vector.broadcast %eq3A_1353 : i32 to vector<16xi32>
          %eq3A_1355 = arith.cmpi eq, %gather3A_1349, %eq3A_1354 : vector<16xi32>
          %eq3A_1356 = arith.constant 3 : i32
          %eq3A_1357 = vector.broadcast %eq3A_1356 : i32 to vector<16xi32>
          %eq3A_1358 = arith.cmpi eq, %gather3A_1349, %eq3A_1357 : vector<16xi32>
          %eq3A_1359 = arith.constant 4 : i32
          %eq3A_1360 = vector.broadcast %eq3A_1359 : i32 to vector<16xi32>
          %eq3A_1361 = arith.cmpi eq, %gather3A_1349, %eq3A_1360 : vector<16xi32>
          %eq3A_1362 = arith.constant 5 : i32
          %eq3A_1363 = vector.broadcast %eq3A_1362 : i32 to vector<16xi32>
          %eq3A_1364 = arith.cmpi eq, %gather3A_1349, %eq3A_1363 : vector<16xi32>
          %eq3A_1365 = arith.constant 6 : i32
          %eq3A_1366 = vector.broadcast %eq3A_1365 : i32 to vector<16xi32>
          %eq3A_1367 = arith.cmpi eq, %gather3A_1349, %eq3A_1366 : vector<16xi32>
          %mul3A_1368 = arith.constant 16 : i32
          %mul3A_1369 = arith.muli %scan3A_225, %mul3A_1368 : i32
          %add3A_1370 = arith.constant 14 : i32
          %add3A_1371 = arith.addi %mul3A_1369, %add3A_1370 : i32
          %mul3A_1372 = arith.constant 64 : i32
          %mul3A_1373 = arith.muli %add3A_1371, %mul3A_1372 : i32
          %select_n3A_1374 = arith.select %eq3A_1352, %get3A_68, %get3A_60 : vector<16xi1>, vector<16xf32>
          %select_n3A_1375 = arith.select %eq3A_1355, %get3A_76, %select_n3A_1374 : vector<16xi1>, vector<16xf32>
          %select_n3A_1376 = arith.select %eq3A_1358, %get3A_84, %select_n3A_1375 : vector<16xi1>, vector<16xf32>
          %select_n3A_1377 = arith.select %eq3A_1361, %get3A_92, %select_n3A_1376 : vector<16xi1>, vector<16xf32>
          %select_n3A_1378 = arith.select %eq3A_1364, %get3A_100, %select_n3A_1377 : vector<16xi1>, vector<16xf32>
          %select_n3A_1379 = arith.select %eq3A_1367, %get3A_108, %select_n3A_1378 : vector<16xi1>, vector<16xf32>
          %add3A_1380 = arith.constant 0 : i32
          %add3A_1381 = arith.addi %mul3A_1373, %add3A_1380 : i32
          %swap3A_1382 = arith.constant 0 : i32
          %swap3A_1383 = tpu.memref_slice %arg7[%scan3A_116, %swap3A_1382] : memref<2x51200xf32, #tpu.memory_space<vmem>> -> memref<1x51200xf32, #tpu.memory_space<vmem>>
          %swap3A_1384 = tpu.memref_squeeze %swap3A_1383 : memref<1x51200xf32, #tpu.memory_space<vmem>> -> memref<51200xf32, #tpu.memory_space<vmem>>
          %swap3A_1385 = arith.index_cast %add3A_1381 : i32 to index
          %swap3A_1386 = tpu.vector_load %swap3A_1384[%swap3A_1385] {strides = array<i32>} : memref<51200xf32, #tpu.memory_space<vmem>>, vector<16xf32>,
          tpu.vector_store %swap3A_1384[%swap3A_1385], %select_n3A_1379 {strides = array<i32>} : memref<51200xf32, #tpu.memory_space<vmem>>, vector<16xf32>,
          %select_n3A_1387 = arith.select %eq3A_1352, %get3A_70, %get3A_62 : vector<16xi1>, vector<16xf32>
          %select_n3A_1388 = arith.select %eq3A_1355, %get3A_78, %select_n3A_1387 : vector<16xi1>, vector<16xf32>
          %select_n3A_1389 = arith.select %eq3A_1358, %get3A_86, %select_n3A_1388 : vector<16xi1>, vector<16xf32>
          %select_n3A_1390 = arith.select %eq3A_1361, %get3A_94, %select_n3A_1389 : vector<16xi1>, vector<16xf32>
          %select_n3A_1391 = arith.select %eq3A_1364, %get3A_102, %select_n3A_1390 : vector<16xi1>, vector<16xf32>
          %select_n3A_1392 = arith.select %eq3A_1367, %get3A_110, %select_n3A_1391 : vector<16xi1>, vector<16xf32>
          %add3A_1393 = arith.constant 16 : i32
          %add3A_1394 = arith.addi %mul3A_1373, %add3A_1393 : i32
          %swap3A_1395 = arith.constant 0 : i32
          %swap3A_1396 = tpu.memref_slice %arg7[%scan3A_116, %swap3A_1395] : memref<2x51200xf32, #tpu.memory_space<vmem>> -> memref<1x51200xf32, #tpu.memory_space<vmem>>
          %swap3A_1397 = tpu.memref_squeeze %swap3A_1396 : memref<1x51200xf32, #tpu.memory_space<vmem>> -> memref<51200xf32, #tpu.memory_space<vmem>>
          %swap3A_1398 = arith.index_cast %add3A_1394 : i32 to index
          %swap3A_1399 = tpu.vector_load %swap3A_1397[%swap3A_1398] {strides = array<i32>} : memref<51200xf32, #tpu.memory_space<vmem>>, vector<16xf32>,
          tpu.vector_store %swap3A_1397[%swap3A_1398], %select_n3A_1392 {strides = array<i32>} : memref<51200xf32, #tpu.memory_space<vmem>>, vector<16xf32>,
          %select_n3A_1400 = arith.select %eq3A_1352, %get3A_72, %get3A_64 : vector<16xi1>, vector<16xf32>
          %select_n3A_1401 = arith.select %eq3A_1355, %get3A_80, %select_n3A_1400 : vector<16xi1>, vector<16xf32>
          %select_n3A_1402 = arith.select %eq3A_1358, %get3A_88, %select_n3A_1401 : vector<16xi1>, vector<16xf32>
          %select_n3A_1403 = arith.select %eq3A_1361, %get3A_96, %select_n3A_1402 : vector<16xi1>, vector<16xf32>
          %select_n3A_1404 = arith.select %eq3A_1364, %get3A_104, %select_n3A_1403 : vector<16xi1>, vector<16xf32>
          %select_n3A_1405 = arith.select %eq3A_1367, %get3A_112, %select_n3A_1404 : vector<16xi1>, vector<16xf32>
          %add3A_1406 = arith.constant 32 : i32
          %add3A_1407 = arith.addi %mul3A_1373, %add3A_1406 : i32
          %swap3A_1408 = arith.constant 0 : i32
          %swap3A_1409 = tpu.memref_slice %arg7[%scan3A_116, %swap3A_1408] : memref<2x51200xf32, #tpu.memory_space<vmem>> -> memref<1x51200xf32, #tpu.memory_space<vmem>>
          %swap3A_1410 = tpu.memref_squeeze %swap3A_1409 : memref<1x51200xf32, #tpu.memory_space<vmem>> -> memref<51200xf32, #tpu.memory_space<vmem>>
          %swap3A_1411 = arith.index_cast %add3A_1407 : i32 to index
          %swap3A_1412 = tpu.vector_load %swap3A_1410[%swap3A_1411] {strides = array<i32>} : memref<51200xf32, #tpu.memory_space<vmem>>, vector<16xf32>,
          tpu.vector_store %swap3A_1410[%swap3A_1411], %select_n3A_1405 {strides = array<i32>} : memref<51200xf32, #tpu.memory_space<vmem>>, vector<16xf32>,
          %select_n3A_1413 = arith.select %eq3A_1352, %get3A_74, %get3A_66 : vector<16xi1>, vector<16xf32>
          %select_n3A_1414 = arith.select %eq3A_1355, %get3A_82, %select_n3A_1413 : vector<16xi1>, vector<16xf32>
          %select_n3A_1415 = arith.select %eq3A_1358, %get3A_90, %select_n3A_1414 : vector<16xi1>, vector<16xf32>
          %select_n3A_1416 = arith.select %eq3A_1361, %get3A_98, %select_n3A_1415 : vector<16xi1>, vector<16xf32>
          %select_n3A_1417 = arith.select %eq3A_1364, %get3A_106, %select_n3A_1416 : vector<16xi1>, vector<16xf32>
          %select_n3A_1418 = arith.select %eq3A_1367, %get3A_114, %select_n3A_1417 : vector<16xi1>, vector<16xf32>
          %add3A_1419 = arith.constant 48 : i32
          %add3A_1420 = arith.addi %mul3A_1373, %add3A_1419 : i32
          %swap3A_1421 = arith.constant 0 : i32
          %swap3A_1422 = tpu.memref_slice %arg7[%scan3A_116, %swap3A_1421] : memref<2x51200xf32, #tpu.memory_space<vmem>> -> memref<1x51200xf32, #tpu.memory_space<vmem>>
          %swap3A_1423 = tpu.memref_squeeze %swap3A_1422 : memref<1x51200xf32, #tpu.memory_space<vmem>> -> memref<51200xf32, #tpu.memory_space<vmem>>
          %swap3A_1424 = arith.index_cast %add3A_1420 : i32 to index
          %swap3A_1425 = tpu.vector_load %swap3A_1423[%swap3A_1424] {strides = array<i32>} : memref<51200xf32, #tpu.memory_space<vmem>>, vector<16xf32>,
          tpu.vector_store %swap3A_1423[%swap3A_1424], %select_n3A_1418 {strides = array<i32>} : memref<51200xf32, #tpu.memory_space<vmem>>, vector<16xf32>,
          %broadcast_in_dim3A_1426 = arith.constant 15 : i32
          %broadcast_in_dim3A_1427 = vector.broadcast %broadcast_in_dim3A_1426 : i32 to vector<16x1xi32>
          %gather3A_1428 = vector.shape_cast %broadcast_in_dim3A_1427 : vector<16x1xi32> to vector<16xi32>
          %gather3A_1429 = tpu.dynamic_gather %get3A_230[%gather3A_1428] in [0] : vector<16xi32>, vector<16xi32> -> vector<16xi32>
          %eq3A_1430 = arith.constant 1 : i32
          %eq3A_1431 = vector.broadcast %eq3A_1430 : i32 to vector<16xi32>
          %eq3A_1432 = arith.cmpi eq, %gather3A_1429, %eq3A_1431 : vector<16xi32>
          %eq3A_1433 = arith.constant 2 : i32
          %eq3A_1434 = vector.broadcast %eq3A_1433 : i32 to vector<16xi32>
          %eq3A_1435 = arith.cmpi eq, %gather3A_1429, %eq3A_1434 : vector<16xi32>
          %eq3A_1436 = arith.constant 3 : i32
          %eq3A_1437 = vector.broadcast %eq3A_1436 : i32 to vector<16xi32>
          %eq3A_1438 = arith.cmpi eq, %gather3A_1429, %eq3A_1437 : vector<16xi32>
          %eq3A_1439 = arith.constant 4 : i32
          %eq3A_1440 = vector.broadcast %eq3A_1439 : i32 to vector<16xi32>
          %eq3A_1441 = arith.cmpi eq, %gather3A_1429, %eq3A_1440 : vector<16xi32>
          %eq3A_1442 = arith.constant 5 : i32
          %eq3A_1443 = vector.broadcast %eq3A_1442 : i32 to vector<16xi32>
          %eq3A_1444 = arith.cmpi eq, %gather3A_1429, %eq3A_1443 : vector<16xi32>
          %eq3A_1445 = arith.constant 6 : i32
          %eq3A_1446 = vector.broadcast %eq3A_1445 : i32 to vector<16xi32>
          %eq3A_1447 = arith.cmpi eq, %gather3A_1429, %eq3A_1446 : vector<16xi32>
          %mul3A_1448 = arith.constant 16 : i32
          %mul3A_1449 = arith.muli %scan3A_225, %mul3A_1448 : i32
          %add3A_1450 = arith.constant 15 : i32
          %add3A_1451 = arith.addi %mul3A_1449, %add3A_1450 : i32
          %mul3A_1452 = arith.constant 64 : i32
          %mul3A_1453 = arith.muli %add3A_1451, %mul3A_1452 : i32
          %select_n3A_1454 = arith.select %eq3A_1432, %get3A_68, %get3A_60 : vector<16xi1>, vector<16xf32>
          %select_n3A_1455 = arith.select %eq3A_1435, %get3A_76, %select_n3A_1454 : vector<16xi1>, vector<16xf32>
          %select_n3A_1456 = arith.select %eq3A_1438, %get3A_84, %select_n3A_1455 : vector<16xi1>, vector<16xf32>
          %select_n3A_1457 = arith.select %eq3A_1441, %get3A_92, %select_n3A_1456 : vector<16xi1>, vector<16xf32>
          %select_n3A_1458 = arith.select %eq3A_1444, %get3A_100, %select_n3A_1457 : vector<16xi1>, vector<16xf32>
          %select_n3A_1459 = arith.select %eq3A_1447, %get3A_108, %select_n3A_1458 : vector<16xi1>, vector<16xf32>
          %add3A_1460 = arith.constant 0 : i32
          %add3A_1461 = arith.addi %mul3A_1453, %add3A_1460 : i32
          %swap3A_1462 = arith.constant 0 : i32
          %swap3A_1463 = tpu.memref_slice %arg7[%scan3A_116, %swap3A_1462] : memref<2x51200xf32, #tpu.memory_space<vmem>> -> memref<1x51200xf32, #tpu.memory_space<vmem>>
          %swap3A_1464 = tpu.memref_squeeze %swap3A_1463 : memref<1x51200xf32, #tpu.memory_space<vmem>> -> memref<51200xf32, #tpu.memory_space<vmem>>
          %swap3A_1465 = arith.index_cast %add3A_1461 : i32 to index
          %swap3A_1466 = tpu.vector_load %swap3A_1464[%swap3A_1465] {strides = array<i32>} : memref<51200xf32, #tpu.memory_space<vmem>>, vector<16xf32>,
          tpu.vector_store %swap3A_1464[%swap3A_1465], %select_n3A_1459 {strides = array<i32>} : memref<51200xf32, #tpu.memory_space<vmem>>, vector<16xf32>,
          %select_n3A_1467 = arith.select %eq3A_1432, %get3A_70, %get3A_62 : vector<16xi1>, vector<16xf32>
          %select_n3A_1468 = arith.select %eq3A_1435, %get3A_78, %select_n3A_1467 : vector<16xi1>, vector<16xf32>
          %select_n3A_1469 = arith.select %eq3A_1438, %get3A_86, %select_n3A_1468 : vector<16xi1>, vector<16xf32>
          %select_n3A_1470 = arith.select %eq3A_1441, %get3A_94, %select_n3A_1469 : vector<16xi1>, vector<16xf32>
          %select_n3A_1471 = arith.select %eq3A_1444, %get3A_102, %select_n3A_1470 : vector<16xi1>, vector<16xf32>
          %select_n3A_1472 = arith.select %eq3A_1447, %get3A_110, %select_n3A_1471 : vector<16xi1>, vector<16xf32>
          %add3A_1473 = arith.constant 16 : i32
          %add3A_1474 = arith.addi %mul3A_1453, %add3A_1473 : i32
          %swap3A_1475 = arith.constant 0 : i32
          %swap3A_1476 = tpu.memref_slice %arg7[%scan3A_116, %swap3A_1475] : memref<2x51200xf32, #tpu.memory_space<vmem>> -> memref<1x51200xf32, #tpu.memory_space<vmem>>
          %swap3A_1477 = tpu.memref_squeeze %swap3A_1476 : memref<1x51200xf32, #tpu.memory_space<vmem>> -> memref<51200xf32, #tpu.memory_space<vmem>>
          %swap3A_1478 = arith.index_cast %add3A_1474 : i32 to index
          %swap3A_1479 = tpu.vector_load %swap3A_1477[%swap3A_1478] {strides = array<i32>} : memref<51200xf32, #tpu.memory_space<vmem>>, vector<16xf32>,
          tpu.vector_store %swap3A_1477[%swap3A_1478], %select_n3A_1472 {strides = array<i32>} : memref<51200xf32, #tpu.memory_space<vmem>>, vector<16xf32>,
          %select_n3A_1480 = arith.select %eq3A_1432, %get3A_72, %get3A_64 : vector<16xi1>, vector<16xf32>
          %select_n3A_1481 = arith.select %eq3A_1435, %get3A_80, %select_n3A_1480 : vector<16xi1>, vector<16xf32>
          %select_n3A_1482 = arith.select %eq3A_1438, %get3A_88, %select_n3A_1481 : vector<16xi1>, vector<16xf32>
          %select_n3A_1483 = arith.select %eq3A_1441, %get3A_96, %select_n3A_1482 : vector<16xi1>, vector<16xf32>
          %select_n3A_1484 = arith.select %eq3A_1444, %get3A_104, %select_n3A_1483 : vector<16xi1>, vector<16xf32>
          %select_n3A_1485 = arith.select %eq3A_1447, %get3A_112, %select_n3A_1484 : vector<16xi1>, vector<16xf32>
          %add3A_1486 = arith.constant 32 : i32
          %add3A_1487 = arith.addi %mul3A_1453, %add3A_1486 : i32
          %swap3A_1488 = arith.constant 0 : i32
          %swap3A_1489 = tpu.memref_slice %arg7[%scan3A_116, %swap3A_1488] : memref<2x51200xf32, #tpu.memory_space<vmem>> -> memref<1x51200xf32, #tpu.memory_space<vmem>>
          %swap3A_1490 = tpu.memref_squeeze %swap3A_1489 : memref<1x51200xf32, #tpu.memory_space<vmem>> -> memref<51200xf32, #tpu.memory_space<vmem>>
          %swap3A_1491 = arith.index_cast %add3A_1487 : i32 to index
          %swap3A_1492 = tpu.vector_load %swap3A_1490[%swap3A_1491] {strides = array<i32>} : memref<51200xf32, #tpu.memory_space<vmem>>, vector<16xf32>,
          tpu.vector_store %swap3A_1490[%swap3A_1491], %select_n3A_1485 {strides = array<i32>} : memref<51200xf32, #tpu.memory_space<vmem>>, vector<16xf32>,
          %select_n3A_1493 = arith.select %eq3A_1432, %get3A_74, %get3A_66 : vector<16xi1>, vector<16xf32>
          %select_n3A_1494 = arith.select %eq3A_1435, %get3A_82, %select_n3A_1493 : vector<16xi1>, vector<16xf32>
          %select_n3A_1495 = arith.select %eq3A_1438, %get3A_90, %select_n3A_1494 : vector<16xi1>, vector<16xf32>
          %select_n3A_1496 = arith.select %eq3A_1441, %get3A_98, %select_n3A_1495 : vector<16xi1>, vector<16xf32>
          %select_n3A_1497 = arith.select %eq3A_1444, %get3A_106, %select_n3A_1496 : vector<16xi1>, vector<16xf32>
          %select_n3A_1498 = arith.select %eq3A_1447, %get3A_114, %select_n3A_1497 : vector<16xi1>, vector<16xf32>
          %add3A_1499 = arith.constant 48 : i32
          %add3A_1500 = arith.addi %mul3A_1453, %add3A_1499 : i32
          %swap3A_1501 = arith.constant 0 : i32
          %swap3A_1502 = tpu.memref_slice %arg7[%scan3A_116, %swap3A_1501] : memref<2x51200xf32, #tpu.memory_space<vmem>> -> memref<1x51200xf32, #tpu.memory_space<vmem>>
          %swap3A_1503 = tpu.memref_squeeze %swap3A_1502 : memref<1x51200xf32, #tpu.memory_space<vmem>> -> memref<51200xf32, #tpu.memory_space<vmem>>
          %swap3A_1504 = arith.index_cast %add3A_1500 : i32 to index
          %swap3A_1505 = tpu.vector_load %swap3A_1503[%swap3A_1504] {strides = array<i32>} : memref<51200xf32, #tpu.memory_space<vmem>>, vector<16xf32>,
          tpu.vector_store %swap3A_1503[%swap3A_1504], %select_n3A_1498 {strides = array<i32>} : memref<51200xf32, #tpu.memory_space<vmem>>, vector<16xf32>,
        }
        %scan3A_121 = arith.constant 50 : i32
        %dma_start3A = arith.constant 0 : i32
        %dma_start3A_122 = arith.constant 0 : i32
        %dma_start3A_123 = tpu.memref_slice %arg7[%dma_start3A, %dma_start3A_122] : memref<2x51200xf32, #tpu.memory_space<vmem>> -> memref<1x51200xf32, #tpu.memory_space<vmem>>
        %dma_start3A_124 = tpu.memref_squeeze %dma_start3A_123 : memref<1x51200xf32, #tpu.memory_space<vmem>> -> memref<51200xf32, #tpu.memory_space<vmem>>
        %dma_start3A_125 = tpu.memref_slice %arg4[%mul3A_51] : memref<209715200xf32, #tpu.memory_space<hbm>> -> memref<51200xf32, #tpu.memory_space<hbm>>
        %dma_start3A_126 = tpu.memref_slice %arg4[%mul3A_51] : memref<209715200xf32, #tpu.memory_space<hbm>> -> memref<51200xf32, #tpu.memory_space<hbm>>
        %dma_start3A_127 = arith.constant 0 : i32
        %dma_start3A_128 = tpu.memref_slice %arg7[%dma_start3A, %dma_start3A_127] : memref<2x51200xf32, #tpu.memory_space<vmem>> -> memref<1x51200xf32, #tpu.memory_space<vmem>>
        %dma_start3A_129 = tpu.memref_squeeze %dma_start3A_128 : memref<1x51200xf32, #tpu.memory_space<vmem>> -> memref<51200xf32, #tpu.memory_space<vmem>>
        tpu.enqueue_dma source(%dma_start3A_129 : memref<51200xf32, #tpu.memory_space<vmem>>) target(%dma_start3A_126 : memref<51200xf32, #tpu.memory_space<hbm>>) target_semaphore(%arg8 : memref<!tpu.dma_semaphore, #tpu.memory_space<semaphore_mem>>)
        %mul3A_130 = arith.constant 16 : i32
        %mul3A_131 = arith.muli %scan3A_29, %mul3A_130 : i32
        %mul3A_132 = arith.constant 2 : i32
        %mul3A_133 = arith.muli %scan3A_39, %mul3A_132 : i32
        %add3A_134 = arith.addi %mul3A_131, %mul3A_133 : i32
        %add3A_135 = arith.constant 1 : i32
        %add3A_136 = arith.addi %add3A_134, %add3A_135 : i32
        %mul3A_137 = arith.constant 800 : i32
        %mul3A_138 = arith.muli %add3A_136, %mul3A_137 : i32
        %add3A_139 = arith.addi %mul3A_2, %mul3A_138 : i32
        %mul3A_140 = arith.constant 64 : i32
        %mul3A_141 = arith.muli %add3A_139, %mul3A_140 : i32
        %ge3A_142 = arith.constant 2 : i32
        %ge3A_143 = arith.cmpi sge, %add3A_136, %ge3A_142 : i32
        %convert_element_type3A_144 = arith.extui %ge3A_143 : i1 to i32
        %cond3A_145 = arith.constant 0 : i32
        %cond3A_146 = arith.cmpi ne, %convert_element_type3A_144, %cond3A_145 : i32
        scf.if %cond3A_146 {
          %dma_wait3A_225 = arith.constant 1 : i32
          %dma_wait3A_226 = arith.constant 0 : i32
          %dma_wait3A_227 = tpu.memref_slice %arg7[%dma_wait3A_225, %dma_wait3A_226] : memref<2x51200xf32, #tpu.memory_space<vmem>> -> memref<1x51200xf32, #tpu.memory_space<vmem>>
          %dma_wait3A_228 = tpu.memref_squeeze %dma_wait3A_227 : memref<1x51200xf32, #tpu.memory_space<vmem>> -> memref<51200xf32, #tpu.memory_space<vmem>>
          %dma_wait3A_229 = tpu.memref_slice %arg4[%mul3A_141] : memref<209715200xf32, #tpu.memory_space<hbm>> -> memref<51200xf32, #tpu.memory_space<hbm>>
          %dma_wait3A_230 = tpu.memref_slice %arg4[%mul3A_141] : memref<209715200xf32, #tpu.memory_space<hbm>> -> memref<51200xf32, #tpu.memory_space<hbm>>
          %dma_wait3A_231 = arith.constant 0 : i32
          %dma_wait3A_232 = tpu.memref_slice %arg7[%dma_wait3A_225, %dma_wait3A_231] : memref<2x51200xf32, #tpu.memory_space<vmem>> -> memref<1x51200xf32, #tpu.memory_space<vmem>>
          %dma_wait3A_233 = tpu.memref_squeeze %dma_wait3A_232 : memref<1x51200xf32, #tpu.memory_space<vmem>> -> memref<51200xf32, #tpu.memory_space<vmem>>
          tpu.wait_dma2 semaphore(%arg9 : memref<!tpu.dma_semaphore, #tpu.memory_space<semaphore_mem>>) src(%dma_wait3A_233 : memref<51200xf32, #tpu.memory_space<vmem>>) dst(%dma_wait3A_230 : memref<51200xf32, #tpu.memory_space<hbm>>)
        } else {
        }
        %mul3A_147 = arith.constant 2 : i32
        %mul3A_148 = arith.muli %scan3A_39, %mul3A_147 : i32
        %add3A_149 = arith.constant 1 : i32
        %add3A_150 = arith.addi %mul3A_148, %add3A_149 : i32
        %mul3A_151 = arith.constant 800 : i32
        %mul3A_152 = arith.muli %add3A_150, %mul3A_151 : i32
        %get3A_153 = arith.constant 0 : index
        %get3A_154 = tpu.vector_load %arg5[%get3A_153] {strides = array<i32>} : memref<448xf32, #tpu.memory_space<vmem>>, vector<16xf32>,
        %get3A_155 = arith.constant 16 : index
        %get3A_156 = tpu.vector_load %arg5[%get3A_155] {strides = array<i32>} : memref<448xf32, #tpu.memory_space<vmem>>, vector<16xf32>,
        %get3A_157 = arith.constant 32 : index
        %get3A_158 = tpu.vector_load %arg5[%get3A_157] {strides = array<i32>} : memref<448xf32, #tpu.memory_space<vmem>>, vector<16xf32>,
        %get3A_159 = arith.constant 48 : index
        %get3A_160 = tpu.vector_load %arg5[%get3A_159] {strides = array<i32>} : memref<448xf32, #tpu.memory_space<vmem>>, vector<16xf32>,
        %get3A_161 = arith.constant 64 : index
        %get3A_162 = tpu.vector_load %arg5[%get3A_161] {strides = array<i32>} : memref<448xf32, #tpu.memory_space<vmem>>, vector<16xf32>,
        %get3A_163 = arith.constant 80 : index
        %get3A_164 = tpu.vector_load %arg5[%get3A_163] {strides = array<i32>} : memref<448xf32, #tpu.memory_space<vmem>>, vector<16xf32>,
        %get3A_165 = arith.constant 96 : index
        %get3A_166 = tpu.vector_load %arg5[%get3A_165] {strides = array<i32>} : memref<448xf32, #tpu.memory_space<vmem>>, vector<16xf32>,
        %get3A_167 = arith.constant 112 : index
        %get3A_168 = tpu.vector_load %arg5[%get3A_167] {strides = array<i32>} : memref<448xf32, #tpu.memory_space<vmem>>, vector<16xf32>,
        %get3A_169 = arith.constant 128 : index
        %get3A_170 = tpu.vector_load %arg5[%get3A_169] {strides = array<i32>} : memref<448xf32, #tpu.memory_space<vmem>>, vector<16xf32>,
        %get3A_171 = arith.constant 144 : index
        %get3A_172 = tpu.vector_load %arg5[%get3A_171] {strides = array<i32>} : memref<448xf32, #tpu.memory_space<vmem>>, vector<16xf32>,
        %get3A_173 = arith.constant 160 : index
        %get3A_174 = tpu.vector_load %arg5[%get3A_173] {strides = array<i32>} : memref<448xf32, #tpu.memory_space<vmem>>, vector<16xf32>,
        %get3A_175 = arith.constant 176 : index
        %get3A_176 = tpu.vector_load %arg5[%get3A_175] {strides = array<i32>} : memref<448xf32, #tpu.memory_space<vmem>>, vector<16xf32>,
        %get3A_177 = arith.constant 192 : index
        %get3A_178 = tpu.vector_load %arg5[%get3A_177] {strides = array<i32>} : memref<448xf32, #tpu.memory_space<vmem>>, vector<16xf32>,
        %get3A_179 = arith.constant 208 : index
        %get3A_180 = tpu.vector_load %arg5[%get3A_179] {strides = array<i32>} : memref<448xf32, #tpu.memory_space<vmem>>, vector<16xf32>,
        %get3A_181 = arith.constant 224 : index
        %get3A_182 = tpu.vector_load %arg5[%get3A_181] {strides = array<i32>} : memref<448xf32, #tpu.memory_space<vmem>>, vector<16xf32>,
        %get3A_183 = arith.constant 240 : index
        %get3A_184 = tpu.vector_load %arg5[%get3A_183] {strides = array<i32>} : memref<448xf32, #tpu.memory_space<vmem>>, vector<16xf32>,
        %get3A_185 = arith.constant 256 : index
        %get3A_186 = tpu.vector_load %arg5[%get3A_185] {strides = array<i32>} : memref<448xf32, #tpu.memory_space<vmem>>, vector<16xf32>,
        %get3A_187 = arith.constant 272 : index
        %get3A_188 = tpu.vector_load %arg5[%get3A_187] {strides = array<i32>} : memref<448xf32, #tpu.memory_space<vmem>>, vector<16xf32>,
        %get3A_189 = arith.constant 288 : index
        %get3A_190 = tpu.vector_load %arg5[%get3A_189] {strides = array<i32>} : memref<448xf32, #tpu.memory_space<vmem>>, vector<16xf32>,
        %get3A_191 = arith.constant 304 : index
        %get3A_192 = tpu.vector_load %arg5[%get3A_191] {strides = array<i32>} : memref<448xf32, #tpu.memory_space<vmem>>, vector<16xf32>,
        %get3A_193 = arith.constant 320 : index
        %get3A_194 = tpu.vector_load %arg5[%get3A_193] {strides = array<i32>} : memref<448xf32, #tpu.memory_space<vmem>>, vector<16xf32>,
        %get3A_195 = arith.constant 336 : index
        %get3A_196 = tpu.vector_load %arg5[%get3A_195] {strides = array<i32>} : memref<448xf32, #tpu.memory_space<vmem>>, vector<16xf32>,
        %get3A_197 = arith.constant 352 : index
        %get3A_198 = tpu.vector_load %arg5[%get3A_197] {strides = array<i32>} : memref<448xf32, #tpu.memory_space<vmem>>, vector<16xf32>,
        %get3A_199 = arith.constant 368 : index
        %get3A_200 = tpu.vector_load %arg5[%get3A_199] {strides = array<i32>} : memref<448xf32, #tpu.memory_space<vmem>>, vector<16xf32>,
        %get3A_201 = arith.constant 384 : index
        %get3A_202 = tpu.vector_load %arg5[%get3A_201] {strides = array<i32>} : memref<448xf32, #tpu.memory_space<vmem>>, vector<16xf32>,
        %get3A_203 = arith.constant 400 : index
        %get3A_204 = tpu.vector_load %arg5[%get3A_203] {strides = array<i32>} : memref<448xf32, #tpu.memory_space<vmem>>, vector<16xf32>,
        %get3A_205 = arith.constant 416 : index
        %get3A_206 = tpu.vector_load %arg5[%get3A_205] {strides = array<i32>} : memref<448xf32, #tpu.memory_space<vmem>>, vector<16xf32>,
        %get3A_207 = arith.constant 432 : index
        %get3A_208 = tpu.vector_load %arg5[%get3A_207] {strides = array<i32>} : memref<448xf32, #tpu.memory_space<vmem>>, vector<16xf32>,
        %scan3A_209 = arith.constant 0 : i32
        %scan3A_210 = arith.constant 1 : i32
        %scan3A_211 = arith.constant 0 : i32
        %scan3A_212 = arith.constant 50 : i32
        %scan3A_213 = arith.addi %scan3A_211, %scan3A_212 : i32
        %scan3A_214 = arith.constant 1 : i32
        scf.for %scan3A_225 = %scan3A_211 to %scan3A_213 step %scan3A_214  : i32 {
          %mul3A_226 = arith.constant 16 : i32
          %mul3A_227 = arith.muli %scan3A_225, %mul3A_226 : i32
          %add3A_228 = arith.addi %mul3A_152, %mul3A_227 : i32
          %get3A_229 = arith.index_cast %add3A_228 : i32 to index
          %get3A_230 = tpu.vector_load %arg6[%get3A_229] {strides = array<i32>} : memref<12800xi32, #tpu.memory_space<vmem>>, vector<16xi32>,
          %broadcast_in_dim3A = arith.constant 0 : i32
          %broadcast_in_dim3A_231 = vector.broadcast %broadcast_in_dim3A : i32 to vector<16x1xi32>
          %gather3A = vector.shape_cast %broadcast_in_dim3A_231 : vector<16x1xi32> to vector<16xi32>
          %gather3A_232 = tpu.dynamic_gather %get3A_230[%gather3A] in [0] : vector<16xi32>, vector<16xi32> -> vector<16xi32>
          %eq3A = arith.constant 1 : i32
          %eq3A_233 = vector.broadcast %eq3A : i32 to vector<16xi32>
          %eq3A_234 = arith.cmpi eq, %gather3A_232, %eq3A_233 : vector<16xi32>
          %eq3A_235 = arith.constant 2 : i32
          %eq3A_236 = vector.broadcast %eq3A_235 : i32 to vector<16xi32>
          %eq3A_237 = arith.cmpi eq, %gather3A_232, %eq3A_236 : vector<16xi32>
          %eq3A_238 = arith.constant 3 : i32
          %eq3A_239 = vector.broadcast %eq3A_238 : i32 to vector<16xi32>
          %eq3A_240 = arith.cmpi eq, %gather3A_232, %eq3A_239 : vector<16xi32>
          %eq3A_241 = arith.constant 4 : i32
          %eq3A_242 = vector.broadcast %eq3A_241 : i32 to vector<16xi32>
          %eq3A_243 = arith.cmpi eq, %gather3A_232, %eq3A_242 : vector<16xi32>
          %eq3A_244 = arith.constant 5 : i32
          %eq3A_245 = vector.broadcast %eq3A_244 : i32 to vector<16xi32>
          %eq3A_246 = arith.cmpi eq, %gather3A_232, %eq3A_245 : vector<16xi32>
          %eq3A_247 = arith.constant 6 : i32
          %eq3A_248 = vector.broadcast %eq3A_247 : i32 to vector<16xi32>
          %eq3A_249 = arith.cmpi eq, %gather3A_232, %eq3A_248 : vector<16xi32>
          %mul3A_250 = arith.constant 16 : i32
          %mul3A_251 = arith.muli %scan3A_225, %mul3A_250 : i32
          %add3A_252 = arith.constant 0 : i32
          %add3A_253 = arith.addi %mul3A_251, %add3A_252 : i32
          %mul3A_254 = arith.constant 64 : i32
          %mul3A_255 = arith.muli %add3A_253, %mul3A_254 : i32
          %select_n3A = arith.select %eq3A_234, %get3A_162, %get3A_154 : vector<16xi1>, vector<16xf32>
          %select_n3A_256 = arith.select %eq3A_237, %get3A_170, %select_n3A : vector<16xi1>, vector<16xf32>
          %select_n3A_257 = arith.select %eq3A_240, %get3A_178, %select_n3A_256 : vector<16xi1>, vector<16xf32>
          %select_n3A_258 = arith.select %eq3A_243, %get3A_186, %select_n3A_257 : vector<16xi1>, vector<16xf32>
          %select_n3A_259 = arith.select %eq3A_246, %get3A_194, %select_n3A_258 : vector<16xi1>, vector<16xf32>
          %select_n3A_260 = arith.select %eq3A_249, %get3A_202, %select_n3A_259 : vector<16xi1>, vector<16xf32>
          %add3A_261 = arith.constant 0 : i32
          %add3A_262 = arith.addi %mul3A_255, %add3A_261 : i32
          %swap3A = arith.constant 0 : i32
          %swap3A_263 = tpu.memref_slice %arg7[%scan3A_210, %swap3A] : memref<2x51200xf32, #tpu.memory_space<vmem>> -> memref<1x51200xf32, #tpu.memory_space<vmem>>
          %swap3A_264 = tpu.memref_squeeze %swap3A_263 : memref<1x51200xf32, #tpu.memory_space<vmem>> -> memref<51200xf32, #tpu.memory_space<vmem>>
          %swap3A_265 = arith.index_cast %add3A_262 : i32 to index
          %swap3A_266 = tpu.vector_load %swap3A_264[%swap3A_265] {strides = array<i32>} : memref<51200xf32, #tpu.memory_space<vmem>>, vector<16xf32>,
          tpu.vector_store %swap3A_264[%swap3A_265], %select_n3A_260 {strides = array<i32>} : memref<51200xf32, #tpu.memory_space<vmem>>, vector<16xf32>,
          %select_n3A_267 = arith.select %eq3A_234, %get3A_164, %get3A_156 : vector<16xi1>, vector<16xf32>
          %select_n3A_268 = arith.select %eq3A_237, %get3A_172, %select_n3A_267 : vector<16xi1>, vector<16xf32>
          %select_n3A_269 = arith.select %eq3A_240, %get3A_180, %select_n3A_268 : vector<16xi1>, vector<16xf32>
          %select_n3A_270 = arith.select %eq3A_243, %get3A_188, %select_n3A_269 : vector<16xi1>, vector<16xf32>
          %select_n3A_271 = arith.select %eq3A_246, %get3A_196, %select_n3A_270 : vector<16xi1>, vector<16xf32>
          %select_n3A_272 = arith.select %eq3A_249, %get3A_204, %select_n3A_271 : vector<16xi1>, vector<16xf32>
          %add3A_273 = arith.constant 16 : i32
          %add3A_274 = arith.addi %mul3A_255, %add3A_273 : i32
          %swap3A_275 = arith.constant 0 : i32
          %swap3A_276 = tpu.memref_slice %arg7[%scan3A_210, %swap3A_275] : memref<2x51200xf32, #tpu.memory_space<vmem>> -> memref<1x51200xf32, #tpu.memory_space<vmem>>
          %swap3A_277 = tpu.memref_squeeze %swap3A_276 : memref<1x51200xf32, #tpu.memory_space<vmem>> -> memref<51200xf32, #tpu.memory_space<vmem>>
          %swap3A_278 = arith.index_cast %add3A_274 : i32 to index
          %swap3A_279 = tpu.vector_load %swap3A_277[%swap3A_278] {strides = array<i32>} : memref<51200xf32, #tpu.memory_space<vmem>>, vector<16xf32>,
          tpu.vector_store %swap3A_277[%swap3A_278], %select_n3A_272 {strides = array<i32>} : memref<51200xf32, #tpu.memory_space<vmem>>, vector<16xf32>,
          %select_n3A_280 = arith.select %eq3A_234, %get3A_166, %get3A_158 : vector<16xi1>, vector<16xf32>
          %select_n3A_281 = arith.select %eq3A_237, %get3A_174, %select_n3A_280 : vector<16xi1>, vector<16xf32>
          %select_n3A_282 = arith.select %eq3A_240, %get3A_182, %select_n3A_281 : vector<16xi1>, vector<16xf32>
          %select_n3A_283 = arith.select %eq3A_243, %get3A_190, %select_n3A_282 : vector<16xi1>, vector<16xf32>
          %select_n3A_284 = arith.select %eq3A_246, %get3A_198, %select_n3A_283 : vector<16xi1>, vector<16xf32>
          %select_n3A_285 = arith.select %eq3A_249, %get3A_206, %select_n3A_284 : vector<16xi1>, vector<16xf32>
          %add3A_286 = arith.constant 32 : i32
          %add3A_287 = arith.addi %mul3A_255, %add3A_286 : i32
          %swap3A_288 = arith.constant 0 : i32
          %swap3A_289 = tpu.memref_slice %arg7[%scan3A_210, %swap3A_288] : memref<2x51200xf32, #tpu.memory_space<vmem>> -> memref<1x51200xf32, #tpu.memory_space<vmem>>
          %swap3A_290 = tpu.memref_squeeze %swap3A_289 : memref<1x51200xf32, #tpu.memory_space<vmem>> -> memref<51200xf32, #tpu.memory_space<vmem>>
          %swap3A_291 = arith.index_cast %add3A_287 : i32 to index
          %swap3A_292 = tpu.vector_load %swap3A_290[%swap3A_291] {strides = array<i32>} : memref<51200xf32, #tpu.memory_space<vmem>>, vector<16xf32>,
          tpu.vector_store %swap3A_290[%swap3A_291], %select_n3A_285 {strides = array<i32>} : memref<51200xf32, #tpu.memory_space<vmem>>, vector<16xf32>,
          %select_n3A_293 = arith.select %eq3A_234, %get3A_168, %get3A_160 : vector<16xi1>, vector<16xf32>
          %select_n3A_294 = arith.select %eq3A_237, %get3A_176, %select_n3A_293 : vector<16xi1>, vector<16xf32>
          %select_n3A_295 = arith.select %eq3A_240, %get3A_184, %select_n3A_294 : vector<16xi1>, vector<16xf32>
          %select_n3A_296 = arith.select %eq3A_243, %get3A_192, %select_n3A_295 : vector<16xi1>, vector<16xf32>
          %select_n3A_297 = arith.select %eq3A_246, %get3A_200, %select_n3A_296 : vector<16xi1>, vector<16xf32>
          %select_n3A_298 = arith.select %eq3A_249, %get3A_208, %select_n3A_297 : vector<16xi1>, vector<16xf32>
          %add3A_299 = arith.constant 48 : i32
          %add3A_300 = arith.addi %mul3A_255, %add3A_299 : i32
          %swap3A_301 = arith.constant 0 : i32
          %swap3A_302 = tpu.memref_slice %arg7[%scan3A_210, %swap3A_301] : memref<2x51200xf32, #tpu.memory_space<vmem>> -> memref<1x51200xf32, #tpu.memory_space<vmem>>
          %swap3A_303 = tpu.memref_squeeze %swap3A_302 : memref<1x51200xf32, #tpu.memory_space<vmem>> -> memref<51200xf32, #tpu.memory_space<vmem>>
          %swap3A_304 = arith.index_cast %add3A_300 : i32 to index
          %swap3A_305 = tpu.vector_load %swap3A_303[%swap3A_304] {strides = array<i32>} : memref<51200xf32, #tpu.memory_space<vmem>>, vector<16xf32>,
          tpu.vector_store %swap3A_303[%swap3A_304], %select_n3A_298 {strides = array<i32>} : memref<51200xf32, #tpu.memory_space<vmem>>, vector<16xf32>,
          %broadcast_in_dim3A_306 = arith.constant 1 : i32
          %broadcast_in_dim3A_307 = vector.broadcast %broadcast_in_dim3A_306 : i32 to vector<16x1xi32>
          %gather3A_308 = vector.shape_cast %broadcast_in_dim3A_307 : vector<16x1xi32> to vector<16xi32>
          %gather3A_309 = tpu.dynamic_gather %get3A_230[%gather3A_308] in [0] : vector<16xi32>, vector<16xi32> -> vector<16xi32>
          %eq3A_310 = arith.constant 1 : i32
          %eq3A_311 = vector.broadcast %eq3A_310 : i32 to vector<16xi32>
          %eq3A_312 = arith.cmpi eq, %gather3A_309, %eq3A_311 : vector<16xi32>
          %eq3A_313 = arith.constant 2 : i32
          %eq3A_314 = vector.broadcast %eq3A_313 : i32 to vector<16xi32>
          %eq3A_315 = arith.cmpi eq, %gather3A_309, %eq3A_314 : vector<16xi32>
          %eq3A_316 = arith.constant 3 : i32
          %eq3A_317 = vector.broadcast %eq3A_316 : i32 to vector<16xi32>
          %eq3A_318 = arith.cmpi eq, %gather3A_309, %eq3A_317 : vector<16xi32>
          %eq3A_319 = arith.constant 4 : i32
          %eq3A_320 = vector.broadcast %eq3A_319 : i32 to vector<16xi32>
          %eq3A_321 = arith.cmpi eq, %gather3A_309, %eq3A_320 : vector<16xi32>
          %eq3A_322 = arith.constant 5 : i32
          %eq3A_323 = vector.broadcast %eq3A_322 : i32 to vector<16xi32>
          %eq3A_324 = arith.cmpi eq, %gather3A_309, %eq3A_323 : vector<16xi32>
          %eq3A_325 = arith.constant 6 : i32
          %eq3A_326 = vector.broadcast %eq3A_325 : i32 to vector<16xi32>
          %eq3A_327 = arith.cmpi eq, %gather3A_309, %eq3A_326 : vector<16xi32>
          %mul3A_328 = arith.constant 16 : i32
          %mul3A_329 = arith.muli %scan3A_225, %mul3A_328 : i32
          %add3A_330 = arith.constant 1 : i32
          %add3A_331 = arith.addi %mul3A_329, %add3A_330 : i32
          %mul3A_332 = arith.constant 64 : i32
          %mul3A_333 = arith.muli %add3A_331, %mul3A_332 : i32
          %select_n3A_334 = arith.select %eq3A_312, %get3A_162, %get3A_154 : vector<16xi1>, vector<16xf32>
          %select_n3A_335 = arith.select %eq3A_315, %get3A_170, %select_n3A_334 : vector<16xi1>, vector<16xf32>
          %select_n3A_336 = arith.select %eq3A_318, %get3A_178, %select_n3A_335 : vector<16xi1>, vector<16xf32>
          %select_n3A_337 = arith.select %eq3A_321, %get3A_186, %select_n3A_336 : vector<16xi1>, vector<16xf32>
          %select_n3A_338 = arith.select %eq3A_324, %get3A_194, %select_n3A_337 : vector<16xi1>, vector<16xf32>
          %select_n3A_339 = arith.select %eq3A_327, %get3A_202, %select_n3A_338 : vector<16xi1>, vector<16xf32>
          %add3A_340 = arith.constant 0 : i32
          %add3A_341 = arith.addi %mul3A_333, %add3A_340 : i32
          %swap3A_342 = arith.constant 0 : i32
          %swap3A_343 = tpu.memref_slice %arg7[%scan3A_210, %swap3A_342] : memref<2x51200xf32, #tpu.memory_space<vmem>> -> memref<1x51200xf32, #tpu.memory_space<vmem>>
          %swap3A_344 = tpu.memref_squeeze %swap3A_343 : memref<1x51200xf32, #tpu.memory_space<vmem>> -> memref<51200xf32, #tpu.memory_space<vmem>>
          %swap3A_345 = arith.index_cast %add3A_341 : i32 to index
          %swap3A_346 = tpu.vector_load %swap3A_344[%swap3A_345] {strides = array<i32>} : memref<51200xf32, #tpu.memory_space<vmem>>, vector<16xf32>,
          tpu.vector_store %swap3A_344[%swap3A_345], %select_n3A_339 {strides = array<i32>} : memref<51200xf32, #tpu.memory_space<vmem>>, vector<16xf32>,
          %select_n3A_347 = arith.select %eq3A_312, %get3A_164, %get3A_156 : vector<16xi1>, vector<16xf32>
          %select_n3A_348 = arith.select %eq3A_315, %get3A_172, %select_n3A_347 : vector<16xi1>, vector<16xf32>
          %select_n3A_349 = arith.select %eq3A_318, %get3A_180, %select_n3A_348 : vector<16xi1>, vector<16xf32>
          %select_n3A_350 = arith.select %eq3A_321, %get3A_188, %select_n3A_349 : vector<16xi1>, vector<16xf32>
          %select_n3A_351 = arith.select %eq3A_324, %get3A_196, %select_n3A_350 : vector<16xi1>, vector<16xf32>
          %select_n3A_352 = arith.select %eq3A_327, %get3A_204, %select_n3A_351 : vector<16xi1>, vector<16xf32>
          %add3A_353 = arith.constant 16 : i32
          %add3A_354 = arith.addi %mul3A_333, %add3A_353 : i32
          %swap3A_355 = arith.constant 0 : i32
          %swap3A_356 = tpu.memref_slice %arg7[%scan3A_210, %swap3A_355] : memref<2x51200xf32, #tpu.memory_space<vmem>> -> memref<1x51200xf32, #tpu.memory_space<vmem>>
          %swap3A_357 = tpu.memref_squeeze %swap3A_356 : memref<1x51200xf32, #tpu.memory_space<vmem>> -> memref<51200xf32, #tpu.memory_space<vmem>>
          %swap3A_358 = arith.index_cast %add3A_354 : i32 to index
          %swap3A_359 = tpu.vector_load %swap3A_357[%swap3A_358] {strides = array<i32>} : memref<51200xf32, #tpu.memory_space<vmem>>, vector<16xf32>,
          tpu.vector_store %swap3A_357[%swap3A_358], %select_n3A_352 {strides = array<i32>} : memref<51200xf32, #tpu.memory_space<vmem>>, vector<16xf32>,
          %select_n3A_360 = arith.select %eq3A_312, %get3A_166, %get3A_158 : vector<16xi1>, vector<16xf32>
          %select_n3A_361 = arith.select %eq3A_315, %get3A_174, %select_n3A_360 : vector<16xi1>, vector<16xf32>
          %select_n3A_362 = arith.select %eq3A_318, %get3A_182, %select_n3A_361 : vector<16xi1>, vector<16xf32>
          %select_n3A_363 = arith.select %eq3A_321, %get3A_190, %select_n3A_362 : vector<16xi1>, vector<16xf32>
          %select_n3A_364 = arith.select %eq3A_324, %get3A_198, %select_n3A_363 : vector<16xi1>, vector<16xf32>
          %select_n3A_365 = arith.select %eq3A_327, %get3A_206, %select_n3A_364 : vector<16xi1>, vector<16xf32>
          %add3A_366 = arith.constant 32 : i32
          %add3A_367 = arith.addi %mul3A_333, %add3A_366 : i32
          %swap3A_368 = arith.constant 0 : i32
          %swap3A_369 = tpu.memref_slice %arg7[%scan3A_210, %swap3A_368] : memref<2x51200xf32, #tpu.memory_space<vmem>> -> memref<1x51200xf32, #tpu.memory_space<vmem>>
          %swap3A_370 = tpu.memref_squeeze %swap3A_369 : memref<1x51200xf32, #tpu.memory_space<vmem>> -> memref<51200xf32, #tpu.memory_space<vmem>>
          %swap3A_371 = arith.index_cast %add3A_367 : i32 to index
          %swap3A_372 = tpu.vector_load %swap3A_370[%swap3A_371] {strides = array<i32>} : memref<51200xf32, #tpu.memory_space<vmem>>, vector<16xf32>,
          tpu.vector_store %swap3A_370[%swap3A_371], %select_n3A_365 {strides = array<i32>} : memref<51200xf32, #tpu.memory_space<vmem>>, vector<16xf32>,
          %select_n3A_373 = arith.select %eq3A_312, %get3A_168, %get3A_160 : vector<16xi1>, vector<16xf32>
          %select_n3A_374 = arith.select %eq3A_315, %get3A_176, %select_n3A_373 : vector<16xi1>, vector<16xf32>
          %select_n3A_375 = arith.select %eq3A_318, %get3A_184, %select_n3A_374 : vector<16xi1>, vector<16xf32>
          %select_n3A_376 = arith.select %eq3A_321, %get3A_192, %select_n3A_375 : vector<16xi1>, vector<16xf32>
          %select_n3A_377 = arith.select %eq3A_324, %get3A_200, %select_n3A_376 : vector<16xi1>, vector<16xf32>
          %select_n3A_378 = arith.select %eq3A_327, %get3A_208, %select_n3A_377 : vector<16xi1>, vector<16xf32>
          %add3A_379 = arith.constant 48 : i32
          %add3A_380 = arith.addi %mul3A_333, %add3A_379 : i32
          %swap3A_381 = arith.constant 0 : i32
          %swap3A_382 = tpu.memref_slice %arg7[%scan3A_210, %swap3A_381] : memref<2x51200xf32, #tpu.memory_space<vmem>> -> memref<1x51200xf32, #tpu.memory_space<vmem>>
          %swap3A_383 = tpu.memref_squeeze %swap3A_382 : memref<1x51200xf32, #tpu.memory_space<vmem>> -> memref<51200xf32, #tpu.memory_space<vmem>>
          %swap3A_384 = arith.index_cast %add3A_380 : i32 to index
          %swap3A_385 = tpu.vector_load %swap3A_383[%swap3A_384] {strides = array<i32>} : memref<51200xf32, #tpu.memory_space<vmem>>, vector<16xf32>,
          tpu.vector_store %swap3A_383[%swap3A_384], %select_n3A_378 {strides = array<i32>} : memref<51200xf32, #tpu.memory_space<vmem>>, vector<16xf32>,
          %broadcast_in_dim3A_386 = arith.constant 2 : i32
          %broadcast_in_dim3A_387 = vector.broadcast %broadcast_in_dim3A_386 : i32 to vector<16x1xi32>
          %gather3A_388 = vector.shape_cast %broadcast_in_dim3A_387 : vector<16x1xi32> to vector<16xi32>
          %gather3A_389 = tpu.dynamic_gather %get3A_230[%gather3A_388] in [0] : vector<16xi32>, vector<16xi32> -> vector<16xi32>
          %eq3A_390 = arith.constant 1 : i32
          %eq3A_391 = vector.broadcast %eq3A_390 : i32 to vector<16xi32>
          %eq3A_392 = arith.cmpi eq, %gather3A_389, %eq3A_391 : vector<16xi32>
          %eq3A_393 = arith.constant 2 : i32
          %eq3A_394 = vector.broadcast %eq3A_393 : i32 to vector<16xi32>
          %eq3A_395 = arith.cmpi eq, %gather3A_389, %eq3A_394 : vector<16xi32>
          %eq3A_396 = arith.constant 3 : i32
          %eq3A_397 = vector.broadcast %eq3A_396 : i32 to vector<16xi32>
          %eq3A_398 = arith.cmpi eq, %gather3A_389, %eq3A_397 : vector<16xi32>
          %eq3A_399 = arith.constant 4 : i32
          %eq3A_400 = vector.broadcast %eq3A_399 : i32 to vector<16xi32>
          %eq3A_401 = arith.cmpi eq, %gather3A_389, %eq3A_400 : vector<16xi32>
          %eq3A_402 = arith.constant 5 : i32
          %eq3A_403 = vector.broadcast %eq3A_402 : i32 to vector<16xi32>
          %eq3A_404 = arith.cmpi eq, %gather3A_389, %eq3A_403 : vector<16xi32>
          %eq3A_405 = arith.constant 6 : i32
          %eq3A_406 = vector.broadcast %eq3A_405 : i32 to vector<16xi32>
          %eq3A_407 = arith.cmpi eq, %gather3A_389, %eq3A_406 : vector<16xi32>
          %mul3A_408 = arith.constant 16 : i32
          %mul3A_409 = arith.muli %scan3A_225, %mul3A_408 : i32
          %add3A_410 = arith.constant 2 : i32
          %add3A_411 = arith.addi %mul3A_409, %add3A_410 : i32
          %mul3A_412 = arith.constant 64 : i32
          %mul3A_413 = arith.muli %add3A_411, %mul3A_412 : i32
          %select_n3A_414 = arith.select %eq3A_392, %get3A_162, %get3A_154 : vector<16xi1>, vector<16xf32>
          %select_n3A_415 = arith.select %eq3A_395, %get3A_170, %select_n3A_414 : vector<16xi1>, vector<16xf32>
          %select_n3A_416 = arith.select %eq3A_398, %get3A_178, %select_n3A_415 : vector<16xi1>, vector<16xf32>
          %select_n3A_417 = arith.select %eq3A_401, %get3A_186, %select_n3A_416 : vector<16xi1>, vector<16xf32>
          %select_n3A_418 = arith.select %eq3A_404, %get3A_194, %select_n3A_417 : vector<16xi1>, vector<16xf32>
          %select_n3A_419 = arith.select %eq3A_407, %get3A_202, %select_n3A_418 : vector<16xi1>, vector<16xf32>
          %add3A_420 = arith.constant 0 : i32
          %add3A_421 = arith.addi %mul3A_413, %add3A_420 : i32
          %swap3A_422 = arith.constant 0 : i32
          %swap3A_423 = tpu.memref_slice %arg7[%scan3A_210, %swap3A_422] : memref<2x51200xf32, #tpu.memory_space<vmem>> -> memref<1x51200xf32, #tpu.memory_space<vmem>>
          %swap3A_424 = tpu.memref_squeeze %swap3A_423 : memref<1x51200xf32, #tpu.memory_space<vmem>> -> memref<51200xf32, #tpu.memory_space<vmem>>
          %swap3A_425 = arith.index_cast %add3A_421 : i32 to index
          %swap3A_426 = tpu.vector_load %swap3A_424[%swap3A_425] {strides = array<i32>} : memref<51200xf32, #tpu.memory_space<vmem>>, vector<16xf32>,
          tpu.vector_store %swap3A_424[%swap3A_425], %select_n3A_419 {strides = array<i32>} : memref<51200xf32, #tpu.memory_space<vmem>>, vector<16xf32>,
          %select_n3A_427 = arith.select %eq3A_392, %get3A_164, %get3A_156 : vector<16xi1>, vector<16xf32>
          %select_n3A_428 = arith.select %eq3A_395, %get3A_172, %select_n3A_427 : vector<16xi1>, vector<16xf32>
          %select_n3A_429 = arith.select %eq3A_398, %get3A_180, %select_n3A_428 : vector<16xi1>, vector<16xf32>
          %select_n3A_430 = arith.select %eq3A_401, %get3A_188, %select_n3A_429 : vector<16xi1>, vector<16xf32>
          %select_n3A_431 = arith.select %eq3A_404, %get3A_196, %select_n3A_430 : vector<16xi1>, vector<16xf32>
          %select_n3A_432 = arith.select %eq3A_407, %get3A_204, %select_n3A_431 : vector<16xi1>, vector<16xf32>
          %add3A_433 = arith.constant 16 : i32
          %add3A_434 = arith.addi %mul3A_413, %add3A_433 : i32
          %swap3A_435 = arith.constant 0 : i32
          %swap3A_436 = tpu.memref_slice %arg7[%scan3A_210, %swap3A_435] : memref<2x51200xf32, #tpu.memory_space<vmem>> -> memref<1x51200xf32, #tpu.memory_space<vmem>>
          %swap3A_437 = tpu.memref_squeeze %swap3A_436 : memref<1x51200xf32, #tpu.memory_space<vmem>> -> memref<51200xf32, #tpu.memory_space<vmem>>
          %swap3A_438 = arith.index_cast %add3A_434 : i32 to index
          %swap3A_439 = tpu.vector_load %swap3A_437[%swap3A_438] {strides = array<i32>} : memref<51200xf32, #tpu.memory_space<vmem>>, vector<16xf32>,
          tpu.vector_store %swap3A_437[%swap3A_438], %select_n3A_432 {strides = array<i32>} : memref<51200xf32, #tpu.memory_space<vmem>>, vector<16xf32>,
          %select_n3A_440 = arith.select %eq3A_392, %get3A_166, %get3A_158 : vector<16xi1>, vector<16xf32>
          %select_n3A_441 = arith.select %eq3A_395, %get3A_174, %select_n3A_440 : vector<16xi1>, vector<16xf32>
          %select_n3A_442 = arith.select %eq3A_398, %get3A_182, %select_n3A_441 : vector<16xi1>, vector<16xf32>
          %select_n3A_443 = arith.select %eq3A_401, %get3A_190, %select_n3A_442 : vector<16xi1>, vector<16xf32>
          %select_n3A_444 = arith.select %eq3A_404, %get3A_198, %select_n3A_443 : vector<16xi1>, vector<16xf32>
          %select_n3A_445 = arith.select %eq3A_407, %get3A_206, %select_n3A_444 : vector<16xi1>, vector<16xf32>
          %add3A_446 = arith.constant 32 : i32
          %add3A_447 = arith.addi %mul3A_413, %add3A_446 : i32
          %swap3A_448 = arith.constant 0 : i32
          %swap3A_449 = tpu.memref_slice %arg7[%scan3A_210, %swap3A_448] : memref<2x51200xf32, #tpu.memory_space<vmem>> -> memref<1x51200xf32, #tpu.memory_space<vmem>>
          %swap3A_450 = tpu.memref_squeeze %swap3A_449 : memref<1x51200xf32, #tpu.memory_space<vmem>> -> memref<51200xf32, #tpu.memory_space<vmem>>
          %swap3A_451 = arith.index_cast %add3A_447 : i32 to index
          %swap3A_452 = tpu.vector_load %swap3A_450[%swap3A_451] {strides = array<i32>} : memref<51200xf32, #tpu.memory_space<vmem>>, vector<16xf32>,
          tpu.vector_store %swap3A_450[%swap3A_451], %select_n3A_445 {strides = array<i32>} : memref<51200xf32, #tpu.memory_space<vmem>>, vector<16xf32>,
          %select_n3A_453 = arith.select %eq3A_392, %get3A_168, %get3A_160 : vector<16xi1>, vector<16xf32>
          %select_n3A_454 = arith.select %eq3A_395, %get3A_176, %select_n3A_453 : vector<16xi1>, vector<16xf32>
          %select_n3A_455 = arith.select %eq3A_398, %get3A_184, %select_n3A_454 : vector<16xi1>, vector<16xf32>
          %select_n3A_456 = arith.select %eq3A_401, %get3A_192, %select_n3A_455 : vector<16xi1>, vector<16xf32>
          %select_n3A_457 = arith.select %eq3A_404, %get3A_200, %select_n3A_456 : vector<16xi1>, vector<16xf32>
          %select_n3A_458 = arith.select %eq3A_407, %get3A_208, %select_n3A_457 : vector<16xi1>, vector<16xf32>
          %add3A_459 = arith.constant 48 : i32
          %add3A_460 = arith.addi %mul3A_413, %add3A_459 : i32
          %swap3A_461 = arith.constant 0 : i32
          %swap3A_462 = tpu.memref_slice %arg7[%scan3A_210, %swap3A_461] : memref<2x51200xf32, #tpu.memory_space<vmem>> -> memref<1x51200xf32, #tpu.memory_space<vmem>>
          %swap3A_463 = tpu.memref_squeeze %swap3A_462 : memref<1x51200xf32, #tpu.memory_space<vmem>> -> memref<51200xf32, #tpu.memory_space<vmem>>
          %swap3A_464 = arith.index_cast %add3A_460 : i32 to index
          %swap3A_465 = tpu.vector_load %swap3A_463[%swap3A_464] {strides = array<i32>} : memref<51200xf32, #tpu.memory_space<vmem>>, vector<16xf32>,
          tpu.vector_store %swap3A_463[%swap3A_464], %select_n3A_458 {strides = array<i32>} : memref<51200xf32, #tpu.memory_space<vmem>>, vector<16xf32>,
          %broadcast_in_dim3A_466 = arith.constant 3 : i32
          %broadcast_in_dim3A_467 = vector.broadcast %broadcast_in_dim3A_466 : i32 to vector<16x1xi32>
          %gather3A_468 = vector.shape_cast %broadcast_in_dim3A_467 : vector<16x1xi32> to vector<16xi32>
          %gather3A_469 = tpu.dynamic_gather %get3A_230[%gather3A_468] in [0] : vector<16xi32>, vector<16xi32> -> vector<16xi32>
          %eq3A_470 = arith.constant 1 : i32
          %eq3A_471 = vector.broadcast %eq3A_470 : i32 to vector<16xi32>
          %eq3A_472 = arith.cmpi eq, %gather3A_469, %eq3A_471 : vector<16xi32>
          %eq3A_473 = arith.constant 2 : i32
          %eq3A_474 = vector.broadcast %eq3A_473 : i32 to vector<16xi32>
          %eq3A_475 = arith.cmpi eq, %gather3A_469, %eq3A_474 : vector<16xi32>
          %eq3A_476 = arith.constant 3 : i32
          %eq3A_477 = vector.broadcast %eq3A_476 : i32 to vector<16xi32>
          %eq3A_478 = arith.cmpi eq, %gather3A_469, %eq3A_477 : vector<16xi32>
          %eq3A_479 = arith.constant 4 : i32
          %eq3A_480 = vector.broadcast %eq3A_479 : i32 to vector<16xi32>
          %eq3A_481 = arith.cmpi eq, %gather3A_469, %eq3A_480 : vector<16xi32>
          %eq3A_482 = arith.constant 5 : i32
          %eq3A_483 = vector.broadcast %eq3A_482 : i32 to vector<16xi32>
          %eq3A_484 = arith.cmpi eq, %gather3A_469, %eq3A_483 : vector<16xi32>
          %eq3A_485 = arith.constant 6 : i32
          %eq3A_486 = vector.broadcast %eq3A_485 : i32 to vector<16xi32>
          %eq3A_487 = arith.cmpi eq, %gather3A_469, %eq3A_486 : vector<16xi32>
          %mul3A_488 = arith.constant 16 : i32
          %mul3A_489 = arith.muli %scan3A_225, %mul3A_488 : i32
          %add3A_490 = arith.constant 3 : i32
          %add3A_491 = arith.addi %mul3A_489, %add3A_490 : i32
          %mul3A_492 = arith.constant 64 : i32
          %mul3A_493 = arith.muli %add3A_491, %mul3A_492 : i32
          %select_n3A_494 = arith.select %eq3A_472, %get3A_162, %get3A_154 : vector<16xi1>, vector<16xf32>
          %select_n3A_495 = arith.select %eq3A_475, %get3A_170, %select_n3A_494 : vector<16xi1>, vector<16xf32>
          %select_n3A_496 = arith.select %eq3A_478, %get3A_178, %select_n3A_495 : vector<16xi1>, vector<16xf32>
          %select_n3A_497 = arith.select %eq3A_481, %get3A_186, %select_n3A_496 : vector<16xi1>, vector<16xf32>
          %select_n3A_498 = arith.select %eq3A_484, %get3A_194, %select_n3A_497 : vector<16xi1>, vector<16xf32>
          %select_n3A_499 = arith.select %eq3A_487, %get3A_202, %select_n3A_498 : vector<16xi1>, vector<16xf32>
          %add3A_500 = arith.constant 0 : i32
          %add3A_501 = arith.addi %mul3A_493, %add3A_500 : i32
          %swap3A_502 = arith.constant 0 : i32
          %swap3A_503 = tpu.memref_slice %arg7[%scan3A_210, %swap3A_502] : memref<2x51200xf32, #tpu.memory_space<vmem>> -> memref<1x51200xf32, #tpu.memory_space<vmem>>
          %swap3A_504 = tpu.memref_squeeze %swap3A_503 : memref<1x51200xf32, #tpu.memory_space<vmem>> -> memref<51200xf32, #tpu.memory_space<vmem>>
          %swap3A_505 = arith.index_cast %add3A_501 : i32 to index
          %swap3A_506 = tpu.vector_load %swap3A_504[%swap3A_505] {strides = array<i32>} : memref<51200xf32, #tpu.memory_space<vmem>>, vector<16xf32>,
          tpu.vector_store %swap3A_504[%swap3A_505], %select_n3A_499 {strides = array<i32>} : memref<51200xf32, #tpu.memory_space<vmem>>, vector<16xf32>,
          %select_n3A_507 = arith.select %eq3A_472, %get3A_164, %get3A_156 : vector<16xi1>, vector<16xf32>
          %select_n3A_508 = arith.select %eq3A_475, %get3A_172, %select_n3A_507 : vector<16xi1>, vector<16xf32>
          %select_n3A_509 = arith.select %eq3A_478, %get3A_180, %select_n3A_508 : vector<16xi1>, vector<16xf32>
          %select_n3A_510 = arith.select %eq3A_481, %get3A_188, %select_n3A_509 : vector<16xi1>, vector<16xf32>
          %select_n3A_511 = arith.select %eq3A_484, %get3A_196, %select_n3A_510 : vector<16xi1>, vector<16xf32>
          %select_n3A_512 = arith.select %eq3A_487, %get3A_204, %select_n3A_511 : vector<16xi1>, vector<16xf32>
          %add3A_513 = arith.constant 16 : i32
          %add3A_514 = arith.addi %mul3A_493, %add3A_513 : i32
          %swap3A_515 = arith.constant 0 : i32
          %swap3A_516 = tpu.memref_slice %arg7[%scan3A_210, %swap3A_515] : memref<2x51200xf32, #tpu.memory_space<vmem>> -> memref<1x51200xf32, #tpu.memory_space<vmem>>
          %swap3A_517 = tpu.memref_squeeze %swap3A_516 : memref<1x51200xf32, #tpu.memory_space<vmem>> -> memref<51200xf32, #tpu.memory_space<vmem>>
          %swap3A_518 = arith.index_cast %add3A_514 : i32 to index
          %swap3A_519 = tpu.vector_load %swap3A_517[%swap3A_518] {strides = array<i32>} : memref<51200xf32, #tpu.memory_space<vmem>>, vector<16xf32>,
          tpu.vector_store %swap3A_517[%swap3A_518], %select_n3A_512 {strides = array<i32>} : memref<51200xf32, #tpu.memory_space<vmem>>, vector<16xf32>,
          %select_n3A_520 = arith.select %eq3A_472, %get3A_166, %get3A_158 : vector<16xi1>, vector<16xf32>
          %select_n3A_521 = arith.select %eq3A_475, %get3A_174, %select_n3A_520 : vector<16xi1>, vector<16xf32>
          %select_n3A_522 = arith.select %eq3A_478, %get3A_182, %select_n3A_521 : vector<16xi1>, vector<16xf32>
          %select_n3A_523 = arith.select %eq3A_481, %get3A_190, %select_n3A_522 : vector<16xi1>, vector<16xf32>
          %select_n3A_524 = arith.select %eq3A_484, %get3A_198, %select_n3A_523 : vector<16xi1>, vector<16xf32>
          %select_n3A_525 = arith.select %eq3A_487, %get3A_206, %select_n3A_524 : vector<16xi1>, vector<16xf32>
          %add3A_526 = arith.constant 32 : i32
          %add3A_527 = arith.addi %mul3A_493, %add3A_526 : i32
          %swap3A_528 = arith.constant 0 : i32
          %swap3A_529 = tpu.memref_slice %arg7[%scan3A_210, %swap3A_528] : memref<2x51200xf32, #tpu.memory_space<vmem>> -> memref<1x51200xf32, #tpu.memory_space<vmem>>
          %swap3A_530 = tpu.memref_squeeze %swap3A_529 : memref<1x51200xf32, #tpu.memory_space<vmem>> -> memref<51200xf32, #tpu.memory_space<vmem>>
          %swap3A_531 = arith.index_cast %add3A_527 : i32 to index
          %swap3A_532 = tpu.vector_load %swap3A_530[%swap3A_531] {strides = array<i32>} : memref<51200xf32, #tpu.memory_space<vmem>>, vector<16xf32>,
          tpu.vector_store %swap3A_530[%swap3A_531], %select_n3A_525 {strides = array<i32>} : memref<51200xf32, #tpu.memory_space<vmem>>, vector<16xf32>,
          %select_n3A_533 = arith.select %eq3A_472, %get3A_168, %get3A_160 : vector<16xi1>, vector<16xf32>
          %select_n3A_534 = arith.select %eq3A_475, %get3A_176, %select_n3A_533 : vector<16xi1>, vector<16xf32>
          %select_n3A_535 = arith.select %eq3A_478, %get3A_184, %select_n3A_534 : vector<16xi1>, vector<16xf32>
          %select_n3A_536 = arith.select %eq3A_481, %get3A_192, %select_n3A_535 : vector<16xi1>, vector<16xf32>
          %select_n3A_537 = arith.select %eq3A_484, %get3A_200, %select_n3A_536 : vector<16xi1>, vector<16xf32>
          %select_n3A_538 = arith.select %eq3A_487, %get3A_208, %select_n3A_537 : vector<16xi1>, vector<16xf32>
          %add3A_539 = arith.constant 48 : i32
          %add3A_540 = arith.addi %mul3A_493, %add3A_539 : i32
          %swap3A_541 = arith.constant 0 : i32
          %swap3A_542 = tpu.memref_slice %arg7[%scan3A_210, %swap3A_541] : memref<2x51200xf32, #tpu.memory_space<vmem>> -> memref<1x51200xf32, #tpu.memory_space<vmem>>
          %swap3A_543 = tpu.memref_squeeze %swap3A_542 : memref<1x51200xf32, #tpu.memory_space<vmem>> -> memref<51200xf32, #tpu.memory_space<vmem>>
          %swap3A_544 = arith.index_cast %add3A_540 : i32 to index
          %swap3A_545 = tpu.vector_load %swap3A_543[%swap3A_544] {strides = array<i32>} : memref<51200xf32, #tpu.memory_space<vmem>>, vector<16xf32>,
          tpu.vector_store %swap3A_543[%swap3A_544], %select_n3A_538 {strides = array<i32>} : memref<51200xf32, #tpu.memory_space<vmem>>, vector<16xf32>,
          %broadcast_in_dim3A_546 = arith.constant 4 : i32
          %broadcast_in_dim3A_547 = vector.broadcast %broadcast_in_dim3A_546 : i32 to vector<16x1xi32>
          %gather3A_548 = vector.shape_cast %broadcast_in_dim3A_547 : vector<16x1xi32> to vector<16xi32>
          %gather3A_549 = tpu.dynamic_gather %get3A_230[%gather3A_548] in [0] : vector<16xi32>, vector<16xi32> -> vector<16xi32>
          %eq3A_550 = arith.constant 1 : i32
          %eq3A_551 = vector.broadcast %eq3A_550 : i32 to vector<16xi32>
          %eq3A_552 = arith.cmpi eq, %gather3A_549, %eq3A_551 : vector<16xi32>
          %eq3A_553 = arith.constant 2 : i32
          %eq3A_554 = vector.broadcast %eq3A_553 : i32 to vector<16xi32>
          %eq3A_555 = arith.cmpi eq, %gather3A_549, %eq3A_554 : vector<16xi32>
          %eq3A_556 = arith.constant 3 : i32
          %eq3A_557 = vector.broadcast %eq3A_556 : i32 to vector<16xi32>
          %eq3A_558 = arith.cmpi eq, %gather3A_549, %eq3A_557 : vector<16xi32>
          %eq3A_559 = arith.constant 4 : i32
          %eq3A_560 = vector.broadcast %eq3A_559 : i32 to vector<16xi32>
          %eq3A_561 = arith.cmpi eq, %gather3A_549, %eq3A_560 : vector<16xi32>
          %eq3A_562 = arith.constant 5 : i32
          %eq3A_563 = vector.broadcast %eq3A_562 : i32 to vector<16xi32>
          %eq3A_564 = arith.cmpi eq, %gather3A_549, %eq3A_563 : vector<16xi32>
          %eq3A_565 = arith.constant 6 : i32
          %eq3A_566 = vector.broadcast %eq3A_565 : i32 to vector<16xi32>
          %eq3A_567 = arith.cmpi eq, %gather3A_549, %eq3A_566 : vector<16xi32>
          %mul3A_568 = arith.constant 16 : i32
          %mul3A_569 = arith.muli %scan3A_225, %mul3A_568 : i32
          %add3A_570 = arith.constant 4 : i32
          %add3A_571 = arith.addi %mul3A_569, %add3A_570 : i32
          %mul3A_572 = arith.constant 64 : i32
          %mul3A_573 = arith.muli %add3A_571, %mul3A_572 : i32
          %select_n3A_574 = arith.select %eq3A_552, %get3A_162, %get3A_154 : vector<16xi1>, vector<16xf32>
          %select_n3A_575 = arith.select %eq3A_555, %get3A_170, %select_n3A_574 : vector<16xi1>, vector<16xf32>
          %select_n3A_576 = arith.select %eq3A_558, %get3A_178, %select_n3A_575 : vector<16xi1>, vector<16xf32>
          %select_n3A_577 = arith.select %eq3A_561, %get3A_186, %select_n3A_576 : vector<16xi1>, vector<16xf32>
          %select_n3A_578 = arith.select %eq3A_564, %get3A_194, %select_n3A_577 : vector<16xi1>, vector<16xf32>
          %select_n3A_579 = arith.select %eq3A_567, %get3A_202, %select_n3A_578 : vector<16xi1>, vector<16xf32>
          %add3A_580 = arith.constant 0 : i32
          %add3A_581 = arith.addi %mul3A_573, %add3A_580 : i32
          %swap3A_582 = arith.constant 0 : i32
          %swap3A_583 = tpu.memref_slice %arg7[%scan3A_210, %swap3A_582] : memref<2x51200xf32, #tpu.memory_space<vmem>> -> memref<1x51200xf32, #tpu.memory_space<vmem>>
          %swap3A_584 = tpu.memref_squeeze %swap3A_583 : memref<1x51200xf32, #tpu.memory_space<vmem>> -> memref<51200xf32, #tpu.memory_space<vmem>>
          %swap3A_585 = arith.index_cast %add3A_581 : i32 to index
          %swap3A_586 = tpu.vector_load %swap3A_584[%swap3A_585] {strides = array<i32>} : memref<51200xf32, #tpu.memory_space<vmem>>, vector<16xf32>,
          tpu.vector_store %swap3A_584[%swap3A_585], %select_n3A_579 {strides = array<i32>} : memref<51200xf32, #tpu.memory_space<vmem>>, vector<16xf32>,
          %select_n3A_587 = arith.select %eq3A_552, %get3A_164, %get3A_156 : vector<16xi1>, vector<16xf32>
          %select_n3A_588 = arith.select %eq3A_555, %get3A_172, %select_n3A_587 : vector<16xi1>, vector<16xf32>
          %select_n3A_589 = arith.select %eq3A_558, %get3A_180, %select_n3A_588 : vector<16xi1>, vector<16xf32>
          %select_n3A_590 = arith.select %eq3A_561, %get3A_188, %select_n3A_589 : vector<16xi1>, vector<16xf32>
          %select_n3A_591 = arith.select %eq3A_564, %get3A_196, %select_n3A_590 : vector<16xi1>, vector<16xf32>
          %select_n3A_592 = arith.select %eq3A_567, %get3A_204, %select_n3A_591 : vector<16xi1>, vector<16xf32>
          %add3A_593 = arith.constant 16 : i32
          %add3A_594 = arith.addi %mul3A_573, %add3A_593 : i32
          %swap3A_595 = arith.constant 0 : i32
          %swap3A_596 = tpu.memref_slice %arg7[%scan3A_210, %swap3A_595] : memref<2x51200xf32, #tpu.memory_space<vmem>> -> memref<1x51200xf32, #tpu.memory_space<vmem>>
          %swap3A_597 = tpu.memref_squeeze %swap3A_596 : memref<1x51200xf32, #tpu.memory_space<vmem>> -> memref<51200xf32, #tpu.memory_space<vmem>>
          %swap3A_598 = arith.index_cast %add3A_594 : i32 to index
          %swap3A_599 = tpu.vector_load %swap3A_597[%swap3A_598] {strides = array<i32>} : memref<51200xf32, #tpu.memory_space<vmem>>, vector<16xf32>,
          tpu.vector_store %swap3A_597[%swap3A_598], %select_n3A_592 {strides = array<i32>} : memref<51200xf32, #tpu.memory_space<vmem>>, vector<16xf32>,
          %select_n3A_600 = arith.select %eq3A_552, %get3A_166, %get3A_158 : vector<16xi1>, vector<16xf32>
          %select_n3A_601 = arith.select %eq3A_555, %get3A_174, %select_n3A_600 : vector<16xi1>, vector<16xf32>
          %select_n3A_602 = arith.select %eq3A_558, %get3A_182, %select_n3A_601 : vector<16xi1>, vector<16xf32>
          %select_n3A_603 = arith.select %eq3A_561, %get3A_190, %select_n3A_602 : vector<16xi1>, vector<16xf32>
          %select_n3A_604 = arith.select %eq3A_564, %get3A_198, %select_n3A_603 : vector<16xi1>, vector<16xf32>
          %select_n3A_605 = arith.select %eq3A_567, %get3A_206, %select_n3A_604 : vector<16xi1>, vector<16xf32>
          %add3A_606 = arith.constant 32 : i32
          %add3A_607 = arith.addi %mul3A_573, %add3A_606 : i32
          %swap3A_608 = arith.constant 0 : i32
          %swap3A_609 = tpu.memref_slice %arg7[%scan3A_210, %swap3A_608] : memref<2x51200xf32, #tpu.memory_space<vmem>> -> memref<1x51200xf32, #tpu.memory_space<vmem>>
          %swap3A_610 = tpu.memref_squeeze %swap3A_609 : memref<1x51200xf32, #tpu.memory_space<vmem>> -> memref<51200xf32, #tpu.memory_space<vmem>>
          %swap3A_611 = arith.index_cast %add3A_607 : i32 to index
          %swap3A_612 = tpu.vector_load %swap3A_610[%swap3A_611] {strides = array<i32>} : memref<51200xf32, #tpu.memory_space<vmem>>, vector<16xf32>,
          tpu.vector_store %swap3A_610[%swap3A_611], %select_n3A_605 {strides = array<i32>} : memref<51200xf32, #tpu.memory_space<vmem>>, vector<16xf32>,
          %select_n3A_613 = arith.select %eq3A_552, %get3A_168, %get3A_160 : vector<16xi1>, vector<16xf32>
          %select_n3A_614 = arith.select %eq3A_555, %get3A_176, %select_n3A_613 : vector<16xi1>, vector<16xf32>
          %select_n3A_615 = arith.select %eq3A_558, %get3A_184, %select_n3A_614 : vector<16xi1>, vector<16xf32>
          %select_n3A_616 = arith.select %eq3A_561, %get3A_192, %select_n3A_615 : vector<16xi1>, vector<16xf32>
          %select_n3A_617 = arith.select %eq3A_564, %get3A_200, %select_n3A_616 : vector<16xi1>, vector<16xf32>
          %select_n3A_618 = arith.select %eq3A_567, %get3A_208, %select_n3A_617 : vector<16xi1>, vector<16xf32>
          %add3A_619 = arith.constant 48 : i32
          %add3A_620 = arith.addi %mul3A_573, %add3A_619 : i32
          %swap3A_621 = arith.constant 0 : i32
          %swap3A_622 = tpu.memref_slice %arg7[%scan3A_210, %swap3A_621] : memref<2x51200xf32, #tpu.memory_space<vmem>> -> memref<1x51200xf32, #tpu.memory_space<vmem>>
          %swap3A_623 = tpu.memref_squeeze %swap3A_622 : memref<1x51200xf32, #tpu.memory_space<vmem>> -> memref<51200xf32, #tpu.memory_space<vmem>>
          %swap3A_624 = arith.index_cast %add3A_620 : i32 to index
          %swap3A_625 = tpu.vector_load %swap3A_623[%swap3A_624] {strides = array<i32>} : memref<51200xf32, #tpu.memory_space<vmem>>, vector<16xf32>,
          tpu.vector_store %swap3A_623[%swap3A_624], %select_n3A_618 {strides = array<i32>} : memref<51200xf32, #tpu.memory_space<vmem>>, vector<16xf32>,
          %broadcast_in_dim3A_626 = arith.constant 5 : i32
          %broadcast_in_dim3A_627 = vector.broadcast %broadcast_in_dim3A_626 : i32 to vector<16x1xi32>
          %gather3A_628 = vector.shape_cast %broadcast_in_dim3A_627 : vector<16x1xi32> to vector<16xi32>
          %gather3A_629 = tpu.dynamic_gather %get3A_230[%gather3A_628] in [0] : vector<16xi32>, vector<16xi32> -> vector<16xi32>
          %eq3A_630 = arith.constant 1 : i32
          %eq3A_631 = vector.broadcast %eq3A_630 : i32 to vector<16xi32>
          %eq3A_632 = arith.cmpi eq, %gather3A_629, %eq3A_631 : vector<16xi32>
          %eq3A_633 = arith.constant 2 : i32
          %eq3A_634 = vector.broadcast %eq3A_633 : i32 to vector<16xi32>
          %eq3A_635 = arith.cmpi eq, %gather3A_629, %eq3A_634 : vector<16xi32>
          %eq3A_636 = arith.constant 3 : i32
          %eq3A_637 = vector.broadcast %eq3A_636 : i32 to vector<16xi32>
          %eq3A_638 = arith.cmpi eq, %gather3A_629, %eq3A_637 : vector<16xi32>
          %eq3A_639 = arith.constant 4 : i32
          %eq3A_640 = vector.broadcast %eq3A_639 : i32 to vector<16xi32>
          %eq3A_641 = arith.cmpi eq, %gather3A_629, %eq3A_640 : vector<16xi32>
          %eq3A_642 = arith.constant 5 : i32
          %eq3A_643 = vector.broadcast %eq3A_642 : i32 to vector<16xi32>
          %eq3A_644 = arith.cmpi eq, %gather3A_629, %eq3A_643 : vector<16xi32>
          %eq3A_645 = arith.constant 6 : i32
          %eq3A_646 = vector.broadcast %eq3A_645 : i32 to vector<16xi32>
          %eq3A_647 = arith.cmpi eq, %gather3A_629, %eq3A_646 : vector<16xi32>
          %mul3A_648 = arith.constant 16 : i32
          %mul3A_649 = arith.muli %scan3A_225, %mul3A_648 : i32
          %add3A_650 = arith.constant 5 : i32
          %add3A_651 = arith.addi %mul3A_649, %add3A_650 : i32
          %mul3A_652 = arith.constant 64 : i32
          %mul3A_653 = arith.muli %add3A_651, %mul3A_652 : i32
          %select_n3A_654 = arith.select %eq3A_632, %get3A_162, %get3A_154 : vector<16xi1>, vector<16xf32>
          %select_n3A_655 = arith.select %eq3A_635, %get3A_170, %select_n3A_654 : vector<16xi1>, vector<16xf32>
          %select_n3A_656 = arith.select %eq3A_638, %get3A_178, %select_n3A_655 : vector<16xi1>, vector<16xf32>
          %select_n3A_657 = arith.select %eq3A_641, %get3A_186, %select_n3A_656 : vector<16xi1>, vector<16xf32>
          %select_n3A_658 = arith.select %eq3A_644, %get3A_194, %select_n3A_657 : vector<16xi1>, vector<16xf32>
          %select_n3A_659 = arith.select %eq3A_647, %get3A_202, %select_n3A_658 : vector<16xi1>, vector<16xf32>
          %add3A_660 = arith.constant 0 : i32
          %add3A_661 = arith.addi %mul3A_653, %add3A_660 : i32
          %swap3A_662 = arith.constant 0 : i32
          %swap3A_663 = tpu.memref_slice %arg7[%scan3A_210, %swap3A_662] : memref<2x51200xf32, #tpu.memory_space<vmem>> -> memref<1x51200xf32, #tpu.memory_space<vmem>>
          %swap3A_664 = tpu.memref_squeeze %swap3A_663 : memref<1x51200xf32, #tpu.memory_space<vmem>> -> memref<51200xf32, #tpu.memory_space<vmem>>
          %swap3A_665 = arith.index_cast %add3A_661 : i32 to index
          %swap3A_666 = tpu.vector_load %swap3A_664[%swap3A_665] {strides = array<i32>} : memref<51200xf32, #tpu.memory_space<vmem>>, vector<16xf32>,
          tpu.vector_store %swap3A_664[%swap3A_665], %select_n3A_659 {strides = array<i32>} : memref<51200xf32, #tpu.memory_space<vmem>>, vector<16xf32>,
          %select_n3A_667 = arith.select %eq3A_632, %get3A_164, %get3A_156 : vector<16xi1>, vector<16xf32>
          %select_n3A_668 = arith.select %eq3A_635, %get3A_172, %select_n3A_667 : vector<16xi1>, vector<16xf32>
          %select_n3A_669 = arith.select %eq3A_638, %get3A_180, %select_n3A_668 : vector<16xi1>, vector<16xf32>
          %select_n3A_670 = arith.select %eq3A_641, %get3A_188, %select_n3A_669 : vector<16xi1>, vector<16xf32>
          %select_n3A_671 = arith.select %eq3A_644, %get3A_196, %select_n3A_670 : vector<16xi1>, vector<16xf32>
          %select_n3A_672 = arith.select %eq3A_647, %get3A_204, %select_n3A_671 : vector<16xi1>, vector<16xf32>
          %add3A_673 = arith.constant 16 : i32
          %add3A_674 = arith.addi %mul3A_653, %add3A_673 : i32
          %swap3A_675 = arith.constant 0 : i32
          %swap3A_676 = tpu.memref_slice %arg7[%scan3A_210, %swap3A_675] : memref<2x51200xf32, #tpu.memory_space<vmem>> -> memref<1x51200xf32, #tpu.memory_space<vmem>>
          %swap3A_677 = tpu.memref_squeeze %swap3A_676 : memref<1x51200xf32, #tpu.memory_space<vmem>> -> memref<51200xf32, #tpu.memory_space<vmem>>
          %swap3A_678 = arith.index_cast %add3A_674 : i32 to index
          %swap3A_679 = tpu.vector_load %swap3A_677[%swap3A_678] {strides = array<i32>} : memref<51200xf32, #tpu.memory_space<vmem>>, vector<16xf32>,
          tpu.vector_store %swap3A_677[%swap3A_678], %select_n3A_672 {strides = array<i32>} : memref<51200xf32, #tpu.memory_space<vmem>>, vector<16xf32>,
          %select_n3A_680 = arith.select %eq3A_632, %get3A_166, %get3A_158 : vector<16xi1>, vector<16xf32>
          %select_n3A_681 = arith.select %eq3A_635, %get3A_174, %select_n3A_680 : vector<16xi1>, vector<16xf32>
          %select_n3A_682 = arith.select %eq3A_638, %get3A_182, %select_n3A_681 : vector<16xi1>, vector<16xf32>
          %select_n3A_683 = arith.select %eq3A_641, %get3A_190, %select_n3A_682 : vector<16xi1>, vector<16xf32>
          %select_n3A_684 = arith.select %eq3A_644, %get3A_198, %select_n3A_683 : vector<16xi1>, vector<16xf32>
          %select_n3A_685 = arith.select %eq3A_647, %get3A_206, %select_n3A_684 : vector<16xi1>, vector<16xf32>
          %add3A_686 = arith.constant 32 : i32
          %add3A_687 = arith.addi %mul3A_653, %add3A_686 : i32
          %swap3A_688 = arith.constant 0 : i32
          %swap3A_689 = tpu.memref_slice %arg7[%scan3A_210, %swap3A_688] : memref<2x51200xf32, #tpu.memory_space<vmem>> -> memref<1x51200xf32, #tpu.memory_space<vmem>>
          %swap3A_690 = tpu.memref_squeeze %swap3A_689 : memref<1x51200xf32, #tpu.memory_space<vmem>> -> memref<51200xf32, #tpu.memory_space<vmem>>
          %swap3A_691 = arith.index_cast %add3A_687 : i32 to index
          %swap3A_692 = tpu.vector_load %swap3A_690[%swap3A_691] {strides = array<i32>} : memref<51200xf32, #tpu.memory_space<vmem>>, vector<16xf32>,
          tpu.vector_store %swap3A_690[%swap3A_691], %select_n3A_685 {strides = array<i32>} : memref<51200xf32, #tpu.memory_space<vmem>>, vector<16xf32>,
          %select_n3A_693 = arith.select %eq3A_632, %get3A_168, %get3A_160 : vector<16xi1>, vector<16xf32>
          %select_n3A_694 = arith.select %eq3A_635, %get3A_176, %select_n3A_693 : vector<16xi1>, vector<16xf32>
          %select_n3A_695 = arith.select %eq3A_638, %get3A_184, %select_n3A_694 : vector<16xi1>, vector<16xf32>
          %select_n3A_696 = arith.select %eq3A_641, %get3A_192, %select_n3A_695 : vector<16xi1>, vector<16xf32>
          %select_n3A_697 = arith.select %eq3A_644, %get3A_200, %select_n3A_696 : vector<16xi1>, vector<16xf32>
          %select_n3A_698 = arith.select %eq3A_647, %get3A_208, %select_n3A_697 : vector<16xi1>, vector<16xf32>
          %add3A_699 = arith.constant 48 : i32
          %add3A_700 = arith.addi %mul3A_653, %add3A_699 : i32
          %swap3A_701 = arith.constant 0 : i32
          %swap3A_702 = tpu.memref_slice %arg7[%scan3A_210, %swap3A_701] : memref<2x51200xf32, #tpu.memory_space<vmem>> -> memref<1x51200xf32, #tpu.memory_space<vmem>>
          %swap3A_703 = tpu.memref_squeeze %swap3A_702 : memref<1x51200xf32, #tpu.memory_space<vmem>> -> memref<51200xf32, #tpu.memory_space<vmem>>
          %swap3A_704 = arith.index_cast %add3A_700 : i32 to index
          %swap3A_705 = tpu.vector_load %swap3A_703[%swap3A_704] {strides = array<i32>} : memref<51200xf32, #tpu.memory_space<vmem>>, vector<16xf32>,
          tpu.vector_store %swap3A_703[%swap3A_704], %select_n3A_698 {strides = array<i32>} : memref<51200xf32, #tpu.memory_space<vmem>>, vector<16xf32>,
          %broadcast_in_dim3A_706 = arith.constant 6 : i32
          %broadcast_in_dim3A_707 = vector.broadcast %broadcast_in_dim3A_706 : i32 to vector<16x1xi32>
          %gather3A_708 = vector.shape_cast %broadcast_in_dim3A_707 : vector<16x1xi32> to vector<16xi32>
          %gather3A_709 = tpu.dynamic_gather %get3A_230[%gather3A_708] in [0] : vector<16xi32>, vector<16xi32> -> vector<16xi32>
          %eq3A_710 = arith.constant 1 : i32
          %eq3A_711 = vector.broadcast %eq3A_710 : i32 to vector<16xi32>
          %eq3A_712 = arith.cmpi eq, %gather3A_709, %eq3A_711 : vector<16xi32>
          %eq3A_713 = arith.constant 2 : i32
          %eq3A_714 = vector.broadcast %eq3A_713 : i32 to vector<16xi32>
          %eq3A_715 = arith.cmpi eq, %gather3A_709, %eq3A_714 : vector<16xi32>
          %eq3A_716 = arith.constant 3 : i32
          %eq3A_717 = vector.broadcast %eq3A_716 : i32 to vector<16xi32>
          %eq3A_718 = arith.cmpi eq, %gather3A_709, %eq3A_717 : vector<16xi32>
          %eq3A_719 = arith.constant 4 : i32
          %eq3A_720 = vector.broadcast %eq3A_719 : i32 to vector<16xi32>
          %eq3A_721 = arith.cmpi eq, %gather3A_709, %eq3A_720 : vector<16xi32>
          %eq3A_722 = arith.constant 5 : i32
          %eq3A_723 = vector.broadcast %eq3A_722 : i32 to vector<16xi32>
          %eq3A_724 = arith.cmpi eq, %gather3A_709, %eq3A_723 : vector<16xi32>
          %eq3A_725 = arith.constant 6 : i32
          %eq3A_726 = vector.broadcast %eq3A_725 : i32 to vector<16xi32>
          %eq3A_727 = arith.cmpi eq, %gather3A_709, %eq3A_726 : vector<16xi32>
          %mul3A_728 = arith.constant 16 : i32
          %mul3A_729 = arith.muli %scan3A_225, %mul3A_728 : i32
          %add3A_730 = arith.constant 6 : i32
          %add3A_731 = arith.addi %mul3A_729, %add3A_730 : i32
          %mul3A_732 = arith.constant 64 : i32
          %mul3A_733 = arith.muli %add3A_731, %mul3A_732 : i32
          %select_n3A_734 = arith.select %eq3A_712, %get3A_162, %get3A_154 : vector<16xi1>, vector<16xf32>
          %select_n3A_735 = arith.select %eq3A_715, %get3A_170, %select_n3A_734 : vector<16xi1>, vector<16xf32>
          %select_n3A_736 = arith.select %eq3A_718, %get3A_178, %select_n3A_735 : vector<16xi1>, vector<16xf32>
          %select_n3A_737 = arith.select %eq3A_721, %get3A_186, %select_n3A_736 : vector<16xi1>, vector<16xf32>
          %select_n3A_738 = arith.select %eq3A_724, %get3A_194, %select_n3A_737 : vector<16xi1>, vector<16xf32>
          %select_n3A_739 = arith.select %eq3A_727, %get3A_202, %select_n3A_738 : vector<16xi1>, vector<16xf32>
          %add3A_740 = arith.constant 0 : i32
          %add3A_741 = arith.addi %mul3A_733, %add3A_740 : i32
          %swap3A_742 = arith.constant 0 : i32
          %swap3A_743 = tpu.memref_slice %arg7[%scan3A_210, %swap3A_742] : memref<2x51200xf32, #tpu.memory_space<vmem>> -> memref<1x51200xf32, #tpu.memory_space<vmem>>
          %swap3A_744 = tpu.memref_squeeze %swap3A_743 : memref<1x51200xf32, #tpu.memory_space<vmem>> -> memref<51200xf32, #tpu.memory_space<vmem>>
          %swap3A_745 = arith.index_cast %add3A_741 : i32 to index
          %swap3A_746 = tpu.vector_load %swap3A_744[%swap3A_745] {strides = array<i32>} : memref<51200xf32, #tpu.memory_space<vmem>>, vector<16xf32>,
          tpu.vector_store %swap3A_744[%swap3A_745], %select_n3A_739 {strides = array<i32>} : memref<51200xf32, #tpu.memory_space<vmem>>, vector<16xf32>,
          %select_n3A_747 = arith.select %eq3A_712, %get3A_164, %get3A_156 : vector<16xi1>, vector<16xf32>
          %select_n3A_748 = arith.select %eq3A_715, %get3A_172, %select_n3A_747 : vector<16xi1>, vector<16xf32>
          %select_n3A_749 = arith.select %eq3A_718, %get3A_180, %select_n3A_748 : vector<16xi1>, vector<16xf32>
          %select_n3A_750 = arith.select %eq3A_721, %get3A_188, %select_n3A_749 : vector<16xi1>, vector<16xf32>
          %select_n3A_751 = arith.select %eq3A_724, %get3A_196, %select_n3A_750 : vector<16xi1>, vector<16xf32>
          %select_n3A_752 = arith.select %eq3A_727, %get3A_204, %select_n3A_751 : vector<16xi1>, vector<16xf32>
          %add3A_753 = arith.constant 16 : i32
          %add3A_754 = arith.addi %mul3A_733, %add3A_753 : i32
          %swap3A_755 = arith.constant 0 : i32
          %swap3A_756 = tpu.memref_slice %arg7[%scan3A_210, %swap3A_755] : memref<2x51200xf32, #tpu.memory_space<vmem>> -> memref<1x51200xf32, #tpu.memory_space<vmem>>
          %swap3A_757 = tpu.memref_squeeze %swap3A_756 : memref<1x51200xf32, #tpu.memory_space<vmem>> -> memref<51200xf32, #tpu.memory_space<vmem>>
          %swap3A_758 = arith.index_cast %add3A_754 : i32 to index
          %swap3A_759 = tpu.vector_load %swap3A_757[%swap3A_758] {strides = array<i32>} : memref<51200xf32, #tpu.memory_space<vmem>>, vector<16xf32>,
          tpu.vector_store %swap3A_757[%swap3A_758], %select_n3A_752 {strides = array<i32>} : memref<51200xf32, #tpu.memory_space<vmem>>, vector<16xf32>,
          %select_n3A_760 = arith.select %eq3A_712, %get3A_166, %get3A_158 : vector<16xi1>, vector<16xf32>
          %select_n3A_761 = arith.select %eq3A_715, %get3A_174, %select_n3A_760 : vector<16xi1>, vector<16xf32>
          %select_n3A_762 = arith.select %eq3A_718, %get3A_182, %select_n3A_761 : vector<16xi1>, vector<16xf32>
          %select_n3A_763 = arith.select %eq3A_721, %get3A_190, %select_n3A_762 : vector<16xi1>, vector<16xf32>
          %select_n3A_764 = arith.select %eq3A_724, %get3A_198, %select_n3A_763 : vector<16xi1>, vector<16xf32>
          %select_n3A_765 = arith.select %eq3A_727, %get3A_206, %select_n3A_764 : vector<16xi1>, vector<16xf32>
          %add3A_766 = arith.constant 32 : i32
          %add3A_767 = arith.addi %mul3A_733, %add3A_766 : i32
          %swap3A_768 = arith.constant 0 : i32
          %swap3A_769 = tpu.memref_slice %arg7[%scan3A_210, %swap3A_768] : memref<2x51200xf32, #tpu.memory_space<vmem>> -> memref<1x51200xf32, #tpu.memory_space<vmem>>
          %swap3A_770 = tpu.memref_squeeze %swap3A_769 : memref<1x51200xf32, #tpu.memory_space<vmem>> -> memref<51200xf32, #tpu.memory_space<vmem>>
          %swap3A_771 = arith.index_cast %add3A_767 : i32 to index
          %swap3A_772 = tpu.vector_load %swap3A_770[%swap3A_771] {strides = array<i32>} : memref<51200xf32, #tpu.memory_space<vmem>>, vector<16xf32>,
          tpu.vector_store %swap3A_770[%swap3A_771], %select_n3A_765 {strides = array<i32>} : memref<51200xf32, #tpu.memory_space<vmem>>, vector<16xf32>,
          %select_n3A_773 = arith.select %eq3A_712, %get3A_168, %get3A_160 : vector<16xi1>, vector<16xf32>
          %select_n3A_774 = arith.select %eq3A_715, %get3A_176, %select_n3A_773 : vector<16xi1>, vector<16xf32>
          %select_n3A_775 = arith.select %eq3A_718, %get3A_184, %select_n3A_774 : vector<16xi1>, vector<16xf32>
          %select_n3A_776 = arith.select %eq3A_721, %get3A_192, %select_n3A_775 : vector<16xi1>, vector<16xf32>
          %select_n3A_777 = arith.select %eq3A_724, %get3A_200, %select_n3A_776 : vector<16xi1>, vector<16xf32>
          %select_n3A_778 = arith.select %eq3A_727, %get3A_208, %select_n3A_777 : vector<16xi1>, vector<16xf32>
          %add3A_779 = arith.constant 48 : i32
          %add3A_780 = arith.addi %mul3A_733, %add3A_779 : i32
          %swap3A_781 = arith.constant 0 : i32
          %swap3A_782 = tpu.memref_slice %arg7[%scan3A_210, %swap3A_781] : memref<2x51200xf32, #tpu.memory_space<vmem>> -> memref<1x51200xf32, #tpu.memory_space<vmem>>
          %swap3A_783 = tpu.memref_squeeze %swap3A_782 : memref<1x51200xf32, #tpu.memory_space<vmem>> -> memref<51200xf32, #tpu.memory_space<vmem>>
          %swap3A_784 = arith.index_cast %add3A_780 : i32 to index
          %swap3A_785 = tpu.vector_load %swap3A_783[%swap3A_784] {strides = array<i32>} : memref<51200xf32, #tpu.memory_space<vmem>>, vector<16xf32>,
          tpu.vector_store %swap3A_783[%swap3A_784], %select_n3A_778 {strides = array<i32>} : memref<51200xf32, #tpu.memory_space<vmem>>, vector<16xf32>,
          %broadcast_in_dim3A_786 = arith.constant 7 : i32
          %broadcast_in_dim3A_787 = vector.broadcast %broadcast_in_dim3A_786 : i32 to vector<16x1xi32>
          %gather3A_788 = vector.shape_cast %broadcast_in_dim3A_787 : vector<16x1xi32> to vector<16xi32>
          %gather3A_789 = tpu.dynamic_gather %get3A_230[%gather3A_788] in [0] : vector<16xi32>, vector<16xi32> -> vector<16xi32>
          %eq3A_790 = arith.constant 1 : i32
          %eq3A_791 = vector.broadcast %eq3A_790 : i32 to vector<16xi32>
          %eq3A_792 = arith.cmpi eq, %gather3A_789, %eq3A_791 : vector<16xi32>
          %eq3A_793 = arith.constant 2 : i32
          %eq3A_794 = vector.broadcast %eq3A_793 : i32 to vector<16xi32>
          %eq3A_795 = arith.cmpi eq, %gather3A_789, %eq3A_794 : vector<16xi32>
          %eq3A_796 = arith.constant 3 : i32
          %eq3A_797 = vector.broadcast %eq3A_796 : i32 to vector<16xi32>
          %eq3A_798 = arith.cmpi eq, %gather3A_789, %eq3A_797 : vector<16xi32>
          %eq3A_799 = arith.constant 4 : i32
          %eq3A_800 = vector.broadcast %eq3A_799 : i32 to vector<16xi32>
          %eq3A_801 = arith.cmpi eq, %gather3A_789, %eq3A_800 : vector<16xi32>
          %eq3A_802 = arith.constant 5 : i32
          %eq3A_803 = vector.broadcast %eq3A_802 : i32 to vector<16xi32>
          %eq3A_804 = arith.cmpi eq, %gather3A_789, %eq3A_803 : vector<16xi32>
          %eq3A_805 = arith.constant 6 : i32
          %eq3A_806 = vector.broadcast %eq3A_805 : i32 to vector<16xi32>
          %eq3A_807 = arith.cmpi eq, %gather3A_789, %eq3A_806 : vector<16xi32>
          %mul3A_808 = arith.constant 16 : i32
          %mul3A_809 = arith.muli %scan3A_225, %mul3A_808 : i32
          %add3A_810 = arith.constant 7 : i32
          %add3A_811 = arith.addi %mul3A_809, %add3A_810 : i32
          %mul3A_812 = arith.constant 64 : i32
          %mul3A_813 = arith.muli %add3A_811, %mul3A_812 : i32
          %select_n3A_814 = arith.select %eq3A_792, %get3A_162, %get3A_154 : vector<16xi1>, vector<16xf32>
          %select_n3A_815 = arith.select %eq3A_795, %get3A_170, %select_n3A_814 : vector<16xi1>, vector<16xf32>
          %select_n3A_816 = arith.select %eq3A_798, %get3A_178, %select_n3A_815 : vector<16xi1>, vector<16xf32>
          %select_n3A_817 = arith.select %eq3A_801, %get3A_186, %select_n3A_816 : vector<16xi1>, vector<16xf32>
          %select_n3A_818 = arith.select %eq3A_804, %get3A_194, %select_n3A_817 : vector<16xi1>, vector<16xf32>
          %select_n3A_819 = arith.select %eq3A_807, %get3A_202, %select_n3A_818 : vector<16xi1>, vector<16xf32>
          %add3A_820 = arith.constant 0 : i32
          %add3A_821 = arith.addi %mul3A_813, %add3A_820 : i32
          %swap3A_822 = arith.constant 0 : i32
          %swap3A_823 = tpu.memref_slice %arg7[%scan3A_210, %swap3A_822] : memref<2x51200xf32, #tpu.memory_space<vmem>> -> memref<1x51200xf32, #tpu.memory_space<vmem>>
          %swap3A_824 = tpu.memref_squeeze %swap3A_823 : memref<1x51200xf32, #tpu.memory_space<vmem>> -> memref<51200xf32, #tpu.memory_space<vmem>>
          %swap3A_825 = arith.index_cast %add3A_821 : i32 to index
          %swap3A_826 = tpu.vector_load %swap3A_824[%swap3A_825] {strides = array<i32>} : memref<51200xf32, #tpu.memory_space<vmem>>, vector<16xf32>,
          tpu.vector_store %swap3A_824[%swap3A_825], %select_n3A_819 {strides = array<i32>} : memref<51200xf32, #tpu.memory_space<vmem>>, vector<16xf32>,
          %select_n3A_827 = arith.select %eq3A_792, %get3A_164, %get3A_156 : vector<16xi1>, vector<16xf32>
          %select_n3A_828 = arith.select %eq3A_795, %get3A_172, %select_n3A_827 : vector<16xi1>, vector<16xf32>
          %select_n3A_829 = arith.select %eq3A_798, %get3A_180, %select_n3A_828 : vector<16xi1>, vector<16xf32>
          %select_n3A_830 = arith.select %eq3A_801, %get3A_188, %select_n3A_829 : vector<16xi1>, vector<16xf32>
          %select_n3A_831 = arith.select %eq3A_804, %get3A_196, %select_n3A_830 : vector<16xi1>, vector<16xf32>
          %select_n3A_832 = arith.select %eq3A_807, %get3A_204, %select_n3A_831 : vector<16xi1>, vector<16xf32>
          %add3A_833 = arith.constant 16 : i32
          %add3A_834 = arith.addi %mul3A_813, %add3A_833 : i32
          %swap3A_835 = arith.constant 0 : i32
          %swap3A_836 = tpu.memref_slice %arg7[%scan3A_210, %swap3A_835] : memref<2x51200xf32, #tpu.memory_space<vmem>> -> memref<1x51200xf32, #tpu.memory_space<vmem>>
          %swap3A_837 = tpu.memref_squeeze %swap3A_836 : memref<1x51200xf32, #tpu.memory_space<vmem>> -> memref<51200xf32, #tpu.memory_space<vmem>>
          %swap3A_838 = arith.index_cast %add3A_834 : i32 to index
          %swap3A_839 = tpu.vector_load %swap3A_837[%swap3A_838] {strides = array<i32>} : memref<51200xf32, #tpu.memory_space<vmem>>, vector<16xf32>,
          tpu.vector_store %swap3A_837[%swap3A_838], %select_n3A_832 {strides = array<i32>} : memref<51200xf32, #tpu.memory_space<vmem>>, vector<16xf32>,
          %select_n3A_840 = arith.select %eq3A_792, %get3A_166, %get3A_158 : vector<16xi1>, vector<16xf32>
          %select_n3A_841 = arith.select %eq3A_795, %get3A_174, %select_n3A_840 : vector<16xi1>, vector<16xf32>
          %select_n3A_842 = arith.select %eq3A_798, %get3A_182, %select_n3A_841 : vector<16xi1>, vector<16xf32>
          %select_n3A_843 = arith.select %eq3A_801, %get3A_190, %select_n3A_842 : vector<16xi1>, vector<16xf32>
          %select_n3A_844 = arith.select %eq3A_804, %get3A_198, %select_n3A_843 : vector<16xi1>, vector<16xf32>
          %select_n3A_845 = arith.select %eq3A_807, %get3A_206, %select_n3A_844 : vector<16xi1>, vector<16xf32>
          %add3A_846 = arith.constant 32 : i32
          %add3A_847 = arith.addi %mul3A_813, %add3A_846 : i32
          %swap3A_848 = arith.constant 0 : i32
          %swap3A_849 = tpu.memref_slice %arg7[%scan3A_210, %swap3A_848] : memref<2x51200xf32, #tpu.memory_space<vmem>> -> memref<1x51200xf32, #tpu.memory_space<vmem>>
          %swap3A_850 = tpu.memref_squeeze %swap3A_849 : memref<1x51200xf32, #tpu.memory_space<vmem>> -> memref<51200xf32, #tpu.memory_space<vmem>>
          %swap3A_851 = arith.index_cast %add3A_847 : i32 to index
          %swap3A_852 = tpu.vector_load %swap3A_850[%swap3A_851] {strides = array<i32>} : memref<51200xf32, #tpu.memory_space<vmem>>, vector<16xf32>,
          tpu.vector_store %swap3A_850[%swap3A_851], %select_n3A_845 {strides = array<i32>} : memref<51200xf32, #tpu.memory_space<vmem>>, vector<16xf32>,
          %select_n3A_853 = arith.select %eq3A_792, %get3A_168, %get3A_160 : vector<16xi1>, vector<16xf32>
          %select_n3A_854 = arith.select %eq3A_795, %get3A_176, %select_n3A_853 : vector<16xi1>, vector<16xf32>
          %select_n3A_855 = arith.select %eq3A_798, %get3A_184, %select_n3A_854 : vector<16xi1>, vector<16xf32>
          %select_n3A_856 = arith.select %eq3A_801, %get3A_192, %select_n3A_855 : vector<16xi1>, vector<16xf32>
          %select_n3A_857 = arith.select %eq3A_804, %get3A_200, %select_n3A_856 : vector<16xi1>, vector<16xf32>
          %select_n3A_858 = arith.select %eq3A_807, %get3A_208, %select_n3A_857 : vector<16xi1>, vector<16xf32>
          %add3A_859 = arith.constant 48 : i32
          %add3A_860 = arith.addi %mul3A_813, %add3A_859 : i32
          %swap3A_861 = arith.constant 0 : i32
          %swap3A_862 = tpu.memref_slice %arg7[%scan3A_210, %swap3A_861] : memref<2x51200xf32, #tpu.memory_space<vmem>> -> memref<1x51200xf32, #tpu.memory_space<vmem>>
          %swap3A_863 = tpu.memref_squeeze %swap3A_862 : memref<1x51200xf32, #tpu.memory_space<vmem>> -> memref<51200xf32, #tpu.memory_space<vmem>>
          %swap3A_864 = arith.index_cast %add3A_860 : i32 to index
          %swap3A_865 = tpu.vector_load %swap3A_863[%swap3A_864] {strides = array<i32>} : memref<51200xf32, #tpu.memory_space<vmem>>, vector<16xf32>,
          tpu.vector_store %swap3A_863[%swap3A_864], %select_n3A_858 {strides = array<i32>} : memref<51200xf32, #tpu.memory_space<vmem>>, vector<16xf32>,
          %broadcast_in_dim3A_866 = arith.constant 8 : i32
          %broadcast_in_dim3A_867 = vector.broadcast %broadcast_in_dim3A_866 : i32 to vector<16x1xi32>
          %gather3A_868 = vector.shape_cast %broadcast_in_dim3A_867 : vector<16x1xi32> to vector<16xi32>
          %gather3A_869 = tpu.dynamic_gather %get3A_230[%gather3A_868] in [0] : vector<16xi32>, vector<16xi32> -> vector<16xi32>
          %eq3A_870 = arith.constant 1 : i32
          %eq3A_871 = vector.broadcast %eq3A_870 : i32 to vector<16xi32>
          %eq3A_872 = arith.cmpi eq, %gather3A_869, %eq3A_871 : vector<16xi32>
          %eq3A_873 = arith.constant 2 : i32
          %eq3A_874 = vector.broadcast %eq3A_873 : i32 to vector<16xi32>
          %eq3A_875 = arith.cmpi eq, %gather3A_869, %eq3A_874 : vector<16xi32>
          %eq3A_876 = arith.constant 3 : i32
          %eq3A_877 = vector.broadcast %eq3A_876 : i32 to vector<16xi32>
          %eq3A_878 = arith.cmpi eq, %gather3A_869, %eq3A_877 : vector<16xi32>
          %eq3A_879 = arith.constant 4 : i32
          %eq3A_880 = vector.broadcast %eq3A_879 : i32 to vector<16xi32>
          %eq3A_881 = arith.cmpi eq, %gather3A_869, %eq3A_880 : vector<16xi32>
          %eq3A_882 = arith.constant 5 : i32
          %eq3A_883 = vector.broadcast %eq3A_882 : i32 to vector<16xi32>
          %eq3A_884 = arith.cmpi eq, %gather3A_869, %eq3A_883 : vector<16xi32>
          %eq3A_885 = arith.constant 6 : i32
          %eq3A_886 = vector.broadcast %eq3A_885 : i32 to vector<16xi32>
          %eq3A_887 = arith.cmpi eq, %gather3A_869, %eq3A_886 : vector<16xi32>
          %mul3A_888 = arith.constant 16 : i32
          %mul3A_889 = arith.muli %scan3A_225, %mul3A_888 : i32
          %add3A_890 = arith.constant 8 : i32
          %add3A_891 = arith.addi %mul3A_889, %add3A_890 : i32
          %mul3A_892 = arith.constant 64 : i32
          %mul3A_893 = arith.muli %add3A_891, %mul3A_892 : i32
          %select_n3A_894 = arith.select %eq3A_872, %get3A_162, %get3A_154 : vector<16xi1>, vector<16xf32>
          %select_n3A_895 = arith.select %eq3A_875, %get3A_170, %select_n3A_894 : vector<16xi1>, vector<16xf32>
          %select_n3A_896 = arith.select %eq3A_878, %get3A_178, %select_n3A_895 : vector<16xi1>, vector<16xf32>
          %select_n3A_897 = arith.select %eq3A_881, %get3A_186, %select_n3A_896 : vector<16xi1>, vector<16xf32>
          %select_n3A_898 = arith.select %eq3A_884, %get3A_194, %select_n3A_897 : vector<16xi1>, vector<16xf32>
          %select_n3A_899 = arith.select %eq3A_887, %get3A_202, %select_n3A_898 : vector<16xi1>, vector<16xf32>
          %add3A_900 = arith.constant 0 : i32
          %add3A_901 = arith.addi %mul3A_893, %add3A_900 : i32
          %swap3A_902 = arith.constant 0 : i32
          %swap3A_903 = tpu.memref_slice %arg7[%scan3A_210, %swap3A_902] : memref<2x51200xf32, #tpu.memory_space<vmem>> -> memref<1x51200xf32, #tpu.memory_space<vmem>>
          %swap3A_904 = tpu.memref_squeeze %swap3A_903 : memref<1x51200xf32, #tpu.memory_space<vmem>> -> memref<51200xf32, #tpu.memory_space<vmem>>
          %swap3A_905 = arith.index_cast %add3A_901 : i32 to index
          %swap3A_906 = tpu.vector_load %swap3A_904[%swap3A_905] {strides = array<i32>} : memref<51200xf32, #tpu.memory_space<vmem>>, vector<16xf32>,
          tpu.vector_store %swap3A_904[%swap3A_905], %select_n3A_899 {strides = array<i32>} : memref<51200xf32, #tpu.memory_space<vmem>>, vector<16xf32>,
          %select_n3A_907 = arith.select %eq3A_872, %get3A_164, %get3A_156 : vector<16xi1>, vector<16xf32>
          %select_n3A_908 = arith.select %eq3A_875, %get3A_172, %select_n3A_907 : vector<16xi1>, vector<16xf32>
          %select_n3A_909 = arith.select %eq3A_878, %get3A_180, %select_n3A_908 : vector<16xi1>, vector<16xf32>
          %select_n3A_910 = arith.select %eq3A_881, %get3A_188, %select_n3A_909 : vector<16xi1>, vector<16xf32>
          %select_n3A_911 = arith.select %eq3A_884, %get3A_196, %select_n3A_910 : vector<16xi1>, vector<16xf32>
          %select_n3A_912 = arith.select %eq3A_887, %get3A_204, %select_n3A_911 : vector<16xi1>, vector<16xf32>
          %add3A_913 = arith.constant 16 : i32
          %add3A_914 = arith.addi %mul3A_893, %add3A_913 : i32
          %swap3A_915 = arith.constant 0 : i32
          %swap3A_916 = tpu.memref_slice %arg7[%scan3A_210, %swap3A_915] : memref<2x51200xf32, #tpu.memory_space<vmem>> -> memref<1x51200xf32, #tpu.memory_space<vmem>>
          %swap3A_917 = tpu.memref_squeeze %swap3A_916 : memref<1x51200xf32, #tpu.memory_space<vmem>> -> memref<51200xf32, #tpu.memory_space<vmem>>
          %swap3A_918 = arith.index_cast %add3A_914 : i32 to index
          %swap3A_919 = tpu.vector_load %swap3A_917[%swap3A_918] {strides = array<i32>} : memref<51200xf32, #tpu.memory_space<vmem>>, vector<16xf32>,
          tpu.vector_store %swap3A_917[%swap3A_918], %select_n3A_912 {strides = array<i32>} : memref<51200xf32, #tpu.memory_space<vmem>>, vector<16xf32>,
          %select_n3A_920 = arith.select %eq3A_872, %get3A_166, %get3A_158 : vector<16xi1>, vector<16xf32>
          %select_n3A_921 = arith.select %eq3A_875, %get3A_174, %select_n3A_920 : vector<16xi1>, vector<16xf32>
          %select_n3A_922 = arith.select %eq3A_878, %get3A_182, %select_n3A_921 : vector<16xi1>, vector<16xf32>
          %select_n3A_923 = arith.select %eq3A_881, %get3A_190, %select_n3A_922 : vector<16xi1>, vector<16xf32>
          %select_n3A_924 = arith.select %eq3A_884, %get3A_198, %select_n3A_923 : vector<16xi1>, vector<16xf32>
          %select_n3A_925 = arith.select %eq3A_887, %get3A_206, %select_n3A_924 : vector<16xi1>, vector<16xf32>
          %add3A_926 = arith.constant 32 : i32
          %add3A_927 = arith.addi %mul3A_893, %add3A_926 : i32
          %swap3A_928 = arith.constant 0 : i32
          %swap3A_929 = tpu.memref_slice %arg7[%scan3A_210, %swap3A_928] : memref<2x51200xf32, #tpu.memory_space<vmem>> -> memref<1x51200xf32, #tpu.memory_space<vmem>>
          %swap3A_930 = tpu.memref_squeeze %swap3A_929 : memref<1x51200xf32, #tpu.memory_space<vmem>> -> memref<51200xf32, #tpu.memory_space<vmem>>
          %swap3A_931 = arith.index_cast %add3A_927 : i32 to index
          %swap3A_932 = tpu.vector_load %swap3A_930[%swap3A_931] {strides = array<i32>} : memref<51200xf32, #tpu.memory_space<vmem>>, vector<16xf32>,
          tpu.vector_store %swap3A_930[%swap3A_931], %select_n3A_925 {strides = array<i32>} : memref<51200xf32, #tpu.memory_space<vmem>>, vector<16xf32>,
          %select_n3A_933 = arith.select %eq3A_872, %get3A_168, %get3A_160 : vector<16xi1>, vector<16xf32>
          %select_n3A_934 = arith.select %eq3A_875, %get3A_176, %select_n3A_933 : vector<16xi1>, vector<16xf32>
          %select_n3A_935 = arith.select %eq3A_878, %get3A_184, %select_n3A_934 : vector<16xi1>, vector<16xf32>
          %select_n3A_936 = arith.select %eq3A_881, %get3A_192, %select_n3A_935 : vector<16xi1>, vector<16xf32>
          %select_n3A_937 = arith.select %eq3A_884, %get3A_200, %select_n3A_936 : vector<16xi1>, vector<16xf32>
          %select_n3A_938 = arith.select %eq3A_887, %get3A_208, %select_n3A_937 : vector<16xi1>, vector<16xf32>
          %add3A_939 = arith.constant 48 : i32
          %add3A_940 = arith.addi %mul3A_893, %add3A_939 : i32
          %swap3A_941 = arith.constant 0 : i32
          %swap3A_942 = tpu.memref_slice %arg7[%scan3A_210, %swap3A_941] : memref<2x51200xf32, #tpu.memory_space<vmem>> -> memref<1x51200xf32, #tpu.memory_space<vmem>>
          %swap3A_943 = tpu.memref_squeeze %swap3A_942 : memref<1x51200xf32, #tpu.memory_space<vmem>> -> memref<51200xf32, #tpu.memory_space<vmem>>
          %swap3A_944 = arith.index_cast %add3A_940 : i32 to index
          %swap3A_945 = tpu.vector_load %swap3A_943[%swap3A_944] {strides = array<i32>} : memref<51200xf32, #tpu.memory_space<vmem>>, vector<16xf32>,
          tpu.vector_store %swap3A_943[%swap3A_944], %select_n3A_938 {strides = array<i32>} : memref<51200xf32, #tpu.memory_space<vmem>>, vector<16xf32>,
          %broadcast_in_dim3A_946 = arith.constant 9 : i32
          %broadcast_in_dim3A_947 = vector.broadcast %broadcast_in_dim3A_946 : i32 to vector<16x1xi32>
          %gather3A_948 = vector.shape_cast %broadcast_in_dim3A_947 : vector<16x1xi32> to vector<16xi32>
          %gather3A_949 = tpu.dynamic_gather %get3A_230[%gather3A_948] in [0] : vector<16xi32>, vector<16xi32> -> vector<16xi32>
          %eq3A_950 = arith.constant 1 : i32
          %eq3A_951 = vector.broadcast %eq3A_950 : i32 to vector<16xi32>
          %eq3A_952 = arith.cmpi eq, %gather3A_949, %eq3A_951 : vector<16xi32>
          %eq3A_953 = arith.constant 2 : i32
          %eq3A_954 = vector.broadcast %eq3A_953 : i32 to vector<16xi32>
          %eq3A_955 = arith.cmpi eq, %gather3A_949, %eq3A_954 : vector<16xi32>
          %eq3A_956 = arith.constant 3 : i32
          %eq3A_957 = vector.broadcast %eq3A_956 : i32 to vector<16xi32>
          %eq3A_958 = arith.cmpi eq, %gather3A_949, %eq3A_957 : vector<16xi32>
          %eq3A_959 = arith.constant 4 : i32
          %eq3A_960 = vector.broadcast %eq3A_959 : i32 to vector<16xi32>
          %eq3A_961 = arith.cmpi eq, %gather3A_949, %eq3A_960 : vector<16xi32>
          %eq3A_962 = arith.constant 5 : i32
          %eq3A_963 = vector.broadcast %eq3A_962 : i32 to vector<16xi32>
          %eq3A_964 = arith.cmpi eq, %gather3A_949, %eq3A_963 : vector<16xi32>
          %eq3A_965 = arith.constant 6 : i32
          %eq3A_966 = vector.broadcast %eq3A_965 : i32 to vector<16xi32>
          %eq3A_967 = arith.cmpi eq, %gather3A_949, %eq3A_966 : vector<16xi32>
          %mul3A_968 = arith.constant 16 : i32
          %mul3A_969 = arith.muli %scan3A_225, %mul3A_968 : i32
          %add3A_970 = arith.constant 9 : i32
          %add3A_971 = arith.addi %mul3A_969, %add3A_970 : i32
          %mul3A_972 = arith.constant 64 : i32
          %mul3A_973 = arith.muli %add3A_971, %mul3A_972 : i32
          %select_n3A_974 = arith.select %eq3A_952, %get3A_162, %get3A_154 : vector<16xi1>, vector<16xf32>
          %select_n3A_975 = arith.select %eq3A_955, %get3A_170, %select_n3A_974 : vector<16xi1>, vector<16xf32>
          %select_n3A_976 = arith.select %eq3A_958, %get3A_178, %select_n3A_975 : vector<16xi1>, vector<16xf32>
          %select_n3A_977 = arith.select %eq3A_961, %get3A_186, %select_n3A_976 : vector<16xi1>, vector<16xf32>
          %select_n3A_978 = arith.select %eq3A_964, %get3A_194, %select_n3A_977 : vector<16xi1>, vector<16xf32>
          %select_n3A_979 = arith.select %eq3A_967, %get3A_202, %select_n3A_978 : vector<16xi1>, vector<16xf32>
          %add3A_980 = arith.constant 0 : i32
          %add3A_981 = arith.addi %mul3A_973, %add3A_980 : i32
          %swap3A_982 = arith.constant 0 : i32
          %swap3A_983 = tpu.memref_slice %arg7[%scan3A_210, %swap3A_982] : memref<2x51200xf32, #tpu.memory_space<vmem>> -> memref<1x51200xf32, #tpu.memory_space<vmem>>
          %swap3A_984 = tpu.memref_squeeze %swap3A_983 : memref<1x51200xf32, #tpu.memory_space<vmem>> -> memref<51200xf32, #tpu.memory_space<vmem>>
          %swap3A_985 = arith.index_cast %add3A_981 : i32 to index
          %swap3A_986 = tpu.vector_load %swap3A_984[%swap3A_985] {strides = array<i32>} : memref<51200xf32, #tpu.memory_space<vmem>>, vector<16xf32>,
          tpu.vector_store %swap3A_984[%swap3A_985], %select_n3A_979 {strides = array<i32>} : memref<51200xf32, #tpu.memory_space<vmem>>, vector<16xf32>,
          %select_n3A_987 = arith.select %eq3A_952, %get3A_164, %get3A_156 : vector<16xi1>, vector<16xf32>
          %select_n3A_988 = arith.select %eq3A_955, %get3A_172, %select_n3A_987 : vector<16xi1>, vector<16xf32>
          %select_n3A_989 = arith.select %eq3A_958, %get3A_180, %select_n3A_988 : vector<16xi1>, vector<16xf32>
          %select_n3A_990 = arith.select %eq3A_961, %get3A_188, %select_n3A_989 : vector<16xi1>, vector<16xf32>
          %select_n3A_991 = arith.select %eq3A_964, %get3A_196, %select_n3A_990 : vector<16xi1>, vector<16xf32>
          %select_n3A_992 = arith.select %eq3A_967, %get3A_204, %select_n3A_991 : vector<16xi1>, vector<16xf32>
          %add3A_993 = arith.constant 16 : i32
          %add3A_994 = arith.addi %mul3A_973, %add3A_993 : i32
          %swap3A_995 = arith.constant 0 : i32
          %swap3A_996 = tpu.memref_slice %arg7[%scan3A_210, %swap3A_995] : memref<2x51200xf32, #tpu.memory_space<vmem>> -> memref<1x51200xf32, #tpu.memory_space<vmem>>
          %swap3A_997 = tpu.memref_squeeze %swap3A_996 : memref<1x51200xf32, #tpu.memory_space<vmem>> -> memref<51200xf32, #tpu.memory_space<vmem>>
          %swap3A_998 = arith.index_cast %add3A_994 : i32 to index
          %swap3A_999 = tpu.vector_load %swap3A_997[%swap3A_998] {strides = array<i32>} : memref<51200xf32, #tpu.memory_space<vmem>>, vector<16xf32>,
          tpu.vector_store %swap3A_997[%swap3A_998], %select_n3A_992 {strides = array<i32>} : memref<51200xf32, #tpu.memory_space<vmem>>, vector<16xf32>,
          %select_n3A_1000 = arith.select %eq3A_952, %get3A_166, %get3A_158 : vector<16xi1>, vector<16xf32>
          %select_n3A_1001 = arith.select %eq3A_955, %get3A_174, %select_n3A_1000 : vector<16xi1>, vector<16xf32>
          %select_n3A_1002 = arith.select %eq3A_958, %get3A_182, %select_n3A_1001 : vector<16xi1>, vector<16xf32>
          %select_n3A_1003 = arith.select %eq3A_961, %get3A_190, %select_n3A_1002 : vector<16xi1>, vector<16xf32>
          %select_n3A_1004 = arith.select %eq3A_964, %get3A_198, %select_n3A_1003 : vector<16xi1>, vector<16xf32>
          %select_n3A_1005 = arith.select %eq3A_967, %get3A_206, %select_n3A_1004 : vector<16xi1>, vector<16xf32>
          %add3A_1006 = arith.constant 32 : i32
          %add3A_1007 = arith.addi %mul3A_973, %add3A_1006 : i32
          %swap3A_1008 = arith.constant 0 : i32
          %swap3A_1009 = tpu.memref_slice %arg7[%scan3A_210, %swap3A_1008] : memref<2x51200xf32, #tpu.memory_space<vmem>> -> memref<1x51200xf32, #tpu.memory_space<vmem>>
          %swap3A_1010 = tpu.memref_squeeze %swap3A_1009 : memref<1x51200xf32, #tpu.memory_space<vmem>> -> memref<51200xf32, #tpu.memory_space<vmem>>
          %swap3A_1011 = arith.index_cast %add3A_1007 : i32 to index
          %swap3A_1012 = tpu.vector_load %swap3A_1010[%swap3A_1011] {strides = array<i32>} : memref<51200xf32, #tpu.memory_space<vmem>>, vector<16xf32>,
          tpu.vector_store %swap3A_1010[%swap3A_1011], %select_n3A_1005 {strides = array<i32>} : memref<51200xf32, #tpu.memory_space<vmem>>, vector<16xf32>,
          %select_n3A_1013 = arith.select %eq3A_952, %get3A_168, %get3A_160 : vector<16xi1>, vector<16xf32>
          %select_n3A_1014 = arith.select %eq3A_955, %get3A_176, %select_n3A_1013 : vector<16xi1>, vector<16xf32>
          %select_n3A_1015 = arith.select %eq3A_958, %get3A_184, %select_n3A_1014 : vector<16xi1>, vector<16xf32>
          %select_n3A_1016 = arith.select %eq3A_961, %get3A_192, %select_n3A_1015 : vector<16xi1>, vector<16xf32>
          %select_n3A_1017 = arith.select %eq3A_964, %get3A_200, %select_n3A_1016 : vector<16xi1>, vector<16xf32>
          %select_n3A_1018 = arith.select %eq3A_967, %get3A_208, %select_n3A_1017 : vector<16xi1>, vector<16xf32>
          %add3A_1019 = arith.constant 48 : i32
          %add3A_1020 = arith.addi %mul3A_973, %add3A_1019 : i32
          %swap3A_1021 = arith.constant 0 : i32
          %swap3A_1022 = tpu.memref_slice %arg7[%scan3A_210, %swap3A_1021] : memref<2x51200xf32, #tpu.memory_space<vmem>> -> memref<1x51200xf32, #tpu.memory_space<vmem>>
          %swap3A_1023 = tpu.memref_squeeze %swap3A_1022 : memref<1x51200xf32, #tpu.memory_space<vmem>> -> memref<51200xf32, #tpu.memory_space<vmem>>
          %swap3A_1024 = arith.index_cast %add3A_1020 : i32 to index
          %swap3A_1025 = tpu.vector_load %swap3A_1023[%swap3A_1024] {strides = array<i32>} : memref<51200xf32, #tpu.memory_space<vmem>>, vector<16xf32>,
          tpu.vector_store %swap3A_1023[%swap3A_1024], %select_n3A_1018 {strides = array<i32>} : memref<51200xf32, #tpu.memory_space<vmem>>, vector<16xf32>,
          %broadcast_in_dim3A_1026 = arith.constant 10 : i32
          %broadcast_in_dim3A_1027 = vector.broadcast %broadcast_in_dim3A_1026 : i32 to vector<16x1xi32>
          %gather3A_1028 = vector.shape_cast %broadcast_in_dim3A_1027 : vector<16x1xi32> to vector<16xi32>
          %gather3A_1029 = tpu.dynamic_gather %get3A_230[%gather3A_1028] in [0] : vector<16xi32>, vector<16xi32> -> vector<16xi32>
          %eq3A_1030 = arith.constant 1 : i32
          %eq3A_1031 = vector.broadcast %eq3A_1030 : i32 to vector<16xi32>
          %eq3A_1032 = arith.cmpi eq, %gather3A_1029, %eq3A_1031 : vector<16xi32>
          %eq3A_1033 = arith.constant 2 : i32
          %eq3A_1034 = vector.broadcast %eq3A_1033 : i32 to vector<16xi32>
          %eq3A_1035 = arith.cmpi eq, %gather3A_1029, %eq3A_1034 : vector<16xi32>
          %eq3A_1036 = arith.constant 3 : i32
          %eq3A_1037 = vector.broadcast %eq3A_1036 : i32 to vector<16xi32>
          %eq3A_1038 = arith.cmpi eq, %gather3A_1029, %eq3A_1037 : vector<16xi32>
          %eq3A_1039 = arith.constant 4 : i32
          %eq3A_1040 = vector.broadcast %eq3A_1039 : i32 to vector<16xi32>
          %eq3A_1041 = arith.cmpi eq, %gather3A_1029, %eq3A_1040 : vector<16xi32>
          %eq3A_1042 = arith.constant 5 : i32
          %eq3A_1043 = vector.broadcast %eq3A_1042 : i32 to vector<16xi32>
          %eq3A_1044 = arith.cmpi eq, %gather3A_1029, %eq3A_1043 : vector<16xi32>
          %eq3A_1045 = arith.constant 6 : i32
          %eq3A_1046 = vector.broadcast %eq3A_1045 : i32 to vector<16xi32>
          %eq3A_1047 = arith.cmpi eq, %gather3A_1029, %eq3A_1046 : vector<16xi32>
          %mul3A_1048 = arith.constant 16 : i32
          %mul3A_1049 = arith.muli %scan3A_225, %mul3A_1048 : i32
          %add3A_1050 = arith.constant 10 : i32
          %add3A_1051 = arith.addi %mul3A_1049, %add3A_1050 : i32
          %mul3A_1052 = arith.constant 64 : i32
          %mul3A_1053 = arith.muli %add3A_1051, %mul3A_1052 : i32
          %select_n3A_1054 = arith.select %eq3A_1032, %get3A_162, %get3A_154 : vector<16xi1>, vector<16xf32>
          %select_n3A_1055 = arith.select %eq3A_1035, %get3A_170, %select_n3A_1054 : vector<16xi1>, vector<16xf32>
          %select_n3A_1056 = arith.select %eq3A_1038, %get3A_178, %select_n3A_1055 : vector<16xi1>, vector<16xf32>
          %select_n3A_1057 = arith.select %eq3A_1041, %get3A_186, %select_n3A_1056 : vector<16xi1>, vector<16xf32>
          %select_n3A_1058 = arith.select %eq3A_1044, %get3A_194, %select_n3A_1057 : vector<16xi1>, vector<16xf32>
          %select_n3A_1059 = arith.select %eq3A_1047, %get3A_202, %select_n3A_1058 : vector<16xi1>, vector<16xf32>
          %add3A_1060 = arith.constant 0 : i32
          %add3A_1061 = arith.addi %mul3A_1053, %add3A_1060 : i32
          %swap3A_1062 = arith.constant 0 : i32
          %swap3A_1063 = tpu.memref_slice %arg7[%scan3A_210, %swap3A_1062] : memref<2x51200xf32, #tpu.memory_space<vmem>> -> memref<1x51200xf32, #tpu.memory_space<vmem>>
          %swap3A_1064 = tpu.memref_squeeze %swap3A_1063 : memref<1x51200xf32, #tpu.memory_space<vmem>> -> memref<51200xf32, #tpu.memory_space<vmem>>
          %swap3A_1065 = arith.index_cast %add3A_1061 : i32 to index
          %swap3A_1066 = tpu.vector_load %swap3A_1064[%swap3A_1065] {strides = array<i32>} : memref<51200xf32, #tpu.memory_space<vmem>>, vector<16xf32>,
          tpu.vector_store %swap3A_1064[%swap3A_1065], %select_n3A_1059 {strides = array<i32>} : memref<51200xf32, #tpu.memory_space<vmem>>, vector<16xf32>,
          %select_n3A_1067 = arith.select %eq3A_1032, %get3A_164, %get3A_156 : vector<16xi1>, vector<16xf32>
          %select_n3A_1068 = arith.select %eq3A_1035, %get3A_172, %select_n3A_1067 : vector<16xi1>, vector<16xf32>
          %select_n3A_1069 = arith.select %eq3A_1038, %get3A_180, %select_n3A_1068 : vector<16xi1>, vector<16xf32>
          %select_n3A_1070 = arith.select %eq3A_1041, %get3A_188, %select_n3A_1069 : vector<16xi1>, vector<16xf32>
          %select_n3A_1071 = arith.select %eq3A_1044, %get3A_196, %select_n3A_1070 : vector<16xi1>, vector<16xf32>
          %select_n3A_1072 = arith.select %eq3A_1047, %get3A_204, %select_n3A_1071 : vector<16xi1>, vector<16xf32>
          %add3A_1073 = arith.constant 16 : i32
          %add3A_1074 = arith.addi %mul3A_1053, %add3A_1073 : i32
          %swap3A_1075 = arith.constant 0 : i32
          %swap3A_1076 = tpu.memref_slice %arg7[%scan3A_210, %swap3A_1075] : memref<2x51200xf32, #tpu.memory_space<vmem>> -> memref<1x51200xf32, #tpu.memory_space<vmem>>
          %swap3A_1077 = tpu.memref_squeeze %swap3A_1076 : memref<1x51200xf32, #tpu.memory_space<vmem>> -> memref<51200xf32, #tpu.memory_space<vmem>>
          %swap3A_1078 = arith.index_cast %add3A_1074 : i32 to index
          %swap3A_1079 = tpu.vector_load %swap3A_1077[%swap3A_1078] {strides = array<i32>} : memref<51200xf32, #tpu.memory_space<vmem>>, vector<16xf32>,
          tpu.vector_store %swap3A_1077[%swap3A_1078], %select_n3A_1072 {strides = array<i32>} : memref<51200xf32, #tpu.memory_space<vmem>>, vector<16xf32>,
          %select_n3A_1080 = arith.select %eq3A_1032, %get3A_166, %get3A_158 : vector<16xi1>, vector<16xf32>
          %select_n3A_1081 = arith.select %eq3A_1035, %get3A_174, %select_n3A_1080 : vector<16xi1>, vector<16xf32>
          %select_n3A_1082 = arith.select %eq3A_1038, %get3A_182, %select_n3A_1081 : vector<16xi1>, vector<16xf32>
          %select_n3A_1083 = arith.select %eq3A_1041, %get3A_190, %select_n3A_1082 : vector<16xi1>, vector<16xf32>
          %select_n3A_1084 = arith.select %eq3A_1044, %get3A_198, %select_n3A_1083 : vector<16xi1>, vector<16xf32>
          %select_n3A_1085 = arith.select %eq3A_1047, %get3A_206, %select_n3A_1084 : vector<16xi1>, vector<16xf32>
          %add3A_1086 = arith.constant 32 : i32
          %add3A_1087 = arith.addi %mul3A_1053, %add3A_1086 : i32
          %swap3A_1088 = arith.constant 0 : i32
          %swap3A_1089 = tpu.memref_slice %arg7[%scan3A_210, %swap3A_1088] : memref<2x51200xf32, #tpu.memory_space<vmem>> -> memref<1x51200xf32, #tpu.memory_space<vmem>>
          %swap3A_1090 = tpu.memref_squeeze %swap3A_1089 : memref<1x51200xf32, #tpu.memory_space<vmem>> -> memref<51200xf32, #tpu.memory_space<vmem>>
          %swap3A_1091 = arith.index_cast %add3A_1087 : i32 to index
          %swap3A_1092 = tpu.vector_load %swap3A_1090[%swap3A_1091] {strides = array<i32>} : memref<51200xf32, #tpu.memory_space<vmem>>, vector<16xf32>,
          tpu.vector_store %swap3A_1090[%swap3A_1091], %select_n3A_1085 {strides = array<i32>} : memref<51200xf32, #tpu.memory_space<vmem>>, vector<16xf32>,
          %select_n3A_1093 = arith.select %eq3A_1032, %get3A_168, %get3A_160 : vector<16xi1>, vector<16xf32>
          %select_n3A_1094 = arith.select %eq3A_1035, %get3A_176, %select_n3A_1093 : vector<16xi1>, vector<16xf32>
          %select_n3A_1095 = arith.select %eq3A_1038, %get3A_184, %select_n3A_1094 : vector<16xi1>, vector<16xf32>
          %select_n3A_1096 = arith.select %eq3A_1041, %get3A_192, %select_n3A_1095 : vector<16xi1>, vector<16xf32>
          %select_n3A_1097 = arith.select %eq3A_1044, %get3A_200, %select_n3A_1096 : vector<16xi1>, vector<16xf32>
          %select_n3A_1098 = arith.select %eq3A_1047, %get3A_208, %select_n3A_1097 : vector<16xi1>, vector<16xf32>
          %add3A_1099 = arith.constant 48 : i32
          %add3A_1100 = arith.addi %mul3A_1053, %add3A_1099 : i32
          %swap3A_1101 = arith.constant 0 : i32
          %swap3A_1102 = tpu.memref_slice %arg7[%scan3A_210, %swap3A_1101] : memref<2x51200xf32, #tpu.memory_space<vmem>> -> memref<1x51200xf32, #tpu.memory_space<vmem>>
          %swap3A_1103 = tpu.memref_squeeze %swap3A_1102 : memref<1x51200xf32, #tpu.memory_space<vmem>> -> memref<51200xf32, #tpu.memory_space<vmem>>
          %swap3A_1104 = arith.index_cast %add3A_1100 : i32 to index
          %swap3A_1105 = tpu.vector_load %swap3A_1103[%swap3A_1104] {strides = array<i32>} : memref<51200xf32, #tpu.memory_space<vmem>>, vector<16xf32>,
          tpu.vector_store %swap3A_1103[%swap3A_1104], %select_n3A_1098 {strides = array<i32>} : memref<51200xf32, #tpu.memory_space<vmem>>, vector<16xf32>,
          %broadcast_in_dim3A_1106 = arith.constant 11 : i32
          %broadcast_in_dim3A_1107 = vector.broadcast %broadcast_in_dim3A_1106 : i32 to vector<16x1xi32>
          %gather3A_1108 = vector.shape_cast %broadcast_in_dim3A_1107 : vector<16x1xi32> to vector<16xi32>
          %gather3A_1109 = tpu.dynamic_gather %get3A_230[%gather3A_1108] in [0] : vector<16xi32>, vector<16xi32> -> vector<16xi32>
          %eq3A_1110 = arith.constant 1 : i32
          %eq3A_1111 = vector.broadcast %eq3A_1110 : i32 to vector<16xi32>
          %eq3A_1112 = arith.cmpi eq, %gather3A_1109, %eq3A_1111 : vector<16xi32>
          %eq3A_1113 = arith.constant 2 : i32
          %eq3A_1114 = vector.broadcast %eq3A_1113 : i32 to vector<16xi32>
          %eq3A_1115 = arith.cmpi eq, %gather3A_1109, %eq3A_1114 : vector<16xi32>
          %eq3A_1116 = arith.constant 3 : i32
          %eq3A_1117 = vector.broadcast %eq3A_1116 : i32 to vector<16xi32>
          %eq3A_1118 = arith.cmpi eq, %gather3A_1109, %eq3A_1117 : vector<16xi32>
          %eq3A_1119 = arith.constant 4 : i32
          %eq3A_1120 = vector.broadcast %eq3A_1119 : i32 to vector<16xi32>
          %eq3A_1121 = arith.cmpi eq, %gather3A_1109, %eq3A_1120 : vector<16xi32>
          %eq3A_1122 = arith.constant 5 : i32
          %eq3A_1123 = vector.broadcast %eq3A_1122 : i32 to vector<16xi32>
          %eq3A_1124 = arith.cmpi eq, %gather3A_1109, %eq3A_1123 : vector<16xi32>
          %eq3A_1125 = arith.constant 6 : i32
          %eq3A_1126 = vector.broadcast %eq3A_1125 : i32 to vector<16xi32>
          %eq3A_1127 = arith.cmpi eq, %gather3A_1109, %eq3A_1126 : vector<16xi32>
          %mul3A_1128 = arith.constant 16 : i32
          %mul3A_1129 = arith.muli %scan3A_225, %mul3A_1128 : i32
          %add3A_1130 = arith.constant 11 : i32
          %add3A_1131 = arith.addi %mul3A_1129, %add3A_1130 : i32
          %mul3A_1132 = arith.constant 64 : i32
          %mul3A_1133 = arith.muli %add3A_1131, %mul3A_1132 : i32
          %select_n3A_1134 = arith.select %eq3A_1112, %get3A_162, %get3A_154 : vector<16xi1>, vector<16xf32>
          %select_n3A_1135 = arith.select %eq3A_1115, %get3A_170, %select_n3A_1134 : vector<16xi1>, vector<16xf32>
          %select_n3A_1136 = arith.select %eq3A_1118, %get3A_178, %select_n3A_1135 : vector<16xi1>, vector<16xf32>
          %select_n3A_1137 = arith.select %eq3A_1121, %get3A_186, %select_n3A_1136 : vector<16xi1>, vector<16xf32>
          %select_n3A_1138 = arith.select %eq3A_1124, %get3A_194, %select_n3A_1137 : vector<16xi1>, vector<16xf32>
          %select_n3A_1139 = arith.select %eq3A_1127, %get3A_202, %select_n3A_1138 : vector<16xi1>, vector<16xf32>
          %add3A_1140 = arith.constant 0 : i32
          %add3A_1141 = arith.addi %mul3A_1133, %add3A_1140 : i32
          %swap3A_1142 = arith.constant 0 : i32
          %swap3A_1143 = tpu.memref_slice %arg7[%scan3A_210, %swap3A_1142] : memref<2x51200xf32, #tpu.memory_space<vmem>> -> memref<1x51200xf32, #tpu.memory_space<vmem>>
          %swap3A_1144 = tpu.memref_squeeze %swap3A_1143 : memref<1x51200xf32, #tpu.memory_space<vmem>> -> memref<51200xf32, #tpu.memory_space<vmem>>
          %swap3A_1145 = arith.index_cast %add3A_1141 : i32 to index
          %swap3A_1146 = tpu.vector_load %swap3A_1144[%swap3A_1145] {strides = array<i32>} : memref<51200xf32, #tpu.memory_space<vmem>>, vector<16xf32>,
          tpu.vector_store %swap3A_1144[%swap3A_1145], %select_n3A_1139 {strides = array<i32>} : memref<51200xf32, #tpu.memory_space<vmem>>, vector<16xf32>,
          %select_n3A_1147 = arith.select %eq3A_1112, %get3A_164, %get3A_156 : vector<16xi1>, vector<16xf32>
          %select_n3A_1148 = arith.select %eq3A_1115, %get3A_172, %select_n3A_1147 : vector<16xi1>, vector<16xf32>
          %select_n3A_1149 = arith.select %eq3A_1118, %get3A_180, %select_n3A_1148 : vector<16xi1>, vector<16xf32>
          %select_n3A_1150 = arith.select %eq3A_1121, %get3A_188, %select_n3A_1149 : vector<16xi1>, vector<16xf32>
          %select_n3A_1151 = arith.select %eq3A_1124, %get3A_196, %select_n3A_1150 : vector<16xi1>, vector<16xf32>
          %select_n3A_1152 = arith.select %eq3A_1127, %get3A_204, %select_n3A_1151 : vector<16xi1>, vector<16xf32>
          %add3A_1153 = arith.constant 16 : i32
          %add3A_1154 = arith.addi %mul3A_1133, %add3A_1153 : i32
          %swap3A_1155 = arith.constant 0 : i32
          %swap3A_1156 = tpu.memref_slice %arg7[%scan3A_210, %swap3A_1155] : memref<2x51200xf32, #tpu.memory_space<vmem>> -> memref<1x51200xf32, #tpu.memory_space<vmem>>
          %swap3A_1157 = tpu.memref_squeeze %swap3A_1156 : memref<1x51200xf32, #tpu.memory_space<vmem>> -> memref<51200xf32, #tpu.memory_space<vmem>>
          %swap3A_1158 = arith.index_cast %add3A_1154 : i32 to index
          %swap3A_1159 = tpu.vector_load %swap3A_1157[%swap3A_1158] {strides = array<i32>} : memref<51200xf32, #tpu.memory_space<vmem>>, vector<16xf32>,
          tpu.vector_store %swap3A_1157[%swap3A_1158], %select_n3A_1152 {strides = array<i32>} : memref<51200xf32, #tpu.memory_space<vmem>>, vector<16xf32>,
          %select_n3A_1160 = arith.select %eq3A_1112, %get3A_166, %get3A_158 : vector<16xi1>, vector<16xf32>
          %select_n3A_1161 = arith.select %eq3A_1115, %get3A_174, %select_n3A_1160 : vector<16xi1>, vector<16xf32>
          %select_n3A_1162 = arith.select %eq3A_1118, %get3A_182, %select_n3A_1161 : vector<16xi1>, vector<16xf32>
          %select_n3A_1163 = arith.select %eq3A_1121, %get3A_190, %select_n3A_1162 : vector<16xi1>, vector<16xf32>
          %select_n3A_1164 = arith.select %eq3A_1124, %get3A_198, %select_n3A_1163 : vector<16xi1>, vector<16xf32>
          %select_n3A_1165 = arith.select %eq3A_1127, %get3A_206, %select_n3A_1164 : vector<16xi1>, vector<16xf32>
          %add3A_1166 = arith.constant 32 : i32
          %add3A_1167 = arith.addi %mul3A_1133, %add3A_1166 : i32
          %swap3A_1168 = arith.constant 0 : i32
          %swap3A_1169 = tpu.memref_slice %arg7[%scan3A_210, %swap3A_1168] : memref<2x51200xf32, #tpu.memory_space<vmem>> -> memref<1x51200xf32, #tpu.memory_space<vmem>>
          %swap3A_1170 = tpu.memref_squeeze %swap3A_1169 : memref<1x51200xf32, #tpu.memory_space<vmem>> -> memref<51200xf32, #tpu.memory_space<vmem>>
          %swap3A_1171 = arith.index_cast %add3A_1167 : i32 to index
          %swap3A_1172 = tpu.vector_load %swap3A_1170[%swap3A_1171] {strides = array<i32>} : memref<51200xf32, #tpu.memory_space<vmem>>, vector<16xf32>,
          tpu.vector_store %swap3A_1170[%swap3A_1171], %select_n3A_1165 {strides = array<i32>} : memref<51200xf32, #tpu.memory_space<vmem>>, vector<16xf32>,
          %select_n3A_1173 = arith.select %eq3A_1112, %get3A_168, %get3A_160 : vector<16xi1>, vector<16xf32>
          %select_n3A_1174 = arith.select %eq3A_1115, %get3A_176, %select_n3A_1173 : vector<16xi1>, vector<16xf32>
          %select_n3A_1175 = arith.select %eq3A_1118, %get3A_184, %select_n3A_1174 : vector<16xi1>, vector<16xf32>
          %select_n3A_1176 = arith.select %eq3A_1121, %get3A_192, %select_n3A_1175 : vector<16xi1>, vector<16xf32>
          %select_n3A_1177 = arith.select %eq3A_1124, %get3A_200, %select_n3A_1176 : vector<16xi1>, vector<16xf32>
          %select_n3A_1178 = arith.select %eq3A_1127, %get3A_208, %select_n3A_1177 : vector<16xi1>, vector<16xf32>
          %add3A_1179 = arith.constant 48 : i32
          %add3A_1180 = arith.addi %mul3A_1133, %add3A_1179 : i32
          %swap3A_1181 = arith.constant 0 : i32
          %swap3A_1182 = tpu.memref_slice %arg7[%scan3A_210, %swap3A_1181] : memref<2x51200xf32, #tpu.memory_space<vmem>> -> memref<1x51200xf32, #tpu.memory_space<vmem>>
          %swap3A_1183 = tpu.memref_squeeze %swap3A_1182 : memref<1x51200xf32, #tpu.memory_space<vmem>> -> memref<51200xf32, #tpu.memory_space<vmem>>
          %swap3A_1184 = arith.index_cast %add3A_1180 : i32 to index
          %swap3A_1185 = tpu.vector_load %swap3A_1183[%swap3A_1184] {strides = array<i32>} : memref<51200xf32, #tpu.memory_space<vmem>>, vector<16xf32>,
          tpu.vector_store %swap3A_1183[%swap3A_1184], %select_n3A_1178 {strides = array<i32>} : memref<51200xf32, #tpu.memory_space<vmem>>, vector<16xf32>,
          %broadcast_in_dim3A_1186 = arith.constant 12 : i32
          %broadcast_in_dim3A_1187 = vector.broadcast %broadcast_in_dim3A_1186 : i32 to vector<16x1xi32>
          %gather3A_1188 = vector.shape_cast %broadcast_in_dim3A_1187 : vector<16x1xi32> to vector<16xi32>
          %gather3A_1189 = tpu.dynamic_gather %get3A_230[%gather3A_1188] in [0] : vector<16xi32>, vector<16xi32> -> vector<16xi32>
          %eq3A_1190 = arith.constant 1 : i32
          %eq3A_1191 = vector.broadcast %eq3A_1190 : i32 to vector<16xi32>
          %eq3A_1192 = arith.cmpi eq, %gather3A_1189, %eq3A_1191 : vector<16xi32>
          %eq3A_1193 = arith.constant 2 : i32
          %eq3A_1194 = vector.broadcast %eq3A_1193 : i32 to vector<16xi32>
          %eq3A_1195 = arith.cmpi eq, %gather3A_1189, %eq3A_1194 : vector<16xi32>
          %eq3A_1196 = arith.constant 3 : i32
          %eq3A_1197 = vector.broadcast %eq3A_1196 : i32 to vector<16xi32>
          %eq3A_1198 = arith.cmpi eq, %gather3A_1189, %eq3A_1197 : vector<16xi32>
          %eq3A_1199 = arith.constant 4 : i32
          %eq3A_1200 = vector.broadcast %eq3A_1199 : i32 to vector<16xi32>
          %eq3A_1201 = arith.cmpi eq, %gather3A_1189, %eq3A_1200 : vector<16xi32>
          %eq3A_1202 = arith.constant 5 : i32
          %eq3A_1203 = vector.broadcast %eq3A_1202 : i32 to vector<16xi32>
          %eq3A_1204 = arith.cmpi eq, %gather3A_1189, %eq3A_1203 : vector<16xi32>
          %eq3A_1205 = arith.constant 6 : i32
          %eq3A_1206 = vector.broadcast %eq3A_1205 : i32 to vector<16xi32>
          %eq3A_1207 = arith.cmpi eq, %gather3A_1189, %eq3A_1206 : vector<16xi32>
          %mul3A_1208 = arith.constant 16 : i32
          %mul3A_1209 = arith.muli %scan3A_225, %mul3A_1208 : i32
          %add3A_1210 = arith.constant 12 : i32
          %add3A_1211 = arith.addi %mul3A_1209, %add3A_1210 : i32
          %mul3A_1212 = arith.constant 64 : i32
          %mul3A_1213 = arith.muli %add3A_1211, %mul3A_1212 : i32
          %select_n3A_1214 = arith.select %eq3A_1192, %get3A_162, %get3A_154 : vector<16xi1>, vector<16xf32>
          %select_n3A_1215 = arith.select %eq3A_1195, %get3A_170, %select_n3A_1214 : vector<16xi1>, vector<16xf32>
          %select_n3A_1216 = arith.select %eq3A_1198, %get3A_178, %select_n3A_1215 : vector<16xi1>, vector<16xf32>
          %select_n3A_1217 = arith.select %eq3A_1201, %get3A_186, %select_n3A_1216 : vector<16xi1>, vector<16xf32>
          %select_n3A_1218 = arith.select %eq3A_1204, %get3A_194, %select_n3A_1217 : vector<16xi1>, vector<16xf32>
          %select_n3A_1219 = arith.select %eq3A_1207, %get3A_202, %select_n3A_1218 : vector<16xi1>, vector<16xf32>
          %add3A_1220 = arith.constant 0 : i32
          %add3A_1221 = arith.addi %mul3A_1213, %add3A_1220 : i32
          %swap3A_1222 = arith.constant 0 : i32
          %swap3A_1223 = tpu.memref_slice %arg7[%scan3A_210, %swap3A_1222] : memref<2x51200xf32, #tpu.memory_space<vmem>> -> memref<1x51200xf32, #tpu.memory_space<vmem>>
          %swap3A_1224 = tpu.memref_squeeze %swap3A_1223 : memref<1x51200xf32, #tpu.memory_space<vmem>> -> memref<51200xf32, #tpu.memory_space<vmem>>
          %swap3A_1225 = arith.index_cast %add3A_1221 : i32 to index
          %swap3A_1226 = tpu.vector_load %swap3A_1224[%swap3A_1225] {strides = array<i32>} : memref<51200xf32, #tpu.memory_space<vmem>>, vector<16xf32>,
          tpu.vector_store %swap3A_1224[%swap3A_1225], %select_n3A_1219 {strides = array<i32>} : memref<51200xf32, #tpu.memory_space<vmem>>, vector<16xf32>,
          %select_n3A_1227 = arith.select %eq3A_1192, %get3A_164, %get3A_156 : vector<16xi1>, vector<16xf32>
          %select_n3A_1228 = arith.select %eq3A_1195, %get3A_172, %select_n3A_1227 : vector<16xi1>, vector<16xf32>
          %select_n3A_1229 = arith.select %eq3A_1198, %get3A_180, %select_n3A_1228 : vector<16xi1>, vector<16xf32>
          %select_n3A_1230 = arith.select %eq3A_1201, %get3A_188, %select_n3A_1229 : vector<16xi1>, vector<16xf32>
          %select_n3A_1231 = arith.select %eq3A_1204, %get3A_196, %select_n3A_1230 : vector<16xi1>, vector<16xf32>
          %select_n3A_1232 = arith.select %eq3A_1207, %get3A_204, %select_n3A_1231 : vector<16xi1>, vector<16xf32>
          %add3A_1233 = arith.constant 16 : i32
          %add3A_1234 = arith.addi %mul3A_1213, %add3A_1233 : i32
          %swap3A_1235 = arith.constant 0 : i32
          %swap3A_1236 = tpu.memref_slice %arg7[%scan3A_210, %swap3A_1235] : memref<2x51200xf32, #tpu.memory_space<vmem>> -> memref<1x51200xf32, #tpu.memory_space<vmem>>
          %swap3A_1237 = tpu.memref_squeeze %swap3A_1236 : memref<1x51200xf32, #tpu.memory_space<vmem>> -> memref<51200xf32, #tpu.memory_space<vmem>>
          %swap3A_1238 = arith.index_cast %add3A_1234 : i32 to index
          %swap3A_1239 = tpu.vector_load %swap3A_1237[%swap3A_1238] {strides = array<i32>} : memref<51200xf32, #tpu.memory_space<vmem>>, vector<16xf32>,
          tpu.vector_store %swap3A_1237[%swap3A_1238], %select_n3A_1232 {strides = array<i32>} : memref<51200xf32, #tpu.memory_space<vmem>>, vector<16xf32>,
          %select_n3A_1240 = arith.select %eq3A_1192, %get3A_166, %get3A_158 : vector<16xi1>, vector<16xf32>
          %select_n3A_1241 = arith.select %eq3A_1195, %get3A_174, %select_n3A_1240 : vector<16xi1>, vector<16xf32>
          %select_n3A_1242 = arith.select %eq3A_1198, %get3A_182, %select_n3A_1241 : vector<16xi1>, vector<16xf32>
          %select_n3A_1243 = arith.select %eq3A_1201, %get3A_190, %select_n3A_1242 : vector<16xi1>, vector<16xf32>
          %select_n3A_1244 = arith.select %eq3A_1204, %get3A_198, %select_n3A_1243 : vector<16xi1>, vector<16xf32>
          %select_n3A_1245 = arith.select %eq3A_1207, %get3A_206, %select_n3A_1244 : vector<16xi1>, vector<16xf32>
          %add3A_1246 = arith.constant 32 : i32
          %add3A_1247 = arith.addi %mul3A_1213, %add3A_1246 : i32
          %swap3A_1248 = arith.constant 0 : i32
          %swap3A_1249 = tpu.memref_slice %arg7[%scan3A_210, %swap3A_1248] : memref<2x51200xf32, #tpu.memory_space<vmem>> -> memref<1x51200xf32, #tpu.memory_space<vmem>>
          %swap3A_1250 = tpu.memref_squeeze %swap3A_1249 : memref<1x51200xf32, #tpu.memory_space<vmem>> -> memref<51200xf32, #tpu.memory_space<vmem>>
          %swap3A_1251 = arith.index_cast %add3A_1247 : i32 to index
          %swap3A_1252 = tpu.vector_load %swap3A_1250[%swap3A_1251] {strides = array<i32>} : memref<51200xf32, #tpu.memory_space<vmem>>, vector<16xf32>,
          tpu.vector_store %swap3A_1250[%swap3A_1251], %select_n3A_1245 {strides = array<i32>} : memref<51200xf32, #tpu.memory_space<vmem>>, vector<16xf32>,
          %select_n3A_1253 = arith.select %eq3A_1192, %get3A_168, %get3A_160 : vector<16xi1>, vector<16xf32>
          %select_n3A_1254 = arith.select %eq3A_1195, %get3A_176, %select_n3A_1253 : vector<16xi1>, vector<16xf32>
          %select_n3A_1255 = arith.select %eq3A_1198, %get3A_184, %select_n3A_1254 : vector<16xi1>, vector<16xf32>
          %select_n3A_1256 = arith.select %eq3A_1201, %get3A_192, %select_n3A_1255 : vector<16xi1>, vector<16xf32>
          %select_n3A_1257 = arith.select %eq3A_1204, %get3A_200, %select_n3A_1256 : vector<16xi1>, vector<16xf32>
          %select_n3A_1258 = arith.select %eq3A_1207, %get3A_208, %select_n3A_1257 : vector<16xi1>, vector<16xf32>
          %add3A_1259 = arith.constant 48 : i32
          %add3A_1260 = arith.addi %mul3A_1213, %add3A_1259 : i32
          %swap3A_1261 = arith.constant 0 : i32
          %swap3A_1262 = tpu.memref_slice %arg7[%scan3A_210, %swap3A_1261] : memref<2x51200xf32, #tpu.memory_space<vmem>> -> memref<1x51200xf32, #tpu.memory_space<vmem>>
          %swap3A_1263 = tpu.memref_squeeze %swap3A_1262 : memref<1x51200xf32, #tpu.memory_space<vmem>> -> memref<51200xf32, #tpu.memory_space<vmem>>
          %swap3A_1264 = arith.index_cast %add3A_1260 : i32 to index
          %swap3A_1265 = tpu.vector_load %swap3A_1263[%swap3A_1264] {strides = array<i32>} : memref<51200xf32, #tpu.memory_space<vmem>>, vector<16xf32>,
          tpu.vector_store %swap3A_1263[%swap3A_1264], %select_n3A_1258 {strides = array<i32>} : memref<51200xf32, #tpu.memory_space<vmem>>, vector<16xf32>,
          %broadcast_in_dim3A_1266 = arith.constant 13 : i32
          %broadcast_in_dim3A_1267 = vector.broadcast %broadcast_in_dim3A_1266 : i32 to vector<16x1xi32>
          %gather3A_1268 = vector.shape_cast %broadcast_in_dim3A_1267 : vector<16x1xi32> to vector<16xi32>
          %gather3A_1269 = tpu.dynamic_gather %get3A_230[%gather3A_1268] in [0] : vector<16xi32>, vector<16xi32> -> vector<16xi32>
          %eq3A_1270 = arith.constant 1 : i32
          %eq3A_1271 = vector.broadcast %eq3A_1270 : i32 to vector<16xi32>
          %eq3A_1272 = arith.cmpi eq, %gather3A_1269, %eq3A_1271 : vector<16xi32>
          %eq3A_1273 = arith.constant 2 : i32
          %eq3A_1274 = vector.broadcast %eq3A_1273 : i32 to vector<16xi32>
          %eq3A_1275 = arith.cmpi eq, %gather3A_1269, %eq3A_1274 : vector<16xi32>
          %eq3A_1276 = arith.constant 3 : i32
          %eq3A_1277 = vector.broadcast %eq3A_1276 : i32 to vector<16xi32>
          %eq3A_1278 = arith.cmpi eq, %gather3A_1269, %eq3A_1277 : vector<16xi32>
          %eq3A_1279 = arith.constant 4 : i32
          %eq3A_1280 = vector.broadcast %eq3A_1279 : i32 to vector<16xi32>
          %eq3A_1281 = arith.cmpi eq, %gather3A_1269, %eq3A_1280 : vector<16xi32>
          %eq3A_1282 = arith.constant 5 : i32
          %eq3A_1283 = vector.broadcast %eq3A_1282 : i32 to vector<16xi32>
          %eq3A_1284 = arith.cmpi eq, %gather3A_1269, %eq3A_1283 : vector<16xi32>
          %eq3A_1285 = arith.constant 6 : i32
          %eq3A_1286 = vector.broadcast %eq3A_1285 : i32 to vector<16xi32>
          %eq3A_1287 = arith.cmpi eq, %gather3A_1269, %eq3A_1286 : vector<16xi32>
          %mul3A_1288 = arith.constant 16 : i32
          %mul3A_1289 = arith.muli %scan3A_225, %mul3A_1288 : i32
          %add3A_1290 = arith.constant 13 : i32
          %add3A_1291 = arith.addi %mul3A_1289, %add3A_1290 : i32
          %mul3A_1292 = arith.constant 64 : i32
          %mul3A_1293 = arith.muli %add3A_1291, %mul3A_1292 : i32
          %select_n3A_1294 = arith.select %eq3A_1272, %get3A_162, %get3A_154 : vector<16xi1>, vector<16xf32>
          %select_n3A_1295 = arith.select %eq3A_1275, %get3A_170, %select_n3A_1294 : vector<16xi1>, vector<16xf32>
          %select_n3A_1296 = arith.select %eq3A_1278, %get3A_178, %select_n3A_1295 : vector<16xi1>, vector<16xf32>
          %select_n3A_1297 = arith.select %eq3A_1281, %get3A_186, %select_n3A_1296 : vector<16xi1>, vector<16xf32>
          %select_n3A_1298 = arith.select %eq3A_1284, %get3A_194, %select_n3A_1297 : vector<16xi1>, vector<16xf32>
          %select_n3A_1299 = arith.select %eq3A_1287, %get3A_202, %select_n3A_1298 : vector<16xi1>, vector<16xf32>
          %add3A_1300 = arith.constant 0 : i32
          %add3A_1301 = arith.addi %mul3A_1293, %add3A_1300 : i32
          %swap3A_1302 = arith.constant 0 : i32
          %swap3A_1303 = tpu.memref_slice %arg7[%scan3A_210, %swap3A_1302] : memref<2x51200xf32, #tpu.memory_space<vmem>> -> memref<1x51200xf32, #tpu.memory_space<vmem>>
          %swap3A_1304 = tpu.memref_squeeze %swap3A_1303 : memref<1x51200xf32, #tpu.memory_space<vmem>> -> memref<51200xf32, #tpu.memory_space<vmem>>
          %swap3A_1305 = arith.index_cast %add3A_1301 : i32 to index
          %swap3A_1306 = tpu.vector_load %swap3A_1304[%swap3A_1305] {strides = array<i32>} : memref<51200xf32, #tpu.memory_space<vmem>>, vector<16xf32>,
          tpu.vector_store %swap3A_1304[%swap3A_1305], %select_n3A_1299 {strides = array<i32>} : memref<51200xf32, #tpu.memory_space<vmem>>, vector<16xf32>,
          %select_n3A_1307 = arith.select %eq3A_1272, %get3A_164, %get3A_156 : vector<16xi1>, vector<16xf32>
          %select_n3A_1308 = arith.select %eq3A_1275, %get3A_172, %select_n3A_1307 : vector<16xi1>, vector<16xf32>
          %select_n3A_1309 = arith.select %eq3A_1278, %get3A_180, %select_n3A_1308 : vector<16xi1>, vector<16xf32>
          %select_n3A_1310 = arith.select %eq3A_1281, %get3A_188, %select_n3A_1309 : vector<16xi1>, vector<16xf32>
          %select_n3A_1311 = arith.select %eq3A_1284, %get3A_196, %select_n3A_1310 : vector<16xi1>, vector<16xf32>
          %select_n3A_1312 = arith.select %eq3A_1287, %get3A_204, %select_n3A_1311 : vector<16xi1>, vector<16xf32>
          %add3A_1313 = arith.constant 16 : i32
          %add3A_1314 = arith.addi %mul3A_1293, %add3A_1313 : i32
          %swap3A_1315 = arith.constant 0 : i32
          %swap3A_1316 = tpu.memref_slice %arg7[%scan3A_210, %swap3A_1315] : memref<2x51200xf32, #tpu.memory_space<vmem>> -> memref<1x51200xf32, #tpu.memory_space<vmem>>
          %swap3A_1317 = tpu.memref_squeeze %swap3A_1316 : memref<1x51200xf32, #tpu.memory_space<vmem>> -> memref<51200xf32, #tpu.memory_space<vmem>>
          %swap3A_1318 = arith.index_cast %add3A_1314 : i32 to index
          %swap3A_1319 = tpu.vector_load %swap3A_1317[%swap3A_1318] {strides = array<i32>} : memref<51200xf32, #tpu.memory_space<vmem>>, vector<16xf32>,
          tpu.vector_store %swap3A_1317[%swap3A_1318], %select_n3A_1312 {strides = array<i32>} : memref<51200xf32, #tpu.memory_space<vmem>>, vector<16xf32>,
          %select_n3A_1320 = arith.select %eq3A_1272, %get3A_166, %get3A_158 : vector<16xi1>, vector<16xf32>
          %select_n3A_1321 = arith.select %eq3A_1275, %get3A_174, %select_n3A_1320 : vector<16xi1>, vector<16xf32>
          %select_n3A_1322 = arith.select %eq3A_1278, %get3A_182, %select_n3A_1321 : vector<16xi1>, vector<16xf32>
          %select_n3A_1323 = arith.select %eq3A_1281, %get3A_190, %select_n3A_1322 : vector<16xi1>, vector<16xf32>
          %select_n3A_1324 = arith.select %eq3A_1284, %get3A_198, %select_n3A_1323 : vector<16xi1>, vector<16xf32>
          %select_n3A_1325 = arith.select %eq3A_1287, %get3A_206, %select_n3A_1324 : vector<16xi1>, vector<16xf32>
          %add3A_1326 = arith.constant 32 : i32
          %add3A_1327 = arith.addi %mul3A_1293, %add3A_1326 : i32
          %swap3A_1328 = arith.constant 0 : i32
          %swap3A_1329 = tpu.memref_slice %arg7[%scan3A_210, %swap3A_1328] : memref<2x51200xf32, #tpu.memory_space<vmem>> -> memref<1x51200xf32, #tpu.memory_space<vmem>>
          %swap3A_1330 = tpu.memref_squeeze %swap3A_1329 : memref<1x51200xf32, #tpu.memory_space<vmem>> -> memref<51200xf32, #tpu.memory_space<vmem>>
          %swap3A_1331 = arith.index_cast %add3A_1327 : i32 to index
          %swap3A_1332 = tpu.vector_load %swap3A_1330[%swap3A_1331] {strides = array<i32>} : memref<51200xf32, #tpu.memory_space<vmem>>, vector<16xf32>,
          tpu.vector_store %swap3A_1330[%swap3A_1331], %select_n3A_1325 {strides = array<i32>} : memref<51200xf32, #tpu.memory_space<vmem>>, vector<16xf32>,
          %select_n3A_1333 = arith.select %eq3A_1272, %get3A_168, %get3A_160 : vector<16xi1>, vector<16xf32>
          %select_n3A_1334 = arith.select %eq3A_1275, %get3A_176, %select_n3A_1333 : vector<16xi1>, vector<16xf32>
          %select_n3A_1335 = arith.select %eq3A_1278, %get3A_184, %select_n3A_1334 : vector<16xi1>, vector<16xf32>
          %select_n3A_1336 = arith.select %eq3A_1281, %get3A_192, %select_n3A_1335 : vector<16xi1>, vector<16xf32>
          %select_n3A_1337 = arith.select %eq3A_1284, %get3A_200, %select_n3A_1336 : vector<16xi1>, vector<16xf32>
          %select_n3A_1338 = arith.select %eq3A_1287, %get3A_208, %select_n3A_1337 : vector<16xi1>, vector<16xf32>
          %add3A_1339 = arith.constant 48 : i32
          %add3A_1340 = arith.addi %mul3A_1293, %add3A_1339 : i32
          %swap3A_1341 = arith.constant 0 : i32
          %swap3A_1342 = tpu.memref_slice %arg7[%scan3A_210, %swap3A_1341] : memref<2x51200xf32, #tpu.memory_space<vmem>> -> memref<1x51200xf32, #tpu.memory_space<vmem>>
          %swap3A_1343 = tpu.memref_squeeze %swap3A_1342 : memref<1x51200xf32, #tpu.memory_space<vmem>> -> memref<51200xf32, #tpu.memory_space<vmem>>
          %swap3A_1344 = arith.index_cast %add3A_1340 : i32 to index
          %swap3A_1345 = tpu.vector_load %swap3A_1343[%swap3A_1344] {strides = array<i32>} : memref<51200xf32, #tpu.memory_space<vmem>>, vector<16xf32>,
          tpu.vector_store %swap3A_1343[%swap3A_1344], %select_n3A_1338 {strides = array<i32>} : memref<51200xf32, #tpu.memory_space<vmem>>, vector<16xf32>,
          %broadcast_in_dim3A_1346 = arith.constant 14 : i32
          %broadcast_in_dim3A_1347 = vector.broadcast %broadcast_in_dim3A_1346 : i32 to vector<16x1xi32>
          %gather3A_1348 = vector.shape_cast %broadcast_in_dim3A_1347 : vector<16x1xi32> to vector<16xi32>
          %gather3A_1349 = tpu.dynamic_gather %get3A_230[%gather3A_1348] in [0] : vector<16xi32>, vector<16xi32> -> vector<16xi32>
          %eq3A_1350 = arith.constant 1 : i32
          %eq3A_1351 = vector.broadcast %eq3A_1350 : i32 to vector<16xi32>
          %eq3A_1352 = arith.cmpi eq, %gather3A_1349, %eq3A_1351 : vector<16xi32>
          %eq3A_1353 = arith.constant 2 : i32
          %eq3A_1354 = vector.broadcast %eq3A_1353 : i32 to vector<16xi32>
          %eq3A_1355 = arith.cmpi eq, %gather3A_1349, %eq3A_1354 : vector<16xi32>
          %eq3A_1356 = arith.constant 3 : i32
          %eq3A_1357 = vector.broadcast %eq3A_1356 : i32 to vector<16xi32>
          %eq3A_1358 = arith.cmpi eq, %gather3A_1349, %eq3A_1357 : vector<16xi32>
          %eq3A_1359 = arith.constant 4 : i32
          %eq3A_1360 = vector.broadcast %eq3A_1359 : i32 to vector<16xi32>
          %eq3A_1361 = arith.cmpi eq, %gather3A_1349, %eq3A_1360 : vector<16xi32>
          %eq3A_1362 = arith.constant 5 : i32
          %eq3A_1363 = vector.broadcast %eq3A_1362 : i32 to vector<16xi32>
          %eq3A_1364 = arith.cmpi eq, %gather3A_1349, %eq3A_1363 : vector<16xi32>
          %eq3A_1365 = arith.constant 6 : i32
          %eq3A_1366 = vector.broadcast %eq3A_1365 : i32 to vector<16xi32>
          %eq3A_1367 = arith.cmpi eq, %gather3A_1349, %eq3A_1366 : vector<16xi32>
          %mul3A_1368 = arith.constant 16 : i32
          %mul3A_1369 = arith.muli %scan3A_225, %mul3A_1368 : i32
          %add3A_1370 = arith.constant 14 : i32
          %add3A_1371 = arith.addi %mul3A_1369, %add3A_1370 : i32
          %mul3A_1372 = arith.constant 64 : i32
          %mul3A_1373 = arith.muli %add3A_1371, %mul3A_1372 : i32
          %select_n3A_1374 = arith.select %eq3A_1352, %get3A_162, %get3A_154 : vector<16xi1>, vector<16xf32>
          %select_n3A_1375 = arith.select %eq3A_1355, %get3A_170, %select_n3A_1374 : vector<16xi1>, vector<16xf32>
          %select_n3A_1376 = arith.select %eq3A_1358, %get3A_178, %select_n3A_1375 : vector<16xi1>, vector<16xf32>
          %select_n3A_1377 = arith.select %eq3A_1361, %get3A_186, %select_n3A_1376 : vector<16xi1>, vector<16xf32>
          %select_n3A_1378 = arith.select %eq3A_1364, %get3A_194, %select_n3A_1377 : vector<16xi1>, vector<16xf32>
          %select_n3A_1379 = arith.select %eq3A_1367, %get3A_202, %select_n3A_1378 : vector<16xi1>, vector<16xf32>
          %add3A_1380 = arith.constant 0 : i32
          %add3A_1381 = arith.addi %mul3A_1373, %add3A_1380 : i32
          %swap3A_1382 = arith.constant 0 : i32
          %swap3A_1383 = tpu.memref_slice %arg7[%scan3A_210, %swap3A_1382] : memref<2x51200xf32, #tpu.memory_space<vmem>> -> memref<1x51200xf32, #tpu.memory_space<vmem>>
          %swap3A_1384 = tpu.memref_squeeze %swap3A_1383 : memref<1x51200xf32, #tpu.memory_space<vmem>> -> memref<51200xf32, #tpu.memory_space<vmem>>
          %swap3A_1385 = arith.index_cast %add3A_1381 : i32 to index
          %swap3A_1386 = tpu.vector_load %swap3A_1384[%swap3A_1385] {strides = array<i32>} : memref<51200xf32, #tpu.memory_space<vmem>>, vector<16xf32>,
          tpu.vector_store %swap3A_1384[%swap3A_1385], %select_n3A_1379 {strides = array<i32>} : memref<51200xf32, #tpu.memory_space<vmem>>, vector<16xf32>,
          %select_n3A_1387 = arith.select %eq3A_1352, %get3A_164, %get3A_156 : vector<16xi1>, vector<16xf32>
          %select_n3A_1388 = arith.select %eq3A_1355, %get3A_172, %select_n3A_1387 : vector<16xi1>, vector<16xf32>
          %select_n3A_1389 = arith.select %eq3A_1358, %get3A_180, %select_n3A_1388 : vector<16xi1>, vector<16xf32>
          %select_n3A_1390 = arith.select %eq3A_1361, %get3A_188, %select_n3A_1389 : vector<16xi1>, vector<16xf32>
          %select_n3A_1391 = arith.select %eq3A_1364, %get3A_196, %select_n3A_1390 : vector<16xi1>, vector<16xf32>
          %select_n3A_1392 = arith.select %eq3A_1367, %get3A_204, %select_n3A_1391 : vector<16xi1>, vector<16xf32>
          %add3A_1393 = arith.constant 16 : i32
          %add3A_1394 = arith.addi %mul3A_1373, %add3A_1393 : i32
          %swap3A_1395 = arith.constant 0 : i32
          %swap3A_1396 = tpu.memref_slice %arg7[%scan3A_210, %swap3A_1395] : memref<2x51200xf32, #tpu.memory_space<vmem>> -> memref<1x51200xf32, #tpu.memory_space<vmem>>
          %swap3A_1397 = tpu.memref_squeeze %swap3A_1396 : memref<1x51200xf32, #tpu.memory_space<vmem>> -> memref<51200xf32, #tpu.memory_space<vmem>>
          %swap3A_1398 = arith.index_cast %add3A_1394 : i32 to index
          %swap3A_1399 = tpu.vector_load %swap3A_1397[%swap3A_1398] {strides = array<i32>} : memref<51200xf32, #tpu.memory_space<vmem>>, vector<16xf32>,
          tpu.vector_store %swap3A_1397[%swap3A_1398], %select_n3A_1392 {strides = array<i32>} : memref<51200xf32, #tpu.memory_space<vmem>>, vector<16xf32>,
          %select_n3A_1400 = arith.select %eq3A_1352, %get3A_166, %get3A_158 : vector<16xi1>, vector<16xf32>
          %select_n3A_1401 = arith.select %eq3A_1355, %get3A_174, %select_n3A_1400 : vector<16xi1>, vector<16xf32>
          %select_n3A_1402 = arith.select %eq3A_1358, %get3A_182, %select_n3A_1401 : vector<16xi1>, vector<16xf32>
          %select_n3A_1403 = arith.select %eq3A_1361, %get3A_190, %select_n3A_1402 : vector<16xi1>, vector<16xf32>
          %select_n3A_1404 = arith.select %eq3A_1364, %get3A_198, %select_n3A_1403 : vector<16xi1>, vector<16xf32>
          %select_n3A_1405 = arith.select %eq3A_1367, %get3A_206, %select_n3A_1404 : vector<16xi1>, vector<16xf32>
          %add3A_1406 = arith.constant 32 : i32
          %add3A_1407 = arith.addi %mul3A_1373, %add3A_1406 : i32
          %swap3A_1408 = arith.constant 0 : i32
          %swap3A_1409 = tpu.memref_slice %arg7[%scan3A_210, %swap3A_1408] : memref<2x51200xf32, #tpu.memory_space<vmem>> -> memref<1x51200xf32, #tpu.memory_space<vmem>>
          %swap3A_1410 = tpu.memref_squeeze %swap3A_1409 : memref<1x51200xf32, #tpu.memory_space<vmem>> -> memref<51200xf32, #tpu.memory_space<vmem>>
          %swap3A_1411 = arith.index_cast %add3A_1407 : i32 to index
          %swap3A_1412 = tpu.vector_load %swap3A_1410[%swap3A_1411] {strides = array<i32>} : memref<51200xf32, #tpu.memory_space<vmem>>, vector<16xf32>,
          tpu.vector_store %swap3A_1410[%swap3A_1411], %select_n3A_1405 {strides = array<i32>} : memref<51200xf32, #tpu.memory_space<vmem>>, vector<16xf32>,
          %select_n3A_1413 = arith.select %eq3A_1352, %get3A_168, %get3A_160 : vector<16xi1>, vector<16xf32>
          %select_n3A_1414 = arith.select %eq3A_1355, %get3A_176, %select_n3A_1413 : vector<16xi1>, vector<16xf32>
          %select_n3A_1415 = arith.select %eq3A_1358, %get3A_184, %select_n3A_1414 : vector<16xi1>, vector<16xf32>
          %select_n3A_1416 = arith.select %eq3A_1361, %get3A_192, %select_n3A_1415 : vector<16xi1>, vector<16xf32>
          %select_n3A_1417 = arith.select %eq3A_1364, %get3A_200, %select_n3A_1416 : vector<16xi1>, vector<16xf32>
          %select_n3A_1418 = arith.select %eq3A_1367, %get3A_208, %select_n3A_1417 : vector<16xi1>, vector<16xf32>
          %add3A_1419 = arith.constant 48 : i32
          %add3A_1420 = arith.addi %mul3A_1373, %add3A_1419 : i32
          %swap3A_1421 = arith.constant 0 : i32
          %swap3A_1422 = tpu.memref_slice %arg7[%scan3A_210, %swap3A_1421] : memref<2x51200xf32, #tpu.memory_space<vmem>> -> memref<1x51200xf32, #tpu.memory_space<vmem>>
          %swap3A_1423 = tpu.memref_squeeze %swap3A_1422 : memref<1x51200xf32, #tpu.memory_space<vmem>> -> memref<51200xf32, #tpu.memory_space<vmem>>
          %swap3A_1424 = arith.index_cast %add3A_1420 : i32 to index
          %swap3A_1425 = tpu.vector_load %swap3A_1423[%swap3A_1424] {strides = array<i32>} : memref<51200xf32, #tpu.memory_space<vmem>>, vector<16xf32>,
          tpu.vector_store %swap3A_1423[%swap3A_1424], %select_n3A_1418 {strides = array<i32>} : memref<51200xf32, #tpu.memory_space<vmem>>, vector<16xf32>,
          %broadcast_in_dim3A_1426 = arith.constant 15 : i32
          %broadcast_in_dim3A_1427 = vector.broadcast %broadcast_in_dim3A_1426 : i32 to vector<16x1xi32>
          %gather3A_1428 = vector.shape_cast %broadcast_in_dim3A_1427 : vector<16x1xi32> to vector<16xi32>
          %gather3A_1429 = tpu.dynamic_gather %get3A_230[%gather3A_1428] in [0] : vector<16xi32>, vector<16xi32> -> vector<16xi32>
          %eq3A_1430 = arith.constant 1 : i32
          %eq3A_1431 = vector.broadcast %eq3A_1430 : i32 to vector<16xi32>
          %eq3A_1432 = arith.cmpi eq, %gather3A_1429, %eq3A_1431 : vector<16xi32>
          %eq3A_1433 = arith.constant 2 : i32
          %eq3A_1434 = vector.broadcast %eq3A_1433 : i32 to vector<16xi32>
          %eq3A_1435 = arith.cmpi eq, %gather3A_1429, %eq3A_1434 : vector<16xi32>
          %eq3A_1436 = arith.constant 3 : i32
          %eq3A_1437 = vector.broadcast %eq3A_1436 : i32 to vector<16xi32>
          %eq3A_1438 = arith.cmpi eq, %gather3A_1429, %eq3A_1437 : vector<16xi32>
          %eq3A_1439 = arith.constant 4 : i32
          %eq3A_1440 = vector.broadcast %eq3A_1439 : i32 to vector<16xi32>
          %eq3A_1441 = arith.cmpi eq, %gather3A_1429, %eq3A_1440 : vector<16xi32>
          %eq3A_1442 = arith.constant 5 : i32
          %eq3A_1443 = vector.broadcast %eq3A_1442 : i32 to vector<16xi32>
          %eq3A_1444 = arith.cmpi eq, %gather3A_1429, %eq3A_1443 : vector<16xi32>
          %eq3A_1445 = arith.constant 6 : i32
          %eq3A_1446 = vector.broadcast %eq3A_1445 : i32 to vector<16xi32>
          %eq3A_1447 = arith.cmpi eq, %gather3A_1429, %eq3A_1446 : vector<16xi32>
          %mul3A_1448 = arith.constant 16 : i32
          %mul3A_1449 = arith.muli %scan3A_225, %mul3A_1448 : i32
          %add3A_1450 = arith.constant 15 : i32
          %add3A_1451 = arith.addi %mul3A_1449, %add3A_1450 : i32
          %mul3A_1452 = arith.constant 64 : i32
          %mul3A_1453 = arith.muli %add3A_1451, %mul3A_1452 : i32
          %select_n3A_1454 = arith.select %eq3A_1432, %get3A_162, %get3A_154 : vector<16xi1>, vector<16xf32>
          %select_n3A_1455 = arith.select %eq3A_1435, %get3A_170, %select_n3A_1454 : vector<16xi1>, vector<16xf32>
          %select_n3A_1456 = arith.select %eq3A_1438, %get3A_178, %select_n3A_1455 : vector<16xi1>, vector<16xf32>
          %select_n3A_1457 = arith.select %eq3A_1441, %get3A_186, %select_n3A_1456 : vector<16xi1>, vector<16xf32>
          %select_n3A_1458 = arith.select %eq3A_1444, %get3A_194, %select_n3A_1457 : vector<16xi1>, vector<16xf32>
          %select_n3A_1459 = arith.select %eq3A_1447, %get3A_202, %select_n3A_1458 : vector<16xi1>, vector<16xf32>
          %add3A_1460 = arith.constant 0 : i32
          %add3A_1461 = arith.addi %mul3A_1453, %add3A_1460 : i32
          %swap3A_1462 = arith.constant 0 : i32
          %swap3A_1463 = tpu.memref_slice %arg7[%scan3A_210, %swap3A_1462] : memref<2x51200xf32, #tpu.memory_space<vmem>> -> memref<1x51200xf32, #tpu.memory_space<vmem>>
          %swap3A_1464 = tpu.memref_squeeze %swap3A_1463 : memref<1x51200xf32, #tpu.memory_space<vmem>> -> memref<51200xf32, #tpu.memory_space<vmem>>
          %swap3A_1465 = arith.index_cast %add3A_1461 : i32 to index
          %swap3A_1466 = tpu.vector_load %swap3A_1464[%swap3A_1465] {strides = array<i32>} : memref<51200xf32, #tpu.memory_space<vmem>>, vector<16xf32>,
          tpu.vector_store %swap3A_1464[%swap3A_1465], %select_n3A_1459 {strides = array<i32>} : memref<51200xf32, #tpu.memory_space<vmem>>, vector<16xf32>,
          %select_n3A_1467 = arith.select %eq3A_1432, %get3A_164, %get3A_156 : vector<16xi1>, vector<16xf32>
          %select_n3A_1468 = arith.select %eq3A_1435, %get3A_172, %select_n3A_1467 : vector<16xi1>, vector<16xf32>
          %select_n3A_1469 = arith.select %eq3A_1438, %get3A_180, %select_n3A_1468 : vector<16xi1>, vector<16xf32>
          %select_n3A_1470 = arith.select %eq3A_1441, %get3A_188, %select_n3A_1469 : vector<16xi1>, vector<16xf32>
          %select_n3A_1471 = arith.select %eq3A_1444, %get3A_196, %select_n3A_1470 : vector<16xi1>, vector<16xf32>
          %select_n3A_1472 = arith.select %eq3A_1447, %get3A_204, %select_n3A_1471 : vector<16xi1>, vector<16xf32>
          %add3A_1473 = arith.constant 16 : i32
          %add3A_1474 = arith.addi %mul3A_1453, %add3A_1473 : i32
          %swap3A_1475 = arith.constant 0 : i32
          %swap3A_1476 = tpu.memref_slice %arg7[%scan3A_210, %swap3A_1475] : memref<2x51200xf32, #tpu.memory_space<vmem>> -> memref<1x51200xf32, #tpu.memory_space<vmem>>
          %swap3A_1477 = tpu.memref_squeeze %swap3A_1476 : memref<1x51200xf32, #tpu.memory_space<vmem>> -> memref<51200xf32, #tpu.memory_space<vmem>>
          %swap3A_1478 = arith.index_cast %add3A_1474 : i32 to index
          %swap3A_1479 = tpu.vector_load %swap3A_1477[%swap3A_1478] {strides = array<i32>} : memref<51200xf32, #tpu.memory_space<vmem>>, vector<16xf32>,
          tpu.vector_store %swap3A_1477[%swap3A_1478], %select_n3A_1472 {strides = array<i32>} : memref<51200xf32, #tpu.memory_space<vmem>>, vector<16xf32>,
          %select_n3A_1480 = arith.select %eq3A_1432, %get3A_166, %get3A_158 : vector<16xi1>, vector<16xf32>
          %select_n3A_1481 = arith.select %eq3A_1435, %get3A_174, %select_n3A_1480 : vector<16xi1>, vector<16xf32>
          %select_n3A_1482 = arith.select %eq3A_1438, %get3A_182, %select_n3A_1481 : vector<16xi1>, vector<16xf32>
          %select_n3A_1483 = arith.select %eq3A_1441, %get3A_190, %select_n3A_1482 : vector<16xi1>, vector<16xf32>
          %select_n3A_1484 = arith.select %eq3A_1444, %get3A_198, %select_n3A_1483 : vector<16xi1>, vector<16xf32>
          %select_n3A_1485 = arith.select %eq3A_1447, %get3A_206, %select_n3A_1484 : vector<16xi1>, vector<16xf32>
          %add3A_1486 = arith.constant 32 : i32
          %add3A_1487 = arith.addi %mul3A_1453, %add3A_1486 : i32
          %swap3A_1488 = arith.constant 0 : i32
          %swap3A_1489 = tpu.memref_slice %arg7[%scan3A_210, %swap3A_1488] : memref<2x51200xf32, #tpu.memory_space<vmem>> -> memref<1x51200xf32, #tpu.memory_space<vmem>>
          %swap3A_1490 = tpu.memref_squeeze %swap3A_1489 : memref<1x51200xf32, #tpu.memory_space<vmem>> -> memref<51200xf32, #tpu.memory_space<vmem>>
          %swap3A_1491 = arith.index_cast %add3A_1487 : i32 to index
          %swap3A_1492 = tpu.vector_load %swap3A_1490[%swap3A_1491] {strides = array<i32>} : memref<51200xf32, #tpu.memory_space<vmem>>, vector<16xf32>,
          tpu.vector_store %swap3A_1490[%swap3A_1491], %select_n3A_1485 {strides = array<i32>} : memref<51200xf32, #tpu.memory_space<vmem>>, vector<16xf32>,
          %select_n3A_1493 = arith.select %eq3A_1432, %get3A_168, %get3A_160 : vector<16xi1>, vector<16xf32>
          %select_n3A_1494 = arith.select %eq3A_1435, %get3A_176, %select_n3A_1493 : vector<16xi1>, vector<16xf32>
          %select_n3A_1495 = arith.select %eq3A_1438, %get3A_184, %select_n3A_1494 : vector<16xi1>, vector<16xf32>
          %select_n3A_1496 = arith.select %eq3A_1441, %get3A_192, %select_n3A_1495 : vector<16xi1>, vector<16xf32>
          %select_n3A_1497 = arith.select %eq3A_1444, %get3A_200, %select_n3A_1496 : vector<16xi1>, vector<16xf32>
          %select_n3A_1498 = arith.select %eq3A_1447, %get3A_208, %select_n3A_1497 : vector<16xi1>, vector<16xf32>
          %add3A_1499 = arith.constant 48 : i32
          %add3A_1500 = arith.addi %mul3A_1453, %add3A_1499 : i32
          %swap3A_1501 = arith.constant 0 : i32
          %swap3A_1502 = tpu.memref_slice %arg7[%scan3A_210, %swap3A_1501] : memref<2x51200xf32, #tpu.memory_space<vmem>> -> memref<1x51200xf32, #tpu.memory_space<vmem>>
          %swap3A_1503 = tpu.memref_squeeze %swap3A_1502 : memref<1x51200xf32, #tpu.memory_space<vmem>> -> memref<51200xf32, #tpu.memory_space<vmem>>
          %swap3A_1504 = arith.index_cast %add3A_1500 : i32 to index
          %swap3A_1505 = tpu.vector_load %swap3A_1503[%swap3A_1504] {strides = array<i32>} : memref<51200xf32, #tpu.memory_space<vmem>>, vector<16xf32>,
          tpu.vector_store %swap3A_1503[%swap3A_1504], %select_n3A_1498 {strides = array<i32>} : memref<51200xf32, #tpu.memory_space<vmem>>, vector<16xf32>,
        }
        %scan3A_215 = arith.constant 50 : i32
        %dma_start3A_216 = arith.constant 1 : i32
        %dma_start3A_217 = arith.constant 0 : i32
        %dma_start3A_218 = tpu.memref_slice %arg7[%dma_start3A_216, %dma_start3A_217] : memref<2x51200xf32, #tpu.memory_space<vmem>> -> memref<1x51200xf32, #tpu.memory_space<vmem>>
        %dma_start3A_219 = tpu.memref_squeeze %dma_start3A_218 : memref<1x51200xf32, #tpu.memory_space<vmem>> -> memref<51200xf32, #tpu.memory_space<vmem>>
        %dma_start3A_220 = tpu.memref_slice %arg4[%mul3A_141] : memref<209715200xf32, #tpu.memory_space<hbm>> -> memref<51200xf32, #tpu.memory_space<hbm>>
        %dma_start3A_221 = tpu.memref_slice %arg4[%mul3A_141] : memref<209715200xf32, #tpu.memory_space<hbm>> -> memref<51200xf32, #tpu.memory_space<hbm>>
        %dma_start3A_222 = arith.constant 0 : i32
        %dma_start3A_223 = tpu.memref_slice %arg7[%dma_start3A_216, %dma_start3A_222] : memref<2x51200xf32, #tpu.memory_space<vmem>> -> memref<1x51200xf32, #tpu.memory_space<vmem>>
        %dma_start3A_224 = tpu.memref_squeeze %dma_start3A_223 : memref<1x51200xf32, #tpu.memory_space<vmem>> -> memref<51200xf32, #tpu.memory_space<vmem>>
        tpu.enqueue_dma source(%dma_start3A_224 : memref<51200xf32, #tpu.memory_space<vmem>>) target(%dma_start3A_221 : memref<51200xf32, #tpu.memory_space<hbm>>) target_semaphore(%arg9 : memref<!tpu.dma_semaphore, #tpu.memory_space<semaphore_mem>>)
      }
      %scan3A_38 = arith.constant 8 : i32
    }
    %scan3A_7 = arith.constant 8 : i32
    %mul3A_8 = arith.constant 64 : i32
    %mul3A_9 = arith.muli %mul3A_2, %mul3A_8 : i32
    %dma_wait3A = arith.constant 0 : i32
    %dma_wait3A_10 = arith.constant 0 : i32
    %dma_wait3A_11 = tpu.memref_slice %arg7[%dma_wait3A, %dma_wait3A_10] : memref<2x51200xf32, #tpu.memory_space<vmem>> -> memref<1x51200xf32, #tpu.memory_space<vmem>>
    %dma_wait3A_12 = tpu.memref_squeeze %dma_wait3A_11 : memref<1x51200xf32, #tpu.memory_space<vmem>> -> memref<51200xf32, #tpu.memory_space<vmem>>
    %dma_wait3A_13 = tpu.memref_slice %arg4[%mul3A_9] : memref<209715200xf32, #tpu.memory_space<hbm>> -> memref<51200xf32, #tpu.memory_space<hbm>>
    %dma_wait3A_14 = tpu.memref_slice %arg4[%mul3A_9] : memref<209715200xf32, #tpu.memory_space<hbm>> -> memref<51200xf32, #tpu.memory_space<hbm>>
    %dma_wait3A_15 = arith.constant 0 : i32
    %dma_wait3A_16 = tpu.memref_slice %arg7[%dma_wait3A, %dma_wait3A_15] : memref<2x51200xf32, #tpu.memory_space<vmem>> -> memref<1x51200xf32, #tpu.memory_space<vmem>>
    %dma_wait3A_17 = tpu.memref_squeeze %dma_wait3A_16 : memref<1x51200xf32, #tpu.memory_space<vmem>> -> memref<51200xf32, #tpu.memory_space<vmem>>
    tpu.wait_dma2 semaphore(%arg8 : memref<!tpu.dma_semaphore, #tpu.memory_space<semaphore_mem>>) src(%dma_wait3A_17 : memref<51200xf32, #tpu.memory_space<vmem>>) dst(%dma_wait3A_14 : memref<51200xf32, #tpu.memory_space<hbm>>)
    %mul3A_18 = arith.constant 64 : i32
    %mul3A_19 = arith.muli %mul3A_2, %mul3A_18 : i32
    %dma_wait3A_20 = arith.constant 1 : i32
    %dma_wait3A_21 = arith.constant 0 : i32
    %dma_wait3A_22 = tpu.memref_slice %arg7[%dma_wait3A_20, %dma_wait3A_21] : memref<2x51200xf32, #tpu.memory_space<vmem>> -> memref<1x51200xf32, #tpu.memory_space<vmem>>
    %dma_wait3A_23 = tpu.memref_squeeze %dma_wait3A_22 : memref<1x51200xf32, #tpu.memory_space<vmem>> -> memref<51200xf32, #tpu.memory_space<vmem>>
    %dma_wait3A_24 = tpu.memref_slice %arg4[%mul3A_19] : memref<209715200xf32, #tpu.memory_space<hbm>> -> memref<51200xf32, #tpu.memory_space<hbm>>
    %dma_wait3A_25 = tpu.memref_slice %arg4[%mul3A_19] : memref<209715200xf32, #tpu.memory_space<hbm>> -> memref<51200xf32, #tpu.memory_space<hbm>>
    %dma_wait3A_26 = arith.constant 0 : i32
    %dma_wait3A_27 = tpu.memref_slice %arg7[%dma_wait3A_20, %dma_wait3A_26] : memref<2x51200xf32, #tpu.memory_space<vmem>> -> memref<1x51200xf32, #tpu.memory_space<vmem>>
    %dma_wait3A_28 = tpu.memref_squeeze %dma_wait3A_27 : memref<1x51200xf32, #tpu.memory_space<vmem>> -> memref<51200xf32, #tpu.memory_space<vmem>>
    tpu.wait_dma2 semaphore(%arg9 : memref<!tpu.dma_semaphore, #tpu.memory_space<semaphore_mem>>) src(%dma_wait3A_28 : memref<51200xf32, #tpu.memory_space<vmem>>) dst(%dma_wait3A_25 : memref<51200xf32, #tpu.memory_space<hbm>>)
    return
  }
}

</mosaic_0001>

<sc_bundles>
// kernel: _embed.3.cloned.1.call-start
scs
__scs_entry_jumppad:
0x0: {  	(pc) =	sbr.rel $0x88, $3  }
0x1: {  	(tag) =	ssettag $0x0;
	lr =	simm.s32 $0x1  }
0x2: {  	[smem:$0x3F9F] =	sst lr;
	_ =	strace $0xD0000000  }
0x3: {  	_ = 	snop  }
0x4: {  	_ = 	snop  }
0x5: {  	_ = 	snop  }
0x6: {  	_ = 	snop  }
0x7: {  	_ = 	snop  }
__scs_overlays_trampoline_lowered:
0x8: {  	[smem:$0x3FAE] =	sst s0  }
0x9: {  	[smem:$0x3FAF] =	sst s1  }
0xa: {  	[smem:$0x3FB0] =	sst s2  }
0xb: {  	[smem:$0x3FB1] =	sst s3  }
0xc: {  	[smem:$0x3FB2] =	sst s4  }
0xd: {  	[smem:$0x3FB3] =	sst s5  }
0xe: {  	[smem:$0x3FB4] =	sst s6  }
0xf: {  	[smem:$0x3FB5] =	sst s7  }
0x10: {  	[smem:$0x3FB6] =	sst s8  }
0x11: {  	[smem:$0x3FB7] =	sst s9;
	s0 =	simm.s32 @!p0 $0x0  }
0x12: {  	s1 =	sld [smem:$0x3F9D];
	s0 =	simm.s32 @p0 $0x1  }
0x13: {  	[smem:$0x3FB8] =	sst s0;
	s0 =	simm.s32 @!p1 $0x0  }
0x14: {  	s2 =	sld [smem:$0x3F9C];
	s0 =	simm.s32 @p1 $0x1  }
0x15: {  	[smem:$0x3FB9] =	sst s0;
	s0 =	simm.s32 @!p2 $0x0  }
0x16: {  	s3 =	sld [smem:$0x3FDB];
	s0 =	simm.s32 @p2 $0x1  }
0x17: {  	s4 =	simm.s32 $0x1BF5;
	[smem:$0x3FBB] =	sst s0  }
0x18: {  	s0 =	sld [smem:$0x3F9E];
	_ =	swait.ge [sflag:s4], $0x0  }
0x19: {  	s7 =	sld [smem:$0x3F9F]  }
0x1a: {  	s8 =	sadd.s32 $0xFFFFE003, lr  }
0x1b: {  	s9 =	sadd.s32 $0xFFFFFEF7, lr;
	s5 =	simm.s32 $0xFFFFFFFF;
	p2 =	slt.u32 s8, $0xFFFFF086  }
0x1c: {  	p1 =	slt.u32 s9, $0xF7A;
	s5 =	simm.s32 @!p2 $0x0  }
0x1d: {  	s5 =	simm.s32 @p1 $0x1;
	p0 =	seq.s32 s7, s2  }
0x1e: {  	s7 =	smul.u32 @!p0 $0xF7A, s2;
	p2 =	seq.s32 @!p0 s5, $0x0  }
0x1f: {  	s9 =	smul.u32 $0xF7A, s1;
	s8 =	simm.s32 @!p0 $0x1BF5;
	p2 =	por !p2, p0  }
0x20: {  	[sflag:s8] =	ssyncset.s32 @!p0 $0xFFFFF086;
	s6 =	sadd.s32 @!p0 s3, s7;
	s7 =	simm.s32 @!p0 $0x108  }
0x21: {  	s3 =	sadd.s32 s3, s9;
	s6 =	sadd.s32 @!p0 $0x88, s6;
	s7 =	simm.s32 @p2 $0x1082  }
0x22: {  	[simem:s7], [sflag:s8] =	dma.local @!p0 [hbm:s6], $0xF7A  }
0x23: {  	s9 =	sor.u32 $0xD0000000, s2;
	s6 =	simm.s32 $0x108;
	_ =	swait.ge @!p0 [sflag:s8], $0x0  }
0x24: {  	s3 =	sadd.s32 $0x88, s3;
	s6 =	simm.s32 @!p1 $0x1082;
	[sflag:s4] =	ssyncset.s32 $0xFFFFF086  }
0x25: {  	[simem:s6], [sflag:s4] =	dma.local [hbm:s3], $0xF7A  }
0x26: {  	[smem:$0x3F9F] =	sst s1;
	(tag) =	ssettag s2;
	_ =	strace s9  }
0x27: {  	s1 =	sld [smem:$0x3FAF]  }
0x28: {  	s2 =	sld [smem:$0x3FB0]  }
0x29: {  	s4 =	sld [smem:$0x3FB2]  }
0x2a: {  	p0 =	seq.s32 s5, $0x0;
	s5 =	sld [smem:$0x3FB3]  }
0x2b: {  	s6 =	sld [smem:$0x3FB4]  }
0x2c: {  	s7 =	sld [smem:$0x3FB5]  }
0x2d: {  	s3 =	simm.s32 $0x108;
	s8 =	sld [smem:$0x3FB6]  }
0x2e: {  	s3 =	simm.s32 @!p0 $0x1082;
	s9 =	sld [smem:$0x3FB7]  }
0x2f: {  	lr =	sadd.s32 s0, s3;
	s0 =	sld [smem:$0x3FAE]  }
0x30: {  	s3 =	sld [smem:$0x3FB1]  }
0x31: {  	[smem:$0x3FBA] =	sst s10  }
0x32: {  	s10 =	sld [smem:$0x3FB8];
	_ =	sdelay $0x3  }
0x33: {  	p0 =	seq.s32 s10, $0x1;
	s10 =	sld [smem:$0x3FBA];
	_ =	sdelay $0x3  }
0x34: {  	[smem:$0x3FBA] =	sst s10  }
0x35: {  	s10 =	sld [smem:$0x3FB9];
	_ =	sdelay $0x3  }
0x36: {  	p1 =	seq.s32 s10, $0x1;
	s10 =	sld [smem:$0x3FBA];
	_ =	sdelay $0x3  }
0x37: {  	[smem:$0x3FBA] =	sst s10  }
0x38: {  	s10 =	sld [smem:$0x3FBB]  }
0x39: {  	_ = 	snop;
	(pc) =	sbr.ind lr, $3  }
0x3a: {  	_ = 	snop  }
0x3b: {  	_ = 	snop  }
0x3c: {  	p2 =	seq.s32 s10, $0x1;
	s10 =	sld [smem:$0x3FBA]  }
0x3d: {  	_ =	shalt  }
0x3e: {  	_ =	shalt  }
0x3f: {  	_ =	shalt  }
0x40: {  	_ =	shalt  }
0x41: {  	_ =	shalt  }
0x42: {  	_ =	shalt  }
0x43: {  	_ =	shalt  }
0x44: {  	_ =	shalt  }
0x45: {  	_ =	shalt  }
0x46: {  	_ =	shalt  }
0x47: {  	_ =	shalt  }
0x48: {  	_ =	shalt  }
0x49: {  	_ =	shalt  }
0x4a: {  	_ =	shalt  }
0x4b: {  	_ =	shalt  }
0x4c: {  	_ =	shalt  }
0x4d: {  	_ =	shalt  }
0x4e: {  	_ =	shalt  }
0x4f: {  	_ =	shalt  }
0x50: {  	_ =	shalt  }
0x51: {  	_ =	shalt  }
0x52: {  	_ =	shalt  }
0x53: {  	_ =	shalt  }
0x54: {  	_ =	shalt  }
0x55: {  	_ =	shalt  }
0x56: {  	_ =	shalt  }
0x57: {  	_ =	shalt  }
0x58: {  	_ =	shalt  }
0x59: {  	_ =	shalt  }
0x5a: {  	_ =	shalt  }
0x5b: {  	_ =	shalt  }
0x5c: {  	_ =	shalt  }
0x5d: {  	_ =	shalt  }
0x5e: {  	_ =	shalt  }
0x5f: {  	_ =	shalt  }
0x60: {  	_ =	shalt  }
0x61: {  	_ =	shalt  }
0x62: {  	_ =	shalt  }
0x63: {  	_ =	shalt  }
0x64: {  	_ =	shalt  }
0x65: {  	_ =	shalt  }
0x66: {  	_ =	shalt  }
0x67: {  	_ =	shalt  }
0x68: {  	_ =	shalt  }
0x69: {  	_ =	shalt  }
0x6a: {  	_ =	shalt  }
0x6b: {  	_ =	shalt  }
0x6c: {  	_ =	shalt  }
0x6d: {  	_ =	shalt  }
0x6e: {  	_ =	shalt  }
0x6f: {  	_ =	shalt  }
0x70: {  	_ =	shalt  }
0x71: {  	_ =	shalt  }
0x72: {  	_ =	shalt  }
0x73: {  	_ =	shalt  }
0x74: {  	_ =	shalt  }
0x75: {  	_ =	shalt  }
0x76: {  	_ =	shalt  }
0x77: {  	_ =	shalt  }
0x78: {  	_ =	shalt  }
0x79: {  	_ =	shalt  }
0x7a: {  	_ =	shalt  }
0x7b: {  	_ =	shalt  }
0x7c: {  	_ =	shalt  }
0x7d: {  	_ =	shalt  }
0x7e: {  	_ =	shalt  }
0x7f: {  	_ =	shalt  }
0x80: {  	_ =	shalt  }
0x81: {  	_ =	shalt  }
0x82: {  	_ =	shalt  }
0x83: {  	_ =	shalt  }
0x84: {  	_ =	shalt  }
0x85: {  	_ =	shalt  }
0x86: {  	_ =	shalt  }
0x87: {  	_ =	shalt  }
.Lfunc_end0:
.L_simem_size_0:
called_computation_lowered:
.L_overlay_start_0:
0x88: {  	s2 =	sld [smem:$0x3FD9]  }
0x89: {  	s3 =	sld [smem:$0x3FFE];
	_ =	sdelay $0x1  }
0x8a: {  	s1 =	srdreg.scid  }
0x8b: {  	s0 =	sand.u32 $0x1, s1  }
0x8c: {  	s18 =	sshll.u32 s0, $0xA;
	s2 =	sadd.s32 s3, s2  }
0x8d: {  	s2 =	sadd.s32 s2, s18  }
0x8e: {  	[smem:$0x3FC6] =	sst s2  }
0x8f: {  	_ = 	snop  }
0x90: {  	s2 =	sld [smem:$0x3FC9]  }
0x91: {  	s19 =	sld [smem:$0x3FC8]  }
0x92: {  	s4 =	sld [smem:$0x3FD0];
	(tm) =	ssettm $0x1  }
0x93: {  	s5 =	sld [smem:$0x3FFB];
	_ =	sdelay $0x3  }
0x94: {  	_ =	strace s5  }
0x95: {  	s5 =	sld [smem:$0x3FFC];
	_ =	sdelay $0x3  }
0x96: {  	_ =	strace s5  }
0x97: {  	s5 =	sld [smem:$0x3FFD];
	_ =	sdelay $0x3  }
0x98: {  	_ =	strace s5  }
0x99: {  	_ =	strace $0x8FFFFFFF  }
0x9a: {  	s20 =	sld [smem:$0x3FDB];
	_ =	sdelay $0x1  }
0x9b: {  	s6 =	simm.s32 $_scs_section_size  }
0x9c: {  	s7 =	simm.s32 $_size__tile_overlayer_lowered;
	s8 =	simm.s32 $_tile_overlayer_lowered  }
0x9d: {  	s23 =	simm.s32 $0x1BFF;
	s22 =	sshll.u32 s8, $0x1;
	s5 =	sadd.s32 s6, s20  }
0x9e: {  	s9 =	simm.s32 $0x0;
	s21 =	sshll.u32 s7, $0x1;
	s7 =	sadd.s32 s22, s5  }
0x9f: {  	[timem:s9], [sflag:s23] =	dma.local [hbm:s7], s21  }
0xa0: {  	_ =	swait.ge [sflag:s23], s21  }
0xa1: {  	s6 =	ssub.s32 $0x0, s21;
	[sflag:s23] =	ssyncset.done $0x0  }
0xa2: {  	[sflag:s23] =	ssyncadd.s32 s6;
	_ =	sdelay $0x1  }
0xa3: {  	s24 =	simm.s32 $0x1B8B  }
0xa4: {  	_ =	swait.ge [sflag:s24], $0x1  }
0xa5: {  	[sflag:s24] =	ssyncset.done $0x0  }
0xa6: {  	s25 =	simm.s32 $0x1B8E;
	[sflag:s24] =	ssyncadd.s32 $0xFFFFFFFF  }
0xa7: {  	s26 =	simm.s32 $execute0_lowered;
	[smem:$0x3FD2] =	sst s25  }
0xa8: {  	s6 =	sshll.u32 s26, $0x1;
	_ =	strace $0x80000046;
	[dreg:$0x1] =	wrdreg $0xFFFFFFFF  }
0xa9: {  	s28 =	simm.s32 $_size_execute0_lowered;
	s5 =	sadd.s32 s5, s6;
	[dreg:$0x0] =	wrdreg $0x0  }
0xaa: {  	s6 =	sshll.u32 s28, $0x1;
	[dreg:$0x2] =	wrdreg s5  }
0xab: {  	[dreg:$0x3] =	wrdreg s6  }
0xac: {  	[dreg:$0x4] =	wrdreg $0xC0  }
0xad: {  	_ =	task [dreg:s9], $0x5FFFF  }
0xae: {  	[dreg:$0x1] =	wrdreg $0xFFFFFFFF  }
0xaf: {  	[dreg:$0x0] =	wrdreg $0x60  }
0xb0: {  	[dreg:$0x2] =	wrdreg s2  }
0xb1: {  	[dreg:$0x3] =	wrdreg s19  }
0xb2: {  	[dreg:$0x4] =	wrdreg s4  }
0xb3: {  	[dreg:$0x5] =	wrdreg $0x9  }
0xb4: {  	_ =	task.clear_ibuf [dreg:s9], $0x6FFFF;
	_ =	strace $0x90000046  }
0xb5: {  	s29 =	simm.s32 $0x9;
	_ =	strace $0x80000048  }
0xb6: {  	_ =	swait.ge [sflag:s29], $0x1  }
0xb7: {  	[sflag:s29] =	ssyncadd.s32 $0xFFFFFFFF  }
0xb8: {  	_ =	strace $0x90000048  }
0xb9: {  	_ =	sfence  }
0xba: {  	s30 =	sld [smem:$0x0];
	_ =	sdelay $0x2  }
0xbb: {  	s31 =	sshll.u32 s1, $0xD;
	s1 =	sshrl.u32 s1, $0x2  }
0xbc: {  	s3 =	sand.u32 $0x4000, s31;
	s1 =	sadd.s32 s1, s30  }
0xbd: {  	s0 =	sor.u32 s3, s0;
	s1 =	sshll.u32 s1, $0x11  }
0xbe: {  	s0 =	sor.u32 s1, s0  }
0xbf: {  	s0 =	sadd.s32 $0x8F2B, s0  }
0xc0: {  	[sflag:s0] =	ssyncadd.remote.s32 $0x1  }
0xc1: {  	_ =	sfence.sel $0xFFFF  }
0xc2: {  	[dreg:$0x0] =	wrdreg $0xFFFFFFFF;
	(pc) =	sbr.abs _section_cstart, $3  }
0xc3: {  	[dreg:$0x1] =	wrdreg $0xFFFFFFFF  }
0xc4: {  	_ =	task.clear_ibuf [dreg:s9], $0x2FFFF;
	_ =	strace $0x9FFFFFFF  }
0xc5: {  	(tm) =	ssettm $0x7FFFFFFF  }
tec
execute0_lowered:
.L_overlay_start_1:
0x0: {  	(tag) =	ssettag $0x1  }
0x1: {  	s1 =	rddreg [dreg:$0x0]  }
0x2: {  	s3 =	rddreg [dreg:$0x1];
	s2 =	srdreg.scid  }
0x3: {  	s0 =	stileid.u32;
	s4 =	rddreg [dreg:$0x2];
	s9 =	simm.s32 $0x3  }
0x4: {  	v0 =	vimm.s32 $0x0;
	s10 =	simm.s32 $0x33C0;
	s11 =	simm.s32 $0xFBC0;
	s12 =	simm.s32 $0x1  }
0x5: {  	v1 =	vimm.s32 $0x1;
	v2 =	vimm.s32 $0x2;
	v3 =	vimm.s32 $0x3;
	s13 =	simm.s32 $0x2;
	s5 =	sand.u32 $0x1, s2;
	s6 =	sshll.u32 s0, $0x1  }
0x6: {  	v4 =	vimm.s32 $0x4;
	v5 =	vimm.s32 $0x5;
	v6 =	vimm.s32 $0x6;
	s2 =	rddreg [dreg:$0x3];
	s7 =	ssub.s32 $0x2, s5;
	s6 =	sor.u32 s5, s6  }
0x7: {  	v7 =	vimm.s32 $0x7;
	v8 =	vimm.s32 $0x8;
	v9 =	vimm.s32 $0x9;
	s5 =	simm.s32 $0x0;
	s8 =	sshrl.u32 s7, $0x1;
	s6 =	smul.u32 $0x19000, s6  }
0x8: {  	v10 =	vimm.s32 $0xA;
	v11 =	vimm.s32 $0xB;
	v12 =	vimm.s32 $0xC;
	s14 =	simm.s32 $0x0;
	[smem:$0x7FF] =	sst s5;
	s8 =	ssub.s32 s7, s8  }
0x9: {  	v13 =	vimm.s32 $0xD;
	v14 =	vimm.s32 $0xE;
	v15 =	vimm.s32 $0xF;
	_ =	strace $0x80000047;
	s7 =	sor.u32 $0x320, s6;
	s8 =	smax.u32 s8, $0x1  }
.LBB2_1:
0xa: {  	[tilespmem:s5], [sflag:$0x3] =	stream.linear.gather [hbm4b:s3+s5], $0x1C0, $0x38;
	[tilespmem:$0x1C3C0] =	vst v63  }
0xb: {  	_ =	swait.ge [sflag:s9], $0x1C0  }
0xc: {  	[sflag:s9] =	ssyncset.done $0x0  }
0xd: {  	s15 =	simm.s32 $0x0;
	[sflag:s9] =	ssyncadd.s32 $0xFFFFFE40  }
.LBB2_2:
0xe: {  	s16 =	smul.u32 $0x3200, s15;
	_ =	sdelay $0x1  }
0xf: {  	s16 =	sadd.s32 s6, s16  }
0x10: {  	s16 =	sshrl.u32 s16, $0x3  }
0x11: {  	s17 =	simm.s32 $0x1C0;
	s18 =	sadd.s32 s1, s16;
	s16 =	simm.s32 $0x0  }
0x12: {  	[tilespmem:s17], [sflag:$0x3] =	stream.linear.gather [hbm4b:s18+s16], $0x3200, $0x38;
	[tilespmem:$0x1C3C0] =	vst v63  }
0x13: {  	_ =	swait.ge [sflag:s9], $0x3200  }
0x14: {  	[sflag:s9] =	ssyncset.done $0x0  }
0x15: {  	s19 =	simm.s32 $0x4E0;
	s18 =	sshll.u32 s15, $0x4;
	[sflag:s9] =	ssyncadd.s32 $0xFFFFCE00  }
.LBB2_3:
0x16: {  	s20 =	sshll.u32 s16, $0x1  }
0x17: {  	s20 =	sadd.s32 s18, s20  }
0x18: {  	p0 =	seq.s32 s20, $0x0  }
0x19: {  	s21 =	simm.s32 @!p0 $0x1  }
0x1a: {  	_ =	swait.ge @!p0 [sflag:s21], $0xC800  }
0x1b: {  	[sflag:s21] =	ssyncset.done @!p0 $0x0  }
0x1c: {  	[sflag:s21] =	ssyncadd.s32 @!p0 $0xFFFF3800  }
0x1d: {  	v42 =	vld [tilespmem:$0x0]  }
0x1e: {  	v20 =	vld [tilespmem:$0x10]  }
0x1f: {  	v17 =	vld [tilespmem:$0x20]  }
0x20: {  	v44 =	vmov s17;
	v16 =	vld [tilespmem:$0x30]  }
0x21: {  	v43 =	vld [tilespmem:$0x40]  }
0x22: {  	v24 =	vld [tilespmem:$0x50]  }
0x23: {  	v22 =	vld [tilespmem:$0x60]  }
0x24: {  	s31 =	simm.s32 $0x0;
	v18 =	vld [tilespmem:$0x70]  }
0x25: {  	v52 =	vld.idx.msk [tilespmem:v44+s31+$0x0 ss:$0x1], $0xffff  }
0x26: {  	v32 =	vld [tilespmem:$0x80]  }
0x27: {  	v26 =	vld [tilespmem:$0x90]  }
0x28: {  	v23 =	vld [tilespmem:$0xA0]  }
0x29: {  	v19 =	vld [tilespmem:$0xB0]  }
0x2a: {  	v34 =	vld [tilespmem:$0xC0];
	v40 =	vperm.xlane v52, v0  }
0x2b: {  	v27 =	vld [tilespmem:$0xD0];
	v46 =	vperm.xlane v52, v1  }
0x2c: {  	v25 =	vld [tilespmem:$0xE0];
	v47 =	vperm.xlane v52, v2;
	v48 =	vperm.xlane v52, v3;
	vm2 =	veq.s32 v40, $0x1  }
0x2d: {  	v21 =	vld [tilespmem:$0xF0];
	vm1 =	veq.s32 v46, $0x1;
	vm0 =	veq.s32 v46, $0x2;
	vm3 =	veq.s32 v40, $0x2  }
0x2e: {  	v36 =	vld [tilespmem:$0x100];
	vm4 =	veq.s32 v40, $0x3;
	vm5 =	veq.s32 v40, $0x4;
	vm6 =	veq.s32 v40, $0x5  }
0x2f: {  	v28 =	vld [tilespmem:$0x110];
	vm7 =	veq.s32 v40, $0x6;
	vm11 =	veq.s32 v46, $0x3;
	vm12 =	veq.s32 v46, $0x4  }
0x30: {  	v35 =	vld [tilespmem:$0x140];
	vm13 =	veq.s32 v46, $0x5;
	vm14 =	veq.s32 v46, $0x6;
	vm15 =	veq.s32 v47, $0x1  }
0x31: {  	v29 =	vld [tilespmem:$0x150];
	vm8 =	veq.s32 v47, $0x2;
	vm9 =	veq.s32 v47, $0x3;
	vm10 =	veq.s32 v47, $0x4  }
0x32: {  	v37 =	vld [tilespmem:$0x180];
	v31 =	vsel vm2, v43, v42;
	v38 =	vsel vm2, v24, v20;
	v59 =	vsel vm2, v22, v17  }
0x33: {  	v30 =	vld [tilespmem:$0x190];
	v50 =	vsel vm2, v18, v16;
	v51 =	vsel vm1, v43, v42;
	v63 =	vsel vm1, v24, v20  }
0x34: {  	v33 =	vld [tilespmem:$0x120];
	v39 =	vsel vm3, v32, v31;
	v38 =	vsel vm3, v26, v38;
	v50 =	vsel vm3, v19, v50  }
0x35: {  	v31 =	vld [tilespmem:$0x130];
	v51 =	vsel vm0, v32, v51;
	v39 =	vsel vm4, v34, v39;
	v41 =	vsel vm4, v27, v38  }
0x36: {  	v38 =	vld [tilespmem:$0x160];
	v50 =	vsel vm4, v21, v50;
	v51 =	vsel vm11, v34, v51;
	v49 =	vsel vm5, v36, v39  }
0x37: {  	v41 =	vsel vm5, v28, v41;
	v39 =	vld [tilespmem:$0x170];
	v61 =	vsel vm12, v36, v51;
	v49 =	vsel vm6, v35, v49  }
0x38: {  	v41 =	vsel vm6, v29, v41;
	v62 =	vsel vm13, v35, v61;
	v61 =	vsel vm1, v18, v16  }
0x39: {  	v40 =	vld [tilespmem:$0x1A0];
	v53 =	vsel vm7, v37, v49;
	v45 =	vsel vm7, v30, v41;
	v49 =	vsel vm3, v23, v59  }
0x3a: {  	v41 =	vld [tilespmem:$0x1B0];
	v56 =	vsel vm14, v37, v62;
	v59 =	vsel vm0, v26, v63;
	v49 =	vsel vm4, v25, v49  }
0x3b: {  	v50 =	vsel vm5, v31, v50;
	v46 =	vsel vm11, v27, v59;
	v49 =	vsel vm5, v33, v49  }
0x3c: {  	v46 =	vsel vm12, v28, v46;
	v49 =	vsel vm6, v38, v49;
	v60 =	vsel vm6, v39, v50  }
0x3d: {  	v50 =	vsel vm0, v19, v61;
	v46 =	vsel vm13, v29, v46;
	v61 =	vsel vm15, v43, v42  }
0x3e: {  	v55 =	vsel vm7, v40, v49;
	v50 =	vsel vm11, v21, v50;
	v59 =	vsel vm14, v30, v46  }
0x3f: {  	v46 =	vsel vm8, v32, v61;
	v54 =	vsel vm7, v41, v60;
	v60 =	vsel vm1, v22, v17  }
0x40: {  	v63 =	vsel vm12, v31, v50;
	v46 =	vsel vm9, v34, v46;
	v49 =	vsel vm0, v23, v60  }
0x41: {  	v60 =	vsel vm13, v39, v63;
	v46 =	vsel vm10, v36, v46;
	v63 =	vsel vm15, v22, v17  }
0x42: {  	v49 =	vsel vm11, v25, v49;
	v57 =	vsel vm14, v41, v60;
	vm11 =	veq.s32 v47, $0x5  }
0x43: {  	v49 =	vsel vm12, v33, v49;
	vm12 =	veq.s32 v47, $0x6;
	v46 =	vsel vm11, v35, v46  }
0x44: {  	v62 =	vsel vm13, v38, v49;
	v49 =	vsel vm8, v23, v63;
	v61 =	vsel vm12, v37, v46  }
0x45: {  	vm13 =	veq.s32 v48, $0x1;
	v58 =	vsel vm14, v40, v62;
	v62 =	vsel vm15, v24, v20  }
0x46: {  	v60 =	vsel vm9, v25, v49;
	vm14 =	veq.s32 v48, $0x2;
	v47 =	vsel vm8, v26, v62  }
0x47: {  	v62 =	vsel vm15, v18, v16;
	vm15 =	veq.s32 v48, $0x3;
	v51 =	vsel vm9, v27, v47  }
0x48: {  	v47 =	vsel vm10, v33, v60;
	v49 =	vsel vm8, v19, v62;
	vm8 =	veq.s32 v48, $0x4  }
0x49: {  	v62 =	vsel vm13, v24, v20;
	v46 =	vsel vm10, v28, v51;
	v47 =	vsel vm11, v38, v47  }
0x4a: {  	v50 =	vsel vm9, v21, v49;
	v51 =	vsel vm13, v43, v42;
	vm9 =	veq.s32 v48, $0x5  }
0x4b: {  	v49 =	vperm.xlane v52, v6;
	v46 =	vsel vm11, v29, v46;
	v63 =	vsel vm12, v40, v47  }
0x4c: {  	v60 =	vsel vm14, v32, v51;
	v47 =	vsel vm14, v26, v62;
	v46 =	vsel vm12, v30, v46;
	[tilespmem:$0x1FE40] =	vst v63  }
0x4d: {  	v63 =	vsel vm13, v22, v17;
	[tilespmem:$0x1FE30] =	vst v46;
	v46 =	vsel vm10, v31, v50;
	vm10 =	veq.s32 v48, $0x6  }
0x4e: {  	v48 =	vsel vm14, v23, v63;
	v63 =	vsel vm13, v18, v16;
	v46 =	vsel vm11, v39, v46  }
0x4f: {  	v50 =	vperm.xlane v52, v7;
	v62 =	vsel vm15, v25, v48;
	v46 =	vsel vm12, v41, v46  }
0x50: {  	v48 =	vsel vm14, v19, v63;
	v63 =	vperm.xlane v52, v4;
	[tilespmem:$0x1FE50] =	vst v46;
	v46 =	vsel vm15, v34, v60  }
0x51: {  	vm0 =	veq.s32 v50, $0x6;
	v60 =	vsel vm15, v27, v47;
	v46 =	vsel vm8, v36, v46  }
0x52: {  	v47 =	vsel vm8, v33, v62;
	v62 =	vsel vm15, v21, v48;
	v46 =	vsel vm9, v35, v46  }
0x53: {  	v48 =	vperm.xlane v52, v5;
	vm11 =	veq.s32 v63, $0x1;
	v46 =	vsel vm10, v37, v46  }
0x54: {  	vm12 =	veq.s32 v63, $0x2;
	v47 =	vsel vm9, v38, v47;
	[tilespmem:$0x1FE60] =	vst v46;
	v46 =	vsel vm8, v28, v60  }
0x55: {  	vm13 =	veq.s32 v63, $0x3;
	v60 =	vsel vm10, v40, v47;
	v46 =	vsel vm9, v29, v46  }
0x56: {  	vm14 =	veq.s32 v63, $0x4;
	vm15 =	veq.s32 v63, $0x5;
	[tilespmem:$0x1FE80] =	vst v60;
	v46 =	vsel vm10, v30, v46  }
0x57: {  	v60 =	vsel vm11, v43, v42;
	[tilespmem:$0x1FE70] =	vst v46;
	v46 =	vsel vm8, v31, v62;
	vm8 =	veq.s32 v63, $0x6  }
0x58: {  	v62 =	vsel vm11, v24, v20;
	v63 =	vsel vm11, v22, v17;
	v46 =	vsel vm9, v39, v46  }
0x59: {  	v47 =	vsel vm12, v26, v62;
	v51 =	vsel vm12, v23, v63;
	v46 =	vsel vm10, v41, v46  }
0x5a: {  	v63 =	vsel vm11, v18, v16;
	vm9 =	veq.s32 v48, $0x1;
	[tilespmem:$0x1FE90] =	vst v46;
	v46 =	vsel vm12, v32, v60  }
0x5b: {  	vm11 =	veq.s32 v48, $0x3;
	v47 =	vsel vm13, v27, v47;
	v46 =	vsel vm13, v34, v46  }
0x5c: {  	v51 =	vsel vm13, v25, v51;
	vm10 =	veq.s32 v48, $0x2;
	v46 =	vsel vm14, v36, v46  }
0x5d: {  	v60 =	vsel vm14, v28, v47;
	v62 =	vsel vm14, v33, v51;
	v46 =	vsel vm15, v35, v46  }
0x5e: {  	v47 =	vsel vm15, v38, v62;
	v62 =	vsel vm12, v19, v63;
	v46 =	vsel vm8, v37, v46  }
0x5f: {  	v63 =	vsel vm9, v43, v42;
	[tilespmem:$0x1FEA0] =	vst v46;
	v46 =	vsel vm15, v29, v60;
	v60 =	vsel vm8, v40, v47  }
0x60: {  	vm12 =	veq.s32 v48, $0x4;
	v47 =	vsel vm10, v32, v63;
	v46 =	vsel vm8, v30, v46;
	[tilespmem:$0x1FEC0] =	vst v60  }
0x61: {  	v51 =	vsel vm11, v34, v47;
	v60 =	vsel vm9, v24, v20;
	[tilespmem:$0x1FEB0] =	vst v46;
	v46 =	vsel vm13, v21, v62  }
0x62: {  	vm13 =	veq.s32 v48, $0x5;
	v47 =	vsel vm10, v26, v60;
	v62 =	vsel vm9, v22, v17  }
0x63: {  	v60 =	vsel vm9, v18, v16;
	vm9 =	veq.s32 v49, $0x3;
	v46 =	vsel vm14, v31, v46  }
0x64: {  	vm14 =	veq.s32 v48, $0x6;
	v63 =	vsel vm11, v27, v47;
	v46 =	vsel vm15, v39, v46  }
0x65: {  	v48 =	vsel vm10, v19, v60;
	vm15 =	veq.s32 v49, $0x1;
	v46 =	vsel vm8, v41, v46  }
0x66: {  	vm8 =	veq.s32 v49, $0x2;
	[tilespmem:$0x1FED0] =	vst v46;
	v46 =	vsel vm12, v36, v51;
	v51 =	vsel vm10, v23, v62  }
0x67: {  	vm10 =	veq.s32 v49, $0x4;
	v46 =	vsel vm13, v35, v46;
	v47 =	vsel vm11, v25, v51  }
0x68: {  	v51 =	vsel vm15, v43, v42;
	v46 =	vsel vm14, v37, v46;
	v47 =	vsel vm12, v33, v47  }
0x69: {  	v60 =	vsel vm8, v32, v51;
	[tilespmem:$0x1FEE0] =	vst v46;
	v46 =	vsel vm12, v28, v63;
	v62 =	vsel vm13, v38, v47  }
0x6a: {  	v63 =	vsel vm11, v21, v48;
	vm11 =	veq.s32 v49, $0x5;
	v46 =	vsel vm13, v29, v46  }
0x6b: {  	v48 =	vsel vm12, v31, v63;
	vm12 =	veq.s32 v49, $0x6;
	v46 =	vsel vm14, v30, v46  }
0x6c: {  	v63 =	vsel vm15, v22, v17;
	[tilespmem:$0x1FEF0] =	vst v46;
	v46 =	vsel vm14, v40, v62;
	v62 =	vsel vm15, v24, v20  }
0x6d: {  	[tilespmem:$0x1FF00] =	vst v46;
	v46 =	vsel vm13, v39, v48;
	v47 =	vsel vm8, v26, v62;
	v62 =	vsel vm15, v18, v16  }
0x6e: {  	vm13 =	veq.s32 v50, $0x1;
	vm15 =	veq.s32 v50, $0x3;
	v46 =	vsel vm14, v41, v46  }
0x6f: {  	v51 =	vsel vm9, v27, v47;
	v48 =	vsel vm8, v19, v62;
	[tilespmem:$0x1FF10] =	vst v46;
	v46 =	vsel vm9, v34, v60  }
0x70: {  	vm14 =	veq.s32 v50, $0x2;
	v62 =	vsel vm13, v24, v20;
	v46 =	vsel vm10, v36, v46  }
0x71: {  	v60 =	vsel vm8, v23, v63;
	v48 =	vsel vm9, v21, v48;
	v46 =	vsel vm11, v35, v46  }
0x72: {  	vm8 =	veq.s32 v50, $0x4;
	v47 =	vsel vm9, v25, v60;
	v46 =	vsel vm12, v37, v46  }
0x73: {  	v49 =	vsel vm10, v31, v48;
	v47 =	vsel vm10, v33, v47;
	[tilespmem:$0x1FF20] =	vst v46;
	v46 =	vsel vm10, v28, v51  }
0x74: {  	vm9 =	veq.s32 v50, $0x5;
	v63 =	vsel vm11, v38, v47;
	v46 =	vsel vm11, v29, v46  }
0x75: {  	v47 =	vsel vm14, v26, v62;
	v51 =	vsel vm13, v43, v42;
	v46 =	vsel vm12, v30, v46  }
0x76: {  	v60 =	vsel vm14, v32, v51;
	[tilespmem:$0x1FF30] =	vst v46;
	v46 =	vsel vm12, v40, v63;
	v63 =	vsel vm13, v22, v17  }
0x77: {  	[tilespmem:$0x1FF40] =	vst v46;
	v46 =	vsel vm11, v39, v49;
	v62 =	vsel vm14, v23, v63;
	v63 =	vsel vm13, v18, v16  }
0x78: {  	v49 =	vperm.xlane v52, v8;
	v46 =	vsel vm12, v41, v46;
	v48 =	vsel vm14, v19, v63  }
0x79: {  	v63 =	vperm.xlane v52, v9;
	[tilespmem:$0x1FF50] =	vst v46;
	v46 =	vsel vm15, v34, v60;
	v60 =	vsel vm15, v27, v47  }
0x7a: {  	v47 =	vsel vm15, v25, v62;
	v48 =	vsel vm15, v21, v48;
	vm1 =	veq.s32 v49, $0x1  }
0x7b: {  	vm2 =	veq.s32 v49, $0x2;
	vm14 =	veq.s32 v49, $0x3;
	vm15 =	veq.s32 v49, $0x4  }
0x7c: {  	vm13 =	veq.s32 v49, $0x5;
	vm12 =	veq.s32 v49, $0x6;
	v46 =	vsel vm8, v36, v46  }
0x7d: {  	v47 =	vsel vm8, v33, v47;
	v62 =	vsel vm8, v31, v48;
	vm11 =	veq.s32 v63, $0x1  }
0x7e: {  	vm10 =	veq.s32 v63, $0x2;
	vm7 =	veq.s32 v63, $0x5;
	v46 =	vsel vm9, v35, v46  }
0x7f: {  	vm4 =	veq.s32 v63, $0x6;
	v47 =	vsel vm9, v38, v47;
	v46 =	vsel vm0, v37, v46  }
0x80: {  	[tilespmem:$0x1FF60] =	vst v46;
	v46 =	vsel vm8, v28, v60;
	v60 =	vsel vm0, v40, v47;
	v47 =	vperm.xlane v52, v10  }
0x81: {  	vm8 =	veq.s32 v63, $0x4;
	v46 =	vsel vm9, v29, v46;
	[tilespmem:$0x1FF80] =	vst v60;
	v60 =	vsel vm1, v43, v42  }
0x82: {  	v46 =	vsel vm0, v30, v46;
	vm6 =	veq.s32 v47, $0x1;
	vm5 =	veq.s32 v47, $0x2  }
0x83: {  	s21 =	simm.s32 $0x35C0;
	vm3 =	veq.s32 v47, $0x3;
	[tilespmem:$0x1FF70] =	vst v46;
	v46 =	vsel vm9, v39, v62;
	vm9 =	veq.s32 v63, $0x3  }
0x84: {  	[tilespmem:s21+$0xFFFFFE00] =	vst v53;
	v62 =	vsel vm1, v24, v20;
	v63 =	vsel vm1, v22, v17;
	v53 =	vsel vm6, v43, v42  }
0x85: {  	[tilespmem:s21+$0xFFFFFE10] =	vst v45;
	v46 =	vsel vm0, v41, v46;
	v48 =	vsel vm2, v26, v62;
	v49 =	vsel vm2, v23, v63  }
0x86: {  	vm0 =	veq.s32 v47, $0x6;
	v45 =	vsel vm5, v32, v53;
	[tilespmem:$0x1FF90] =	vst v46;
	v46 =	vsel vm2, v32, v60  }
0x87: {  	v60 =	vsel vm1, v18, v16;
	vm1 =	veq.s32 v47, $0x5;
	v62 =	vsel vm14, v27, v48  }
0x88: {  	v63 =	vsel vm14, v25, v49;
	v50 =	vsel vm2, v19, v60;
	vm2 =	veq.s32 v47, $0x4  }
0x89: {  	v46 =	vsel vm14, v34, v46;
	v47 =	vsel vm15, v28, v62;
	v48 =	vsel vm15, v33, v63  }
0x8a: {  	v63 =	vsel vm11, v43, v42;
	v60 =	vsel vm14, v21, v50;
	v46 =	vsel vm15, v36, v46  }
0x8b: {  	v47 =	vsel vm13, v29, v47;
	v48 =	vsel vm13, v38, v48;
	v49 =	vsel vm15, v31, v60  }
0x8c: {  	v46 =	vsel vm13, v35, v46;
	v62 =	vsel vm12, v30, v47;
	v50 =	vsel vm12, v40, v48  }
0x8d: {  	v60 =	vsel vm11, v24, v20;
	v49 =	vsel vm13, v39, v49;
	v46 =	vsel vm12, v37, v46  }
0x8e: {  	[tilespmem:$0x1FFB0] =	vst v62;
	v62 =	vsel vm11, v22, v17;
	v47 =	vsel vm10, v26, v60;
	v60 =	vsel vm3, v34, v45  }
0x8f: {  	[tilespmem:$0x1FFA0] =	vst v46;
	v51 =	vsel vm12, v41, v49;
	v46 =	vsel vm10, v32, v63;
	v63 =	vsel vm11, v18, v16  }
0x90: {  	v48 =	vsel vm10, v23, v62;
	v47 =	vsel vm9, v27, v47;
	v49 =	vsel vm10, v19, v63  }
0x91: {  	v46 =	vsel vm9, v34, v46;
	v48 =	vsel vm9, v25, v48;
	v47 =	vsel vm8, v28, v47  }
0x92: {  	[tilespmem:s21+$0xFFFFFE20] =	vst v55;
	v49 =	vsel vm9, v21, v49;
	v46 =	vsel vm8, v36, v46;
	v47 =	vsel vm7, v29, v47  }
0x93: {  	[tilespmem:$0x1FFD0] =	vst v51;
	v51 =	vsel vm8, v33, v48;
	v46 =	vsel vm7, v35, v46;
	v49 =	vsel vm8, v31, v49  }
0x94: {  	[tilespmem:$0x1FFC0] =	vst v50;
	v48 =	vsel vm4, v30, v47;
	v50 =	vsel vm7, v38, v51;
	v62 =	vsel vm4, v37, v46  }
0x95: {  	[tilespmem:$0x1FFE0] =	vst v48;
	v51 =	vsel vm7, v39, v49;
	v49 =	vsel vm6, v24, v20;
	v48 =	vsel vm2, v36, v60  }
0x96: {  	[tilespmem:s21+$0xFFFFFE50] =	vst v59;
	v55 =	vsel vm4, v41, v51;
	v46 =	vsel vm5, v26, v49;
	v51 =	vsel vm6, v18, v16  }
0x97: {  	[tilespmem:s21+$0xFFFFFE80] =	vst v61;
	v59 =	vld [tilespmem:$0x1FE30];
	v48 =	vsel vm1, v35, v48;
	v45 =	vsel vm5, v19, v51;
	v46 =	vsel vm3, v27, v46  }
0x98: {  	v61 =	vld [tilespmem:$0x1FE40];
	[tilespmem:$0x1FFF0] =	vst v55;
	v55 =	vperm.xlane v52, v11;
	v46 =	vsel vm2, v28, v46;
	v45 =	vsel vm3, v21, v45  }
0x99: {  	[tilespmem:s21+$0xFFFFFE30] =	vst v54;
	v60 =	vsel vm0, v37, v48;
	v53 =	vsel vm1, v29, v46;
	v54 =	vsel vm2, v31, v45  }
0x9a: {  	vm10 =	veq.s32 v55, $0x1;
	vm11 =	veq.s32 v55, $0x2;
	vm12 =	veq.s32 v55, $0x3  }
0x9b: {  	vm13 =	veq.s32 v55, $0x4;
	vm14 =	veq.s32 v55, $0x5;
	vm15 =	veq.s32 v55, $0x6;
	v55 =	vld [tilespmem:$0x1FE80]  }
0x9c: {  	[tilespmem:s21+$0xFFFFFE90] =	vst v59;
	v48 =	vld [tilespmem:$0x1FE50];
	v59 =	vsel vm0, v30, v53;
	v46 =	vsel vm1, v39, v54;
	v53 =	vsel vm10, v24, v20  }
0x9d: {  	[tilespmem:s21+$0xFFFFFEA0] =	vst v61;
	v61 =	vsel vm0, v41, v46;
	v46 =	vsel vm11, v26, v53;
	v53 =	vld [tilespmem:$0x1FE90];
	_ =	sdelay $0x1  }
0x9e: {  	[tilespmem:s21+$0xFFFFFE40] =	vst v56;
	v63 =	vsel vm4, v40, v50;
	v50 =	vsel vm6, v22, v17  }
0x9f: {  	v47 =	vsel vm5, v23, v50;
	v50 =	vsel vm10, v43, v42;
	[tilespmem:s21+$0xFFFFFEE0] =	vst v55;
	v55 =	vld [tilespmem:$0x1FEB0]  }
0xa0: {  	v49 =	vld [tilespmem:$0x1FE60];
	[tilespmem:s21+$0xFFFFFEB0] =	vst v48;
	v48 =	vsel vm11, v32, v50  }
0xa1: {  	v48 =	vsel vm12, v34, v48;
	[tilespmem:s21+$0xFFFFFEF0] =	vst v53;
	v53 =	vld [tilespmem:$0x1FEF0]  }
0xa2: {  	[tilespmem:s21+$0xFFFFFE70] =	vst v57;
	v47 =	vsel vm3, v25, v47;
	v54 =	vsel vm10, v22, v17;
	v48 =	vsel vm13, v36, v48  }
0xa3: {  	[tilespmem:s21+$0xFFFFFE60] =	vst v58;
	v57 =	vsel vm10, v18, v16;
	v56 =	vsel vm11, v23, v54;
	v54 =	vld [tilespmem:$0x1FEA0];
	v48 =	vsel vm14, v35, v48  }
0xa4: {  	v47 =	vsel vm2, v33, v47;
	v45 =	vsel vm11, v19, v57;
	[tilespmem:s21+$0xFFFFFF10] =	vst v55;
	v55 =	vsel vm15, v37, v48;
	v48 =	vld [tilespmem:$0x1FF00]  }
0xa5: {  	v51 =	vld [tilespmem:$0x1FE70];
	v47 =	vsel vm1, v38, v47;
	[tilespmem:s21+$0xFFFFFEC0] =	vst v49;
	v49 =	vsel vm12, v21, v45;
	v45 =	vperm.xlane v52, v12  }
0xa6: {  	v58 =	vsel vm0, v40, v47;
	[tilespmem:s21+$0xFFFFFF50] =	vst v53;
	v53 =	vld [tilespmem:$0x1FF30]  }
0xa7: {  	v46 =	vsel vm12, v27, v46;
	v47 =	vsel vm12, v25, v56;
	vm8 =	veq.s32 v45, $0x1  }
0xa8: {  	v57 =	vld [tilespmem:$0x1FED0];
	v46 =	vsel vm13, v28, v46;
	vm9 =	veq.s32 v45, $0x2;
	[tilespmem:s21+$0xFFFFFF00] =	vst v54;
	v54 =	vsel vm8, v43, v42  }
0xa9: {  	v47 =	vsel vm13, v33, v47;
	vm10 =	veq.s32 v45, $0x3;
	[tilespmem:s21+$0xFFFFFF60] =	vst v48;
	v48 =	vsel vm9, v32, v54  }
0xaa: {  	[tilespmem:s21+$0xFFFFFED0] =	vst v51;
	v51 =	vld [tilespmem:$0x1FEE0];
	v49 =	vsel vm13, v31, v49;
	vm11 =	veq.s32 v45, $0x4;
	v48 =	vsel vm10, v34, v48  }
0xab: {  	v47 =	vsel vm14, v38, v47;
	vm12 =	veq.s32 v45, $0x5;
	[tilespmem:s21+$0xFFFFFF90] =	vst v53;
	v53 =	vld [tilespmem:$0x1FF40];
	v48 =	vsel vm11, v36, v48  }
0xac: {  	vm13 =	veq.s32 v45, $0x6;
	v50 =	vsel vm8, v24, v20;
	v48 =	vsel vm12, v35, v48  }
0xad: {  	[tilespmem:s21+$0xFFFFFF30] =	vst v57;
	v57 =	vsel vm15, v40, v47;
	v47 =	vsel vm9, v26, v50;
	v50 =	vsel vm13, v37, v48;
	v48 =	vld [tilespmem:$0x1FF80]  }
0xae: {  	[tilespmem:s21+$0x40] =	vst v62;
	v56 =	vld [tilespmem:$0x1FEC0]  }
0xaf: {  	[tilespmem:s21+$0xFFFFFF40] =	vst v51;
	v51 =	vld [tilespmem:$0x1FF20]  }
0xb0: {  	v49 =	vsel vm14, v39, v49;
	[tilespmem:s21+$0xFFFFFFA0] =	vst v53;
	v53 =	vld [tilespmem:$0x1FF60]  }
0xb1: {  	[tilespmem:s21+$0x80] =	vst v60;
	v54 =	vsel vm15, v41, v49;
	v49 =	vld [tilespmem:$0x1FF10]  }
0xb2: {  	[tilespmem:s21+$0xFFFFFFE0] =	vst v48;
	v48 =	vld [tilespmem:$0x1FFA0]  }
0xb3: {  	[tilespmem:s21+$0xFFFFFF20] =	vst v56  }
0xb4: {  	v60 =	vperm.xlane v52, v14;
	v46 =	vsel vm14, v29, v46;
	v45 =	vsel vm8, v22, v17;
	[tilespmem:s21+$0xFFFFFF80] =	vst v51;
	v51 =	vld [tilespmem:$0x1FF50]  }
0xb5: {  	v56 =	vsel vm15, v30, v46;
	v46 =	vsel vm8, v18, v16;
	v47 =	vsel vm10, v27, v47;
	[tilespmem:s21+$0xFFFFFFC0] =	vst v53;
	v53 =	vld [tilespmem:$0x1FF70]  }
0xb6: {  	v62 =	vld [tilespmem:$0x1FFE0];
	v45 =	vsel vm9, v23, v45;
	v46 =	vsel vm9, v19, v46;
	v47 =	vsel vm11, v28, v47;
	[tilespmem:s21+$0xFFFFFF70] =	vst v49  }
0xb7: {  	v46 =	vsel vm10, v21, v46;
	v49 =	vsel vm10, v25, v45;
	v45 =	vperm.xlane v52, v13;
	[tilespmem:s21+$0x0] =	vst v48;
	v48 =	vld [tilespmem:$0x1FFB0]  }
0xb8: {  	v47 =	vsel vm12, v29, v47;
	v46 =	vsel vm11, v31, v46;
	v49 =	vsel vm11, v33, v49  }
0xb9: {  	[tilespmem:s21+$0xFFFFFFB0] =	vst v51;
	v51 =	vsel vm13, v30, v47;
	v49 =	vsel vm12, v38, v49;
	vm14 =	veq.s32 v45, $0x1  }
0xba: {  	vm15 =	veq.s32 v45, $0x2;
	v47 =	vsel vm14, v43, v42;
	[tilespmem:s21+$0xFFFFFFD0] =	vst v53;
	v53 =	vsel vm13, v40, v49;
	v49 =	vld [tilespmem:$0x1FF90]  }
0xbb: {  	[tilespmem:s21+$0x50] =	vst v62;
	v62 =	vld [tilespmem:$0x1FFF0];
	v46 =	vsel vm12, v39, v46;
	vm8 =	veq.s32 v45, $0x3;
	v47 =	vsel vm15, v32, v47  }
0xbc: {  	v52 =	vperm.xlane v52, v15;
	vm9 =	veq.s32 v45, $0x4;
	[tilespmem:s21+$0x10] =	vst v48;
	v48 =	vsel vm8, v34, v47;
	v47 =	vld [tilespmem:$0x1FFD0]  }
0xbd: {  	[tilespmem:s21+$0x60] =	vst v63;
	vm10 =	veq.s32 v45, $0x5;
	vm11 =	veq.s32 v45, $0x6;
	vm12 =	veq.s32 v60, $0x1  }
0xbe: {  	[tilespmem:s21+$0xB0] =	vst v61;
	v45 =	vsel vm14, v24, v20;
	v63 =	vsel vm12, v43, v42;
	v48 =	vsel vm9, v36, v48  }
0xbf: {  	v48 =	vsel vm10, v35, v48;
	[tilespmem:s21+$0xFFFFFFF0] =	vst v49;
	v49 =	vsel vm13, v41, v46;
	v46 =	vld [tilespmem:$0x1FFC0];
	vm13 =	veq.s32 v60, $0x2  }
0xc0: {  	[tilespmem:s21+$0x70] =	vst v62;
	v62 =	vsel vm12, v24, v20;
	v48 =	vsel vm11, v37, v48;
	v61 =	vsel vm13, v32, v63  }
0xc1: {  	v63 =	vsel vm12, v22, v17;
	[tilespmem:s21+$0x30] =	vst v47;
	v47 =	vsel vm15, v26, v45;
	v45 =	vsel vm14, v18, v16  }
0xc2: {  	[tilespmem:s21+$0xA0] =	vst v58;
	v58 =	vsel vm13, v26, v62;
	v45 =	vsel vm15, v19, v45;
	v47 =	vsel vm8, v27, v47  }
0xc3: {  	[tilespmem:s21+$0xD0] =	vst v56;
	v56 =	vsel vm13, v23, v63;
	v47 =	vsel vm9, v28, v47;
	v45 =	vsel vm8, v21, v45  }
0xc4: {  	[tilespmem:s21+$0x20] =	vst v46;
	v46 =	vsel vm14, v22, v17;
	v47 =	vsel vm10, v29, v47;
	v45 =	vsel vm9, v31, v45  }
0xc5: {  	vm14 =	veq.s32 v60, $0x3;
	v46 =	vsel vm15, v23, v46;
	v47 =	vsel vm11, v30, v47  }
0xc6: {  	[tilespmem:s21+$0xC0] =	vst v55;
	v45 =	vsel vm10, v39, v45;
	vm15 =	veq.s32 v60, $0x4;
	v55 =	vsel vm14, v34, v61  }
0xc7: {  	v62 =	vsel vm14, v25, v56;
	v46 =	vsel vm8, v25, v46;
	v45 =	vsel vm11, v41, v45  }
0xc8: {  	[tilespmem:s21+$0x90] =	vst v59;
	vm8 =	veq.s32 v60, $0x5;
	v55 =	vsel vm15, v36, v55;
	v46 =	vsel vm9, v33, v46  }
0xc9: {  	[tilespmem:s21+$0xE0] =	vst v57;
	vm9 =	veq.s32 v60, $0x6;
	v60 =	vsel vm14, v27, v58;
	v61 =	vsel vm8, v35, v55  }
0xca: {  	[tilespmem:s21+$0x100] =	vst v50;
	v46 =	vsel vm10, v38, v46;
	v63 =	vsel vm15, v28, v60;
	v50 =	vsel vm9, v37, v61  }
0xcb: {  	[tilespmem:s21+$0xF0] =	vst v54;
	v60 =	vsel vm15, v33, v62;
	vm10 =	veq.s32 v52, $0x1;
	v46 =	vsel vm11, v40, v46  }
0xcc: {  	[tilespmem:s21+$0x110] =	vst v51;
	v61 =	vsel vm8, v29, v63;
	v62 =	vsel vm8, v38, v60;
	v63 =	vsel vm12, v18, v16  }
0xcd: {  	[tilespmem:s21+$0x120] =	vst v53;
	vm11 =	veq.s32 v52, $0x2;
	v58 =	vsel vm10, v43, v42;
	vm12 =	veq.s32 v52, $0x3  }
0xce: {  	[tilespmem:s21+$0x130] =	vst v49;
	v54 =	vsel vm10, v24, v20;
	v55 =	vsel vm9, v30, v61;
	v51 =	vsel vm9, v40, v62  }
0xcf: {  	[tilespmem:s21+$0x140] =	vst v48;
	v56 =	vsel vm13, v19, v63;
	v60 =	vsel vm11, v32, v58;
	vm13 =	veq.s32 v52, $0x4  }
0xd0: {  	[tilespmem:s21+$0x170] =	vst v45;
	v45 =	vsel vm11, v26, v54;
	v57 =	vsel vm14, v21, v56;
	v62 =	vsel vm12, v34, v60  }
0xd1: {  	[tilespmem:s21+$0x150] =	vst v47;
	vm14 =	veq.s32 v52, $0x5;
	v56 =	vsel vm10, v22, v17;
	v45 =	vsel vm12, v27, v45  }
0xd2: {  	[tilespmem:s21+$0x180] =	vst v50;
	v59 =	vsel vm15, v31, v57;
	v53 =	vsel vm13, v36, v62;
	vm15 =	veq.s32 v52, $0x6  }
0xd3: {  	[tilespmem:s21+$0x160] =	vst v46;
	v48 =	vsel vm11, v23, v56;
	v57 =	vsel vm10, v18, v16;
	v45 =	vsel vm13, v28, v45  }
0xd4: {  	[tilespmem:s21+$0x190] =	vst v55;
	v61 =	vsel vm8, v39, v59;
	v47 =	vsel vm14, v35, v53;
	v48 =	vsel vm12, v25, v48  }
0xd5: {  	[tilespmem:s21+$0x1A0] =	vst v51;
	v49 =	vsel vm11, v19, v57;
	v45 =	vsel vm14, v29, v45;
	v63 =	vsel vm9, v41, v61  }
0xd6: {  	v47 =	vsel vm15, v37, v47;
	v58 =	vsel vm13, v33, v48;
	v59 =	vsel vm12, v21, v49;
	[tilespmem:s21+$0x1B0] =	vst v63  }
0xd7: {  	v45 =	vsel vm15, v30, v45;
	[tilespmem:s21+$0x1C0] =	vst v47;
	v46 =	vsel vm14, v38, v58;
	v60 =	vsel vm13, v31, v59  }
0xd8: {  	s20 =	smul.u32 $0x320, s20;
	[tilespmem:s21+$0x1D0] =	vst v45;
	v61 =	vsel vm15, v40, v46;
	v62 =	vsel vm14, v39, v60  }
0xd9: {  	[tilespmem:s21+$0x1E0] =	vst v61;
	v63 =	vsel vm15, v41, v62  }
0xda: {  	s24 =	simm.s32 $0x10;
	s23 =	simm.s32 $0x80;
	s22 =	sadd.s32 s6, s20;
	[tilespmem:s21+$0x1F0] =	vst v63  }
.LBB2_4:
0xdb: {  	p1 =	sne.s32 s23, $0xC40;
	v45 =	vld.idx.msk [tilespmem:v44+s24+$0x0 ss:$0x1], $0xffff;
	_ =	sdelay $0x5  }
0xdc: {  	v47 =	vperm.xlane v45, v0;
	v48 =	vperm.xlane v45, v1  }
0xdd: {  	v49 =	vperm.xlane v45, v2;
	v46 =	vperm.xlane v45, v3  }
0xde: {  	vm2 =	veq.s32 v47, $0x1;
	vm1 =	veq.s32 v48, $0x1;
	vm0 =	veq.s32 v48, $0x2  }
0xdf: {  	vm3 =	veq.s32 v47, $0x2;
	v50 =	vsel vm2, v43, v42;
	v51 =	vsel vm2, v24, v20  }
0xe0: {  	vm4 =	veq.s32 v47, $0x3;
	v50 =	vsel vm3, v32, v50;
	v51 =	vsel vm3, v26, v51  }
0xe1: {  	vm5 =	veq.s32 v47, $0x4;
	v50 =	vsel vm4, v34, v50;
	v51 =	vsel vm4, v27, v51  }
0xe2: {  	vm6 =	veq.s32 v47, $0x5;
	v50 =	vsel vm5, v36, v50;
	v51 =	vsel vm5, v28, v51  }
0xe3: {  	vm7 =	veq.s32 v47, $0x6;
	v47 =	vsel vm6, v35, v50;
	v50 =	vsel vm6, v29, v51  }
0xe4: {  	s21 =	sadd.s32 $0x400, s21;
	v51 =	vsel vm2, v22, v17;
	v47 =	vsel vm7, v37, v47;
	v50 =	vsel vm7, v30, v50  }
0xe5: {  	v52 =	vsel vm1, v43, v42;
	[tilespmem:s21+$0xFFFFFE00] =	vst v47;
	v47 =	vsel vm3, v23, v51;
	v51 =	vsel vm2, v18, v16  }
0xe6: {  	[tilespmem:s21+$0xFFFFFE10] =	vst v50;
	v47 =	vsel vm4, v25, v47;
	v50 =	vsel vm3, v19, v51;
	v51 =	vsel vm0, v32, v52  }
0xe7: {  	vm2 =	veq.s32 v48, $0x3;
	v47 =	vsel vm5, v33, v47;
	v50 =	vsel vm4, v21, v50  }
0xe8: {  	v51 =	vsel vm2, v34, v51;
	v47 =	vsel vm6, v38, v47;
	v50 =	vsel vm5, v31, v50  }
0xe9: {  	vm3 =	veq.s32 v48, $0x4;
	v47 =	vsel vm7, v40, v47;
	v50 =	vsel vm6, v39, v50  }
0xea: {  	vm4 =	veq.s32 v48, $0x5;
	[tilespmem:s21+$0xFFFFFE20] =	vst v47;
	v47 =	vsel vm7, v41, v50;
	v50 =	vsel vm3, v36, v51  }
0xeb: {  	vm5 =	veq.s32 v48, $0x6;
	v48 =	vsel vm1, v24, v20;
	[tilespmem:s21+$0xFFFFFE30] =	vst v47;
	v47 =	vsel vm4, v35, v50  }
0xec: {  	v48 =	vsel vm0, v26, v48;
	v50 =	vsel vm1, v22, v17;
	v47 =	vsel vm5, v37, v47  }
0xed: {  	[tilespmem:s21+$0xFFFFFE40] =	vst v47;
	v47 =	vsel vm2, v27, v48;
	v48 =	vsel vm0, v23, v50;
	v50 =	vsel vm1, v18, v16  }
0xee: {  	v47 =	vsel vm3, v28, v47;
	v48 =	vsel vm2, v25, v48;
	v50 =	vsel vm0, v19, v50  }
0xef: {  	v47 =	vsel vm4, v29, v47;
	v48 =	vsel vm3, v33, v48;
	v50 =	vsel vm2, v21, v50  }
0xf0: {  	v47 =	vsel vm5, v30, v47;
	v48 =	vsel vm4, v38, v48;
	v50 =	vsel vm3, v31, v50  }
0xf1: {  	vm3 =	veq.s32 v49, $0x1;
	[tilespmem:s21+$0xFFFFFE50] =	vst v47;
	v47 =	vsel vm5, v40, v48;
	v48 =	vsel vm4, v39, v50  }
0xf2: {  	vm4 =	veq.s32 v49, $0x2;
	[tilespmem:s21+$0xFFFFFE60] =	vst v47;
	v47 =	vsel vm5, v41, v48;
	v48 =	vsel vm3, v43, v42  }
0xf3: {  	vm2 =	veq.s32 v49, $0x4;
	vm5 =	veq.s32 v49, $0x3;
	[tilespmem:s21+$0xFFFFFE70] =	vst v47;
	v47 =	vsel vm4, v32, v48  }
0xf4: {  	vm1 =	veq.s32 v49, $0x5;
	vm0 =	veq.s32 v49, $0x6;
	v47 =	vsel vm5, v34, v47  }
0xf5: {  	v49 =	vsel vm3, v22, v17;
	v48 =	vsel vm3, v24, v20;
	v47 =	vsel vm2, v36, v47  }
0xf6: {  	v49 =	vsel vm4, v23, v49;
	v48 =	vsel vm4, v26, v48;
	v47 =	vsel vm1, v35, v47  }
0xf7: {  	v49 =	vsel vm5, v25, v49;
	v48 =	vsel vm5, v27, v48;
	v47 =	vsel vm0, v37, v47  }
0xf8: {  	[tilespmem:s21+$0xFFFFFE80] =	vst v47;
	v47 =	vsel vm2, v28, v48;
	v48 =	vsel vm2, v33, v49;
	v49 =	vsel vm3, v18, v16  }
0xf9: {  	v47 =	vsel vm1, v29, v47;
	v48 =	vsel vm1, v38, v48;
	v49 =	vsel vm4, v19, v49  }
0xfa: {  	v47 =	vsel vm0, v30, v47;
	v48 =	vsel vm0, v40, v48;
	v49 =	vsel vm5, v21, v49  }
0xfb: {  	vm5 =	veq.s32 v46, $0x1;
	[tilespmem:s21+$0xFFFFFE90] =	vst v47;
	v47 =	vsel vm2, v31, v49;
	vm2 =	veq.s32 v46, $0x2  }
0xfc: {  	[tilespmem:s21+$0xFFFFFEA0] =	vst v48;
	v47 =	vsel vm1, v39, v47;
	vm1 =	veq.s32 v46, $0x3;
	v48 =	vsel vm5, v43, v42  }
0xfd: {  	vm4 =	veq.s32 v46, $0x4;
	v47 =	vsel vm0, v41, v47;
	v48 =	vsel vm2, v32, v48  }
0xfe: {  	vm3 =	veq.s32 v46, $0x5;
	vm0 =	veq.s32 v46, $0x6;
	[tilespmem:s21+$0xFFFFFEB0] =	vst v47;
	v46 =	vsel vm1, v34, v48  }
0xff: {  	v47 =	vsel vm5, v24, v20;
	v48 =	vsel vm5, v22, v17;
	v46 =	vsel vm4, v36, v46  }
0x100: {  	v47 =	vsel vm2, v26, v47;
	v48 =	vsel vm2, v23, v48;
	v46 =	vsel vm3, v35, v46  }
0x101: {  	v47 =	vsel vm1, v27, v47;
	v48 =	vsel vm1, v25, v48;
	v46 =	vsel vm0, v37, v46  }
0x102: {  	[tilespmem:s21+$0xFFFFFEC0] =	vst v46;
	v46 =	vsel vm4, v28, v47;
	v47 =	vsel vm4, v33, v48;
	v48 =	vsel vm5, v18, v16  }
0x103: {  	v46 =	vsel vm3, v29, v46;
	v47 =	vsel vm3, v38, v47;
	v48 =	vsel vm2, v19, v48  }
0x104: {  	v46 =	vsel vm0, v30, v46;
	v47 =	vsel vm0, v40, v47;
	v48 =	vsel vm1, v21, v48  }
0x105: {  	v49 =	vperm.xlane v45, v5;
	[tilespmem:s21+$0xFFFFFED0] =	vst v46;
	v46 =	vsel vm4, v31, v48;
	v48 =	vperm.xlane v45, v4  }
0x106: {  	v50 =	vperm.xlane v45, v6;
	[tilespmem:s21+$0xFFFFFEE0] =	vst v47;
	v47 =	vsel vm3, v39, v46;
	v46 =	vperm.xlane v45, v7  }
0x107: {  	v47 =	vsel vm0, v41, v47;
	vm5 =	veq.s32 v48, $0x1;
	vm3 =	veq.s32 v48, $0x2  }
0x108: {  	vm4 =	veq.s32 v48, $0x3;
	vm2 =	veq.s32 v48, $0x4;
	[tilespmem:s21+$0xFFFFFEF0] =	vst v47;
	v47 =	vsel vm5, v43, v42  }
0x109: {  	vm1 =	veq.s32 v48, $0x5;
	vm0 =	veq.s32 v48, $0x6;
	v47 =	vsel vm3, v32, v47  }
0x10a: {  	v48 =	vsel vm5, v24, v20;
	v51 =	vsel vm5, v22, v17;
	v47 =	vsel vm4, v34, v47  }
0x10b: {  	v48 =	vsel vm3, v26, v48;
	v51 =	vsel vm3, v23, v51;
	v47 =	vsel vm2, v36, v47  }
0x10c: {  	v48 =	vsel vm4, v27, v48;
	v51 =	vsel vm4, v25, v51;
	v47 =	vsel vm1, v35, v47  }
0x10d: {  	v48 =	vsel vm2, v28, v48;
	v51 =	vsel vm2, v33, v51;
	v47 =	vsel vm0, v37, v47  }
0x10e: {  	[tilespmem:s21+$0xFFFFFF00] =	vst v47;
	v47 =	vsel vm1, v29, v48;
	v48 =	vsel vm1, v38, v51;
	v51 =	vsel vm5, v18, v16  }
0x10f: {  	v47 =	vsel vm0, v30, v47;
	v48 =	vsel vm0, v40, v48;
	v51 =	vsel vm3, v19, v51  }
0x110: {  	vm5 =	veq.s32 v49, $0x1;
	vm3 =	veq.s32 v49, $0x2;
	[tilespmem:s21+$0xFFFFFF10] =	vst v47;
	v47 =	vsel vm4, v21, v51  }
0x111: {  	[tilespmem:s21+$0xFFFFFF20] =	vst v48;
	v47 =	vsel vm2, v31, v47;
	vm2 =	veq.s32 v49, $0x3;
	v48 =	vsel vm5, v43, v42  }
0x112: {  	v47 =	vsel vm1, v39, v47;
	vm1 =	veq.s32 v49, $0x4;
	v48 =	vsel vm3, v32, v48  }
0x113: {  	v47 =	vsel vm0, v41, v47;
	vm0 =	veq.s32 v49, $0x5;
	v48 =	vsel vm2, v34, v48  }
0x114: {  	vm4 =	veq.s32 v49, $0x6;
	[tilespmem:s21+$0xFFFFFF30] =	vst v47;
	v47 =	vsel vm1, v36, v48;
	v48 =	vsel vm5, v24, v20  }
0x115: {  	v49 =	vsel vm5, v22, v17;
	v47 =	vsel vm0, v35, v47;
	v48 =	vsel vm3, v26, v48  }
0x116: {  	v49 =	vsel vm3, v23, v49;
	v47 =	vsel vm4, v37, v47;
	v48 =	vsel vm2, v27, v48  }
0x117: {  	[tilespmem:s21+$0xFFFFFF40] =	vst v47;
	v47 =	vsel vm1, v28, v48;
	v48 =	vsel vm2, v25, v49;
	v49 =	vsel vm5, v18, v16  }
0x118: {  	v47 =	vsel vm0, v29, v47;
	v48 =	vsel vm1, v33, v48;
	v49 =	vsel vm3, v19, v49  }
0x119: {  	v47 =	vsel vm4, v30, v47;
	v48 =	vsel vm0, v38, v48;
	v49 =	vsel vm2, v21, v49  }
0x11a: {  	vm2 =	veq.s32 v50, $0x1;
	[tilespmem:s21+$0xFFFFFF50] =	vst v47;
	v47 =	vsel vm4, v40, v48;
	v48 =	vsel vm1, v31, v49  }
0x11b: {  	vm3 =	veq.s32 v50, $0x2;
	[tilespmem:s21+$0xFFFFFF60] =	vst v47;
	v47 =	vsel vm0, v39, v48;
	v48 =	vsel vm2, v43, v42  }
0x11c: {  	v47 =	vsel vm4, v41, v47;
	vm4 =	veq.s32 v50, $0x3;
	v48 =	vsel vm3, v32, v48  }
0x11d: {  	vm5 =	veq.s32 v50, $0x4;
	vm1 =	veq.s32 v50, $0x5;
	[tilespmem:s21+$0xFFFFFF70] =	vst v47;
	v47 =	vsel vm4, v34, v48  }
0x11e: {  	vm0 =	veq.s32 v50, $0x6;
	v48 =	vsel vm2, v24, v20;
	v47 =	vsel vm5, v36, v47  }
0x11f: {  	v49 =	vsel vm2, v22, v17;
	v48 =	vsel vm3, v26, v48;
	v47 =	vsel vm1, v35, v47  }
0x120: {  	v49 =	vsel vm3, v23, v49;
	v48 =	vsel vm4, v27, v48;
	v47 =	vsel vm0, v37, v47  }
0x121: {  	[tilespmem:s21+$0xFFFFFF80] =	vst v47;
	v47 =	vsel vm5, v28, v48;
	v48 =	vsel vm4, v25, v49;
	v49 =	vsel vm2, v18, v16  }
0x122: {  	v47 =	vsel vm1, v29, v47;
	v48 =	vsel vm5, v33, v48;
	v49 =	vsel vm3, v19, v49  }
0x123: {  	v47 =	vsel vm0, v30, v47;
	v48 =	vsel vm1, v38, v48;
	v49 =	vsel vm4, v21, v49  }
0x124: {  	vm2 =	veq.s32 v46, $0x1;
	[tilespmem:s21+$0xFFFFFF90] =	vst v47;
	v47 =	vsel vm0, v40, v48;
	v48 =	vsel vm5, v31, v49  }
0x125: {  	vm3 =	veq.s32 v46, $0x2;
	[tilespmem:s21+$0xFFFFFFA0] =	vst v47;
	v47 =	vsel vm1, v39, v48;
	v48 =	vsel vm2, v43, v42  }
0x126: {  	vm4 =	veq.s32 v46, $0x3;
	v47 =	vsel vm0, v41, v47;
	v48 =	vsel vm3, v32, v48  }
0x127: {  	vm5 =	veq.s32 v46, $0x4;
	vm1 =	veq.s32 v46, $0x5;
	[tilespmem:s21+$0xFFFFFFB0] =	vst v47;
	v47 =	vsel vm4, v34, v48  }
0x128: {  	vm0 =	veq.s32 v46, $0x6;
	v46 =	vsel vm5, v36, v47;
	v47 =	vsel vm2, v24, v20  }
0x129: {  	v48 =	vsel vm2, v22, v17;
	v46 =	vsel vm1, v35, v46;
	v47 =	vsel vm3, v26, v47  }
0x12a: {  	v48 =	vsel vm3, v23, v48;
	v46 =	vsel vm0, v37, v46;
	v47 =	vsel vm4, v27, v47  }
0x12b: {  	[tilespmem:s21+$0xFFFFFFC0] =	vst v46;
	v46 =	vsel vm5, v28, v47;
	v47 =	vsel vm4, v25, v48;
	v48 =	vsel vm2, v18, v16  }
0x12c: {  	v46 =	vsel vm1, v29, v46;
	v47 =	vsel vm5, v33, v47;
	v48 =	vsel vm3, v19, v48  }
0x12d: {  	v46 =	vsel vm0, v30, v46;
	v47 =	vsel vm1, v38, v47;
	v48 =	vsel vm4, v21, v48  }
0x12e: {  	[tilespmem:s21+$0xFFFFFFD0] =	vst v46;
	v46 =	vsel vm0, v40, v47;
	v47 =	vsel vm5, v31, v48;
	v48 =	vperm.xlane v45, v8  }
0x12f: {  	v49 =	vperm.xlane v45, v10;
	[tilespmem:s21+$0xFFFFFFE0] =	vst v46;
	v46 =	vsel vm1, v39, v47;
	v47 =	vperm.xlane v45, v9  }
0x130: {  	v46 =	vsel vm0, v41, v46;
	vm5 =	veq.s32 v48, $0x1;
	vm3 =	veq.s32 v48, $0x2  }
0x131: {  	vm4 =	veq.s32 v48, $0x3;
	vm2 =	veq.s32 v48, $0x4;
	[tilespmem:s21+$0xFFFFFFF0] =	vst v46;
	v46 =	vsel vm5, v43, v42  }
0x132: {  	vm1 =	veq.s32 v48, $0x5;
	vm0 =	veq.s32 v48, $0x6;
	v46 =	vsel vm3, v32, v46  }
0x133: {  	v48 =	vsel vm5, v24, v20;
	v50 =	vsel vm5, v22, v17;
	v46 =	vsel vm4, v34, v46  }
0x134: {  	v48 =	vsel vm3, v26, v48;
	v50 =	vsel vm3, v23, v50;
	v46 =	vsel vm2, v36, v46  }
0x135: {  	v48 =	vsel vm4, v27, v48;
	v50 =	vsel vm4, v25, v50;
	v46 =	vsel vm1, v35, v46  }
0x136: {  	v48 =	vsel vm2, v28, v48;
	v50 =	vsel vm2, v33, v50;
	v46 =	vsel vm0, v37, v46  }
0x137: {  	[tilespmem:s21+$0x0] =	vst v46;
	v46 =	vsel vm1, v29, v48;
	v48 =	vsel vm1, v38, v50;
	v50 =	vsel vm5, v18, v16  }
0x138: {  	v46 =	vsel vm0, v30, v46;
	v48 =	vsel vm0, v40, v48;
	v50 =	vsel vm3, v19, v50  }
0x139: {  	vm5 =	veq.s32 v47, $0x1;
	vm3 =	veq.s32 v47, $0x2;
	[tilespmem:s21+$0x10] =	vst v46;
	v46 =	vsel vm4, v21, v50  }
0x13a: {  	[tilespmem:s21+$0x20] =	vst v48;
	v46 =	vsel vm2, v31, v46;
	vm2 =	veq.s32 v47, $0x3;
	v48 =	vsel vm5, v43, v42  }
0x13b: {  	v46 =	vsel vm1, v39, v46;
	vm1 =	veq.s32 v47, $0x4;
	v48 =	vsel vm3, v32, v48  }
0x13c: {  	v46 =	vsel vm0, v41, v46;
	vm0 =	veq.s32 v47, $0x5;
	v48 =	vsel vm2, v34, v48  }
0x13d: {  	vm4 =	veq.s32 v47, $0x6;
	v47 =	vsel vm5, v24, v20;
	[tilespmem:s21+$0x30] =	vst v46;
	v46 =	vsel vm1, v36, v48  }
0x13e: {  	v47 =	vsel vm3, v26, v47;
	v48 =	vsel vm5, v22, v17;
	v46 =	vsel vm0, v35, v46  }
0x13f: {  	v47 =	vsel vm2, v27, v47;
	v48 =	vsel vm3, v23, v48;
	v46 =	vsel vm4, v37, v46  }
0x140: {  	[tilespmem:s21+$0x40] =	vst v46;
	v46 =	vsel vm1, v28, v47;
	v47 =	vsel vm2, v25, v48;
	v48 =	vsel vm5, v18, v16  }
0x141: {  	v46 =	vsel vm0, v29, v46;
	v47 =	vsel vm1, v33, v47;
	v48 =	vsel vm3, v19, v48  }
0x142: {  	v46 =	vsel vm4, v30, v46;
	v47 =	vsel vm0, v38, v47;
	v48 =	vsel vm2, v21, v48  }
0x143: {  	vm2 =	veq.s32 v49, $0x1;
	[tilespmem:s21+$0x50] =	vst v46;
	v46 =	vsel vm4, v40, v47;
	v47 =	vsel vm1, v31, v48  }
0x144: {  	vm3 =	veq.s32 v49, $0x2;
	[tilespmem:s21+$0x60] =	vst v46;
	v46 =	vsel vm0, v39, v47;
	v47 =	vsel vm2, v43, v42  }
0x145: {  	v46 =	vsel vm4, v41, v46;
	vm4 =	veq.s32 v49, $0x3;
	v47 =	vsel vm3, v32, v47  }
0x146: {  	vm5 =	veq.s32 v49, $0x4;
	vm1 =	veq.s32 v49, $0x5;
	[tilespmem:s21+$0x70] =	vst v46;
	v46 =	vsel vm4, v34, v47  }
0x147: {  	vm0 =	veq.s32 v49, $0x6;
	v47 =	vsel vm2, v24, v20;
	v46 =	vsel vm5, v36, v46  }
0x148: {  	v48 =	vsel vm2, v22, v17;
	v47 =	vsel vm3, v26, v47;
	v46 =	vsel vm1, v35, v46  }
0x149: {  	v48 =	vsel vm3, v23, v48;
	v47 =	vsel vm4, v27, v47;
	v46 =	vsel vm0, v37, v46  }
0x14a: {  	[tilespmem:s21+$0x80] =	vst v46;
	v46 =	vsel vm5, v28, v47;
	v47 =	vsel vm4, v25, v48;
	v48 =	vsel vm2, v18, v16  }
0x14b: {  	v46 =	vsel vm1, v29, v46;
	v47 =	vsel vm5, v33, v47;
	v48 =	vsel vm3, v19, v48  }
0x14c: {  	v46 =	vsel vm0, v30, v46;
	v47 =	vsel vm1, v38, v47;
	v48 =	vsel vm4, v21, v48  }
0x14d: {  	[tilespmem:s21+$0x90] =	vst v46;
	v46 =	vsel vm0, v40, v47;
	v47 =	vsel vm5, v31, v48;
	v48 =	vperm.xlane v45, v11  }
0x14e: {  	v49 =	vperm.xlane v45, v13;
	[tilespmem:s21+$0xA0] =	vst v46;
	v46 =	vsel vm1, v39, v47;
	v47 =	vperm.xlane v45, v12  }
0x14f: {  	v46 =	vsel vm0, v41, v46;
	vm5 =	veq.s32 v48, $0x1;
	vm3 =	veq.s32 v48, $0x2  }
0x150: {  	vm4 =	veq.s32 v48, $0x3;
	vm2 =	veq.s32 v48, $0x4;
	[tilespmem:s21+$0xB0] =	vst v46;
	v46 =	vsel vm5, v43, v42  }
0x151: {  	vm1 =	veq.s32 v48, $0x5;
	vm0 =	veq.s32 v48, $0x6;
	v46 =	vsel vm3, v32, v46  }
0x152: {  	v48 =	vsel vm5, v24, v20;
	v50 =	vsel vm5, v22, v17;
	v46 =	vsel vm4, v34, v46  }
0x153: {  	v48 =	vsel vm3, v26, v48;
	v50 =	vsel vm3, v23, v50;
	v46 =	vsel vm2, v36, v46  }
0x154: {  	v48 =	vsel vm4, v27, v48;
	v50 =	vsel vm4, v25, v50;
	v46 =	vsel vm1, v35, v46  }
0x155: {  	v48 =	vsel vm2, v28, v48;
	v50 =	vsel vm2, v33, v50;
	v46 =	vsel vm0, v37, v46  }
0x156: {  	[tilespmem:s21+$0xC0] =	vst v46;
	v46 =	vsel vm1, v29, v48;
	v48 =	vsel vm1, v38, v50;
	v50 =	vsel vm5, v18, v16  }
0x157: {  	v46 =	vsel vm0, v30, v46;
	v48 =	vsel vm0, v40, v48;
	v50 =	vsel vm3, v19, v50  }
0x158: {  	vm5 =	veq.s32 v47, $0x1;
	vm3 =	veq.s32 v47, $0x2;
	[tilespmem:s21+$0xD0] =	vst v46;
	v46 =	vsel vm4, v21, v50  }
0x159: {  	[tilespmem:s21+$0xE0] =	vst v48;
	v46 =	vsel vm2, v31, v46;
	vm2 =	veq.s32 v47, $0x3;
	v48 =	vsel vm5, v43, v42  }
0x15a: {  	v46 =	vsel vm1, v39, v46;
	vm1 =	veq.s32 v47, $0x4;
	v48 =	vsel vm3, v32, v48  }
0x15b: {  	v46 =	vsel vm0, v41, v46;
	vm0 =	veq.s32 v47, $0x5;
	v48 =	vsel vm2, v34, v48  }
0x15c: {  	vm4 =	veq.s32 v47, $0x6;
	v47 =	vsel vm5, v24, v20;
	[tilespmem:s21+$0xF0] =	vst v46;
	v46 =	vsel vm1, v36, v48  }
0x15d: {  	v47 =	vsel vm3, v26, v47;
	v48 =	vsel vm5, v22, v17;
	v46 =	vsel vm0, v35, v46  }
0x15e: {  	v47 =	vsel vm2, v27, v47;
	v48 =	vsel vm3, v23, v48;
	v46 =	vsel vm4, v37, v46  }
0x15f: {  	[tilespmem:s21+$0x100] =	vst v46;
	v46 =	vsel vm1, v28, v47;
	v47 =	vsel vm2, v25, v48;
	v48 =	vsel vm5, v18, v16  }
0x160: {  	v46 =	vsel vm0, v29, v46;
	v47 =	vsel vm1, v33, v47;
	v48 =	vsel vm3, v19, v48  }
0x161: {  	v46 =	vsel vm4, v30, v46;
	v47 =	vsel vm0, v38, v47;
	v48 =	vsel vm2, v21, v48  }
0x162: {  	vm2 =	veq.s32 v49, $0x1;
	[tilespmem:s21+$0x110] =	vst v46;
	v46 =	vsel vm4, v40, v47;
	v47 =	vsel vm1, v31, v48  }
0x163: {  	vm3 =	veq.s32 v49, $0x2;
	[tilespmem:s21+$0x120] =	vst v46;
	v46 =	vsel vm0, v39, v47;
	v47 =	vsel vm2, v43, v42  }
0x164: {  	v46 =	vsel vm4, v41, v46;
	vm4 =	veq.s32 v49, $0x3;
	v47 =	vsel vm3, v32, v47  }
0x165: {  	vm5 =	veq.s32 v49, $0x4;
	vm0 =	veq.s32 v49, $0x5;
	[tilespmem:s21+$0x130] =	vst v46;
	v46 =	vsel vm4, v34, v47  }
0x166: {  	vm1 =	veq.s32 v49, $0x6;
	v47 =	vsel vm2, v24, v20;
	v46 =	vsel vm5, v36, v46  }
0x167: {  	v48 =	vsel vm2, v22, v17;
	v47 =	vsel vm3, v26, v47;
	v46 =	vsel vm0, v35, v46  }
0x168: {  	v48 =	vsel vm3, v23, v48;
	v47 =	vsel vm4, v27, v47;
	v46 =	vsel vm1, v37, v46  }
0x169: {  	[tilespmem:s21+$0x140] =	vst v46;
	v46 =	vsel vm5, v28, v47;
	v47 =	vsel vm4, v25, v48;
	v48 =	vsel vm2, v18, v16  }
0x16a: {  	v46 =	vsel vm0, v29, v46;
	v47 =	vsel vm5, v33, v47;
	v48 =	vsel vm3, v19, v48  }
0x16b: {  	v46 =	vsel vm1, v30, v46;
	v47 =	vsel vm0, v38, v47;
	v48 =	vsel vm4, v21, v48  }
0x16c: {  	[tilespmem:s21+$0x150] =	vst v46;
	v46 =	vsel vm1, v40, v47;
	v47 =	vsel vm5, v31, v48;
	v48 =	vperm.xlane v45, v14  }
0x16d: {  	v45 =	vperm.xlane v45, v15;
	[tilespmem:s21+$0x160] =	vst v46;
	v46 =	vsel vm0, v39, v47  }
0x16e: {  	v46 =	vsel vm1, v41, v46;
	vm5 =	veq.s32 v48, $0x1;
	vm3 =	veq.s32 v48, $0x2  }
0x16f: {  	vm4 =	veq.s32 v48, $0x3;
	vm2 =	veq.s32 v48, $0x4;
	[tilespmem:s21+$0x170] =	vst v46;
	v46 =	vsel vm5, v43, v42  }
0x170: {  	vm1 =	veq.s32 v48, $0x5;
	vm0 =	veq.s32 v48, $0x6;
	v46 =	vsel vm3, v32, v46  }
0x171: {  	v47 =	vsel vm5, v24, v20;
	v48 =	vsel vm5, v22, v17;
	v46 =	vsel vm4, v34, v46  }
0x172: {  	v47 =	vsel vm3, v26, v47;
	v48 =	vsel vm3, v23, v48;
	v46 =	vsel vm2, v36, v46  }
0x173: {  	v47 =	vsel vm4, v27, v47;
	v48 =	vsel vm4, v25, v48;
	v46 =	vsel vm1, v35, v46  }
0x174: {  	v47 =	vsel vm2, v28, v47;
	v48 =	vsel vm2, v33, v48;
	v46 =	vsel vm0, v37, v46  }
0x175: {  	[tilespmem:s21+$0x180] =	vst v46;
	v46 =	vsel vm1, v29, v47;
	v47 =	vsel vm1, v38, v48;
	v48 =	vsel vm5, v18, v16  }
0x176: {  	v46 =	vsel vm0, v30, v46;
	v47 =	vsel vm0, v40, v47;
	v48 =	vsel vm3, v19, v48  }
0x177: {  	vm3 =	veq.s32 v45, $0x2;
	[tilespmem:s21+$0x190] =	vst v46;
	v46 =	vsel vm4, v21, v48;
	vm4 =	veq.s32 v45, $0x1  }
0x178: {  	[tilespmem:s21+$0x1A0] =	vst v47;
	v46 =	vsel vm2, v31, v46;
	vm2 =	veq.s32 v45, $0x3;
	v47 =	vsel vm4, v43, v42  }
0x179: {  	v46 =	vsel vm1, v39, v46;
	vm1 =	veq.s32 v45, $0x4;
	v47 =	vsel vm3, v32, v47  }
0x17a: {  	v46 =	vsel vm0, v41, v46;
	vm0 =	veq.s32 v45, $0x5;
	v47 =	vsel vm2, v34, v47  }
0x17b: {  	vm5 =	veq.s32 v45, $0x6;
	[tilespmem:s21+$0x1B0] =	vst v46;
	v45 =	vsel vm1, v36, v47;
	v46 =	vsel vm4, v24, v20  }
0x17c: {  	v47 =	vsel vm4, v22, v17;
	v45 =	vsel vm0, v35, v45;
	v46 =	vsel vm3, v26, v46  }
0x17d: {  	v47 =	vsel vm3, v23, v47;
	v45 =	vsel vm5, v37, v45;
	v46 =	vsel vm2, v27, v46  }
0x17e: {  	[tilespmem:s21+$0x1C0] =	vst v45;
	v45 =	vsel vm1, v28, v46;
	v46 =	vsel vm2, v25, v47;
	v47 =	vsel vm4, v18, v16  }
0x17f: {  	v45 =	vsel vm0, v29, v45;
	v46 =	vsel vm1, v33, v46;
	v47 =	vsel vm3, v19, v47  }
.Ltmp0:
0x180: {  	v45 =	vsel vm5, v30, v45;
	v46 =	vsel vm0, v38, v46;
	v47 =	vsel vm2, v21, v47;
	(pc) =	sbr.rel @p1 .LBB2_4-.Ltmp0, $4  }
0x181: {  	[tilespmem:s21+$0x1D0] =	vst v45;
	v45 =	vsel vm5, v40, v46;
	v46 =	vsel vm1, v31, v47  }
0x182: {  	[tilespmem:s21+$0x1E0] =	vst v45;
	v45 =	vsel vm0, v39, v46  }
0x183: {  	v45 =	vsel vm5, v41, v45  }
0x184: {  	s24 =	sshra.s32 s23, $0x2;
	s23 =	sadd.s32 $0x40, s23;
	[tilespmem:s21+$0x1F0] =	vst v45  }
0x185: {  	_ =	sdelay $0x3  }
0x186: {  	v51 =	vld.idx.msk [tilespmem:v44+s24+$0x0 ss:$0x1], $0xffff;
	_ =	sdelay $0x4  }
0x187: {  	v45 =	vperm.xlane v51, v0;
	v46 =	vperm.xlane v51, v1  }
0x188: {  	v47 =	vperm.xlane v51, v2  }
0x189: {  	v48 =	vperm.xlane v51, v3;
	vm2 =	veq.s32 v45, $0x1;
	vm1 =	veq.s32 v46, $0x1  }
0x18a: {  	vm0 =	veq.s32 v46, $0x2;
	vm3 =	veq.s32 v45, $0x2;
	vm4 =	veq.s32 v45, $0x3  }
0x18b: {  	vm5 =	veq.s32 v45, $0x4;
	vm6 =	veq.s32 v45, $0x5;
	vm7 =	veq.s32 v45, $0x6  }
0x18c: {  	vm11 =	veq.s32 v46, $0x3;
	vm12 =	veq.s32 v46, $0x4;
	vm13 =	veq.s32 v46, $0x5  }
0x18d: {  	vm14 =	veq.s32 v46, $0x6;
	vm15 =	veq.s32 v47, $0x1;
	vm8 =	veq.s32 v47, $0x2  }
0x18e: {  	vm9 =	veq.s32 v47, $0x3;
	vm10 =	veq.s32 v47, $0x4;
	v49 =	vsel vm2, v43, v42  }
0x18f: {  	v50 =	vsel vm2, v24, v20;
	v53 =	vsel vm2, v18, v16;
	v54 =	vsel vm1, v43, v42  }
0x190: {  	v57 =	vsel vm1, v24, v20;
	v59 =	vsel vm1, v22, v17;
	v60 =	vsel vm1, v18, v16  }
0x191: {  	v49 =	vsel vm3, v32, v49;
	v50 =	vsel vm3, v26, v50;
	v58 =	vsel vm0, v26, v57  }
0x192: {  	v46 =	vsel vm0, v23, v59;
	v59 =	vsel vm15, v22, v17;
	v49 =	vsel vm4, v34, v49  }
0x193: {  	v50 =	vsel vm4, v27, v50;
	v46 =	vsel vm11, v25, v46;
	v49 =	vsel vm5, v36, v49  }
0x194: {  	v50 =	vsel vm5, v28, v50;
	v46 =	vsel vm12, v33, v46;
	v63 =	vsel vm6, v35, v49  }
0x195: {  	v44 =	vsel vm6, v29, v50;
	v50 =	vsel vm2, v22, v17;
	v49 =	vsel vm3, v19, v53  }
0x196: {  	v61 =	vsel vm13, v38, v46;
	v52 =	vsel vm7, v37, v63;
	v44 =	vsel vm7, v30, v44  }
0x197: {  	v45 =	vsel vm3, v23, v50;
	v50 =	vsel vm0, v32, v54;
	v49 =	vsel vm4, v21, v49  }
0x198: {  	v57 =	vsel vm14, v40, v61;
	v45 =	vsel vm4, v25, v45;
	v49 =	vsel vm5, v31, v49  }
0x199: {  	v50 =	vsel vm11, v34, v50;
	v45 =	vsel vm5, v33, v45;
	v55 =	vsel vm6, v39, v49  }
0x19a: {  	v56 =	vsel vm12, v36, v50;
	v49 =	vsel vm0, v19, v60;
	v50 =	vsel vm15, v24, v20  }
0x19b: {  	v45 =	vsel vm6, v38, v45;
	v53 =	vsel vm7, v41, v55;
	v49 =	vsel vm11, v21, v49  }
0x19c: {  	v46 =	vsel vm8, v26, v50;
	v54 =	vsel vm7, v40, v45;
	v45 =	vsel vm13, v35, v56  }
0x19d: {  	v62 =	vsel vm12, v31, v49;
	v49 =	vsel vm15, v43, v42;
	v60 =	vsel vm9, v27, v46  }
0x19e: {  	v55 =	vsel vm14, v37, v45;
	v45 =	vsel vm11, v27, v58;
	v63 =	vsel vm13, v39, v62  }
0x19f: {  	vm11 =	veq.s32 v47, $0x5;
	v62 =	vsel vm15, v18, v16;
	vm15 =	veq.s32 v48, $0x3  }
0x1a0: {  	v45 =	vsel vm12, v28, v45;
	vm12 =	veq.s32 v47, $0x6;
	v47 =	vsel vm8, v23, v59  }
0x1a1: {  	v56 =	vsel vm14, v41, v63;
	v45 =	vsel vm13, v29, v45;
	v61 =	vsel vm9, v25, v47  }
0x1a2: {  	v47 =	vsel vm8, v19, v62;
	vm13 =	veq.s32 v48, $0x1;
	v58 =	vsel vm14, v30, v45  }
0x1a3: {  	v45 =	vsel vm8, v32, v49;
	v46 =	vsel vm10, v33, v61;
	v49 =	vsel vm9, v21, v47  }
0x1a4: {  	vm14 =	veq.s32 v48, $0x2;
	v50 =	vsel vm13, v43, v42;
	v45 =	vsel vm9, v34, v45  }
0x1a5: {  	vm8 =	veq.s32 v48, $0x4;
	v61 =	vsel vm13, v22, v17;
	v45 =	vsel vm10, v36, v45  }
0x1a6: {  	v46 =	vsel vm11, v38, v46;
	v59 =	vsel vm14, v32, v50;
	v45 =	vsel vm11, v35, v45  }
0x1a7: {  	vm9 =	veq.s32 v48, $0x5;
	v47 =	vsel vm14, v23, v61;
	v45 =	vsel vm12, v37, v45  }
0x1a8: {  	v63 =	vsel vm12, v40, v46;
	[tilespmem:$0x1FC70] =	vst v45;
	v45 =	vsel vm10, v28, v60;
	v60 =	vsel vm13, v24, v20  }
0x1a9: {  	[tilespmem:$0x1FC90] =	vst v63;
	v63 =	vsel vm15, v25, v47;
	v45 =	vsel vm11, v29, v45;
	v46 =	vsel vm14, v26, v60  }
0x1aa: {  	v45 =	vsel vm12, v30, v45;
	v62 =	vsel vm15, v27, v46;
	v46 =	vsel vm8, v33, v63  }
0x1ab: {  	[tilespmem:$0x1FC80] =	vst v45;
	v45 =	vsel vm10, v31, v49;
	vm10 =	veq.s32 v48, $0x6;
	v46 =	vsel vm9, v38, v46  }
0x1ac: {  	v48 =	vsel vm13, v18, v16;
	v45 =	vsel vm11, v39, v45;
	v49 =	vsel vm10, v40, v46  }
0x1ad: {  	v47 =	vsel vm14, v19, v48;
	v48 =	vperm.xlane v51, v6;
	v45 =	vsel vm12, v41, v45;
	[tilespmem:$0x1FCD0] =	vst v49  }
0x1ae: {  	v49 =	vperm.xlane v51, v7;
	[tilespmem:$0x1FCA0] =	vst v45;
	v45 =	vsel vm15, v34, v59;
	v59 =	vperm.xlane v51, v4  }
0x1af: {  	v50 =	vsel vm15, v21, v47;
	v47 =	vperm.xlane v51, v5;
	v45 =	vsel vm8, v36, v45  }
0x1b0: {  	vm5 =	veq.s32 v49, $0x6;
	v45 =	vsel vm9, v35, v45;
	vm11 =	veq.s32 v59, $0x1  }
0x1b1: {  	vm12 =	veq.s32 v59, $0x2;
	vm13 =	veq.s32 v59, $0x3;
	v45 =	vsel vm10, v37, v45  }
0x1b2: {  	vm14 =	veq.s32 v59, $0x4;
	v61 =	vsel vm11, v24, v20;
	[tilespmem:$0x1FCB0] =	vst v45;
	v45 =	vsel vm8, v28, v62  }
0x1b3: {  	vm15 =	veq.s32 v59, $0x5;
	v46 =	vsel vm12, v26, v61;
	v45 =	vsel vm9, v29, v45  }
0x1b4: {  	v60 =	vsel vm11, v43, v42;
	v46 =	vsel vm13, v27, v46;
	v45 =	vsel vm10, v30, v45  }
0x1b5: {  	v62 =	vsel vm11, v22, v17;
	v63 =	vsel vm14, v28, v46;
	[tilespmem:$0x1FCC0] =	vst v45;
	v45 =	vsel vm8, v31, v50  }
0x1b6: {  	vm8 =	veq.s32 v59, $0x6;
	v50 =	vsel vm12, v23, v62;
	v45 =	vsel vm9, v39, v45  }
0x1b7: {  	v59 =	vsel vm11, v18, v16;
	vm11 =	veq.s32 v47, $0x3;
	v45 =	vsel vm10, v41, v45  }
0x1b8: {  	v50 =	vsel vm13, v25, v50;
	v61 =	vsel vm12, v19, v59;
	[tilespmem:$0x1FCE0] =	vst v45;
	v45 =	vsel vm12, v32, v60  }
0x1b9: {  	vm9 =	veq.s32 v47, $0x1;
	v50 =	vsel vm14, v33, v50;
	v45 =	vsel vm13, v34, v45  }
0x1ba: {  	vm10 =	veq.s32 v47, $0x2;
	v62 =	vsel vm9, v43, v42;
	v45 =	vsel vm14, v36, v45  }
0x1bb: {  	v59 =	vsel vm9, v22, v17;
	v46 =	vsel vm15, v38, v50;
	v45 =	vsel vm15, v35, v45  }
0x1bc: {  	vm12 =	veq.s32 v47, $0x4;
	v50 =	vsel vm9, v24, v20;
	v45 =	vsel vm8, v37, v45  }
0x1bd: {  	v60 =	vsel vm8, v40, v46;
	v46 =	vsel vm10, v32, v62;
	[tilespmem:$0x1FCF0] =	vst v45;
	v45 =	vsel vm15, v29, v63  }
0x1be: {  	v62 =	vsel vm9, v18, v16;
	vm9 =	veq.s32 v48, $0x3;
	v45 =	vsel vm8, v30, v45  }
0x1bf: {  	v63 =	vsel vm11, v34, v46;
	v46 =	vsel vm10, v26, v50;
	[tilespmem:$0x1FD00] =	vst v45;
	v45 =	vsel vm13, v21, v61  }
0x1c0: {  	[tilespmem:$0x1FD10] =	vst v60;
	v60 =	vsel vm11, v27, v46;
	vm13 =	veq.s32 v47, $0x5;
	v45 =	vsel vm14, v31, v45  }
0x1c1: {  	v61 =	vsel vm10, v23, v59;
	vm14 =	veq.s32 v47, $0x6;
	v45 =	vsel vm15, v39, v45  }
0x1c2: {  	v46 =	vsel vm11, v25, v61;
	v47 =	vsel vm10, v19, v62;
	v45 =	vsel vm8, v41, v45  }
0x1c3: {  	vm10 =	veq.s32 v48, $0x4;
	v46 =	vsel vm12, v33, v46;
	[tilespmem:$0x1FD20] =	vst v45;
	v45 =	vsel vm12, v36, v63  }
0x1c4: {  	v50 =	vsel vm11, v21, v47;
	vm15 =	veq.s32 v48, $0x1;
	v45 =	vsel vm13, v35, v45  }
0x1c5: {  	vm11 =	veq.s32 v48, $0x5;
	v59 =	vsel vm12, v31, v50;
	v45 =	vsel vm14, v37, v45  }
0x1c6: {  	vm8 =	veq.s32 v48, $0x2;
	v62 =	vsel vm15, v24, v20;
	[tilespmem:$0x1FD30] =	vst v45;
	v45 =	vsel vm12, v28, v60  }
0x1c7: {  	v63 =	vsel vm13, v38, v46;
	v46 =	vsel vm8, v26, v62;
	v45 =	vsel vm13, v29, v45  }
0x1c8: {  	v60 =	vsel vm15, v43, v42;
	vm12 =	veq.s32 v48, $0x6;
	v45 =	vsel vm14, v30, v45  }
0x1c9: {  	v48 =	vsel vm9, v27, v46;
	[tilespmem:$0x1FD40] =	vst v45;
	v45 =	vsel vm14, v40, v63;
	v63 =	vsel vm15, v22, v17  }
0x1ca: {  	v61 =	vsel vm8, v32, v60;
	[tilespmem:$0x1FD50] =	vst v45;
	v45 =	vsel vm13, v39, v59;
	v50 =	vsel vm8, v23, v63  }
0x1cb: {  	v59 =	vsel vm15, v18, v16;
	vm13 =	veq.s32 v49, $0x1;
	vm15 =	veq.s32 v49, $0x3  }
0x1cc: {  	v45 =	vsel vm14, v41, v45;
	v46 =	vsel vm9, v25, v50;
	v47 =	vsel vm8, v19, v59  }
0x1cd: {  	vm14 =	veq.s32 v49, $0x2;
	v63 =	vsel vm13, v43, v42;
	vm8 =	veq.s32 v49, $0x4  }
0x1ce: {  	v50 =	vsel vm13, v24, v20;
	v59 =	vsel vm13, v22, v17;
	[tilespmem:$0x1FD60] =	vst v45;
	v45 =	vsel vm9, v34, v61  }
0x1cf: {  	v46 =	vsel vm10, v33, v46;
	v61 =	vsel vm9, v21, v47;
	v45 =	vsel vm10, v36, v45  }
0x1d0: {  	v62 =	vsel vm10, v31, v61;
	v61 =	vsel vm14, v23, v59;
	v59 =	vperm.xlane v51, v9  }
0x1d1: {  	vm9 =	veq.s32 v49, $0x5;
	v60 =	vsel vm11, v38, v46;
	v45 =	vsel vm11, v35, v45  }
0x1d2: {  	v46 =	vsel vm14, v26, v50;
	v45 =	vsel vm12, v37, v45;
	vm7 =	veq.s32 v59, $0x5  }
0x1d3: {  	[tilespmem:$0x1FD70] =	vst v45;
	v45 =	vsel vm10, v28, v48;
	v48 =	vsel vm14, v32, v63;
	v63 =	vperm.xlane v51, v8  }
0x1d4: {  	vm6 =	veq.s32 v59, $0x6;
	vm10 =	veq.s32 v59, $0x2;
	v45 =	vsel vm11, v29, v45  }
0x1d5: {  	v45 =	vsel vm12, v30, v45;
	vm0 =	veq.s32 v63, $0x1;
	vm1 =	veq.s32 v63, $0x2  }
0x1d6: {  	[tilespmem:$0x1FD80] =	vst v45;
	v45 =	vsel vm12, v40, v60;
	v60 =	vsel vm15, v27, v46;
	v46 =	vsel vm15, v25, v61  }
0x1d7: {  	v61 =	vperm.xlane v51, v10;
	[tilespmem:$0x1FD90] =	vst v45;
	v45 =	vsel vm11, v39, v62;
	v62 =	vsel vm13, v18, v16  }
0x1d8: {  	v46 =	vsel vm8, v33, v46;
	vm13 =	veq.s32 v63, $0x5;
	vm11 =	veq.s32 v63, $0x6  }
0x1d9: {  	v45 =	vsel vm12, v41, v45;
	v47 =	vsel vm14, v19, v62;
	v46 =	vsel vm9, v38, v46  }
0x1da: {  	vm14 =	veq.s32 v63, $0x3;
	vm12 =	veq.s32 v59, $0x1;
	[tilespmem:$0x1FDA0] =	vst v45;
	v45 =	vsel vm15, v34, v48  }
0x1db: {  	vm4 =	veq.s32 v61, $0x2;
	vm3 =	veq.s32 v61, $0x3;
	v45 =	vsel vm8, v36, v45  }
0x1dc: {  	vm2 =	veq.s32 v61, $0x4;
	v47 =	vsel vm15, v21, v47;
	v45 =	vsel vm9, v35, v45  }
0x1dd: {  	v49 =	vsel vm5, v40, v46;
	vm15 =	veq.s32 v63, $0x4;
	v45 =	vsel vm5, v37, v45  }
0x1de: {  	v63 =	vsel vm0, v24, v20;
	v50 =	vsel vm8, v31, v47;
	[tilespmem:$0x1FDB0] =	vst v45;
	v45 =	vsel vm8, v28, v60  }
0x1df: {  	v46 =	vsel vm1, v26, v63;
	v60 =	vsel vm0, v43, v42;
	v45 =	vsel vm9, v29, v45  }
0x1e0: {  	[tilespmem:$0x1FDD0] =	vst v49;
	v62 =	vsel vm1, v32, v60;
	v60 =	vsel vm0, v18, v16;
	v45 =	vsel vm5, v30, v45  }
0x1e1: {  	vm8 =	veq.s32 v59, $0x4;
	v49 =	vsel vm1, v19, v60;
	[tilespmem:$0x1FDC0] =	vst v45;
	v45 =	vsel vm9, v39, v50  }
0x1e2: {  	vm9 =	veq.s32 v59, $0x3;
	v59 =	vsel vm0, v22, v17;
	vm0 =	veq.s32 v61, $0x6  }
0x1e3: {  	v45 =	vsel vm5, v41, v45;
	v47 =	vsel vm1, v23, v59;
	vm5 =	veq.s32 v61, $0x1  }
0x1e4: {  	vm1 =	veq.s32 v61, $0x5;
	v61 =	vsel vm14, v21, v49;
	v49 =	vsel vm12, v43, v42  }
0x1e5: {  	[tilespmem:$0x1FDE0] =	vst v45;
	v45 =	vsel vm14, v34, v62;
	v47 =	vsel vm14, v25, v47;
	v48 =	vsel vm15, v31, v61  }
0x1e6: {  	v61 =	vsel vm12, v22, v17;
	v45 =	vsel vm15, v36, v45;
	v47 =	vsel vm15, v33, v47  }
0x1e7: {  	v48 =	vsel vm13, v39, v48;
	v45 =	vsel vm13, v35, v45;
	v47 =	vsel vm13, v38, v47  }
0x1e8: {  	s21 =	sadd.s32 $0x400, s21;
	v63 =	vsel vm11, v37, v45;
	v45 =	vsel vm10, v32, v49;
	v49 =	vsel vm5, v43, v42  }
0x1e9: {  	[tilespmem:s21+$0xFFFFFE10] =	vst v44;
	v50 =	vsel vm11, v40, v47;
	v47 =	vsel vm10, v23, v61;
	v44 =	vsel vm4, v32, v49  }
0x1ea: {  	[tilespmem:s21+$0xFFFFFE00] =	vst v52;
	v59 =	vsel vm11, v41, v48;
	v47 =	vsel vm9, v25, v47;
	v52 =	vsel vm3, v34, v44  }
0x1eb: {  	[tilespmem:$0x1FE10] =	vst v59;
	v59 =	vsel vm8, v33, v47;
	v47 =	vsel vm2, v36, v52;
	v52 =	vld [tilespmem:$0x1FC70];
	_ =	sdelay $0x4  }
0x1ec: {  	[tilespmem:s21+$0xFFFFFE80] =	vst v52;
	v52 =	vld [tilespmem:$0x1FC90];
	_ =	sdelay $0x4  }
0x1ed: {  	v46 =	vsel vm14, v27, v46;
	[tilespmem:s21+$0xFFFFFEA0] =	vst v52;
	v52 =	vld [tilespmem:$0x1FCD0]  }
0x1ee: {  	[tilespmem:s21+$0xFFFFFE30] =	vst v53;
	v46 =	vsel vm15, v28, v46  }
0x1ef: {  	[tilespmem:s21+$0xFFFFFE20] =	vst v54;
	v46 =	vsel vm13, v29, v46;
	v60 =	vsel vm12, v24, v20  }
0x1f0: {  	[tilespmem:s21+$0xFFFFFE40] =	vst v55;
	v62 =	vsel vm11, v30, v46;
	v46 =	vsel vm10, v26, v60;
	v53 =	vsel vm5, v24, v20  }
0x1f1: {  	v54 =	vsel vm5, v22, v17;
	[tilespmem:$0x1FDF0] =	vst v62;
	v62 =	vsel vm12, v18, v16;
	v46 =	vsel vm9, v27, v46  }
0x1f2: {  	v55 =	vsel vm5, v18, v16;
	v48 =	vsel vm10, v19, v62;
	v46 =	vsel vm8, v28, v46;
	[tilespmem:s21+$0xFFFFFEE0] =	vst v52;
	v52 =	vld [tilespmem:$0x1FCF0]  }
0x1f3: {  	v48 =	vsel vm9, v21, v48;
	v46 =	vsel vm7, v29, v46;
	v45 =	vsel vm9, v34, v45  }
0x1f4: {  	v48 =	vsel vm8, v31, v48;
	v62 =	vsel vm6, v30, v46;
	v45 =	vsel vm8, v36, v45  }
0x1f5: {  	[tilespmem:s21+$0xFFFFFE50] =	vst v58;
	v58 =	vld [tilespmem:$0x1FC80];
	v46 =	vsel vm4, v23, v54;
	v44 =	vsel vm4, v19, v55;
	v45 =	vsel vm7, v35, v45  }
0x1f6: {  	v54 =	vld [tilespmem:$0x1FCB0];
	v48 =	vsel vm7, v39, v48;
	v44 =	vsel vm3, v21, v44;
	v60 =	vsel vm6, v37, v45  }
0x1f7: {  	v45 =	vsel vm4, v26, v53;
	v53 =	vsel vm2, v31, v44;
	v44 =	vperm.xlane v51, v11;
	[tilespmem:s21+$0xFFFFFF00] =	vst v52;
	v52 =	vld [tilespmem:$0x1FD30]  }
0x1f8: {  	[tilespmem:$0x1FE00] =	vst v50;
	v50 =	vsel vm6, v41, v48;
	v45 =	vsel vm3, v27, v45  }
0x1f9: {  	[tilespmem:s21+$0xFFFFFE60] =	vst v57;
	v48 =	vld [tilespmem:$0x1FCC0];
	v45 =	vsel vm2, v28, v45;
	vm10 =	veq.s32 v44, $0x1;
	vm11 =	veq.s32 v44, $0x2  }
0x1fa: {  	[tilespmem:s21+$0xFFFFFE90] =	vst v58;
	v57 =	vsel vm1, v29, v45;
	v45 =	vsel vm1, v39, v53;
	v49 =	vsel vm10, v24, v20  }
0x1fb: {  	[tilespmem:s21+$0xFFFFFEC0] =	vst v54;
	v58 =	vsel vm0, v41, v45;
	v45 =	vsel vm11, v26, v49;
	v49 =	vld [tilespmem:$0x1FD40]  }
0x1fc: {  	vm12 =	veq.s32 v44, $0x3;
	vm13 =	veq.s32 v44, $0x4;
	v54 =	vsel vm10, v18, v16;
	[tilespmem:s21+$0xFFFFFF40] =	vst v52;
	v52 =	vld [tilespmem:$0x1FD50]  }
0x1fd: {  	vm14 =	veq.s32 v44, $0x5;
	vm15 =	veq.s32 v44, $0x6;
	v44 =	vsel vm11, v19, v54  }
0x1fe: {  	[tilespmem:s21+$0xFFFFFED0] =	vst v48;
	v48 =	vsel vm12, v21, v44  }
0x1ff: {  	[tilespmem:s21+$0xFFFFFE70] =	vst v56;
	v48 =	vsel vm13, v31, v48  }
0x200: {  	v48 =	vsel vm14, v39, v48;
	[tilespmem:s21+$0xFFFFFF50] =	vst v49;
	v49 =	vld [tilespmem:$0x1FD60]  }
0x201: {  	v46 =	vsel vm3, v25, v46;
	v61 =	vsel vm7, v38, v59;
	[tilespmem:s21+$0xFFFFFF60] =	vst v52;
	v52 =	vsel vm15, v41, v48;
	v48 =	vld [tilespmem:$0x1FD70]  }
0x202: {  	[tilespmem:s21+$0x0] =	vst v63;
	v46 =	vsel vm2, v33, v46;
	v47 =	vsel vm1, v35, v47;
	v53 =	vld [tilespmem:$0x1FCA0];
	v55 =	vsel vm10, v43, v42  }
0x203: {  	v61 =	vsel vm6, v40, v61;
	[tilespmem:$0x1FE20] =	vst v50;
	v59 =	vsel vm0, v37, v47;
	v47 =	vsel vm11, v32, v55;
	v55 =	vld [tilespmem:$0x1FCE0]  }
0x204: {  	v46 =	vsel vm1, v38, v46;
	[tilespmem:s21+$0x60] =	vst v61;
	v50 =	vsel vm10, v22, v17;
	v56 =	vsel vm0, v30, v57;
	v54 =	vld [tilespmem:$0x1FD10]  }
0x205: {  	v57 =	vsel vm0, v40, v46;
	v47 =	vsel vm12, v34, v47;
	v45 =	vsel vm12, v27, v45;
	[tilespmem:s21+$0xFFFFFF70] =	vst v49;
	v49 =	vld [tilespmem:$0x1FDA0]  }
0x206: {  	v44 =	vperm.xlane v51, v12;
	v47 =	vsel vm13, v36, v47;
	v45 =	vsel vm13, v28, v45;
	[tilespmem:s21+$0xFFFFFF80] =	vst v48;
	v48 =	vld [tilespmem:$0x1FD80]  }
0x207: {  	v61 =	vld [tilespmem:$0x1FE20];
	v47 =	vsel vm14, v35, v47;
	v45 =	vsel vm14, v29, v45;
	[tilespmem:s21+$0xFFFFFEB0] =	vst v53;
	v53 =	vsel vm11, v23, v50  }
0x208: {  	vm8 =	veq.s32 v44, $0x1;
	vm9 =	veq.s32 v44, $0x2;
	[tilespmem:s21+$0xFFFFFEF0] =	vst v55;
	v46 =	vsel vm12, v25, v53;
	v53 =	vld [tilespmem:$0x1FD00]  }
0x209: {  	vm10 =	veq.s32 v44, $0x3;
	v50 =	vsel vm8, v43, v42;
	vm11 =	veq.s32 v44, $0x4;
	[tilespmem:s21+$0xFFFFFF20] =	vst v54;
	v55 =	vld [tilespmem:$0x1FD20]  }
0x20a: {  	v54 =	vsel vm15, v30, v45;
	vm12 =	veq.s32 v44, $0x5;
	v45 =	vsel vm8, v18, v16;
	[tilespmem:s21+$0xFFFFFFB0] =	vst v49;
	v49 =	vld [tilespmem:$0x1FDB0]  }
0x20b: {  	v46 =	vsel vm13, v33, v46;
	vm13 =	veq.s32 v44, $0x6;
	v45 =	vsel vm9, v19, v45;
	[tilespmem:s21+$0xFFFFFF90] =	vst v48;
	v48 =	vld [tilespmem:$0x1FD90]  }
0x20c: {  	[tilespmem:s21+$0x70] =	vst v61;
	v44 =	vsel vm8, v22, v17;
	v46 =	vsel vm14, v38, v46;
	v45 =	vsel vm10, v21, v45  }
0x20d: {  	v63 =	vld [tilespmem:$0x1FDF0];
	[tilespmem:s21+$0xFFFFFF10] =	vst v53;
	v53 =	vsel vm15, v37, v47;
	v47 =	vsel vm9, v32, v50;
	v50 =	vsel vm8, v24, v20  }
0x20e: {  	v45 =	vsel vm11, v31, v45;
	[tilespmem:s21+$0xFFFFFF30] =	vst v55;
	v55 =	vsel vm15, v40, v46;
	v46 =	vsel vm9, v26, v50;
	v50 =	vld [tilespmem:$0x1FDD0]  }
0x20f: {  	v61 =	vperm.xlane v51, v14;
	v44 =	vsel vm9, v23, v44;
	v45 =	vsel vm12, v39, v45;
	[tilespmem:s21+$0xFFFFFFC0] =	vst v49;
	v49 =	vld [tilespmem:$0x1FDC0]  }
0x210: {  	v47 =	vsel vm10, v34, v47;
	v46 =	vsel vm10, v27, v46;
	[tilespmem:s21+$0xFFFFFFA0] =	vst v48;
	v48 =	vsel vm10, v25, v44  }
0x211: {  	v47 =	vsel vm11, v36, v47;
	v46 =	vsel vm11, v28, v46;
	v48 =	vsel vm11, v33, v48  }
0x212: {  	[tilespmem:s21+$0x10] =	vst v63;
	v63 =	vld [tilespmem:$0x1FE00];
	v47 =	vsel vm12, v35, v47;
	v44 =	vperm.xlane v51, v13;
	v48 =	vsel vm12, v38, v48  }
0x213: {  	v46 =	vsel vm12, v29, v46;
	v47 =	vsel vm13, v37, v47;
	[tilespmem:s21+$0xFFFFFFE0] =	vst v50;
	v50 =	vsel vm13, v40, v48;
	v48 =	vld [tilespmem:$0x1FDE0]  }
0x214: {  	[tilespmem:s21+$0xFFFFFFD0] =	vst v49;
	v49 =	vsel vm13, v30, v46;
	v51 =	vperm.xlane v51, v15;
	vm14 =	veq.s32 v44, $0x1  }
0x215: {  	vm15 =	veq.s32 v44, $0x2;
	vm8 =	veq.s32 v44, $0x3;
	vm9 =	veq.s32 v44, $0x4  }
0x216: {  	vm10 =	veq.s32 v44, $0x5;
	vm11 =	veq.s32 v44, $0x6;
	v46 =	vsel vm14, v43, v42  }
0x217: {  	[tilespmem:s21+$0x20] =	vst v63;
	vm12 =	veq.s32 v61, $0x1;
	v63 =	vsel vm14, v22, v17;
	v46 =	vsel vm15, v32, v46  }
0x218: {  	v63 =	vsel vm15, v23, v63;
	v46 =	vsel vm8, v34, v46;
	[tilespmem:s21+$0xFFFFFFF0] =	vst v48;
	v48 =	vsel vm13, v41, v45;
	v45 =	vld [tilespmem:$0x1FE10]  }
0x219: {  	[tilespmem:s21+$0x40] =	vst v60;
	v44 =	vsel vm14, v24, v20;
	v60 =	vsel vm8, v25, v63;
	v46 =	vsel vm9, v36, v46  }
0x21a: {  	[tilespmem:s21+$0xA0] =	vst v57;
	v57 =	vsel vm12, v18, v16;
	v60 =	vsel vm9, v33, v60;
	v46 =	vsel vm10, v35, v46  }
0x21b: {  	[tilespmem:s21+$0x80] =	vst v59;
	v63 =	vsel vm12, v43, v42;
	v60 =	vsel vm10, v38, v60;
	v46 =	vsel vm11, v37, v46  }
0x21c: {  	[tilespmem:s21+$0xB0] =	vst v58;
	v59 =	vsel vm11, v40, v60;
	vm13 =	veq.s32 v61, $0x2;
	v60 =	vsel vm12, v24, v20  }
0x21d: {  	v58 =	vsel vm13, v32, v63;
	[tilespmem:s21+$0x30] =	vst v45;
	v45 =	vsel vm15, v26, v44;
	v44 =	vsel vm14, v18, v16  }
0x21e: {  	[tilespmem:s21+$0x110] =	vst v49;
	v49 =	vsel vm13, v19, v57;
	vm14 =	veq.s32 v61, $0x3;
	v44 =	vsel vm15, v19, v44  }
0x21f: {  	[tilespmem:s21+$0xC0] =	vst v53;
	v45 =	vsel vm8, v27, v45;
	vm15 =	veq.s32 v61, $0x4;
	v53 =	vsel vm14, v34, v58  }
0x220: {  	v58 =	vsel vm14, v21, v49;
	v45 =	vsel vm9, v28, v45;
	v44 =	vsel vm8, v21, v44  }
0x221: {  	[tilespmem:s21+$0x50] =	vst v62;
	vm8 =	veq.s32 v61, $0x5;
	v53 =	vsel vm15, v36, v53;
	v45 =	vsel vm10, v29, v45  }
0x222: {  	[tilespmem:s21+$0x90] =	vst v56;
	v44 =	vsel vm9, v31, v44;
	vm9 =	veq.s32 v61, $0x6;
	v61 =	vsel vm12, v22, v17  }
0x223: {  	[tilespmem:s21+$0xD0] =	vst v54;
	v53 =	vsel vm8, v35, v53;
	vm12 =	veq.s32 v51, $0x3;
	v45 =	vsel vm11, v30, v45  }
0x224: {  	[tilespmem:s21+$0xE0] =	vst v55;
	v44 =	vsel vm10, v39, v44;
	vm10 =	veq.s32 v51, $0x1;
	v62 =	vsel vm13, v23, v61  }
0x225: {  	[tilespmem:s21+$0x100] =	vst v47;
	v56 =	vsel vm9, v37, v53;
	v44 =	vsel vm11, v41, v44;
	v42 =	vsel vm10, v43, v42  }
0x226: {  	[tilespmem:s21+$0xF0] =	vst v52;
	v43 =	vsel vm13, v26, v60;
	v63 =	vsel vm14, v25, v62;
	vm11 =	veq.s32 v51, $0x2  }
0x227: {  	[tilespmem:s21+$0x120] =	vst v50;
	v60 =	vsel vm15, v31, v58;
	vm13 =	veq.s32 v51, $0x4;
	v20 =	vsel vm10, v24, v20  }
0x228: {  	[tilespmem:s21+$0x130] =	vst v48;
	v17 =	vsel vm10, v22, v17;
	v16 =	vsel vm10, v18, v16;
	v43 =	vsel vm14, v27, v43  }
0x229: {  	[tilespmem:s21+$0x140] =	vst v46;
	v47 =	vsel vm15, v33, v63;
	v61 =	vsel vm11, v32, v42;
	v62 =	vsel vm8, v39, v60  }
0x22a: {  	[tilespmem:s21+$0x160] =	vst v59;
	vm14 =	veq.s32 v51, $0x5;
	v20 =	vsel vm11, v26, v20;
	v17 =	vsel vm11, v23, v17  }
0x22b: {  	[tilespmem:s21+$0x150] =	vst v45;
	v16 =	vsel vm11, v19, v16;
	v43 =	vsel vm15, v28, v43;
	v47 =	vsel vm8, v38, v47  }
0x22c: {  	[tilespmem:s21+$0x180] =	vst v56;
	v32 =	vsel vm12, v34, v61;
	v63 =	vsel vm9, v41, v62;
	vm15 =	veq.s32 v51, $0x6  }
0x22d: {  	[tilespmem:s21+$0x170] =	vst v44;
	v20 =	vsel vm12, v27, v20;
	v17 =	vsel vm12, v25, v17;
	v16 =	vsel vm12, v21, v16  }
0x22e: {  	v43 =	vsel vm8, v29, v43;
	v47 =	vsel vm9, v40, v47;
	v32 =	vsel vm13, v36, v32;
	[tilespmem:s21+$0x1B0] =	vst v63  }
0x22f: {  	v18 =	vsel vm13, v28, v20;
	v43 =	vsel vm9, v30, v43;
	v24 =	vsel vm14, v35, v32;
	[tilespmem:s21+$0x1A0] =	vst v47  }
0x230: {  	v17 =	vsel vm13, v33, v17;
	v18 =	vsel vm14, v29, v18;
	v22 =	vsel vm15, v37, v24;
	[tilespmem:s21+$0x190] =	vst v43  }
0x231: {  	v16 =	vsel vm13, v31, v16;
	v17 =	vsel vm14, v38, v17;
	v18 =	vsel vm15, v30, v18;
	[tilespmem:s21+$0x1C0] =	vst v22  }
0x232: {  	v16 =	vsel vm14, v39, v16;
	v17 =	vsel vm15, v40, v17;
	[tilespmem:s21+$0x1D0] =	vst v18  }
0x233: {  	s22 =	sshll.u32 s22, $0x3;
	v16 =	vsel vm15, v41, v16;
	[tilespmem:s21+$0x1E0] =	vst v17  }
0x234: {  	s31 =	sadd.s32 s4, s22;
	[tilespmem:s21+$0x1F0] =	vst v16;
	s21 =	simm.s32 @!p0 $0x2  }
0x235: {  	[hbm4b:s31+s5] =	stream.linear.scatter [tilespmem:s10], [sflag:$0x1], $0xC800, $0x38;
	[tilespmem:$0x1C3C0] =	vst v63  }
0x236: {  	_ =	swait.ge @!p0 [sflag:s21], $0xC800  }
0x237: {  	[sflag:s21] =	ssyncset.done @!p0 $0x0  }
0x238: {  	[sflag:s21] =	ssyncadd.s32 @!p0 $0xFFFF3800  }
0x239: {  	v42 =	vld [tilespmem:$0x0]  }
0x23a: {  	v24 =	vld [tilespmem:$0x10]  }
0x23b: {  	v17 =	vld [tilespmem:$0x20]  }
0x23c: {  	v16 =	vld [tilespmem:$0x30]  }
0x23d: {  	v43 =	vld [tilespmem:$0x40]  }
0x23e: {  	v31 =	vld [tilespmem:$0x50]  }
0x23f: {  	v25 =	vld [tilespmem:$0x60]  }
0x240: {  	v18 =	vld [tilespmem:$0x70]  }
0x241: {  	v37 =	vld [tilespmem:$0x80]  }
0x242: {  	v32 =	vld [tilespmem:$0x90]  }
0x243: {  	v26 =	vld [tilespmem:$0xA0]  }
0x244: {  	v19 =	vld [tilespmem:$0xB0]  }
0x245: {  	v38 =	vld [tilespmem:$0xC0]  }
0x246: {  	v33 =	vld [tilespmem:$0xD0]  }
0x247: {  	v27 =	vld [tilespmem:$0xE0]  }
0x248: {  	v20 =	vld [tilespmem:$0xF0]  }
0x249: {  	v39 =	vld [tilespmem:$0x100]  }
0x24a: {  	v34 =	vld [tilespmem:$0x110]  }
0x24b: {  	v28 =	vld [tilespmem:$0x120]  }
0x24c: {  	v21 =	vld [tilespmem:$0x130]  }
0x24d: {  	v40 =	vld [tilespmem:$0x140]  }
0x24e: {  	v35 =	vld [tilespmem:$0x150]  }
0x24f: {  	v29 =	vld [tilespmem:$0x160]  }
0x250: {  	v22 =	vld [tilespmem:$0x170]  }
0x251: {  	v41 =	vld [tilespmem:$0x180]  }
0x252: {  	v36 =	vld [tilespmem:$0x190]  }
0x253: {  	v30 =	vld [tilespmem:$0x1A0]  }
0x254: {  	s20 =	sadd.s32 s20, s7;
	v23 =	vld [tilespmem:$0x1B0]  }
0x255: {  	s23 =	smov.u32 s19;
	s22 =	simm.s32 $0x1000;
	s21 =	simm.s32 $0x0;
	v44 =	vld [tilespmem:s19+$0x0]  }
.LBB2_6:
0x256: {  	p0 =	sne.s32 s22, $0x31000;
	_ =	sdelay $0x3  }
0x257: {  	v46 =	vperm.xlane v44, v0;
	v47 =	vperm.xlane v44, v1  }
0x258: {  	v48 =	vperm.xlane v44, v2;
	v45 =	vperm.xlane v44, v3  }
0x259: {  	vm7 =	veq.s32 v46, $0x1;
	vm1 =	veq.s32 v47, $0x1;
	vm0 =	veq.s32 v47, $0x2  }
0x25a: {  	vm2 =	veq.s32 v46, $0x2;
	v49 =	vsel vm7, v43, v42;
	v50 =	vsel vm7, v31, v24  }
0x25b: {  	vm3 =	veq.s32 v46, $0x3;
	v49 =	vsel vm2, v37, v49;
	v50 =	vsel vm2, v32, v50  }
0x25c: {  	vm4 =	veq.s32 v46, $0x4;
	v49 =	vsel vm3, v38, v49;
	v50 =	vsel vm3, v33, v50  }
0x25d: {  	vm5 =	veq.s32 v46, $0x5;
	v49 =	vsel vm4, v39, v49;
	v50 =	vsel vm4, v34, v50  }
0x25e: {  	vm6 =	veq.s32 v46, $0x6;
	v46 =	vsel vm5, v40, v49;
	v49 =	vsel vm5, v35, v50  }
0x25f: {  	s24 =	sshra.s32 s21, $0x2;
	s21 =	smov.u32 s22;
	v50 =	vsel vm7, v25, v17;
	v46 =	vsel vm6, v41, v46;
	v49 =	vsel vm6, v36, v49  }
0x260: {  	v51 =	vsel vm1, v43, v42;
	[tilespmem:s24+$0xFBC0] =	vst v46;
	v46 =	vsel vm2, v26, v50;
	v50 =	vsel vm7, v18, v16  }
0x261: {  	[tilespmem:s24+$0xFBD0] =	vst v49;
	v46 =	vsel vm3, v27, v46;
	v49 =	vsel vm2, v19, v50;
	v50 =	vsel vm0, v37, v51  }
0x262: {  	vm2 =	veq.s32 v47, $0x3;
	v46 =	vsel vm4, v28, v46;
	v49 =	vsel vm3, v20, v49  }
0x263: {  	v50 =	vsel vm2, v38, v50;
	v46 =	vsel vm5, v29, v46;
	v49 =	vsel vm4, v21, v49  }
0x264: {  	vm3 =	veq.s32 v47, $0x4;
	v46 =	vsel vm6, v30, v46;
	v49 =	vsel vm5, v22, v49  }
0x265: {  	vm4 =	veq.s32 v47, $0x5;
	[tilespmem:s24+$0xFBE0] =	vst v46;
	v46 =	vsel vm6, v23, v49;
	v49 =	vsel vm3, v39, v50  }
0x266: {  	vm5 =	veq.s32 v47, $0x6;
	v47 =	vsel vm1, v31, v24;
	[tilespmem:s24+$0xFBF0] =	vst v46;
	v46 =	vsel vm4, v40, v49  }
0x267: {  	v47 =	vsel vm0, v32, v47;
	v49 =	vsel vm1, v25, v17;
	v46 =	vsel vm5, v41, v46  }
0x268: {  	[tilespmem:s24+$0xFC00] =	vst v46;
	v46 =	vsel vm2, v33, v47;
	v47 =	vsel vm0, v26, v49;
	v49 =	vsel vm1, v18, v16  }
0x269: {  	v46 =	vsel vm3, v34, v46;
	v47 =	vsel vm2, v27, v47;
	v49 =	vsel vm0, v19, v49  }
0x26a: {  	v46 =	vsel vm4, v35, v46;
	v47 =	vsel vm3, v28, v47;
	v49 =	vsel vm2, v20, v49  }
0x26b: {  	v46 =	vsel vm5, v36, v46;
	v47 =	vsel vm4, v29, v47;
	v49 =	vsel vm3, v21, v49  }
0x26c: {  	vm3 =	veq.s32 v48, $0x1;
	[tilespmem:s24+$0xFC10] =	vst v46;
	v46 =	vsel vm5, v30, v47;
	v47 =	vsel vm4, v22, v49  }
0x26d: {  	vm4 =	veq.s32 v48, $0x2;
	[tilespmem:s24+$0xFC20] =	vst v46;
	v46 =	vsel vm5, v23, v47;
	v47 =	vsel vm3, v43, v42  }
0x26e: {  	vm2 =	veq.s32 v48, $0x4;
	vm5 =	veq.s32 v48, $0x3;
	[tilespmem:s24+$0xFC30] =	vst v46;
	v46 =	vsel vm4, v37, v47  }
0x26f: {  	vm1 =	veq.s32 v48, $0x5;
	vm0 =	veq.s32 v48, $0x6;
	v46 =	vsel vm5, v38, v46  }
0x270: {  	v48 =	vsel vm3, v25, v17;
	v47 =	vsel vm3, v31, v24;
	v46 =	vsel vm2, v39, v46  }
0x271: {  	v48 =	vsel vm4, v26, v48;
	v47 =	vsel vm4, v32, v47;
	v46 =	vsel vm1, v40, v46  }
0x272: {  	v48 =	vsel vm5, v27, v48;
	v47 =	vsel vm5, v33, v47;
	v46 =	vsel vm0, v41, v46  }
0x273: {  	[tilespmem:s24+$0xFC40] =	vst v46;
	v46 =	vsel vm2, v34, v47;
	v47 =	vsel vm2, v28, v48;
	v48 =	vsel vm3, v18, v16  }
0x274: {  	v46 =	vsel vm1, v35, v46;
	v47 =	vsel vm1, v29, v47;
	v48 =	vsel vm4, v19, v48  }
0x275: {  	v46 =	vsel vm0, v36, v46;
	v47 =	vsel vm0, v30, v47;
	v48 =	vsel vm5, v20, v48  }
0x276: {  	vm5 =	veq.s32 v45, $0x1;
	[tilespmem:s24+$0xFC50] =	vst v46;
	v46 =	vsel vm2, v21, v48;
	vm2 =	veq.s32 v45, $0x2  }
0x277: {  	[tilespmem:s24+$0xFC60] =	vst v47;
	v46 =	vsel vm1, v22, v46;
	vm1 =	veq.s32 v45, $0x3;
	v47 =	vsel vm5, v43, v42  }
0x278: {  	vm4 =	veq.s32 v45, $0x4;
	v46 =	vsel vm0, v23, v46;
	v47 =	vsel vm2, v37, v47  }
0x279: {  	vm3 =	veq.s32 v45, $0x5;
	vm0 =	veq.s32 v45, $0x6;
	[tilespmem:s24+$0xFC70] =	vst v46;
	v45 =	vsel vm1, v38, v47  }
0x27a: {  	v46 =	vsel vm5, v31, v24;
	v47 =	vsel vm5, v25, v17;
	v45 =	vsel vm4, v39, v45  }
0x27b: {  	v46 =	vsel vm2, v32, v46;
	v47 =	vsel vm2, v26, v47;
	v45 =	vsel vm3, v40, v45  }
0x27c: {  	v46 =	vsel vm1, v33, v46;
	v47 =	vsel vm1, v27, v47;
	v45 =	vsel vm0, v41, v45  }
0x27d: {  	[tilespmem:s24+$0xFC80] =	vst v45;
	v45 =	vsel vm4, v34, v46;
	v46 =	vsel vm4, v28, v47;
	v47 =	vsel vm5, v18, v16  }
0x27e: {  	v45 =	vsel vm3, v35, v45;
	v46 =	vsel vm3, v29, v46;
	v47 =	vsel vm2, v19, v47  }
0x27f: {  	v45 =	vsel vm0, v36, v45;
	v46 =	vsel vm0, v30, v46;
	v47 =	vsel vm1, v20, v47  }
0x280: {  	v48 =	vperm.xlane v44, v5;
	[tilespmem:s24+$0xFC90] =	vst v45;
	v45 =	vsel vm4, v21, v47;
	v47 =	vperm.xlane v44, v4  }
0x281: {  	v49 =	vperm.xlane v44, v6;
	[tilespmem:s24+$0xFCA0] =	vst v46;
	v46 =	vsel vm3, v22, v45;
	v45 =	vperm.xlane v44, v7  }
0x282: {  	v46 =	vsel vm0, v23, v46;
	vm5 =	veq.s32 v47, $0x1;
	vm3 =	veq.s32 v47, $0x2  }
0x283: {  	vm4 =	veq.s32 v47, $0x3;
	vm2 =	veq.s32 v47, $0x4;
	[tilespmem:s24+$0xFCB0] =	vst v46;
	v46 =	vsel vm5, v43, v42  }
0x284: {  	vm1 =	veq.s32 v47, $0x5;
	vm0 =	veq.s32 v47, $0x6;
	v46 =	vsel vm3, v37, v46  }
0x285: {  	v47 =	vsel vm5, v31, v24;
	v50 =	vsel vm5, v25, v17;
	v46 =	vsel vm4, v38, v46  }
0x286: {  	v47 =	vsel vm3, v32, v47;
	v50 =	vsel vm3, v26, v50;
	v46 =	vsel vm2, v39, v46  }
0x287: {  	v47 =	vsel vm4, v33, v47;
	v50 =	vsel vm4, v27, v50;
	v46 =	vsel vm1, v40, v46  }
0x288: {  	v47 =	vsel vm2, v34, v47;
	v50 =	vsel vm2, v28, v50;
	v46 =	vsel vm0, v41, v46  }
0x289: {  	[tilespmem:s24+$0xFCC0] =	vst v46;
	v46 =	vsel vm1, v35, v47;
	v47 =	vsel vm1, v29, v50;
	v50 =	vsel vm5, v18, v16  }
0x28a: {  	v46 =	vsel vm0, v36, v46;
	v47 =	vsel vm0, v30, v47;
	v50 =	vsel vm3, v19, v50  }
0x28b: {  	vm5 =	veq.s32 v48, $0x1;
	vm3 =	veq.s32 v48, $0x2;
	[tilespmem:s24+$0xFCD0] =	vst v46;
	v46 =	vsel vm4, v20, v50  }
0x28c: {  	[tilespmem:s24+$0xFCE0] =	vst v47;
	v46 =	vsel vm2, v21, v46;
	vm2 =	veq.s32 v48, $0x3;
	v47 =	vsel vm5, v43, v42  }
0x28d: {  	v46 =	vsel vm1, v22, v46;
	vm1 =	veq.s32 v48, $0x4;
	v47 =	vsel vm3, v37, v47  }
0x28e: {  	v46 =	vsel vm0, v23, v46;
	vm0 =	veq.s32 v48, $0x5;
	v47 =	vsel vm2, v38, v47  }
0x28f: {  	vm4 =	veq.s32 v48, $0x6;
	[tilespmem:s24+$0xFCF0] =	vst v46;
	v46 =	vsel vm1, v39, v47;
	v47 =	vsel vm5, v31, v24  }
0x290: {  	v48 =	vsel vm5, v25, v17;
	v46 =	vsel vm0, v40, v46;
	v47 =	vsel vm3, v32, v47  }
0x291: {  	v48 =	vsel vm3, v26, v48;
	v46 =	vsel vm4, v41, v46;
	v47 =	vsel vm2, v33, v47  }
0x292: {  	[tilespmem:s24+$0xFD00] =	vst v46;
	v46 =	vsel vm1, v34, v47;
	v47 =	vsel vm2, v27, v48;
	v48 =	vsel vm5, v18, v16  }
0x293: {  	v46 =	vsel vm0, v35, v46;
	v47 =	vsel vm1, v28, v47;
	v48 =	vsel vm3, v19, v48  }
0x294: {  	v46 =	vsel vm4, v36, v46;
	v47 =	vsel vm0, v29, v47;
	v48 =	vsel vm2, v20, v48  }
0x295: {  	vm2 =	veq.s32 v49, $0x1;
	[tilespmem:s24+$0xFD10] =	vst v46;
	v46 =	vsel vm4, v30, v47;
	v47 =	vsel vm1, v21, v48  }
0x296: {  	vm3 =	veq.s32 v49, $0x2;
	[tilespmem:s24+$0xFD20] =	vst v46;
	v46 =	vsel vm0, v22, v47;
	v47 =	vsel vm2, v43, v42  }
0x297: {  	v46 =	vsel vm4, v23, v46;
	vm4 =	veq.s32 v49, $0x3;
	v47 =	vsel vm3, v37, v47  }
0x298: {  	vm5 =	veq.s32 v49, $0x4;
	vm1 =	veq.s32 v49, $0x5;
	[tilespmem:s24+$0xFD30] =	vst v46;
	v46 =	vsel vm4, v38, v47  }
0x299: {  	vm0 =	veq.s32 v49, $0x6;
	v47 =	vsel vm2, v31, v24;
	v46 =	vsel vm5, v39, v46  }
0x29a: {  	v48 =	vsel vm2, v25, v17;
	v47 =	vsel vm3, v32, v47;
	v46 =	vsel vm1, v40, v46  }
0x29b: {  	v48 =	vsel vm3, v26, v48;
	v47 =	vsel vm4, v33, v47;
	v46 =	vsel vm0, v41, v46  }
0x29c: {  	[tilespmem:s24+$0xFD40] =	vst v46;
	v46 =	vsel vm5, v34, v47;
	v47 =	vsel vm4, v27, v48;
	v48 =	vsel vm2, v18, v16  }
0x29d: {  	v46 =	vsel vm1, v35, v46;
	v47 =	vsel vm5, v28, v47;
	v48 =	vsel vm3, v19, v48  }
0x29e: {  	v46 =	vsel vm0, v36, v46;
	v47 =	vsel vm1, v29, v47;
	v48 =	vsel vm4, v20, v48  }
0x29f: {  	vm2 =	veq.s32 v45, $0x1;
	[tilespmem:s24+$0xFD50] =	vst v46;
	v46 =	vsel vm0, v30, v47;
	v47 =	vsel vm5, v21, v48  }
0x2a0: {  	vm3 =	veq.s32 v45, $0x2;
	[tilespmem:s24+$0xFD60] =	vst v46;
	v46 =	vsel vm1, v22, v47;
	v47 =	vsel vm2, v43, v42  }
0x2a1: {  	vm4 =	veq.s32 v45, $0x3;
	v46 =	vsel vm0, v23, v46;
	v47 =	vsel vm3, v37, v47  }
0x2a2: {  	vm5 =	veq.s32 v45, $0x4;
	vm1 =	veq.s32 v45, $0x5;
	[tilespmem:s24+$0xFD70] =	vst v46;
	v46 =	vsel vm4, v38, v47  }
0x2a3: {  	vm0 =	veq.s32 v45, $0x6;
	v45 =	vsel vm5, v39, v46;
	v46 =	vsel vm2, v31, v24  }
0x2a4: {  	v47 =	vsel vm2, v25, v17;
	v45 =	vsel vm1, v40, v45;
	v46 =	vsel vm3, v32, v46  }
0x2a5: {  	v47 =	vsel vm3, v26, v47;
	v45 =	vsel vm0, v41, v45;
	v46 =	vsel vm4, v33, v46  }
0x2a6: {  	[tilespmem:s24+$0xFD80] =	vst v45;
	v45 =	vsel vm5, v34, v46;
	v46 =	vsel vm4, v27, v47;
	v47 =	vsel vm2, v18, v16  }
0x2a7: {  	v45 =	vsel vm1, v35, v45;
	v46 =	vsel vm5, v28, v46;
	v47 =	vsel vm3, v19, v47  }
0x2a8: {  	v45 =	vsel vm0, v36, v45;
	v46 =	vsel vm1, v29, v46;
	v47 =	vsel vm4, v20, v47  }
0x2a9: {  	[tilespmem:s24+$0xFD90] =	vst v45;
	v45 =	vsel vm0, v30, v46;
	v46 =	vsel vm5, v21, v47;
	v47 =	vperm.xlane v44, v8  }
0x2aa: {  	v48 =	vperm.xlane v44, v10;
	[tilespmem:s24+$0xFDA0] =	vst v45;
	v45 =	vsel vm1, v22, v46;
	v46 =	vperm.xlane v44, v9  }
0x2ab: {  	v45 =	vsel vm0, v23, v45;
	vm5 =	veq.s32 v47, $0x1;
	vm3 =	veq.s32 v47, $0x2  }
0x2ac: {  	vm4 =	veq.s32 v47, $0x3;
	vm2 =	veq.s32 v47, $0x4;
	[tilespmem:s24+$0xFDB0] =	vst v45;
	v45 =	vsel vm5, v43, v42  }
0x2ad: {  	vm1 =	veq.s32 v47, $0x5;
	vm0 =	veq.s32 v47, $0x6;
	v45 =	vsel vm3, v37, v45  }
0x2ae: {  	v47 =	vsel vm5, v31, v24;
	v49 =	vsel vm5, v25, v17;
	v45 =	vsel vm4, v38, v45  }
0x2af: {  	v47 =	vsel vm3, v32, v47;
	v49 =	vsel vm3, v26, v49;
	v45 =	vsel vm2, v39, v45  }
0x2b0: {  	v47 =	vsel vm4, v33, v47;
	v49 =	vsel vm4, v27, v49;
	v45 =	vsel vm1, v40, v45  }
0x2b1: {  	v47 =	vsel vm2, v34, v47;
	v49 =	vsel vm2, v28, v49;
	v45 =	vsel vm0, v41, v45  }
0x2b2: {  	[tilespmem:s24+$0xFDC0] =	vst v45;
	v45 =	vsel vm1, v35, v47;
	v47 =	vsel vm1, v29, v49;
	v49 =	vsel vm5, v18, v16  }
0x2b3: {  	v45 =	vsel vm0, v36, v45;
	v47 =	vsel vm0, v30, v47;
	v49 =	vsel vm3, v19, v49  }
0x2b4: {  	vm5 =	veq.s32 v46, $0x1;
	vm3 =	veq.s32 v46, $0x2;
	[tilespmem:s24+$0xFDD0] =	vst v45;
	v45 =	vsel vm4, v20, v49  }
0x2b5: {  	[tilespmem:s24+$0xFDE0] =	vst v47;
	v45 =	vsel vm2, v21, v45;
	vm2 =	veq.s32 v46, $0x3;
	v47 =	vsel vm5, v43, v42  }
0x2b6: {  	v45 =	vsel vm1, v22, v45;
	vm1 =	veq.s32 v46, $0x4;
	v47 =	vsel vm3, v37, v47  }
0x2b7: {  	v45 =	vsel vm0, v23, v45;
	vm0 =	veq.s32 v46, $0x5;
	v47 =	vsel vm2, v38, v47  }
0x2b8: {  	vm4 =	veq.s32 v46, $0x6;
	v46 =	vsel vm5, v31, v24;
	[tilespmem:s24+$0xFDF0] =	vst v45;
	v45 =	vsel vm1, v39, v47  }
0x2b9: {  	v46 =	vsel vm3, v32, v46;
	v47 =	vsel vm5, v25, v17;
	v45 =	vsel vm0, v40, v45  }
0x2ba: {  	v46 =	vsel vm2, v33, v46;
	v47 =	vsel vm3, v26, v47;
	v45 =	vsel vm4, v41, v45  }
0x2bb: {  	[tilespmem:s24+$0xFE00] =	vst v45;
	v45 =	vsel vm1, v34, v46;
	v46 =	vsel vm2, v27, v47;
	v47 =	vsel vm5, v18, v16  }
0x2bc: {  	v45 =	vsel vm0, v35, v45;
	v46 =	vsel vm1, v28, v46;
	v47 =	vsel vm3, v19, v47  }
0x2bd: {  	v45 =	vsel vm4, v36, v45;
	v46 =	vsel vm0, v29, v46;
	v47 =	vsel vm2, v20, v47  }
0x2be: {  	vm2 =	veq.s32 v48, $0x1;
	[tilespmem:s24+$0xFE10] =	vst v45;
	v45 =	vsel vm4, v30, v46;
	v46 =	vsel vm1, v21, v47  }
0x2bf: {  	vm3 =	veq.s32 v48, $0x2;
	[tilespmem:s24+$0xFE20] =	vst v45;
	v45 =	vsel vm0, v22, v46;
	v46 =	vsel vm2, v43, v42  }
0x2c0: {  	v45 =	vsel vm4, v23, v45;
	vm4 =	veq.s32 v48, $0x3;
	v46 =	vsel vm3, v37, v46  }
0x2c1: {  	vm5 =	veq.s32 v48, $0x4;
	vm1 =	veq.s32 v48, $0x5;
	[tilespmem:s24+$0xFE30] =	vst v45;
	v45 =	vsel vm4, v38, v46  }
0x2c2: {  	vm0 =	veq.s32 v48, $0x6;
	v46 =	vsel vm2, v31, v24;
	v45 =	vsel vm5, v39, v45  }
0x2c3: {  	v47 =	vsel vm2, v25, v17;
	v46 =	vsel vm3, v32, v46;
	v45 =	vsel vm1, v40, v45  }
0x2c4: {  	v47 =	vsel vm3, v26, v47;
	v46 =	vsel vm4, v33, v46;
	v45 =	vsel vm0, v41, v45  }
0x2c5: {  	[tilespmem:s24+$0xFE40] =	vst v45;
	v45 =	vsel vm5, v34, v46;
	v46 =	vsel vm4, v27, v47;
	v47 =	vsel vm2, v18, v16  }
0x2c6: {  	v45 =	vsel vm1, v35, v45;
	v46 =	vsel vm5, v28, v46;
	v47 =	vsel vm3, v19, v47  }
0x2c7: {  	v45 =	vsel vm0, v36, v45;
	v46 =	vsel vm1, v29, v46;
	v47 =	vsel vm4, v20, v47  }
0x2c8: {  	[tilespmem:s24+$0xFE50] =	vst v45;
	v45 =	vsel vm0, v30, v46;
	v46 =	vsel vm5, v21, v47;
	v47 =	vperm.xlane v44, v11  }
0x2c9: {  	v48 =	vperm.xlane v44, v13;
	[tilespmem:s24+$0xFE60] =	vst v45;
	v45 =	vsel vm1, v22, v46;
	v46 =	vperm.xlane v44, v12  }
0x2ca: {  	v45 =	vsel vm0, v23, v45;
	vm5 =	veq.s32 v47, $0x1;
	vm3 =	veq.s32 v47, $0x2  }
0x2cb: {  	vm4 =	veq.s32 v47, $0x3;
	vm2 =	veq.s32 v47, $0x4;
	[tilespmem:s24+$0xFE70] =	vst v45;
	v45 =	vsel vm5, v43, v42  }
0x2cc: {  	vm1 =	veq.s32 v47, $0x5;
	vm0 =	veq.s32 v47, $0x6;
	v45 =	vsel vm3, v37, v45  }
0x2cd: {  	v47 =	vsel vm5, v31, v24;
	v49 =	vsel vm5, v25, v17;
	v45 =	vsel vm4, v38, v45  }
0x2ce: {  	v47 =	vsel vm3, v32, v47;
	v49 =	vsel vm3, v26, v49;
	v45 =	vsel vm2, v39, v45  }
0x2cf: {  	v47 =	vsel vm4, v33, v47;
	v49 =	vsel vm4, v27, v49;
	v45 =	vsel vm1, v40, v45  }
0x2d0: {  	v47 =	vsel vm2, v34, v47;
	v49 =	vsel vm2, v28, v49;
	v45 =	vsel vm0, v41, v45  }
0x2d1: {  	[tilespmem:s24+$0xFE80] =	vst v45;
	v45 =	vsel vm1, v35, v47;
	v47 =	vsel vm1, v29, v49;
	v49 =	vsel vm5, v18, v16  }
0x2d2: {  	v45 =	vsel vm0, v36, v45;
	v47 =	vsel vm0, v30, v47;
	v49 =	vsel vm3, v19, v49  }
0x2d3: {  	vm5 =	veq.s32 v46, $0x1;
	vm3 =	veq.s32 v46, $0x2;
	[tilespmem:s24+$0xFE90] =	vst v45;
	v45 =	vsel vm4, v20, v49  }
0x2d4: {  	[tilespmem:s24+$0xFEA0] =	vst v47;
	v45 =	vsel vm2, v21, v45;
	vm2 =	veq.s32 v46, $0x3;
	v47 =	vsel vm5, v43, v42  }
0x2d5: {  	v45 =	vsel vm1, v22, v45;
	vm1 =	veq.s32 v46, $0x4;
	v47 =	vsel vm3, v37, v47  }
0x2d6: {  	v45 =	vsel vm0, v23, v45;
	vm0 =	veq.s32 v46, $0x5;
	v47 =	vsel vm2, v38, v47  }
0x2d7: {  	vm4 =	veq.s32 v46, $0x6;
	v46 =	vsel vm5, v31, v24;
	[tilespmem:s24+$0xFEB0] =	vst v45;
	v45 =	vsel vm1, v39, v47  }
0x2d8: {  	v46 =	vsel vm3, v32, v46;
	v47 =	vsel vm5, v25, v17;
	v45 =	vsel vm0, v40, v45  }
0x2d9: {  	v46 =	vsel vm2, v33, v46;
	v47 =	vsel vm3, v26, v47;
	v45 =	vsel vm4, v41, v45  }
0x2da: {  	[tilespmem:s24+$0xFEC0] =	vst v45;
	v45 =	vsel vm1, v34, v46;
	v46 =	vsel vm2, v27, v47;
	v47 =	vsel vm5, v18, v16  }
0x2db: {  	v45 =	vsel vm0, v35, v45;
	v46 =	vsel vm1, v28, v46;
	v47 =	vsel vm3, v19, v47  }
0x2dc: {  	v45 =	vsel vm4, v36, v45;
	v46 =	vsel vm0, v29, v46;
	v47 =	vsel vm2, v20, v47  }
0x2dd: {  	vm2 =	veq.s32 v48, $0x1;
	[tilespmem:s24+$0xFED0] =	vst v45;
	v45 =	vsel vm4, v30, v46;
	v46 =	vsel vm1, v21, v47  }
0x2de: {  	vm3 =	veq.s32 v48, $0x2;
	[tilespmem:s24+$0xFEE0] =	vst v45;
	v45 =	vsel vm0, v22, v46;
	v46 =	vsel vm2, v43, v42  }
0x2df: {  	v45 =	vsel vm4, v23, v45;
	vm4 =	veq.s32 v48, $0x3;
	v46 =	vsel vm3, v37, v46  }
0x2e0: {  	vm5 =	veq.s32 v48, $0x4;
	vm0 =	veq.s32 v48, $0x5;
	[tilespmem:s24+$0xFEF0] =	vst v45;
	v45 =	vsel vm4, v38, v46  }
0x2e1: {  	vm1 =	veq.s32 v48, $0x6;
	v46 =	vsel vm2, v31, v24;
	v45 =	vsel vm5, v39, v45  }
0x2e2: {  	v47 =	vsel vm2, v25, v17;
	v46 =	vsel vm3, v32, v46;
	v45 =	vsel vm0, v40, v45  }
0x2e3: {  	v47 =	vsel vm3, v26, v47;
	v46 =	vsel vm4, v33, v46;
	v45 =	vsel vm1, v41, v45  }
0x2e4: {  	[tilespmem:s24+$0xFF00] =	vst v45;
	v45 =	vsel vm5, v34, v46;
	v46 =	vsel vm4, v27, v47;
	v47 =	vsel vm2, v18, v16  }
0x2e5: {  	v45 =	vsel vm0, v35, v45;
	v46 =	vsel vm5, v28, v46;
	v47 =	vsel vm3, v19, v47  }
0x2e6: {  	v45 =	vsel vm1, v36, v45;
	v46 =	vsel vm0, v29, v46;
	v47 =	vsel vm4, v20, v47  }
0x2e7: {  	[tilespmem:s24+$0xFF10] =	vst v45;
	v45 =	vsel vm1, v30, v46;
	v46 =	vsel vm5, v21, v47;
	v47 =	vperm.xlane v44, v14  }
0x2e8: {  	v44 =	vperm.xlane v44, v15;
	[tilespmem:s24+$0xFF20] =	vst v45;
	v45 =	vsel vm0, v22, v46  }
0x2e9: {  	v45 =	vsel vm1, v23, v45;
	vm5 =	veq.s32 v47, $0x1;
	vm3 =	veq.s32 v47, $0x2  }
0x2ea: {  	vm4 =	veq.s32 v47, $0x3;
	vm2 =	veq.s32 v47, $0x4;
	[tilespmem:s24+$0xFF30] =	vst v45;
	v45 =	vsel vm5, v43, v42  }
0x2eb: {  	vm1 =	veq.s32 v47, $0x5;
	vm0 =	veq.s32 v47, $0x6;
	v45 =	vsel vm3, v37, v45  }
0x2ec: {  	v46 =	vsel vm5, v31, v24;
	v47 =	vsel vm5, v25, v17;
	v45 =	vsel vm4, v38, v45  }
0x2ed: {  	v46 =	vsel vm3, v32, v46;
	v47 =	vsel vm3, v26, v47;
	v45 =	vsel vm2, v39, v45  }
0x2ee: {  	v46 =	vsel vm4, v33, v46;
	v47 =	vsel vm4, v27, v47;
	v45 =	vsel vm1, v40, v45  }
0x2ef: {  	v46 =	vsel vm2, v34, v46;
	v47 =	vsel vm2, v28, v47;
	v45 =	vsel vm0, v41, v45  }
0x2f0: {  	[tilespmem:s24+$0xFF40] =	vst v45;
	v45 =	vsel vm1, v35, v46;
	v46 =	vsel vm1, v29, v47;
	v47 =	vsel vm5, v18, v16  }
0x2f1: {  	v45 =	vsel vm0, v36, v45;
	v46 =	vsel vm0, v30, v46;
	v47 =	vsel vm3, v19, v47  }
0x2f2: {  	vm3 =	veq.s32 v44, $0x2;
	[tilespmem:s24+$0xFF50] =	vst v45;
	v45 =	vsel vm4, v20, v47;
	vm4 =	veq.s32 v44, $0x1  }
0x2f3: {  	[tilespmem:s24+$0xFF60] =	vst v46;
	v45 =	vsel vm2, v21, v45;
	vm2 =	veq.s32 v44, $0x3;
	v46 =	vsel vm4, v43, v42  }
0x2f4: {  	v45 =	vsel vm1, v22, v45;
	vm1 =	veq.s32 v44, $0x4;
	v46 =	vsel vm3, v37, v46  }
0x2f5: {  	v45 =	vsel vm0, v23, v45;
	vm0 =	veq.s32 v44, $0x5;
	v46 =	vsel vm2, v38, v46  }
0x2f6: {  	vm5 =	veq.s32 v44, $0x6;
	[tilespmem:s24+$0xFF70] =	vst v45;
	v44 =	vsel vm1, v39, v46;
	v45 =	vsel vm4, v31, v24  }
0x2f7: {  	v46 =	vsel vm4, v25, v17;
	v44 =	vsel vm0, v40, v44;
	v45 =	vsel vm3, v32, v45  }
0x2f8: {  	v46 =	vsel vm3, v26, v46;
	v44 =	vsel vm5, v41, v44;
	v45 =	vsel vm2, v33, v45  }
0x2f9: {  	[tilespmem:s24+$0xFF80] =	vst v44;
	v44 =	vsel vm1, v34, v45;
	v45 =	vsel vm2, v27, v46;
	v46 =	vsel vm4, v18, v16  }
0x2fa: {  	v44 =	vsel vm0, v35, v44;
	v45 =	vsel vm1, v28, v45;
	v46 =	vsel vm3, v19, v46  }
0x2fb: {  	v44 =	vsel vm5, v36, v44;
	v45 =	vsel vm0, v29, v45;
	v46 =	vsel vm2, v20, v46  }
.Ltmp1:
0x2fc: {  	[tilespmem:s24+$0xFF90] =	vst v44;
	v44 =	vsel vm5, v30, v45;
	v45 =	vsel vm1, v21, v46;
	(pc) =	sbr.rel @p0 .LBB2_6-.Ltmp1, $4  }
0x2fd: {  	[tilespmem:s24+$0xFFA0] =	vst v44;
	v44 =	vsel vm0, v22, v45  }
0x2fe: {  	v44 =	vsel vm5, v23, v44  }
0x2ff: {  	s23 =	sadd.s32 $0x10, s23;
	[tilespmem:s24+$0xFFB0] =	vst v44  }
0x300: {  	s22 =	sadd.s32 $0x1000, s22;
	v44 =	vld [tilespmem:s23+$0x0]  }
0x301: {  	_ =	sdelay $0x3  }
0x302: {  	v45 =	vperm.xlane v44, v0;
	v46 =	vperm.xlane v44, v1  }
0x303: {  	v47 =	vperm.xlane v44, v2;
	v48 =	vperm.xlane v44, v3  }
0x304: {  	vm2 =	veq.s32 v45, $0x1;
	vm1 =	veq.s32 v46, $0x1;
	vm0 =	veq.s32 v46, $0x2  }
0x305: {  	vm3 =	veq.s32 v45, $0x2;
	vm4 =	veq.s32 v45, $0x3;
	vm5 =	veq.s32 v45, $0x4  }
0x306: {  	vm6 =	veq.s32 v45, $0x5;
	vm7 =	veq.s32 v45, $0x6;
	vm11 =	veq.s32 v46, $0x3  }
0x307: {  	vm12 =	veq.s32 v46, $0x4;
	vm13 =	veq.s32 v46, $0x5;
	vm14 =	veq.s32 v46, $0x6  }
0x308: {  	vm15 =	veq.s32 v47, $0x1;
	vm8 =	veq.s32 v47, $0x2;
	vm9 =	veq.s32 v47, $0x3  }
0x309: {  	vm10 =	veq.s32 v47, $0x4;
	v49 =	vsel vm2, v43, v42;
	v50 =	vsel vm2, v31, v24  }
0x30a: {  	v53 =	vsel vm2, v18, v16;
	v54 =	vsel vm1, v43, v42;
	v57 =	vsel vm1, v31, v24  }
0x30b: {  	v59 =	vsel vm1, v25, v17;
	v60 =	vsel vm1, v18, v16;
	v49 =	vsel vm3, v37, v49  }
0x30c: {  	v50 =	vsel vm3, v32, v50;
	v58 =	vsel vm0, v32, v57;
	v46 =	vsel vm0, v26, v59  }
0x30d: {  	v59 =	vsel vm15, v25, v17;
	v49 =	vsel vm4, v38, v49;
	v50 =	vsel vm4, v33, v50  }
0x30e: {  	v46 =	vsel vm11, v27, v46;
	v49 =	vsel vm5, v39, v49;
	v50 =	vsel vm5, v34, v50  }
0x30f: {  	v46 =	vsel vm12, v28, v46;
	v62 =	vsel vm6, v40, v49;
	v63 =	vsel vm6, v35, v50  }
0x310: {  	v50 =	vsel vm2, v25, v17;
	v49 =	vsel vm3, v19, v53;
	v61 =	vsel vm13, v29, v46  }
0x311: {  	v52 =	vsel vm7, v41, v62;
	v51 =	vsel vm7, v36, v63;
	v45 =	vsel vm3, v26, v50  }
0x312: {  	v50 =	vsel vm0, v37, v54;
	v49 =	vsel vm4, v20, v49;
	v57 =	vsel vm14, v30, v61  }
0x313: {  	v45 =	vsel vm4, v27, v45;
	v49 =	vsel vm5, v21, v49;
	v50 =	vsel vm11, v38, v50  }
0x314: {  	v45 =	vsel vm5, v28, v45;
	v55 =	vsel vm6, v22, v49;
	v56 =	vsel vm12, v39, v50  }
0x315: {  	v49 =	vsel vm0, v19, v60;
	v50 =	vsel vm15, v31, v24;
	v45 =	vsel vm6, v29, v45  }
0x316: {  	v53 =	vsel vm7, v23, v55;
	v49 =	vsel vm11, v20, v49;
	v46 =	vsel vm8, v32, v50  }
0x317: {  	v54 =	vsel vm7, v30, v45;
	v45 =	vsel vm13, v40, v56;
	v62 =	vsel vm12, v21, v49  }
0x318: {  	v49 =	vsel vm15, v43, v42;
	v60 =	vsel vm9, v33, v46;
	v55 =	vsel vm14, v41, v45  }
0x319: {  	v45 =	vsel vm11, v33, v58;
	v63 =	vsel vm13, v22, v62;
	vm11 =	veq.s32 v47, $0x5  }
0x31a: {  	v62 =	vsel vm15, v18, v16;
	vm15 =	veq.s32 v48, $0x3;
	v45 =	vsel vm12, v34, v45  }
0x31b: {  	v56 =	vsel vm14, v23, v63;
	vm12 =	veq.s32 v47, $0x6;
	v47 =	vsel vm8, v26, v59  }
0x31c: {  	v45 =	vsel vm13, v35, v45;
	v61 =	vsel vm9, v27, v47;
	v47 =	vsel vm8, v19, v62  }
0x31d: {  	vm13 =	veq.s32 v48, $0x1;
	v58 =	vsel vm14, v36, v45;
	v45 =	vsel vm8, v37, v49  }
0x31e: {  	v46 =	vsel vm10, v28, v61;
	v49 =	vsel vm9, v20, v47;
	v45 =	vsel vm9, v38, v45  }
0x31f: {  	vm14 =	veq.s32 v48, $0x2;
	v50 =	vsel vm13, v43, v42;
	v45 =	vsel vm10, v39, v45  }
0x320: {  	vm8 =	veq.s32 v48, $0x4;
	v61 =	vsel vm13, v25, v17;
	v45 =	vsel vm11, v40, v45  }
0x321: {  	v46 =	vsel vm11, v29, v46;
	v59 =	vsel vm14, v37, v50;
	v45 =	vsel vm12, v41, v45  }
0x322: {  	vm9 =	veq.s32 v48, $0x5;
	v47 =	vsel vm14, v26, v61;
	[tilespmem:$0x1FAB0] =	vst v45;
	v45 =	vsel vm10, v34, v60  }
0x323: {  	v63 =	vsel vm12, v30, v46;
	v60 =	vsel vm13, v31, v24;
	v45 =	vsel vm11, v35, v45  }
0x324: {  	[tilespmem:$0x1FAD0] =	vst v63;
	v63 =	vsel vm15, v27, v47;
	v46 =	vsel vm14, v32, v60;
	v45 =	vsel vm12, v36, v45  }
0x325: {  	v62 =	vsel vm15, v33, v46;
	v46 =	vsel vm8, v28, v63;
	[tilespmem:$0x1FAC0] =	vst v45;
	v45 =	vsel vm10, v21, v49  }
0x326: {  	vm10 =	veq.s32 v48, $0x6;
	v48 =	vsel vm13, v18, v16;
	v46 =	vsel vm9, v29, v46  }
0x327: {  	v45 =	vsel vm11, v22, v45;
	v47 =	vsel vm14, v19, v48;
	v49 =	vsel vm10, v30, v46  }
0x328: {  	v48 =	vperm.xlane v44, v6;
	v45 =	vsel vm12, v23, v45;
	[tilespmem:$0x1FB10] =	vst v49;
	v49 =	vperm.xlane v44, v7  }
0x329: {  	v50 =	vsel vm15, v20, v47;
	[tilespmem:$0x1FAE0] =	vst v45;
	v45 =	vsel vm15, v38, v59;
	v59 =	vperm.xlane v44, v4  }
0x32a: {  	v47 =	vperm.xlane v44, v5;
	v45 =	vsel vm8, v39, v45;
	vm5 =	veq.s32 v49, $0x6  }
0x32b: {  	v45 =	vsel vm9, v40, v45;
	vm11 =	veq.s32 v59, $0x1;
	vm12 =	veq.s32 v59, $0x2  }
0x32c: {  	vm13 =	veq.s32 v59, $0x3;
	vm14 =	veq.s32 v59, $0x4;
	v45 =	vsel vm10, v41, v45  }
0x32d: {  	vm15 =	veq.s32 v59, $0x5;
	v61 =	vsel vm11, v31, v24;
	[tilespmem:$0x1FAF0] =	vst v45;
	v45 =	vsel vm8, v34, v62  }
0x32e: {  	v60 =	vsel vm11, v43, v42;
	v46 =	vsel vm12, v32, v61;
	v45 =	vsel vm9, v35, v45  }
0x32f: {  	v62 =	vsel vm11, v25, v17;
	v46 =	vsel vm13, v33, v46;
	v45 =	vsel vm10, v36, v45  }
0x330: {  	v63 =	vsel vm14, v34, v46;
	[tilespmem:$0x1FB00] =	vst v45;
	v45 =	vsel vm8, v21, v50;
	vm8 =	veq.s32 v59, $0x6  }
0x331: {  	v50 =	vsel vm12, v26, v62;
	v59 =	vsel vm11, v18, v16;
	v45 =	vsel vm9, v22, v45  }
0x332: {  	vm11 =	veq.s32 v47, $0x3;
	v50 =	vsel vm13, v27, v50;
	v45 =	vsel vm10, v23, v45  }
0x333: {  	v61 =	vsel vm12, v19, v59;
	vm9 =	veq.s32 v47, $0x1;
	[tilespmem:$0x1FB20] =	vst v45;
	v45 =	vsel vm12, v37, v60  }
0x334: {  	v50 =	vsel vm14, v28, v50;
	vm10 =	veq.s32 v47, $0x2;
	v45 =	vsel vm13, v38, v45  }
0x335: {  	v62 =	vsel vm9, v43, v42;
	v59 =	vsel vm9, v25, v17;
	v45 =	vsel vm14, v39, v45  }
0x336: {  	v46 =	vsel vm15, v29, v50;
	vm12 =	veq.s32 v47, $0x4;
	v45 =	vsel vm15, v40, v45  }
0x337: {  	v50 =	vsel vm9, v31, v24;
	v60 =	vsel vm8, v30, v46;
	v45 =	vsel vm8, v41, v45  }
0x338: {  	v46 =	vsel vm10, v37, v62;
	v62 =	vsel vm9, v18, v16;
	[tilespmem:$0x1FB30] =	vst v45;
	v45 =	vsel vm15, v35, v63  }
0x339: {  	[tilespmem:$0x1FB50] =	vst v60;
	v63 =	vsel vm11, v38, v46;
	v46 =	vsel vm10, v32, v50;
	v45 =	vsel vm8, v36, v45  }
0x33a: {  	vm9 =	veq.s32 v48, $0x3;
	v60 =	vsel vm11, v33, v46;
	[tilespmem:$0x1FB40] =	vst v45;
	v45 =	vsel vm13, v20, v61  }
0x33b: {  	vm13 =	veq.s32 v47, $0x5;
	v61 =	vsel vm10, v26, v59;
	v45 =	vsel vm14, v21, v45  }
0x33c: {  	vm14 =	veq.s32 v47, $0x6;
	v46 =	vsel vm11, v27, v61;
	v45 =	vsel vm15, v22, v45  }
0x33d: {  	v47 =	vsel vm10, v19, v62;
	vm10 =	veq.s32 v48, $0x4;
	v45 =	vsel vm8, v23, v45  }
0x33e: {  	v46 =	vsel vm12, v28, v46;
	v50 =	vsel vm11, v20, v47;
	[tilespmem:$0x1FB60] =	vst v45;
	v45 =	vsel vm12, v39, v63  }
0x33f: {  	vm15 =	veq.s32 v48, $0x1;
	vm11 =	veq.s32 v48, $0x5;
	v45 =	vsel vm13, v40, v45  }
0x340: {  	v59 =	vsel vm12, v21, v50;
	vm8 =	veq.s32 v48, $0x2;
	v45 =	vsel vm14, v41, v45  }
0x341: {  	v62 =	vsel vm15, v31, v24;
	v63 =	vsel vm13, v29, v46;
	[tilespmem:$0x1FB70] =	vst v45;
	v45 =	vsel vm12, v34, v60  }
0x342: {  	v46 =	vsel vm8, v32, v62;
	v60 =	vsel vm15, v43, v42;
	v45 =	vsel vm13, v35, v45  }
0x343: {  	vm12 =	veq.s32 v48, $0x6;
	v48 =	vsel vm9, v33, v46;
	v45 =	vsel vm14, v36, v45  }
0x344: {  	v61 =	vsel vm8, v37, v60;
	[tilespmem:$0x1FB80] =	vst v45;
	v45 =	vsel vm14, v30, v63;
	v63 =	vsel vm15, v25, v17  }
0x345: {  	[tilespmem:$0x1FB90] =	vst v45;
	v45 =	vsel vm13, v22, v59;
	v50 =	vsel vm8, v26, v63;
	v59 =	vsel vm15, v18, v16  }
0x346: {  	vm13 =	veq.s32 v49, $0x1;
	vm15 =	veq.s32 v49, $0x3;
	v45 =	vsel vm14, v23, v45  }
0x347: {  	v46 =	vsel vm9, v27, v50;
	v47 =	vsel vm8, v19, v59;
	vm14 =	veq.s32 v49, $0x2  }
0x348: {  	v63 =	vsel vm13, v43, v42;
	vm8 =	veq.s32 v49, $0x4;
	v50 =	vsel vm13, v31, v24  }
0x349: {  	v59 =	vsel vm13, v25, v17;
	[tilespmem:$0x1FBA0] =	vst v45;
	v45 =	vsel vm9, v38, v61;
	v61 =	vsel vm9, v20, v47  }
0x34a: {  	v46 =	vsel vm10, v28, v46;
	v45 =	vsel vm10, v39, v45;
	v62 =	vsel vm10, v21, v61  }
0x34b: {  	v61 =	vsel vm14, v26, v59;
	v59 =	vperm.xlane v44, v9;
	v45 =	vsel vm11, v40, v45  }
0x34c: {  	vm9 =	veq.s32 v49, $0x5;
	v60 =	vsel vm11, v29, v46;
	v45 =	vsel vm12, v41, v45  }
0x34d: {  	v46 =	vsel vm14, v32, v50;
	vm7 =	veq.s32 v59, $0x5;
	[tilespmem:$0x1FBB0] =	vst v45;
	v45 =	vsel vm10, v34, v48  }
0x34e: {  	v48 =	vsel vm14, v37, v63;
	v63 =	vperm.xlane v44, v8;
	v45 =	vsel vm11, v35, v45  }
0x34f: {  	vm6 =	veq.s32 v59, $0x6;
	vm10 =	veq.s32 v59, $0x2;
	v45 =	vsel vm12, v36, v45  }
0x350: {  	vm0 =	veq.s32 v63, $0x1;
	vm1 =	veq.s32 v63, $0x2;
	[tilespmem:$0x1FBC0] =	vst v45;
	v45 =	vsel vm12, v30, v60  }
0x351: {  	v60 =	vsel vm15, v33, v46;
	v46 =	vsel vm15, v27, v61;
	v61 =	vperm.xlane v44, v10  }
0x352: {  	[tilespmem:$0x1FBD0] =	vst v45;
	v45 =	vsel vm11, v22, v62;
	v62 =	vsel vm13, v18, v16;
	v46 =	vsel vm8, v28, v46  }
0x353: {  	vm13 =	veq.s32 v63, $0x5;
	vm11 =	veq.s32 v63, $0x6;
	v45 =	vsel vm12, v23, v45  }
0x354: {  	v47 =	vsel vm14, v19, v62;
	v46 =	vsel vm9, v29, v46;
	vm14 =	veq.s32 v63, $0x3  }
0x355: {  	vm12 =	veq.s32 v59, $0x1;
	vm4 =	veq.s32 v61, $0x2;
	vm3 =	veq.s32 v61, $0x3  }
0x356: {  	vm2 =	veq.s32 v61, $0x4;
	[tilespmem:$0x1FBE0] =	vst v45;
	v45 =	vsel vm15, v38, v48;
	v47 =	vsel vm15, v20, v47  }
0x357: {  	vm15 =	veq.s32 v63, $0x4;
	v63 =	vsel vm0, v31, v24;
	v45 =	vsel vm8, v39, v45  }
0x358: {  	v49 =	vsel vm5, v30, v46;
	v46 =	vsel vm1, v32, v63;
	v45 =	vsel vm9, v40, v45  }
0x359: {  	v50 =	vsel vm8, v21, v47;
	v46 =	vsel vm14, v33, v46;
	v45 =	vsel vm5, v41, v45  }
0x35a: {  	v46 =	vsel vm15, v34, v46;
	[tilespmem:$0x1FBF0] =	vst v45;
	v45 =	vsel vm8, v34, v60;
	v60 =	vsel vm0, v43, v42  }
0x35b: {  	vm8 =	veq.s32 v59, $0x4;
	v46 =	vsel vm13, v35, v46;
	v45 =	vsel vm9, v35, v45  }
0x35c: {  	[tilespmem:$0x1FC10] =	vst v49;
	v62 =	vsel vm1, v37, v60;
	v60 =	vsel vm0, v18, v16;
	v45 =	vsel vm5, v36, v45  }
0x35d: {  	v49 =	vsel vm1, v19, v60;
	v60 =	vsel vm12, v31, v24;
	[tilespmem:$0x1FC00] =	vst v45;
	v45 =	vsel vm9, v22, v50  }
0x35e: {  	vm9 =	veq.s32 v59, $0x3;
	v59 =	vsel vm0, v25, v17;
	vm0 =	veq.s32 v61, $0x6  }
0x35f: {  	v45 =	vsel vm5, v23, v45;
	v47 =	vsel vm1, v26, v59;
	vm5 =	veq.s32 v61, $0x1  }
0x360: {  	vm1 =	veq.s32 v61, $0x5;
	v61 =	vsel vm14, v20, v49;
	v49 =	vsel vm12, v43, v42  }
0x361: {  	s21 =	sshra.s32 s21, $0x2;
	[tilespmem:$0x1FC20] =	vst v45;
	v45 =	vsel vm14, v38, v62;
	v47 =	vsel vm14, v27, v47;
	v48 =	vsel vm15, v21, v61  }
0x362: {  	[tilespmem:s21+$0xFBF0] =	vst v53;
	v62 =	vsel vm11, v36, v46;
	v46 =	vsel vm10, v32, v60;
	v53 =	vsel vm5, v31, v24  }
0x363: {  	[tilespmem:s21+$0xFC00] =	vst v55;
	v55 =	vsel vm5, v18, v16;
	v45 =	vsel vm15, v39, v45;
	v47 =	vsel vm15, v28, v47  }
0x364: {  	v48 =	vsel vm13, v22, v48;
	[tilespmem:$0x1FC30] =	vst v62;
	v62 =	vsel vm12, v18, v16;
	v46 =	vsel vm9, v33, v46  }
0x365: {  	v45 =	vsel vm13, v40, v45;
	v47 =	vsel vm13, v29, v47;
	v59 =	vsel vm11, v23, v48  }
0x366: {  	v48 =	vsel vm10, v19, v62;
	v46 =	vsel vm8, v34, v46;
	v63 =	vsel vm11, v41, v45  }
0x367: {  	v50 =	vsel vm11, v30, v47;
	v45 =	vsel vm10, v37, v49;
	v48 =	vsel vm9, v20, v48  }
0x368: {  	v46 =	vsel vm7, v35, v46;
	v49 =	vsel vm5, v43, v42;
	v45 =	vsel vm9, v38, v45  }
0x369: {  	[tilespmem:s21+$0xFBD0] =	vst v51;
	v48 =	vsel vm8, v21, v48;
	v62 =	vsel vm6, v36, v46;
	v51 =	vsel vm4, v37, v49  }
0x36a: {  	[tilespmem:s21+$0xFBC0] =	vst v52;
	v45 =	vsel vm8, v39, v45;
	v48 =	vsel vm7, v22, v48;
	v52 =	vsel vm3, v38, v51  }
0x36b: {  	[tilespmem:$0x1FC40] =	vst v50;
	v45 =	vsel vm7, v40, v45;
	v50 =	vsel vm6, v23, v48;
	v48 =	vsel vm2, v39, v52;
	v52 =	vld [tilespmem:$0x1FAB0]  }
0x36c: {  	v46 =	vsel vm4, v32, v53;
	v60 =	vsel vm6, v41, v45;
	v45 =	vsel vm4, v19, v55  }
0x36d: {  	v46 =	vsel vm3, v33, v46;
	v45 =	vsel vm3, v20, v45  }
0x36e: {  	[tilespmem:s21+$0xFBE0] =	vst v54;
	v61 =	vsel vm12, v25, v17;
	v46 =	vsel vm2, v34, v46;
	v53 =	vsel vm2, v21, v45  }
0x36f: {  	[tilespmem:s21+$0xFC10] =	vst v58;
	v47 =	vsel vm10, v26, v61;
	v58 =	vsel vm1, v35, v46;
	v46 =	vsel vm1, v22, v53;
	v53 =	vld [tilespmem:$0x1FAD0]  }
0x370: {  	v54 =	vsel vm5, v25, v17;
	v47 =	vsel vm9, v27, v47;
	[tilespmem:s21+$0xFC40] =	vst v52;
	v52 =	vld [tilespmem:$0x1FAC0]  }
0x371: {  	[tilespmem:$0x1FC50] =	vst v59;
	v59 =	vsel vm8, v28, v47;
	v47 =	vsel vm4, v26, v54;
	v45 =	vperm.xlane v44, v11  }
0x372: {  	v61 =	vsel vm7, v29, v59;
	v47 =	vsel vm3, v27, v47;
	v48 =	vsel vm1, v40, v48  }
0x373: {  	[tilespmem:s21+$0xFC30] =	vst v56;
	v47 =	vsel vm2, v28, v47;
	v59 =	vsel vm0, v41, v48;
	vm10 =	veq.s32 v45, $0x1  }
0x374: {  	v54 =	vld [tilespmem:$0x1FAE0];
	v56 =	vsel vm0, v36, v58;
	vm11 =	veq.s32 v45, $0x2;
	v51 =	vsel vm10, v25, v17;
	[tilespmem:s21+$0xFC60] =	vst v53  }
0x375: {  	v47 =	vsel vm1, v29, v47;
	vm12 =	veq.s32 v45, $0x3;
	v53 =	vsel vm11, v26, v51;
	[tilespmem:s21+$0xFC50] =	vst v52;
	v52 =	vld [tilespmem:$0x1FB10]  }
0x376: {  	[tilespmem:s21+$0xFC20] =	vst v57;
	v57 =	vsel vm0, v30, v47;
	v48 =	vsel vm10, v43, v42;
	v47 =	vsel vm12, v27, v53;
	v53 =	vld [tilespmem:$0x1FB40]  }
0x377: {  	v49 =	vld [tilespmem:$0x1FB00];
	[tilespmem:$0x1FC60] =	vst v50;
	v58 =	vsel vm0, v23, v46;
	v50 =	vsel vm10, v31, v24;
	v48 =	vsel vm11, v37, v48  }
0x378: {  	vm13 =	veq.s32 v45, $0x4;
	v46 =	vsel vm11, v32, v50;
	v50 =	vld [tilespmem:$0x1FB70];
	v48 =	vsel vm12, v38, v48  }
0x379: {  	[tilespmem:s21+$0xFC70] =	vst v54;
	vm14 =	veq.s32 v45, $0x5;
	v48 =	vsel vm13, v39, v48  }
0x37a: {  	vm15 =	veq.s32 v45, $0x6;
	v54 =	vsel vm10, v18, v16;
	v48 =	vsel vm14, v40, v48;
	[tilespmem:s21+$0xFCA0] =	vst v52;
	v52 =	vld [tilespmem:$0x1FB30]  }
0x37b: {  	v45 =	vsel vm11, v19, v54;
	[tilespmem:s21+$0xFCD0] =	vst v53;
	v53 =	vsel vm15, v41, v48;
	v48 =	vld [tilespmem:$0x1FB90]  }
0x37c: {  	v55 =	vld [tilespmem:$0x1FAF0];
	[tilespmem:s21+$0xFC90] =	vst v49;
	v49 =	vsel vm12, v20, v45;
	v45 =	vperm.xlane v44, v12  }
0x37d: {  	v61 =	vsel vm6, v30, v61;
	[tilespmem:s21+$0xFD00] =	vst v50;
	v50 =	vld [tilespmem:$0x1FBA0]  }
0x37e: {  	[tilespmem:s21+$0xFE20] =	vst v61;
	v49 =	vsel vm13, v21, v49;
	vm8 =	veq.s32 v45, $0x1  }
0x37f: {  	v61 =	vld [tilespmem:$0x1FC60];
	vm9 =	veq.s32 v45, $0x2;
	v49 =	vsel vm14, v22, v49;
	[tilespmem:s21+$0xFCC0] =	vst v52;
	v52 =	vsel vm8, v43, v42  }
0x380: {  	[tilespmem:s21+$0xFD20] =	vst v48;
	v48 =	vsel vm9, v37, v52;
	v52 =	vsel vm15, v23, v49;
	v49 =	vld [tilespmem:$0x1FBB0]  }
0x381: {  	[tilespmem:s21+$0xFC80] =	vst v55;
	v55 =	vld [tilespmem:$0x1FB20]  }
0x382: {  	[tilespmem:s21+$0xFD30] =	vst v50;
	v50 =	vld [tilespmem:$0x1FBE0]  }
0x383: {  	[tilespmem:s21+$0xFDC0] =	vst v63;
	v54 =	vld [tilespmem:$0x1FB50]  }
0x384: {  	[tilespmem:s21+$0xFE30] =	vst v61;
	v51 =	vld [tilespmem:$0x1FB80]  }
0x385: {  	[tilespmem:s21+$0xFD40] =	vst v49;
	v49 =	vld [tilespmem:$0x1FBC0]  }
0x386: {  	v46 =	vsel vm12, v33, v46;
	[tilespmem:s21+$0xFCB0] =	vst v55;
	v55 =	vld [tilespmem:$0x1FB60]  }
0x387: {  	v61 =	vperm.xlane v44, v14;
	v46 =	vsel vm13, v34, v46;
	[tilespmem:s21+$0xFD70] =	vst v50;
	v50 =	vld [tilespmem:$0x1FBF0]  }
0x388: {  	v46 =	vsel vm14, v35, v46;
	vm10 =	veq.s32 v45, $0x3;
	vm11 =	veq.s32 v45, $0x4;
	[tilespmem:s21+$0xFCE0] =	vst v54  }
0x389: {  	vm12 =	veq.s32 v45, $0x5;
	v47 =	vsel vm13, v28, v47;
	vm13 =	veq.s32 v45, $0x6;
	[tilespmem:s21+$0xFD10] =	vst v51  }
0x38a: {  	v45 =	vsel vm8, v25, v17;
	v54 =	vsel vm15, v36, v46;
	v46 =	vsel vm8, v18, v16;
	[tilespmem:s21+$0xFD50] =	vst v49;
	v49 =	vld [tilespmem:$0x1FBD0]  }
0x38b: {  	v63 =	vld [tilespmem:$0x1FC30];
	v47 =	vsel vm14, v29, v47;
	v46 =	vsel vm9, v19, v46;
	v51 =	vsel vm8, v31, v24;
	[tilespmem:s21+$0xFCF0] =	vst v55  }
0x38c: {  	v46 =	vsel vm10, v20, v46;
	v55 =	vsel vm15, v30, v47;
	v47 =	vsel vm9, v32, v51;
	[tilespmem:s21+$0xFD80] =	vst v50;
	v50 =	vld [tilespmem:$0x1FC00]  }
0x38d: {  	v45 =	vsel vm9, v26, v45;
	v46 =	vsel vm11, v21, v46;
	v51 =	vld [tilespmem:$0x1FC10];
	v47 =	vsel vm10, v33, v47  }
0x38e: {  	v46 =	vsel vm12, v22, v46;
	v47 =	vsel vm11, v34, v47;
	v48 =	vsel vm10, v38, v48  }
0x38f: {  	v47 =	vsel vm12, v35, v47;
	v48 =	vsel vm11, v39, v48;
	[tilespmem:s21+$0xFD60] =	vst v49;
	v49 =	vsel vm10, v27, v45  }
0x390: {  	[tilespmem:s21+$0xFDD0] =	vst v63;
	v63 =	vld [tilespmem:$0x1FC40];
	v48 =	vsel vm12, v40, v48;
	v45 =	vperm.xlane v44, v13;
	v49 =	vsel vm11, v28, v49  }
0x391: {  	v48 =	vsel vm13, v41, v48;
	[tilespmem:s21+$0xFD90] =	vst v50;
	v50 =	vsel vm13, v36, v47;
	v49 =	vsel vm12, v29, v49  }
0x392: {  	[tilespmem:s21+$0xFDA0] =	vst v51;
	v44 =	vperm.xlane v44, v15;
	vm14 =	veq.s32 v45, $0x1;
	v51 =	vsel vm13, v30, v49;
	v49 =	vld [tilespmem:$0x1FC20]  }
0x393: {  	vm15 =	veq.s32 v45, $0x2;
	vm8 =	veq.s32 v45, $0x3;
	vm9 =	veq.s32 v45, $0x4  }
0x394: {  	[tilespmem:s21+$0xFE00] =	vst v60;
	vm10 =	veq.s32 v45, $0x5;
	vm11 =	veq.s32 v45, $0x6;
	vm12 =	veq.s32 v61, $0x1  }
0x395: {  	[tilespmem:s21+$0xFDE0] =	vst v63;
	v47 =	vsel vm14, v43, v42;
	v45 =	vsel vm14, v31, v24;
	v63 =	vsel vm14, v25, v17  }
0x396: {  	[tilespmem:s21+$0xFE70] =	vst v58;
	v58 =	vsel vm12, v31, v24;
	v47 =	vsel vm15, v37, v47;
	v63 =	vsel vm15, v26, v63  }
0x397: {  	v47 =	vsel vm8, v38, v47;
	v60 =	vsel vm8, v27, v63;
	[tilespmem:s21+$0xFDB0] =	vst v49;
	v49 =	vsel vm13, v23, v46;
	v46 =	vld [tilespmem:$0x1FC50]  }
0x398: {  	[tilespmem:s21+$0xFE90] =	vst v54;
	v54 =	vsel vm12, v18, v16;
	v47 =	vsel vm9, v39, v47;
	v60 =	vsel vm9, v28, v60  }
0x399: {  	[tilespmem:s21+$0xFE40] =	vst v59;
	v63 =	vsel vm12, v43, v42;
	v47 =	vsel vm10, v40, v47;
	v60 =	vsel vm10, v29, v60  }
0x39a: {  	[tilespmem:s21+$0xFE50] =	vst v56;
	v47 =	vsel vm11, v41, v47;
	v59 =	vsel vm11, v30, v60;
	vm13 =	veq.s32 v61, $0x2  }
0x39b: {  	[tilespmem:s21+$0xFED0] =	vst v50;
	v60 =	vsel vm12, v25, v17;
	vm12 =	veq.s32 v44, $0x3;
	v56 =	vsel vm13, v37, v63  }
0x39c: {  	v50 =	vsel vm13, v19, v54;
	[tilespmem:s21+$0xFDF0] =	vst v46;
	v46 =	vsel vm15, v32, v45;
	v45 =	vsel vm14, v18, v16  }
0x39d: {  	[tilespmem:s21+$0xFE80] =	vst v53;
	vm14 =	veq.s32 v61, $0x3;
	v45 =	vsel vm15, v19, v45;
	v46 =	vsel vm8, v33, v46  }
0x39e: {  	[tilespmem:s21+$0xFEA0] =	vst v55;
	vm15 =	veq.s32 v61, $0x4;
	v53 =	vsel vm14, v38, v56;
	v55 =	vsel vm14, v20, v50  }
0x39f: {  	v46 =	vsel vm9, v34, v46;
	v45 =	vsel vm8, v20, v45;
	vm8 =	veq.s32 v61, $0x5  }
0x3a0: {  	v53 =	vsel vm15, v39, v53;
	v56 =	vsel vm15, v21, v55;
	v46 =	vsel vm10, v35, v46  }
0x3a1: {  	[tilespmem:s21+$0xFE10] =	vst v62;
	v45 =	vsel vm9, v21, v45;
	vm9 =	veq.s32 v61, $0x6;
	v61 =	vsel vm13, v26, v60  }
0x3a2: {  	[tilespmem:s21+$0xFE60] =	vst v57;
	v53 =	vsel vm8, v40, v53;
	v46 =	vsel vm11, v36, v46;
	v45 =	vsel vm10, v22, v45  }
0x3a3: {  	[tilespmem:s21+$0xFEB0] =	vst v52;
	vm10 =	veq.s32 v44, $0x1;
	v62 =	vsel vm14, v27, v61;
	v63 =	vsel vm9, v41, v53  }
0x3a4: {  	[tilespmem:s21+$0xFEC0] =	vst v48;
	v45 =	vsel vm11, v23, v45;
	v57 =	vsel vm10, v43, v42;
	v43 =	vsel vm13, v32, v58  }
0x3a5: {  	[tilespmem:s21+$0xFEE0] =	vst v51;
	v48 =	vsel vm15, v28, v62;
	vm11 =	veq.s32 v44, $0x2;
	v58 =	vsel vm8, v22, v56  }
0x3a6: {  	[tilespmem:s21+$0xFEF0] =	vst v49;
	vm13 =	veq.s32 v44, $0x4;
	v60 =	vsel vm10, v31, v24;
	v17 =	vsel vm10, v25, v17  }
0x3a7: {  	[tilespmem:s21+$0xFF00] =	vst v47;
	v16 =	vsel vm10, v18, v16;
	v43 =	vsel vm14, v33, v43;
	v48 =	vsel vm8, v29, v48  }
0x3a8: {  	[tilespmem:s21+$0xFF20] =	vst v59;
	v57 =	vsel vm11, v37, v57;
	v59 =	vsel vm9, v23, v58;
	vm14 =	veq.s32 v44, $0x5  }
0x3a9: {  	[tilespmem:s21+$0xFF10] =	vst v46;
	v24 =	vsel vm11, v32, v60;
	v17 =	vsel vm11, v26, v17;
	v16 =	vsel vm11, v19, v16  }
0x3aa: {  	[tilespmem:s21+$0xFF40] =	vst v63;
	v43 =	vsel vm15, v34, v43;
	v48 =	vsel vm9, v30, v48;
	v37 =	vsel vm12, v38, v57  }
0x3ab: {  	[tilespmem:s21+$0xFF30] =	vst v45;
	vm15 =	veq.s32 v44, $0x6;
	v24 =	vsel vm12, v33, v24;
	v17 =	vsel vm12, v27, v17  }
0x3ac: {  	[tilespmem:s21+$0xFF70] =	vst v59;
	v16 =	vsel vm12, v20, v16;
	v43 =	vsel vm8, v35, v43;
	v37 =	vsel vm13, v39, v37  }
0x3ad: {  	s16 =	sadd.s32 $0x1, s16;
	[tilespmem:s21+$0xFF60] =	vst v48;
	v63 =	vsel vm13, v34, v24;
	v43 =	vsel vm9, v36, v43;
	v61 =	vsel vm14, v40, v37  }
0x3ae: {  	p0 =	sne.s32 s16, $0x8;
	v17 =	vsel vm13, v28, v17;
	v18 =	vsel vm14, v35, v63;
	v62 =	vsel vm15, v41, v61;
	[tilespmem:s21+$0xFF50] =	vst v43  }
.Ltmp2:
0x3af: {  	v16 =	vsel vm13, v21, v16;
	v17 =	vsel vm14, v29, v17;
	v18 =	vsel vm15, v36, v18;
	[tilespmem:s21+$0xFF80] =	vst v62;
	(pc) =	sbr.rel @p0 .LBB2_3-.Ltmp2, $4  }
0x3b0: {  	s20 =	sshll.u32 s20, $0x3;
	v16 =	vsel vm14, v22, v16;
	v17 =	vsel vm15, v30, v17;
	[tilespmem:s21+$0xFF90] =	vst v18  }
0x3b1: {  	s20 =	sand.u32 $0x1FFFFF00, s20;
	v16 =	vsel vm15, v23, v16;
	[tilespmem:s21+$0xFFA0] =	vst v17  }
0x3b2: {  	s17 =	sadd.s32 $0x640, s17;
	s19 =	sadd.s32 $0x640, s19;
	s20 =	sadd.s32 s4, s20;
	[tilespmem:s21+$0xFFB0] =	vst v16  }
0x3b3: {  	[hbm4b:s20+s5] =	stream.linear.scatter [tilespmem:s11], [sflag:$0x2], $0xC800, $0x38;
	[tilespmem:$0x1C3C0] =	vst v63  }
0x3b4: {  	s15 =	sadd.s32 $0x1, s15  }
0x3b5: {  	p0 =	sne.s32 s15, $0x8  }
.Ltmp3:
0x3b6: {  	_ = 	snop;
	(pc) =	sbr.rel @p0 .LBB2_2-.Ltmp3, $1  }
0x3b7: {  	_ =	sdelay $0x3  }
0x3b8: {  	s14 =	sadd.s32 $0x1, s14  }
0x3b9: {  	_ =	swait.ge [sflag:s12], $0xC800;
	p0 =	sne.s32 s14, s8  }
.Ltmp4:
0x3ba: {  	[sflag:s12] =	ssyncset.done $0x0;
	(pc) =	sbr.rel @p0 .LBB2_1-.Ltmp4, $4  }
0x3bb: {  	[sflag:s12] =	ssyncadd.s32 $0xFFFF3800  }
0x3bc: {  	_ =	swait.ge [sflag:s13], $0xC800  }
0x3bd: {  	[sflag:s13] =	ssyncset.done $0x0  }
0x3be: {  	[sflag:s13] =	ssyncadd.s32 $0xFFFF3800  }
0x3bf: {  	_ =	sfence.sel $0x180000  }
0x3c0: {  	[bflag:$0x0] =	sbarrier.arrive $0xFFFF  }
0x3c1: {  	p0 =	sne.s32 s0, $0x0;
	_ =	strace $0x90000047  }
0x3c2: {  	s0 =	sadd.s32 @!p0 $0x100000, s2;
	[bflag:$0x2] =	sbarrier.arrive $0xFFFF  }
0x3c3: {  	[sflag:s0] =	ssyncadd.tile.s32 @!p0 $0x1;
	_ =	shalt  }
.Lfunc_end2:
_tile_overlayer_lowered:
.L_overlay_start_2:
0x3c4: {  	(tag) =	ssettag $0x2  }
0x3c5: {  	s0 =	rddreg [dreg:$0x0];
	s2 =	stileid.u32  }
0x3c6: {  	s1 =	rddreg [dreg:$0x1];
	p0 =	sne.s32 s2, $0x0  }
0x3c7: {  	s3 =	rddreg [dreg:$0x2];
	[bflag:$0x3] =	sbarrier.arrive $0xFFFF;
	s2 =	simm.s32 @!p0 $0x1C03  }
0x3c8: {  	[timem:s3], [sflag:s2] =	dma.local @!p0 [hbm:s0], s1  }
0x3c9: {  	s0 =	simm.s32 @!p0 $0x3  }
0x3ca: {  	_ =	swait.ge @!p0 [sflag:s0], s1  }
0x3cb: {  	s1 =	ssub.s32 @!p0 $0x0, s1;
	[sflag:s0] =	ssyncset.done @!p0 $0x0  }
0x3cc: {  	[sflag:s0] =	ssyncadd.s32 @!p0 s1  }
0x3cd: {  	[bflag:$0x3] =	sbarrier.arrive $0xFFFF  }
0x3ce: {  	_ =	shalt  }

</sc_bundles>
